<compile_context>
chip_gen: v7x
topology: tpu7x:2x2x1
jax: 0.10.2.dev20260603
libtpu: 0.0.44.dev20260713+nightly
codegen_flags: <defaults>
</compile_context>

<pallas_src>
import functools

import jax
import jax.numpy as jnp
from jax import lax
from jax.experimental import pallas as pl
from jax.experimental.pallas import tpu as pltpu
from jax.experimental.pallas import tpu_sc as plsc

B = 8
Q = 20000
T = 100
TPAD = 112
NCORE = 2
NSUB = 16
B_PER_CORE = B // NCORE
G = 4

QS = 9216
PER_W = 576
CHUNKS = PER_W // 16
NT = 88
QTC0 = Q - NT * 128
TC_U = 8
TG = 13
BIG = 1 << 30


def _sc_body(pred_hbm, tgt_hbm, outmax_hbm, outidx_hbm,
             praw8, x0a, y0a, x1a, y1a, aa, traw,
             lmax, lidx, mgmax, mgidx, omax, oidx,
             shmax, shidx):
    c = lax.axis_index("c")
    s = lax.axis_index("s")
    iota = lax.iota(jnp.int32, 16)
    lane0 = iota == 0
    zc = jnp.zeros((16,), jnp.int32)
    base = s * PER_W

    pltpu.sync_copy(pred_hbm.at[:, pl.ds(base * 4, PER_W * 4)], praw8)

    for bl in range(B_PER_CORE):
        b = c * B_PER_CORE + bl
        pltpu.sync_copy(tgt_hbm.at[b], traw)
        brow = zc + b

        def pre(j, _):
            r = j * 64 + iota * 4
            cx = plsc.load_gather(praw8, [brow, r])
            cy = plsc.load_gather(praw8, [brow, r + 1])
            w = plsc.load_gather(praw8, [brow, r + 2])
            h = plsc.load_gather(praw8, [brow, r + 3])
            x0 = cx - 0.5 * w
            y0 = cy - 0.5 * h
            x1 = cx + 0.5 * w
            y1 = cy + 0.5 * h
            sl = pl.ds(j * 16, 16)
            x0a[sl] = x0
            y0a[sl] = y0
            x1a[sl] = x1
            y1a[sl] = y1
            aa[sl] = (x1 - x0) * (y1 - y0)
            return 0

        lax.fori_loop(0, CHUNKS, pre, 0)

        def per_g(g, _):
            t0 = g * G
            tco = []
            for i in range(G):
                t4 = zc + (t0 + i) * 4
                tcx = plsc.load_gather(traw, [t4])
                tcy = plsc.load_gather(traw, [t4 + 1])
                tw = plsc.load_gather(traw, [t4 + 2])
                th = plsc.load_gather(traw, [t4 + 3])
                tx0 = tcx - 0.5 * tw
                ty0 = tcy - 0.5 * th
                tx1 = tcx + 0.5 * tw
                ty1 = tcy + 0.5 * th
                ta = (tx1 - tx0) * (ty1 - ty0)
                tco.append((tx0, ty0, tx1, ty1, ta))

            def scan_k(k, carry):
                ms, bis, idxv = carry
                sl = pl.ds(k * 16, 16)
                x0 = x0a[sl]
                y0 = y0a[sl]
                x1 = x1a[sl]
                y1 = y1a[sl]
                av = aa[sl]
                nms, nbis = [], []
                for i in range(G):
                    tx0, ty0, tx1, ty1, ta = tco[i]
                    ltx = jnp.maximum(x0, tx0)
                    lty = jnp.maximum(y0, ty0)
                    rbx = jnp.minimum(x1, tx1)
                    rby = jnp.minimum(y1, ty1)
                    inter = jnp.maximum(rbx - ltx, 0.0) * jnp.maximum(rby - lty, 0.0)
                    union = av + ta - inter
                    iou = inter / jnp.maximum(union, 1e-9)
                    lcx = jnp.minimum(x0, tx0)
                    lcy = jnp.minimum(y0, ty0)
                    rcx = jnp.maximum(x1, tx1)
                    rcy = jnp.maximum(y1, ty1)
                    areac = (rcx - lcx) * (rcy - lcy)
                    gv = iou - (areac - union) / jnp.maximum(areac, 1e-9)
                    upd = gv > ms[i]
                    nms.append(jnp.where(upd, gv, ms[i]))
                    nbis.append(jnp.where(upd, idxv, bis[i]))
                return tuple(nms), tuple(nbis), idxv + 16

            m0 = jnp.full((16,), -3.0e38, jnp.float32)
            bi0 = jnp.zeros((16,), jnp.int32)
            ms, bis, _ = lax.fori_loop(
                0, CHUNKS, scan_k,
                ((m0,) * G, (bi0,) * G, base + iota))
            for i in range(G):
                gm = jnp.max(ms[i])
                cand = jnp.where(ms[i] == jnp.full((16,), gm),
                                 bis[i], jnp.full((16,), BIG, jnp.int32))
                gi = jnp.min(cand)
                posv = zc + (bl * TPAD + t0 + i)
                plsc.store_scatter(lmax, [posv], jnp.full((16,), gm), mask=lane0)
                plsc.store_scatter(lidx, [posv], jnp.full((16,), gi, jnp.int32),
                                   mask=lane0)
            return 0

        lax.fori_loop(0, T // G, per_g, 0)

    pltpu.sync_copy(lmax, shmax.at[pl.ds(s * (B_PER_CORE * TPAD), B_PER_CORE * TPAD)])
    pltpu.sync_copy(lidx, shidx.at[pl.ds(s * (B_PER_CORE * TPAD), B_PER_CORE * TPAD)])
    plsc.subcore_barrier()

    @pl.when(s < B_PER_CORE)
    def _merge():
        for w in range(NSUB):
            pltpu.sync_copy(shmax.at[pl.ds(w * (B_PER_CORE * TPAD) + s * TPAD, TPAD)],
                            mgmax.at[pl.ds(w * TPAD, TPAD)])
            pltpu.sync_copy(shidx.at[pl.ds(w * (B_PER_CORE * TPAD) + s * TPAD, TPAD)],
                            mgidx.at[pl.ds(w * TPAD, TPAD)])

        def mg(cc, _):
            sl = pl.ds(cc * 16, 16)
            del _
            acc = mgmax[sl]
            acci = mgidx[sl]
            for w in range(1, NSUB):
                wsl = pl.ds(w * TPAD + cc * 16, 16)
                v = mgmax[wsl]
                vi = mgidx[wsl]
                upd = (v > acc) | ((v == acc) & (vi < acci))
                acc = jnp.where(upd, v, acc)
                acci = jnp.where(upd, vi, acci)
            omax[sl] = acc
            oidx[sl] = acci
            return 0

        lax.fori_loop(0, TPAD // 16, mg, 0)
        gb = c * B_PER_CORE + s
        pltpu.sync_copy(omax, outmax_hbm.at[pl.ds(gb * TPAD, TPAD)])
        pltpu.sync_copy(oidx, outidx_hbm.at[pl.ds(gb * TPAD, TPAD)])


def _tc_body(cxref, cyref, wref, href, tref, omax_ref, oidx_ref,
             x0s, y0s, x1s, y1s, aas):
    g = pl.program_id(1)

    @pl.when(g == 0)
    def _pre():
        cx = cxref[0]
        cy = cyref[0]
        w = wref[0]
        h = href[0]
        x0 = cx - 0.5 * w
        y0 = cy - 0.5 * h
        x1 = cx + 0.5 * w
        y1 = cy + 0.5 * h
        x0s[...] = x0
        y0s[...] = y0
        x1s[...] = x1
        y1s[...] = y1
        aas[...] = (x1 - x0) * (y1 - y0)

    tcx = tref[0, pl.ds(g * 8, 8), 0:1]
    tcy = tref[0, pl.ds(g * 8, 8), 1:2]
    tw = tref[0, pl.ds(g * 8, 8), 2:3]
    th = tref[0, pl.ds(g * 8, 8), 3:4]
    tx0 = jnp.broadcast_to(tcx - 0.5 * tw, (8, 128))
    ty0 = jnp.broadcast_to(tcy - 0.5 * th, (8, 128))
    tx1 = jnp.broadcast_to(tcx + 0.5 * tw, (8, 128))
    ty1 = jnp.broadcast_to(tcy + 0.5 * th, (8, 128))
    ta = (tx1 - tx0) * (ty1 - ty0)
    iota = lax.broadcasted_iota(jnp.int32, (8, 128), 1)

    def body(k, carry):
        ms, bis = carry
        nms, nbis = [], []
        for u in range(TC_U):
            kk = k * TC_U + u
            x0 = x0s[pl.ds(kk, 1), :]
            y0 = y0s[pl.ds(kk, 1), :]
            x1 = x1s[pl.ds(kk, 1), :]
            y1 = y1s[pl.ds(kk, 1), :]
            av = aas[pl.ds(kk, 1), :]
            ltx = jnp.maximum(x0, tx0)
            lty = jnp.maximum(y0, ty0)
            rbx = jnp.minimum(x1, tx1)
            rby = jnp.minimum(y1, ty1)
            inter = jnp.maximum(rbx - ltx, 0.0) * jnp.maximum(rby - lty, 0.0)
            union = av + ta - inter
            iou = inter / jnp.maximum(union, 1e-9)
            lcx = jnp.minimum(x0, tx0)
            lcy = jnp.minimum(y0, ty0)
            rcx = jnp.maximum(x1, tx1)
            rcy = jnp.maximum(y1, ty1)
            areac = (rcx - lcx) * (rcy - lcy)
            gv = iou - (areac - union) / jnp.maximum(areac, 1e-9)
            pidx = iota + kk * 128
            upd = gv > ms[u]
            nms.append(jnp.where(upd, gv, ms[u]))
            nbis.append(jnp.where(upd, pidx, bis[u]))
        return tuple(nms), tuple(nbis)

    m0 = jnp.full((8, 128), -3.0e38, jnp.float32)
    bi0 = jnp.zeros((8, 128), jnp.int32)
    ms, bis = lax.fori_loop(0, NT // TC_U, body,
                            ((m0,) * TC_U, (bi0,) * TC_U))
    m, bi = ms[0], bis[0]
    for u in range(1, TC_U):
        upd = (ms[u] > m) | ((ms[u] == m) & (bis[u] < bi))
        m = jnp.where(upd, ms[u], m)
        bi = jnp.where(upd, bis[u], bi)
    gm = jnp.max(m, axis=1, keepdims=True)
    cand = jnp.where(m == gm, bi, BIG)
    gi = jnp.min(cand, axis=1, keepdims=True)
    omax_ref[0, 0] = jnp.broadcast_to(gm, (8, 128))
    oidx_ref[0, 0] = jnp.broadcast_to(gi, (8, 128))


_tc_call = pl.pallas_call(
    _tc_body,
    grid=(B, TG),
    in_specs=[
        pl.BlockSpec((1, NT, 128), lambda i, g: (i, 0, 0)),
        pl.BlockSpec((1, NT, 128), lambda i, g: (i, 0, 0)),
        pl.BlockSpec((1, NT, 128), lambda i, g: (i, 0, 0)),
        pl.BlockSpec((1, NT, 128), lambda i, g: (i, 0, 0)),
        pl.BlockSpec((1, TG * 8, 4), lambda i, g: (i, 0, 0)),
    ],
    out_specs=[
        pl.BlockSpec((1, 1, 8, 128), lambda i, g: (i, g, 0, 0)),
        pl.BlockSpec((1, 1, 8, 128), lambda i, g: (i, g, 0, 0)),
    ],
    out_shape=[
        jax.ShapeDtypeStruct((B, TG, 8, 128), jnp.float32),
        jax.ShapeDtypeStruct((B, TG, 8, 128), jnp.int32),
    ],
    scratch_shapes=[pltpu.VMEM((NT, 128), jnp.float32) for _ in range(5)],
)


@jax.jit
def _matcher(pred_boxes, target_boxes):
    sc = pl.kernel(
        _sc_body,
        out_type=[
            jax.ShapeDtypeStruct((B * TPAD,), jnp.float32),
            jax.ShapeDtypeStruct((B * TPAD,), jnp.int32),
        ],
        mesh=plsc.VectorSubcoreMesh(core_axis_name="c", subcore_axis_name="s",
                                    num_cores=NCORE, num_subcores=NSUB),
        compiler_params=pltpu.CompilerParams(needs_layout_passes=False),
        scratch_types=[
            pltpu.VMEM((B, PER_W * 4), jnp.float32),
            pltpu.VMEM((PER_W,), jnp.float32),
            pltpu.VMEM((PER_W,), jnp.float32),
            pltpu.VMEM((PER_W,), jnp.float32),
            pltpu.VMEM((PER_W,), jnp.float32),
            pltpu.VMEM((PER_W,), jnp.float32),
            pltpu.VMEM((T * 4,), jnp.float32),
            pltpu.VMEM((B_PER_CORE * TPAD,), jnp.float32),
            pltpu.VMEM((B_PER_CORE * TPAD,), jnp.int32),
            pltpu.VMEM((NSUB * TPAD,), jnp.float32),
            pltpu.VMEM((NSUB * TPAD,), jnp.int32),
            pltpu.VMEM((TPAD,), jnp.float32),
            pltpu.VMEM((TPAD,), jnp.int32),
            pltpu.VMEM_SHARED((NSUB * B_PER_CORE * TPAD,), jnp.float32),
            pltpu.VMEM_SHARED((NSUB * B_PER_CORE * TPAD,), jnp.int32),
        ],
    )
    sm, si = sc(pred_boxes[:, :QS, :].reshape(B, QS * 4),
                target_boxes.reshape(B, T * 4))
    sm = sm.reshape(B, TPAD)[:, :T]
    si = si.reshape(B, TPAD)[:, :T]

    ptc = pred_boxes[:, QTC0:, :]
    cx4 = ptc[:, :, 0].reshape(B, NT, 128)
    cy4 = ptc[:, :, 1].reshape(B, NT, 128)
    w4 = ptc[:, :, 2].reshape(B, NT, 128)
    h4 = ptc[:, :, 3].reshape(B, NT, 128)
    tpad = jnp.pad(target_boxes, ((0, 0), (0, TG * 8 - T), (0, 0)))
    tm4, ti4 = _tc_call(cx4, cy4, w4, h4, tpad)
    tm = tm4[:, :, :, 0].reshape(B, TG * 8)[:, :T]
    ti = ti4[:, :, :, 0].reshape(B, TG * 8)[:, :T] + QTC0

    use_sc = sm >= tm
    max_iou = jnp.where(use_sc, sm, tm)
    pred_idx = jnp.where(use_sc, si, ti)
    return pred_idx, max_iou


def kernel(pred_boxes, target_boxes):
    pred_idx, max_iou = _matcher(pred_boxes, target_boxes)
    valid = max_iou >= 0.5
    return pred_idx, valid, max_iou

# --- scband reference (transcript-rebuilt; emitter-appended) ---
"""Pipeline reference for scband-simple-matcher-82557861364101 (READ-ONLY COPY).

The authoritative reference and input builder live on the scoring server;
editing this copy changes nothing except your own understanding.
"""

import jax, jax.numpy as jnp
import numpy as np


def box_cxcywh_to_xyxy(b):
    cx, cy, w, h = b[..., 0], b[..., 1], b[..., 2], b[..., 3]
    return jnp.stack([cx - 0.5 * w, cy - 0.5 * h, cx + 0.5 * w, cy + 0.5 * h], axis=-1)


def generalized_box_iou(boxes1, boxes2):
    # boxes1: [N,4] xyxy, boxes2: [M,4] xyxy -> [N,M] GIoU
    area1 = (boxes1[:, 2] - boxes1[:, 0]) * (boxes1[:, 3] - boxes1[:, 1])
    area2 = (boxes2[:, 2] - boxes2[:, 0]) * (boxes2[:, 3] - boxes2[:, 1])
    lt = jnp.maximum(boxes1[:, None, :2], boxes2[None, :, :2])
    rb = jnp.minimum(boxes1[:, None, 2:], boxes2[None, :, 2:])
    wh = jnp.clip(rb - lt, 0.0, None)
    inter = wh[..., 0] * wh[..., 1]
    union = area1[:, None] + area2[None, :] - inter
    iou = inter / jnp.clip(union, 1e-9, None)
    ltc = jnp.minimum(boxes1[:, None, :2], boxes2[None, :, :2])
    rbc = jnp.maximum(boxes1[:, None, 2:], boxes2[None, :, 2:])
    whc = jnp.clip(rbc - ltc, 0.0, None)
    areac = whc[..., 0] * whc[..., 1]
    return iou - (areac - union) / jnp.clip(areac, 1e-9, None)


def setup_inputs(seed: int = 0) -> dict:
    key = jax.random.key(seed)
    k1, k2 = jax.random.split(key)
    pred_boxes = jax.random.uniform(k1, (8, 20000, 4), dtype=jnp.float32)
    target_boxes = jax.random.uniform(k2, (8, 100, 4), dtype=jnp.float32)
    return {"pred_boxes": pred_boxes, "target_boxes": target_boxes}


def reference(pred_boxes, target_boxes):
    # Faithful, jit-able version of SimpleMatcher.forward.
    # The torch module returns variable-length (pred_idx, tgt_idx) lists; the
    # fixed-shape equivalent is: for every target t, the argmax-GIoU pred index,
    # a validity mask (max GIoU >= threshold), and the max GIoU value.
    iou_threshold = 0.5

    def per_image(p, t):
        g = generalized_box_iou(box_cxcywh_to_xyxy(p), box_cxcywh_to_xyxy(t))  # [Q, T]
        max_iou = jnp.max(g, axis=0)      # [T]
        max_idx = jnp.argmax(g, axis=0)   # [T] pred index per target
        valid = max_iou >= iou_threshold  # [T] mask: matched targets
        return max_idx, valid, max_iou

    pred_idx, valid, max_iou = jax.vmap(per_image)(pred_boxes, target_boxes)
    return pred_idx.astype(jnp.int32), valid, max_iou

if __name__ == "__main__":
    import jax
    _d = setup_inputs()
    print(jax.jit(kernel)(*tuple(_d.values())))

</pallas_src>

<mosaic_0001>
#map = affine_map<(d0, d1) -> (0, 0)>
#map1 = affine_map<(d0, d1) -> (0)>
module attributes {stable_mosaic.version = 14 : i64} {
  func.func @_sc_body(%arg0: i32, %arg1: i32, %arg2: memref<8x36864xf32, #tpu.memory_space<hbm>>, %arg3: memref<8x400xf32, #tpu.memory_space<hbm>>, %arg4: memref<896xf32, #tpu.memory_space<hbm>>, %arg5: memref<896xi32, #tpu.memory_space<hbm>>, %arg6: memref<8x2304xf32, #tpu.memory_space<vmem>>, %arg7: memref<576xf32, #tpu.memory_space<vmem>>, %arg8: memref<576xf32, #tpu.memory_space<vmem>>, %arg9: memref<576xf32, #tpu.memory_space<vmem>>, %arg10: memref<576xf32, #tpu.memory_space<vmem>>, %arg11: memref<576xf32, #tpu.memory_space<vmem>>, %arg12: memref<400xf32, #tpu.memory_space<vmem>>, %arg13: memref<448xf32, #tpu.memory_space<vmem>>, %arg14: memref<448xi32, #tpu.memory_space<vmem>>, %arg15: memref<1792xf32, #tpu.memory_space<vmem>>, %arg16: memref<1792xi32, #tpu.memory_space<vmem>>, %arg17: memref<112xf32, #tpu.memory_space<vmem>>, %arg18: memref<112xi32, #tpu.memory_space<vmem>>, %arg19: memref<7168xf32, #tpu.memory_space<vmem_shared>>, %arg20: memref<7168xi32, #tpu.memory_space<vmem_shared>>) attributes {dimension_semantics = [#tpu.dimension_semantics<core_parallel>, #tpu.dimension_semantics<subcore_parallel>], iteration_bounds = array<i64: 2, 16>, scalar_prefetch = 0 : i64, scratch_operands = 15 : i64, tpu.core_type = #tpu.core_type<sc_vector_subcore>, window_params = [{transform_indices = #map}, {transform_indices = #map}, {transform_indices = #map1}, {transform_indices = #map1}]} {
    %iota3A = tpu.iota {dimensions = array<i32: 0>} : vector<16xi32>
    %eq3A = arith.constant 0 : i32
    %eq3A_0 = vector.broadcast %eq3A : i32 to vector<16xi32>
    %eq3A_1 = arith.cmpi eq, %iota3A, %eq3A_0 : vector<16xi32>
    %broadcast_in_dim3A = arith.constant 0 : i32
    %broadcast_in_dim3A_2 = vector.broadcast %broadcast_in_dim3A : i32 to vector<16xi32>
    %mul3A = arith.constant 576 : i32
    %mul3A_3 = arith.muli %arg1, %mul3A : i32
    %mul3A_4 = arith.constant 4 : i32
    %mul3A_5 = arith.muli %mul3A_3, %mul3A_4 : i32
    "tpu.region"() ({
      %run_scoped3A = tpu.sem_alloc : memref<!tpu.dma_semaphore, #tpu.memory_space<semaphore_mem>>
      %dma_start3A = arith.constant 0 : i32
      %dma_start3A_90 = tpu.memref_slice %arg2[%dma_start3A, %mul3A_5] : memref<8x36864xf32, #tpu.memory_space<hbm>> -> memref<8x2304xf32, #tpu.memory_space<hbm>>
      %dma_start3A_91 = arith.constant 0 : i32
      %dma_start3A_92 = tpu.memref_slice %arg2[%dma_start3A_91, %mul3A_5] : memref<8x36864xf32, #tpu.memory_space<hbm>> -> memref<8x2304xf32, #tpu.memory_space<hbm>>
      tpu.enqueue_dma source(%dma_start3A_92 : memref<8x2304xf32, #tpu.memory_space<hbm>>) target(%arg6 : memref<8x2304xf32, #tpu.memory_space<vmem>>) target_semaphore(%run_scoped3A : memref<!tpu.dma_semaphore, #tpu.memory_space<semaphore_mem>>)
      %dma_wait3A = arith.constant 0 : i32
      %dma_wait3A_93 = tpu.memref_slice %arg2[%dma_wait3A, %mul3A_5] : memref<8x36864xf32, #tpu.memory_space<hbm>> -> memref<8x2304xf32, #tpu.memory_space<hbm>>
      %dma_wait3A_94 = arith.constant 0 : i32
      %dma_wait3A_95 = tpu.memref_slice %arg2[%dma_wait3A_94, %mul3A_5] : memref<8x36864xf32, #tpu.memory_space<hbm>> -> memref<8x2304xf32, #tpu.memory_space<hbm>>
      tpu.wait_dma2 semaphore(%run_scoped3A : memref<!tpu.dma_semaphore, #tpu.memory_space<semaphore_mem>>) src(%dma_wait3A_95 : memref<8x2304xf32, #tpu.memory_space<hbm>>) dst(%arg6 : memref<8x2304xf32, #tpu.memory_space<vmem>>)
      tpu.yield
    }) : () -> ()
    %mul3A_6 = arith.constant 4 : i32
    %mul3A_7 = arith.muli %arg0, %mul3A_6 : i32
    %add3A = arith.constant 0 : i32
    %add3A_8 = arith.addi %mul3A_7, %add3A : i32
    "tpu.region"() ({
      %run_scoped3A = tpu.sem_alloc : memref<!tpu.dma_semaphore, #tpu.memory_space<semaphore_mem>>
      %dma_start3A = arith.constant 0 : i32
      %dma_start3A_90 = tpu.memref_slice %arg3[%add3A_8, %dma_start3A] : memref<8x400xf32, #tpu.memory_space<hbm>> -> memref<1x400xf32, #tpu.memory_space<hbm>>
      %dma_start3A_91 = tpu.memref_squeeze %dma_start3A_90 : memref<1x400xf32, #tpu.memory_space<hbm>> -> memref<400xf32, #tpu.memory_space<hbm>>
      %dma_start3A_92 = arith.constant 0 : i32
      %dma_start3A_93 = tpu.memref_slice %arg3[%add3A_8, %dma_start3A_92] : memref<8x400xf32, #tpu.memory_space<hbm>> -> memref<1x400xf32, #tpu.memory_space<hbm>>
      %dma_start3A_94 = tpu.memref_squeeze %dma_start3A_93 : memref<1x400xf32, #tpu.memory_space<hbm>> -> memref<400xf32, #tpu.memory_space<hbm>>
      tpu.enqueue_dma source(%dma_start3A_94 : memref<400xf32, #tpu.memory_space<hbm>>) target(%arg12 : memref<400xf32, #tpu.memory_space<vmem>>) target_semaphore(%run_scoped3A : memref<!tpu.dma_semaphore, #tpu.memory_space<semaphore_mem>>)
      %dma_wait3A = arith.constant 0 : i32
      %dma_wait3A_95 = tpu.memref_slice %arg3[%add3A_8, %dma_wait3A] : memref<8x400xf32, #tpu.memory_space<hbm>> -> memref<1x400xf32, #tpu.memory_space<hbm>>
      %dma_wait3A_96 = tpu.memref_squeeze %dma_wait3A_95 : memref<1x400xf32, #tpu.memory_space<hbm>> -> memref<400xf32, #tpu.memory_space<hbm>>
      %dma_wait3A_97 = arith.constant 0 : i32
      %dma_wait3A_98 = tpu.memref_slice %arg3[%add3A_8, %dma_wait3A_97] : memref<8x400xf32, #tpu.memory_space<hbm>> -> memref<1x400xf32, #tpu.memory_space<hbm>>
      %dma_wait3A_99 = tpu.memref_squeeze %dma_wait3A_98 : memref<1x400xf32, #tpu.memory_space<hbm>> -> memref<400xf32, #tpu.memory_space<hbm>>
      tpu.wait_dma2 semaphore(%run_scoped3A : memref<!tpu.dma_semaphore, #tpu.memory_space<semaphore_mem>>) src(%dma_wait3A_99 : memref<400xf32, #tpu.memory_space<hbm>>) dst(%arg12 : memref<400xf32, #tpu.memory_space<vmem>>)
      tpu.yield
    }) : () -> ()
    %add3A_9 = vector.broadcast %add3A_8 : i32 to vector<16xi32>
    %add3A_10 = arith.addi %broadcast_in_dim3A_2, %add3A_9 : vector<16xi32>
    %scan3A = arith.constant 0 : i32
    %scan3A_11 = arith.constant 0 : i32
    %scan3A_12 = arith.constant 36 : i32
    %scan3A_13 = arith.addi %scan3A_11, %scan3A_12 : i32
    %scan3A_14 = arith.constant 1 : i32
    %scan3A_15 = scf.for %scan3A_90 = %scan3A_11 to %scan3A_13 step %scan3A_14 iter_args(%scan3A_91 = %scan3A) -> (i32)  : i32 {
      %mul3A_92 = arith.constant 64 : i32
      %mul3A_93 = arith.muli %scan3A_90, %mul3A_92 : i32
      %mul3A_94 = arith.constant 4 : i32
      %mul3A_95 = vector.broadcast %mul3A_94 : i32 to vector<16xi32>
      %mul3A_96 = arith.muli %iota3A, %mul3A_95 : vector<16xi32>
      %add3A_97 = vector.broadcast %mul3A_93 : i32 to vector<16xi32>
      %add3A_98 = arith.addi %add3A_97, %mul3A_96 : vector<16xi32>
      %gather3A = tpu.vector_load_idx %arg6[%add3A_10, %add3A_98] : memref<8x2304xf32, #tpu.memory_space<vmem>>[vector<16xi32>, vector<16xi32>], vector<16xf32>,
      %add3A_99 = arith.constant 1 : i32
      %add3A_100 = vector.broadcast %add3A_99 : i32 to vector<16xi32>
      %add3A_101 = arith.addi %add3A_98, %add3A_100 : vector<16xi32>
      %gather3A_102 = tpu.vector_load_idx %arg6[%add3A_10, %add3A_101] : memref<8x2304xf32, #tpu.memory_space<vmem>>[vector<16xi32>, vector<16xi32>], vector<16xf32>,
      %add3A_103 = arith.constant 2 : i32
      %add3A_104 = vector.broadcast %add3A_103 : i32 to vector<16xi32>
      %add3A_105 = arith.addi %add3A_98, %add3A_104 : vector<16xi32>
      %gather3A_106 = tpu.vector_load_idx %arg6[%add3A_10, %add3A_105] : memref<8x2304xf32, #tpu.memory_space<vmem>>[vector<16xi32>, vector<16xi32>], vector<16xf32>,
      %add3A_107 = arith.constant 3 : i32
      %add3A_108 = vector.broadcast %add3A_107 : i32 to vector<16xi32>
      %add3A_109 = arith.addi %add3A_98, %add3A_108 : vector<16xi32>
      %gather3A_110 = tpu.vector_load_idx %arg6[%add3A_10, %add3A_109] : memref<8x2304xf32, #tpu.memory_space<vmem>>[vector<16xi32>, vector<16xi32>], vector<16xf32>,
      %mul3A_111 = arith.constant 5.000000e-01 : f32
      %mul3A_112 = vector.broadcast %mul3A_111 : f32 to vector<16xf32>
      %mul3A_113 = arith.mulf %mul3A_112, %gather3A_106 : vector<16xf32>
      %sub3A = arith.subf %gather3A, %mul3A_113 : vector<16xf32>
      %mul3A_114 = arith.constant 5.000000e-01 : f32
      %mul3A_115 = vector.broadcast %mul3A_114 : f32 to vector<16xf32>
      %mul3A_116 = arith.mulf %mul3A_115, %gather3A_110 : vector<16xf32>
      %sub3A_117 = arith.subf %gather3A_102, %mul3A_116 : vector<16xf32>
      %mul3A_118 = arith.constant 5.000000e-01 : f32
      %mul3A_119 = vector.broadcast %mul3A_118 : f32 to vector<16xf32>
      %mul3A_120 = arith.mulf %mul3A_119, %gather3A_106 : vector<16xf32>
      %add3A_121 = arith.addf %gather3A, %mul3A_120 : vector<16xf32>
      %mul3A_122 = arith.constant 5.000000e-01 : f32
      %mul3A_123 = vector.broadcast %mul3A_122 : f32 to vector<16xf32>
      %mul3A_124 = arith.mulf %mul3A_123, %gather3A_110 : vector<16xf32>
      %add3A_125 = arith.addf %gather3A_102, %mul3A_124 : vector<16xf32>
      %mul3A_126 = arith.constant 16 : i32
      %mul3A_127 = arith.muli %scan3A_90, %mul3A_126 : i32
      %swap3A = arith.index_cast %mul3A_127 : i32 to index
      %swap3A_128 = tpu.vector_load %arg7[%swap3A] {strides = array<i32>} : memref<576xf32, #tpu.memory_space<vmem>>, vector<16xf32>,
      tpu.vector_store %arg7[%swap3A], %sub3A {strides = array<i32>} : memref<576xf32, #tpu.memory_space<vmem>>, vector<16xf32>,
      %swap3A_129 = arith.index_cast %mul3A_127 : i32 to index
      %swap3A_130 = tpu.vector_load %arg8[%swap3A_129] {strides = array<i32>} : memref<576xf32, #tpu.memory_space<vmem>>, vector<16xf32>,
      tpu.vector_store %arg8[%swap3A_129], %sub3A_117 {strides = array<i32>} : memref<576xf32, #tpu.memory_space<vmem>>, vector<16xf32>,
      %swap3A_131 = arith.index_cast %mul3A_127 : i32 to index
      %swap3A_132 = tpu.vector_load %arg9[%swap3A_131] {strides = array<i32>} : memref<576xf32, #tpu.memory_space<vmem>>, vector<16xf32>,
      tpu.vector_store %arg9[%swap3A_131], %add3A_121 {strides = array<i32>} : memref<576xf32, #tpu.memory_space<vmem>>, vector<16xf32>,
      %swap3A_133 = arith.index_cast %mul3A_127 : i32 to index
      %swap3A_134 = tpu.vector_load %arg10[%swap3A_133] {strides = array<i32>} : memref<576xf32, #tpu.memory_space<vmem>>, vector<16xf32>,
      tpu.vector_store %arg10[%swap3A_133], %add3A_125 {strides = array<i32>} : memref<576xf32, #tpu.memory_space<vmem>>, vector<16xf32>,
      %sub3A_135 = arith.subf %add3A_121, %sub3A : vector<16xf32>
      %sub3A_136 = arith.subf %add3A_125, %sub3A_117 : vector<16xf32>
      %mul3A_137 = arith.mulf %sub3A_135, %sub3A_136 : vector<16xf32>
      %swap3A_138 = arith.index_cast %mul3A_127 : i32 to index
      %swap3A_139 = tpu.vector_load %arg11[%swap3A_138] {strides = array<i32>} : memref<576xf32, #tpu.memory_space<vmem>>, vector<16xf32>,
      tpu.vector_store %arg11[%swap3A_138], %mul3A_137 {strides = array<i32>} : memref<576xf32, #tpu.memory_space<vmem>>, vector<16xf32>,
      %scan3A_140 = arith.constant 0 : i32
      scf.yield %scan3A_140 : i32
    }
    %scan3A_16 = arith.constant 36 : i32
    %scan3A_17 = arith.constant 0 : i32
    %scan3A_18 = arith.constant 0 : i32
    %scan3A_19 = arith.constant 25 : i32
    %scan3A_20 = arith.addi %scan3A_18, %scan3A_19 : i32
    %scan3A_21 = arith.constant 1 : i32
    %scan3A_22 = scf.for %scan3A_90 = %scan3A_18 to %scan3A_20 step %scan3A_21 iter_args(%scan3A_91 = %scan3A_17) -> (i32)  : i32 {
      %mul3A_92 = arith.constant 4 : i32
      %mul3A_93 = arith.muli %scan3A_90, %mul3A_92 : i32
      %add3A_94 = arith.constant 0 : i32
      %add3A_95 = arith.addi %mul3A_93, %add3A_94 : i32
      %mul3A_96 = arith.constant 4 : i32
      %mul3A_97 = arith.muli %add3A_95, %mul3A_96 : i32
      %add3A_98 = vector.broadcast %mul3A_97 : i32 to vector<16xi32>
      %add3A_99 = arith.addi %broadcast_in_dim3A_2, %add3A_98 : vector<16xi32>
      %gather3A = tpu.vector_load_idx %arg12[%add3A_99] : memref<400xf32, #tpu.memory_space<vmem>>[vector<16xi32>], vector<16xf32>,
      %add3A_100 = arith.constant 1 : i32
      %add3A_101 = vector.broadcast %add3A_100 : i32 to vector<16xi32>
      %add3A_102 = arith.addi %add3A_99, %add3A_101 : vector<16xi32>
      %gather3A_103 = tpu.vector_load_idx %arg12[%add3A_102] : memref<400xf32, #tpu.memory_space<vmem>>[vector<16xi32>], vector<16xf32>,
      %add3A_104 = arith.constant 2 : i32
      %add3A_105 = vector.broadcast %add3A_104 : i32 to vector<16xi32>
      %add3A_106 = arith.addi %add3A_99, %add3A_105 : vector<16xi32>
      %gather3A_107 = tpu.vector_load_idx %arg12[%add3A_106] : memref<400xf32, #tpu.memory_space<vmem>>[vector<16xi32>], vector<16xf32>,
      %add3A_108 = arith.constant 3 : i32
      %add3A_109 = vector.broadcast %add3A_108 : i32 to vector<16xi32>
      %add3A_110 = arith.addi %add3A_99, %add3A_109 : vector<16xi32>
      %gather3A_111 = tpu.vector_load_idx %arg12[%add3A_110] : memref<400xf32, #tpu.memory_space<vmem>>[vector<16xi32>], vector<16xf32>,
      %mul3A_112 = arith.constant 5.000000e-01 : f32
      %mul3A_113 = vector.broadcast %mul3A_112 : f32 to vector<16xf32>
      %mul3A_114 = arith.mulf %mul3A_113, %gather3A_107 : vector<16xf32>
      %sub3A = arith.subf %gather3A, %mul3A_114 : vector<16xf32>
      %mul3A_115 = arith.constant 5.000000e-01 : f32
      %mul3A_116 = vector.broadcast %mul3A_115 : f32 to vector<16xf32>
      %mul3A_117 = arith.mulf %mul3A_116, %gather3A_111 : vector<16xf32>
      %sub3A_118 = arith.subf %gather3A_103, %mul3A_117 : vector<16xf32>
      %mul3A_119 = arith.constant 5.000000e-01 : f32
      %mul3A_120 = vector.broadcast %mul3A_119 : f32 to vector<16xf32>
      %mul3A_121 = arith.mulf %mul3A_120, %gather3A_107 : vector<16xf32>
      %add3A_122 = arith.addf %gather3A, %mul3A_121 : vector<16xf32>
      %mul3A_123 = arith.constant 5.000000e-01 : f32
      %mul3A_124 = vector.broadcast %mul3A_123 : f32 to vector<16xf32>
      %mul3A_125 = arith.mulf %mul3A_124, %gather3A_111 : vector<16xf32>
      %add3A_126 = arith.addf %gather3A_103, %mul3A_125 : vector<16xf32>
      %sub3A_127 = arith.subf %add3A_122, %sub3A : vector<16xf32>
      %sub3A_128 = arith.subf %add3A_126, %sub3A_118 : vector<16xf32>
      %mul3A_129 = arith.mulf %sub3A_127, %sub3A_128 : vector<16xf32>
      %add3A_130 = arith.constant 1 : i32
      %add3A_131 = arith.addi %mul3A_93, %add3A_130 : i32
      %mul3A_132 = arith.constant 4 : i32
      %mul3A_133 = arith.muli %add3A_131, %mul3A_132 : i32
      %add3A_134 = vector.broadcast %mul3A_133 : i32 to vector<16xi32>
      %add3A_135 = arith.addi %broadcast_in_dim3A_2, %add3A_134 : vector<16xi32>
      %gather3A_136 = tpu.vector_load_idx %arg12[%add3A_135] : memref<400xf32, #tpu.memory_space<vmem>>[vector<16xi32>], vector<16xf32>,
      %add3A_137 = arith.constant 1 : i32
      %add3A_138 = vector.broadcast %add3A_137 : i32 to vector<16xi32>
      %add3A_139 = arith.addi %add3A_135, %add3A_138 : vector<16xi32>
      %gather3A_140 = tpu.vector_load_idx %arg12[%add3A_139] : memref<400xf32, #tpu.memory_space<vmem>>[vector<16xi32>], vector<16xf32>,
      %add3A_141 = arith.constant 2 : i32
      %add3A_142 = vector.broadcast %add3A_141 : i32 to vector<16xi32>
      %add3A_143 = arith.addi %add3A_135, %add3A_142 : vector<16xi32>
      %gather3A_144 = tpu.vector_load_idx %arg12[%add3A_143] : memref<400xf32, #tpu.memory_space<vmem>>[vector<16xi32>], vector<16xf32>,
      %add3A_145 = arith.constant 3 : i32
      %add3A_146 = vector.broadcast %add3A_145 : i32 to vector<16xi32>
      %add3A_147 = arith.addi %add3A_135, %add3A_146 : vector<16xi32>
      %gather3A_148 = tpu.vector_load_idx %arg12[%add3A_147] : memref<400xf32, #tpu.memory_space<vmem>>[vector<16xi32>], vector<16xf32>,
      %mul3A_149 = arith.constant 5.000000e-01 : f32
      %mul3A_150 = vector.broadcast %mul3A_149 : f32 to vector<16xf32>
      %mul3A_151 = arith.mulf %mul3A_150, %gather3A_144 : vector<16xf32>
      %sub3A_152 = arith.subf %gather3A_136, %mul3A_151 : vector<16xf32>
      %mul3A_153 = arith.constant 5.000000e-01 : f32
      %mul3A_154 = vector.broadcast %mul3A_153 : f32 to vector<16xf32>
      %mul3A_155 = arith.mulf %mul3A_154, %gather3A_148 : vector<16xf32>
      %sub3A_156 = arith.subf %gather3A_140, %mul3A_155 : vector<16xf32>
      %mul3A_157 = arith.constant 5.000000e-01 : f32
      %mul3A_158 = vector.broadcast %mul3A_157 : f32 to vector<16xf32>
      %mul3A_159 = arith.mulf %mul3A_158, %gather3A_144 : vector<16xf32>
      %add3A_160 = arith.addf %gather3A_136, %mul3A_159 : vector<16xf32>
      %mul3A_161 = arith.constant 5.000000e-01 : f32
      %mul3A_162 = vector.broadcast %mul3A_161 : f32 to vector<16xf32>
      %mul3A_163 = arith.mulf %mul3A_162, %gather3A_148 : vector<16xf32>
      %add3A_164 = arith.addf %gather3A_140, %mul3A_163 : vector<16xf32>
      %sub3A_165 = arith.subf %add3A_160, %sub3A_152 : vector<16xf32>
      %sub3A_166 = arith.subf %add3A_164, %sub3A_156 : vector<16xf32>
      %mul3A_167 = arith.mulf %sub3A_165, %sub3A_166 : vector<16xf32>
      %add3A_168 = arith.constant 2 : i32
      %add3A_169 = arith.addi %mul3A_93, %add3A_168 : i32
      %mul3A_170 = arith.constant 4 : i32
      %mul3A_171 = arith.muli %add3A_169, %mul3A_170 : i32
      %add3A_172 = vector.broadcast %mul3A_171 : i32 to vector<16xi32>
      %add3A_173 = arith.addi %broadcast_in_dim3A_2, %add3A_172 : vector<16xi32>
      %gather3A_174 = tpu.vector_load_idx %arg12[%add3A_173] : memref<400xf32, #tpu.memory_space<vmem>>[vector<16xi32>], vector<16xf32>,
      %add3A_175 = arith.constant 1 : i32
      %add3A_176 = vector.broadcast %add3A_175 : i32 to vector<16xi32>
      %add3A_177 = arith.addi %add3A_173, %add3A_176 : vector<16xi32>
      %gather3A_178 = tpu.vector_load_idx %arg12[%add3A_177] : memref<400xf32, #tpu.memory_space<vmem>>[vector<16xi32>], vector<16xf32>,
      %add3A_179 = arith.constant 2 : i32
      %add3A_180 = vector.broadcast %add3A_179 : i32 to vector<16xi32>
      %add3A_181 = arith.addi %add3A_173, %add3A_180 : vector<16xi32>
      %gather3A_182 = tpu.vector_load_idx %arg12[%add3A_181] : memref<400xf32, #tpu.memory_space<vmem>>[vector<16xi32>], vector<16xf32>,
      %add3A_183 = arith.constant 3 : i32
      %add3A_184 = vector.broadcast %add3A_183 : i32 to vector<16xi32>
      %add3A_185 = arith.addi %add3A_173, %add3A_184 : vector<16xi32>
      %gather3A_186 = tpu.vector_load_idx %arg12[%add3A_185] : memref<400xf32, #tpu.memory_space<vmem>>[vector<16xi32>], vector<16xf32>,
      %mul3A_187 = arith.constant 5.000000e-01 : f32
      %mul3A_188 = vector.broadcast %mul3A_187 : f32 to vector<16xf32>
      %mul3A_189 = arith.mulf %mul3A_188, %gather3A_182 : vector<16xf32>
      %sub3A_190 = arith.subf %gather3A_174, %mul3A_189 : vector<16xf32>
      %mul3A_191 = arith.constant 5.000000e-01 : f32
      %mul3A_192 = vector.broadcast %mul3A_191 : f32 to vector<16xf32>
      %mul3A_193 = arith.mulf %mul3A_192, %gather3A_186 : vector<16xf32>
      %sub3A_194 = arith.subf %gather3A_178, %mul3A_193 : vector<16xf32>
      %mul3A_195 = arith.constant 5.000000e-01 : f32
      %mul3A_196 = vector.broadcast %mul3A_195 : f32 to vector<16xf32>
      %mul3A_197 = arith.mulf %mul3A_196, %gather3A_182 : vector<16xf32>
      %add3A_198 = arith.addf %gather3A_174, %mul3A_197 : vector<16xf32>
      %mul3A_199 = arith.constant 5.000000e-01 : f32
      %mul3A_200 = vector.broadcast %mul3A_199 : f32 to vector<16xf32>
      %mul3A_201 = arith.mulf %mul3A_200, %gather3A_186 : vector<16xf32>
      %add3A_202 = arith.addf %gather3A_178, %mul3A_201 : vector<16xf32>
      %sub3A_203 = arith.subf %add3A_198, %sub3A_190 : vector<16xf32>
      %sub3A_204 = arith.subf %add3A_202, %sub3A_194 : vector<16xf32>
      %mul3A_205 = arith.mulf %sub3A_203, %sub3A_204 : vector<16xf32>
      %add3A_206 = arith.constant 3 : i32
      %add3A_207 = arith.addi %mul3A_93, %add3A_206 : i32
      %mul3A_208 = arith.constant 4 : i32
      %mul3A_209 = arith.muli %add3A_207, %mul3A_208 : i32
      %add3A_210 = vector.broadcast %mul3A_209 : i32 to vector<16xi32>
      %add3A_211 = arith.addi %broadcast_in_dim3A_2, %add3A_210 : vector<16xi32>
      %gather3A_212 = tpu.vector_load_idx %arg12[%add3A_211] : memref<400xf32, #tpu.memory_space<vmem>>[vector<16xi32>], vector<16xf32>,
      %add3A_213 = arith.constant 1 : i32
      %add3A_214 = vector.broadcast %add3A_213 : i32 to vector<16xi32>
      %add3A_215 = arith.addi %add3A_211, %add3A_214 : vector<16xi32>
      %gather3A_216 = tpu.vector_load_idx %arg12[%add3A_215] : memref<400xf32, #tpu.memory_space<vmem>>[vector<16xi32>], vector<16xf32>,
      %add3A_217 = arith.constant 2 : i32
      %add3A_218 = vector.broadcast %add3A_217 : i32 to vector<16xi32>
      %add3A_219 = arith.addi %add3A_211, %add3A_218 : vector<16xi32>
      %gather3A_220 = tpu.vector_load_idx %arg12[%add3A_219] : memref<400xf32, #tpu.memory_space<vmem>>[vector<16xi32>], vector<16xf32>,
      %add3A_221 = arith.constant 3 : i32
      %add3A_222 = vector.broadcast %add3A_221 : i32 to vector<16xi32>
      %add3A_223 = arith.addi %add3A_211, %add3A_222 : vector<16xi32>
      %gather3A_224 = tpu.vector_load_idx %arg12[%add3A_223] : memref<400xf32, #tpu.memory_space<vmem>>[vector<16xi32>], vector<16xf32>,
      %mul3A_225 = arith.constant 5.000000e-01 : f32
      %mul3A_226 = vector.broadcast %mul3A_225 : f32 to vector<16xf32>
      %mul3A_227 = arith.mulf %mul3A_226, %gather3A_220 : vector<16xf32>
      %sub3A_228 = arith.subf %gather3A_212, %mul3A_227 : vector<16xf32>
      %mul3A_229 = arith.constant 5.000000e-01 : f32
      %mul3A_230 = vector.broadcast %mul3A_229 : f32 to vector<16xf32>
      %mul3A_231 = arith.mulf %mul3A_230, %gather3A_224 : vector<16xf32>
      %sub3A_232 = arith.subf %gather3A_216, %mul3A_231 : vector<16xf32>
      %mul3A_233 = arith.constant 5.000000e-01 : f32
      %mul3A_234 = vector.broadcast %mul3A_233 : f32 to vector<16xf32>
      %mul3A_235 = arith.mulf %mul3A_234, %gather3A_220 : vector<16xf32>
      %add3A_236 = arith.addf %gather3A_212, %mul3A_235 : vector<16xf32>
      %mul3A_237 = arith.constant 5.000000e-01 : f32
      %mul3A_238 = vector.broadcast %mul3A_237 : f32 to vector<16xf32>
      %mul3A_239 = arith.mulf %mul3A_238, %gather3A_224 : vector<16xf32>
      %add3A_240 = arith.addf %gather3A_216, %mul3A_239 : vector<16xf32>
      %sub3A_241 = arith.subf %add3A_236, %sub3A_228 : vector<16xf32>
      %sub3A_242 = arith.subf %add3A_240, %sub3A_232 : vector<16xf32>
      %mul3A_243 = arith.mulf %sub3A_241, %sub3A_242 : vector<16xf32>
      %broadcast_in_dim3A_244 = arith.constant -3.000000e+38 : f32
      %broadcast_in_dim3A_245 = vector.broadcast %broadcast_in_dim3A_244 : f32 to vector<16xf32>
      %broadcast_in_dim3A_246 = arith.constant 0 : i32
      %broadcast_in_dim3A_247 = vector.broadcast %broadcast_in_dim3A_246 : i32 to vector<16xi32>
      %add3A_248 = vector.broadcast %mul3A_3 : i32 to vector<16xi32>
      %add3A_249 = arith.addi %add3A_248, %iota3A : vector<16xi32>
      %scan3A_250 = arith.constant 0 : i32
      %scan3A_251 = arith.constant 36 : i32
      %scan3A_252 = arith.addi %scan3A_250, %scan3A_251 : i32
      %scan3A_253 = arith.constant 1 : i32
      %scan3A_254:9 = scf.for %scan3A_354 = %scan3A_250 to %scan3A_252 step %scan3A_253 iter_args(%scan3A_355 = %broadcast_in_dim3A_245, %scan3A_356 = %broadcast_in_dim3A_245, %scan3A_357 = %broadcast_in_dim3A_245, %scan3A_358 = %broadcast_in_dim3A_245, %scan3A_359 = %broadcast_in_dim3A_247, %scan3A_360 = %broadcast_in_dim3A_247, %scan3A_361 = %broadcast_in_dim3A_247, %scan3A_362 = %broadcast_in_dim3A_247, %scan3A_363 = %add3A_249) -> (vector<16xf32>, vector<16xf32>, vector<16xf32>, vector<16xf32>, vector<16xi32>, vector<16xi32>, vector<16xi32>, vector<16xi32>, vector<16xi32>)  : i32 {
        %mul3A_364 = arith.constant 16 : i32
        %mul3A_365 = arith.muli %scan3A_354, %mul3A_364 : i32
        %get3A = arith.index_cast %mul3A_365 : i32 to index
        %get3A_366 = tpu.vector_load %arg7[%get3A] {strides = array<i32>} : memref<576xf32, #tpu.memory_space<vmem>>, vector<16xf32>,
        %get3A_367 = arith.index_cast %mul3A_365 : i32 to index
        %get3A_368 = tpu.vector_load %arg8[%get3A_367] {strides = array<i32>} : memref<576xf32, #tpu.memory_space<vmem>>, vector<16xf32>,
        %get3A_369 = arith.index_cast %mul3A_365 : i32 to index
        %get3A_370 = tpu.vector_load %arg9[%get3A_369] {strides = array<i32>} : memref<576xf32, #tpu.memory_space<vmem>>, vector<16xf32>,
        %get3A_371 = arith.index_cast %mul3A_365 : i32 to index
        %get3A_372 = tpu.vector_load %arg10[%get3A_371] {strides = array<i32>} : memref<576xf32, #tpu.memory_space<vmem>>, vector<16xf32>,
        %get3A_373 = arith.index_cast %mul3A_365 : i32 to index
        %get3A_374 = tpu.vector_load %arg11[%get3A_373] {strides = array<i32>} : memref<576xf32, #tpu.memory_space<vmem>>, vector<16xf32>,
        %max3A = arith.maximumf %get3A_366, %sub3A : vector<16xf32>
        %max3A_375 = arith.maximumf %get3A_368, %sub3A_118 : vector<16xf32>
        %min3A = arith.minimumf %get3A_370, %add3A_122 : vector<16xf32>
        %min3A_376 = arith.minimumf %get3A_372, %add3A_126 : vector<16xf32>
        %sub3A_377 = arith.subf %min3A, %max3A : vector<16xf32>
        %max3A_378 = arith.constant 0.000000e+00 : f32
        %max3A_379 = vector.broadcast %max3A_378 : f32 to vector<16xf32>
        %max3A_380 = arith.maximumf %sub3A_377, %max3A_379 : vector<16xf32>
        %sub3A_381 = arith.subf %min3A_376, %max3A_375 : vector<16xf32>
        %max3A_382 = arith.constant 0.000000e+00 : f32
        %max3A_383 = vector.broadcast %max3A_382 : f32 to vector<16xf32>
        %max3A_384 = arith.maximumf %sub3A_381, %max3A_383 : vector<16xf32>
        %mul3A_385 = arith.mulf %max3A_380, %max3A_384 : vector<16xf32>
        %add3A_386 = arith.addf %get3A_374, %mul3A_129 : vector<16xf32>
        %sub3A_387 = arith.subf %add3A_386, %mul3A_385 : vector<16xf32>
        %max3A_388 = arith.constant 9.99999971E-10 : f32
        %max3A_389 = vector.broadcast %max3A_388 : f32 to vector<16xf32>
        %max3A_390 = arith.maximumf %sub3A_387, %max3A_389 : vector<16xf32>
        %div3A = arith.divf %mul3A_385, %max3A_390 : vector<16xf32>
        %min3A_391 = arith.minimumf %get3A_366, %sub3A : vector<16xf32>
        %min3A_392 = arith.minimumf %get3A_368, %sub3A_118 : vector<16xf32>
        %max3A_393 = arith.maximumf %get3A_370, %add3A_122 : vector<16xf32>
        %max3A_394 = arith.maximumf %get3A_372, %add3A_126 : vector<16xf32>
        %sub3A_395 = arith.subf %max3A_393, %min3A_391 : vector<16xf32>
        %sub3A_396 = arith.subf %max3A_394, %min3A_392 : vector<16xf32>
        %mul3A_397 = arith.mulf %sub3A_395, %sub3A_396 : vector<16xf32>
        %sub3A_398 = arith.subf %mul3A_397, %sub3A_387 : vector<16xf32>
        %max3A_399 = arith.constant 9.99999971E-10 : f32
        %max3A_400 = vector.broadcast %max3A_399 : f32 to vector<16xf32>
        %max3A_401 = arith.maximumf %mul3A_397, %max3A_400 : vector<16xf32>
        %div3A_402 = arith.divf %sub3A_398, %max3A_401 : vector<16xf32>
        %sub3A_403 = arith.subf %div3A, %div3A_402 : vector<16xf32>
        %gt3A = arith.cmpf ogt, %sub3A_403, %scan3A_355 : vector<16xf32>
        %select_n3A_404 = arith.select %gt3A, %sub3A_403, %scan3A_355 : vector<16xi1>, vector<16xf32>
        %select_n3A_405 = arith.select %gt3A, %scan3A_363, %scan3A_359 : vector<16xi1>, vector<16xi32>
        %max3A_406 = arith.maximumf %get3A_366, %sub3A_152 : vector<16xf32>
        %max3A_407 = arith.maximumf %get3A_368, %sub3A_156 : vector<16xf32>
        %min3A_408 = arith.minimumf %get3A_370, %add3A_160 : vector<16xf32>
        %min3A_409 = arith.minimumf %get3A_372, %add3A_164 : vector<16xf32>
        %sub3A_410 = arith.subf %min3A_408, %max3A_406 : vector<16xf32>
        %max3A_411 = arith.constant 0.000000e+00 : f32
        %max3A_412 = vector.broadcast %max3A_411 : f32 to vector<16xf32>
        %max3A_413 = arith.maximumf %sub3A_410, %max3A_412 : vector<16xf32>
        %sub3A_414 = arith.subf %min3A_409, %max3A_407 : vector<16xf32>
        %max3A_415 = arith.constant 0.000000e+00 : f32
        %max3A_416 = vector.broadcast %max3A_415 : f32 to vector<16xf32>
        %max3A_417 = arith.maximumf %sub3A_414, %max3A_416 : vector<16xf32>
        %mul3A_418 = arith.mulf %max3A_413, %max3A_417 : vector<16xf32>
        %add3A_419 = arith.addf %get3A_374, %mul3A_167 : vector<16xf32>
        %sub3A_420 = arith.subf %add3A_419, %mul3A_418 : vector<16xf32>
        %max3A_421 = arith.constant 9.99999971E-10 : f32
        %max3A_422 = vector.broadcast %max3A_421 : f32 to vector<16xf32>
        %max3A_423 = arith.maximumf %sub3A_420, %max3A_422 : vector<16xf32>
        %div3A_424 = arith.divf %mul3A_418, %max3A_423 : vector<16xf32>
        %min3A_425 = arith.minimumf %get3A_366, %sub3A_152 : vector<16xf32>
        %min3A_426 = arith.minimumf %get3A_368, %sub3A_156 : vector<16xf32>
        %max3A_427 = arith.maximumf %get3A_370, %add3A_160 : vector<16xf32>
        %max3A_428 = arith.maximumf %get3A_372, %add3A_164 : vector<16xf32>
        %sub3A_429 = arith.subf %max3A_427, %min3A_425 : vector<16xf32>
        %sub3A_430 = arith.subf %max3A_428, %min3A_426 : vector<16xf32>
        %mul3A_431 = arith.mulf %sub3A_429, %sub3A_430 : vector<16xf32>
        %sub3A_432 = arith.subf %mul3A_431, %sub3A_420 : vector<16xf32>
        %max3A_433 = arith.constant 9.99999971E-10 : f32
        %max3A_434 = vector.broadcast %max3A_433 : f32 to vector<16xf32>
        %max3A_435 = arith.maximumf %mul3A_431, %max3A_434 : vector<16xf32>
        %div3A_436 = arith.divf %sub3A_432, %max3A_435 : vector<16xf32>
        %sub3A_437 = arith.subf %div3A_424, %div3A_436 : vector<16xf32>
        %gt3A_438 = arith.cmpf ogt, %sub3A_437, %scan3A_356 : vector<16xf32>
        %select_n3A_439 = arith.select %gt3A_438, %sub3A_437, %scan3A_356 : vector<16xi1>, vector<16xf32>
        %select_n3A_440 = arith.select %gt3A_438, %scan3A_363, %scan3A_360 : vector<16xi1>, vector<16xi32>
        %max3A_441 = arith.maximumf %get3A_366, %sub3A_190 : vector<16xf32>
        %max3A_442 = arith.maximumf %get3A_368, %sub3A_194 : vector<16xf32>
        %min3A_443 = arith.minimumf %get3A_370, %add3A_198 : vector<16xf32>
        %min3A_444 = arith.minimumf %get3A_372, %add3A_202 : vector<16xf32>
        %sub3A_445 = arith.subf %min3A_443, %max3A_441 : vector<16xf32>
        %max3A_446 = arith.constant 0.000000e+00 : f32
        %max3A_447 = vector.broadcast %max3A_446 : f32 to vector<16xf32>
        %max3A_448 = arith.maximumf %sub3A_445, %max3A_447 : vector<16xf32>
        %sub3A_449 = arith.subf %min3A_444, %max3A_442 : vector<16xf32>
        %max3A_450 = arith.constant 0.000000e+00 : f32
        %max3A_451 = vector.broadcast %max3A_450 : f32 to vector<16xf32>
        %max3A_452 = arith.maximumf %sub3A_449, %max3A_451 : vector<16xf32>
        %mul3A_453 = arith.mulf %max3A_448, %max3A_452 : vector<16xf32>
        %add3A_454 = arith.addf %get3A_374, %mul3A_205 : vector<16xf32>
        %sub3A_455 = arith.subf %add3A_454, %mul3A_453 : vector<16xf32>
        %max3A_456 = arith.constant 9.99999971E-10 : f32
        %max3A_457 = vector.broadcast %max3A_456 : f32 to vector<16xf32>
        %max3A_458 = arith.maximumf %sub3A_455, %max3A_457 : vector<16xf32>
        %div3A_459 = arith.divf %mul3A_453, %max3A_458 : vector<16xf32>
        %min3A_460 = arith.minimumf %get3A_366, %sub3A_190 : vector<16xf32>
        %min3A_461 = arith.minimumf %get3A_368, %sub3A_194 : vector<16xf32>
        %max3A_462 = arith.maximumf %get3A_370, %add3A_198 : vector<16xf32>
        %max3A_463 = arith.maximumf %get3A_372, %add3A_202 : vector<16xf32>
        %sub3A_464 = arith.subf %max3A_462, %min3A_460 : vector<16xf32>
        %sub3A_465 = arith.subf %max3A_463, %min3A_461 : vector<16xf32>
        %mul3A_466 = arith.mulf %sub3A_464, %sub3A_465 : vector<16xf32>
        %sub3A_467 = arith.subf %mul3A_466, %sub3A_455 : vector<16xf32>
        %max3A_468 = arith.constant 9.99999971E-10 : f32
        %max3A_469 = vector.broadcast %max3A_468 : f32 to vector<16xf32>
        %max3A_470 = arith.maximumf %mul3A_466, %max3A_469 : vector<16xf32>
        %div3A_471 = arith.divf %sub3A_467, %max3A_470 : vector<16xf32>
        %sub3A_472 = arith.subf %div3A_459, %div3A_471 : vector<16xf32>
        %gt3A_473 = arith.cmpf ogt, %sub3A_472, %scan3A_357 : vector<16xf32>
        %select_n3A_474 = arith.select %gt3A_473, %sub3A_472, %scan3A_357 : vector<16xi1>, vector<16xf32>
        %select_n3A_475 = arith.select %gt3A_473, %scan3A_363, %scan3A_361 : vector<16xi1>, vector<16xi32>
        %max3A_476 = arith.maximumf %get3A_366, %sub3A_228 : vector<16xf32>
        %max3A_477 = arith.maximumf %get3A_368, %sub3A_232 : vector<16xf32>
        %min3A_478 = arith.minimumf %get3A_370, %add3A_236 : vector<16xf32>
        %min3A_479 = arith.minimumf %get3A_372, %add3A_240 : vector<16xf32>
        %sub3A_480 = arith.subf %min3A_478, %max3A_476 : vector<16xf32>
        %max3A_481 = arith.constant 0.000000e+00 : f32
        %max3A_482 = vector.broadcast %max3A_481 : f32 to vector<16xf32>
        %max3A_483 = arith.maximumf %sub3A_480, %max3A_482 : vector<16xf32>
        %sub3A_484 = arith.subf %min3A_479, %max3A_477 : vector<16xf32>
        %max3A_485 = arith.constant 0.000000e+00 : f32
        %max3A_486 = vector.broadcast %max3A_485 : f32 to vector<16xf32>
        %max3A_487 = arith.maximumf %sub3A_484, %max3A_486 : vector<16xf32>
        %mul3A_488 = arith.mulf %max3A_483, %max3A_487 : vector<16xf32>
        %add3A_489 = arith.addf %get3A_374, %mul3A_243 : vector<16xf32>
        %sub3A_490 = arith.subf %add3A_489, %mul3A_488 : vector<16xf32>
        %max3A_491 = arith.constant 9.99999971E-10 : f32
        %max3A_492 = vector.broadcast %max3A_491 : f32 to vector<16xf32>
        %max3A_493 = arith.maximumf %sub3A_490, %max3A_492 : vector<16xf32>
        %div3A_494 = arith.divf %mul3A_488, %max3A_493 : vector<16xf32>
        %min3A_495 = arith.minimumf %get3A_366, %sub3A_228 : vector<16xf32>
        %min3A_496 = arith.minimumf %get3A_368, %sub3A_232 : vector<16xf32>
        %max3A_497 = arith.maximumf %get3A_370, %add3A_236 : vector<16xf32>
        %max3A_498 = arith.maximumf %get3A_372, %add3A_240 : vector<16xf32>
        %sub3A_499 = arith.subf %max3A_497, %min3A_495 : vector<16xf32>
        %sub3A_500 = arith.subf %max3A_498, %min3A_496 : vector<16xf32>
        %mul3A_501 = arith.mulf %sub3A_499, %sub3A_500 : vector<16xf32>
        %sub3A_502 = arith.subf %mul3A_501, %sub3A_490 : vector<16xf32>
        %max3A_503 = arith.constant 9.99999971E-10 : f32
        %max3A_504 = vector.broadcast %max3A_503 : f32 to vector<16xf32>
        %max3A_505 = arith.maximumf %mul3A_501, %max3A_504 : vector<16xf32>
        %div3A_506 = arith.divf %sub3A_502, %max3A_505 : vector<16xf32>
        %sub3A_507 = arith.subf %div3A_494, %div3A_506 : vector<16xf32>
        %gt3A_508 = arith.cmpf ogt, %sub3A_507, %scan3A_358 : vector<16xf32>
        %select_n3A_509 = arith.select %gt3A_508, %sub3A_507, %scan3A_358 : vector<16xi1>, vector<16xf32>
        %select_n3A_510 = arith.select %gt3A_508, %scan3A_363, %scan3A_362 : vector<16xi1>, vector<16xi32>
        %add3A_511 = arith.constant 16 : i32
        %add3A_512 = vector.broadcast %add3A_511 : i32 to vector<16xi32>
        %add3A_513 = arith.addi %scan3A_363, %add3A_512 : vector<16xi32>
        scf.yield %select_n3A_404, %select_n3A_439, %select_n3A_474, %select_n3A_509, %select_n3A_405, %select_n3A_440, %select_n3A_475, %select_n3A_510, %add3A_513 : vector<16xf32>, vector<16xf32>, vector<16xf32>, vector<16xf32>, vector<16xi32>, vector<16xi32>, vector<16xi32>, vector<16xi32>, vector<16xi32>
      }
      %scan3A_255 = arith.constant 36 : i32
      %reduce_max3A = arith.constant true
      %reduce_max3A_256 = vector.broadcast %reduce_max3A : i1 to vector<16xi1>
      %reduce_max3A_257 = tpu.scan <max>, %scan3A_254#0 masked %reduce_max3A_256 : vector<16xf32>, vector<16xi1> -> vector<16xf32>
      %reduce_max3A_258 = vector.extract %reduce_max3A_257[15] : f32 from vector<16xf32>
      %broadcast_in_dim3A_259 = vector.broadcast %reduce_max3A_258 : f32 to vector<16xf32>
      %eq3A_260 = arith.cmpf oeq, %scan3A_254#0, %broadcast_in_dim3A_259 : vector<16xf32>
      %broadcast_in_dim3A_261 = arith.constant 1073741824 : i32
      %broadcast_in_dim3A_262 = vector.broadcast %broadcast_in_dim3A_261 : i32 to vector<16xi32>
      %select_n3A = arith.select %eq3A_260, %scan3A_254#4, %broadcast_in_dim3A_262 : vector<16xi1>, vector<16xi32>
      %reduce_min3A = arith.constant true
      %reduce_min3A_263 = vector.broadcast %reduce_min3A : i1 to vector<16xi1>
      %reduce_min3A_264 = arith.constant -2147483648 : i32
      %reduce_min3A_265 = vector.broadcast %reduce_min3A_264 : i32 to vector<16xi32>
      %reduce_min3A_266 = arith.xori %select_n3A, %reduce_min3A_265 : vector<16xi32>
      %reduce_min3A_267 = tpu.scan <min>, %reduce_min3A_266 masked %reduce_min3A_263 : vector<16xi32>, vector<16xi1> -> vector<16xi32>
      %reduce_min3A_268 = arith.xori %reduce_min3A_267, %reduce_min3A_265 : vector<16xi32>
      %reduce_min3A_269 = vector.extract %reduce_min3A_268[15] : i32 from vector<16xi32>
      %add3A_270 = arith.constant 0 : i32
      %add3A_271 = arith.addi %add3A_270, %mul3A_93 : i32
      %add3A_272 = arith.constant 0 : i32
      %add3A_273 = arith.addi %add3A_271, %add3A_272 : i32
      %add3A_274 = vector.broadcast %add3A_273 : i32 to vector<16xi32>
      %add3A_275 = arith.addi %broadcast_in_dim3A_2, %add3A_274 : vector<16xi32>
      %broadcast_in_dim3A_276 = vector.broadcast %reduce_max3A_258 : f32 to vector<16xf32>
      tpu.vector_store_idx %arg13[%add3A_275], %broadcast_in_dim3A_276 masked %eq3A_1 : memref<448xf32, #tpu.memory_space<vmem>>[vector<16xi32>], vector<16xf32>, vector<16xi1>
      %broadcast_in_dim3A_277 = vector.broadcast %reduce_min3A_269 : i32 to vector<16xi32>
      tpu.vector_store_idx %arg14[%add3A_275], %broadcast_in_dim3A_277 masked %eq3A_1 : memref<448xi32, #tpu.memory_space<vmem>>[vector<16xi32>], vector<16xi32>, vector<16xi1>
      %reduce_max3A_278 = arith.constant true
      %reduce_max3A_279 = vector.broadcast %reduce_max3A_278 : i1 to vector<16xi1>
      %reduce_max3A_280 = tpu.scan <max>, %scan3A_254#1 masked %reduce_max3A_279 : vector<16xf32>, vector<16xi1> -> vector<16xf32>
      %reduce_max3A_281 = vector.extract %reduce_max3A_280[15] : f32 from vector<16xf32>
      %broadcast_in_dim3A_282 = vector.broadcast %reduce_max3A_281 : f32 to vector<16xf32>
      %eq3A_283 = arith.cmpf oeq, %scan3A_254#1, %broadcast_in_dim3A_282 : vector<16xf32>
      %broadcast_in_dim3A_284 = arith.constant 1073741824 : i32
      %broadcast_in_dim3A_285 = vector.broadcast %broadcast_in_dim3A_284 : i32 to vector<16xi32>
      %select_n3A_286 = arith.select %eq3A_283, %scan3A_254#5, %broadcast_in_dim3A_285 : vector<16xi1>, vector<16xi32>
      %reduce_min3A_287 = arith.constant true
      %reduce_min3A_288 = vector.broadcast %reduce_min3A_287 : i1 to vector<16xi1>
      %reduce_min3A_289 = arith.constant -2147483648 : i32
      %reduce_min3A_290 = vector.broadcast %reduce_min3A_289 : i32 to vector<16xi32>
      %reduce_min3A_291 = arith.xori %select_n3A_286, %reduce_min3A_290 : vector<16xi32>
      %reduce_min3A_292 = tpu.scan <min>, %reduce_min3A_291 masked %reduce_min3A_288 : vector<16xi32>, vector<16xi1> -> vector<16xi32>
      %reduce_min3A_293 = arith.xori %reduce_min3A_292, %reduce_min3A_290 : vector<16xi32>
      %reduce_min3A_294 = vector.extract %reduce_min3A_293[15] : i32 from vector<16xi32>
      %add3A_295 = arith.constant 0 : i32
      %add3A_296 = arith.addi %add3A_295, %mul3A_93 : i32
      %add3A_297 = arith.constant 1 : i32
      %add3A_298 = arith.addi %add3A_296, %add3A_297 : i32
      %add3A_299 = vector.broadcast %add3A_298 : i32 to vector<16xi32>
      %add3A_300 = arith.addi %broadcast_in_dim3A_2, %add3A_299 : vector<16xi32>
      %broadcast_in_dim3A_301 = vector.broadcast %reduce_max3A_281 : f32 to vector<16xf32>
      tpu.vector_store_idx %arg13[%add3A_300], %broadcast_in_dim3A_301 masked %eq3A_1 : memref<448xf32, #tpu.memory_space<vmem>>[vector<16xi32>], vector<16xf32>, vector<16xi1>
      %broadcast_in_dim3A_302 = vector.broadcast %reduce_min3A_294 : i32 to vector<16xi32>
      tpu.vector_store_idx %arg14[%add3A_300], %broadcast_in_dim3A_302 masked %eq3A_1 : memref<448xi32, #tpu.memory_space<vmem>>[vector<16xi32>], vector<16xi32>, vector<16xi1>
      %reduce_max3A_303 = arith.constant true
      %reduce_max3A_304 = vector.broadcast %reduce_max3A_303 : i1 to vector<16xi1>
      %reduce_max3A_305 = tpu.scan <max>, %scan3A_254#2 masked %reduce_max3A_304 : vector<16xf32>, vector<16xi1> -> vector<16xf32>
      %reduce_max3A_306 = vector.extract %reduce_max3A_305[15] : f32 from vector<16xf32>
      %broadcast_in_dim3A_307 = vector.broadcast %reduce_max3A_306 : f32 to vector<16xf32>
      %eq3A_308 = arith.cmpf oeq, %scan3A_254#2, %broadcast_in_dim3A_307 : vector<16xf32>
      %broadcast_in_dim3A_309 = arith.constant 1073741824 : i32
      %broadcast_in_dim3A_310 = vector.broadcast %broadcast_in_dim3A_309 : i32 to vector<16xi32>
      %select_n3A_311 = arith.select %eq3A_308, %scan3A_254#6, %broadcast_in_dim3A_310 : vector<16xi1>, vector<16xi32>
      %reduce_min3A_312 = arith.constant true
      %reduce_min3A_313 = vector.broadcast %reduce_min3A_312 : i1 to vector<16xi1>
      %reduce_min3A_314 = arith.constant -2147483648 : i32
      %reduce_min3A_315 = vector.broadcast %reduce_min3A_314 : i32 to vector<16xi32>
      %reduce_min3A_316 = arith.xori %select_n3A_311, %reduce_min3A_315 : vector<16xi32>
      %reduce_min3A_317 = tpu.scan <min>, %reduce_min3A_316 masked %reduce_min3A_313 : vector<16xi32>, vector<16xi1> -> vector<16xi32>
      %reduce_min3A_318 = arith.xori %reduce_min3A_317, %reduce_min3A_315 : vector<16xi32>
      %reduce_min3A_319 = vector.extract %reduce_min3A_318[15] : i32 from vector<16xi32>
      %add3A_320 = arith.constant 0 : i32
      %add3A_321 = arith.addi %add3A_320, %mul3A_93 : i32
      %add3A_322 = arith.constant 2 : i32
      %add3A_323 = arith.addi %add3A_321, %add3A_322 : i32
      %add3A_324 = vector.broadcast %add3A_323 : i32 to vector<16xi32>
      %add3A_325 = arith.addi %broadcast_in_dim3A_2, %add3A_324 : vector<16xi32>
      %broadcast_in_dim3A_326 = vector.broadcast %reduce_max3A_306 : f32 to vector<16xf32>
      tpu.vector_store_idx %arg13[%add3A_325], %broadcast_in_dim3A_326 masked %eq3A_1 : memref<448xf32, #tpu.memory_space<vmem>>[vector<16xi32>], vector<16xf32>, vector<16xi1>
      %broadcast_in_dim3A_327 = vector.broadcast %reduce_min3A_319 : i32 to vector<16xi32>
      tpu.vector_store_idx %arg14[%add3A_325], %broadcast_in_dim3A_327 masked %eq3A_1 : memref<448xi32, #tpu.memory_space<vmem>>[vector<16xi32>], vector<16xi32>, vector<16xi1>
      %reduce_max3A_328 = arith.constant true
      %reduce_max3A_329 = vector.broadcast %reduce_max3A_328 : i1 to vector<16xi1>
      %reduce_max3A_330 = tpu.scan <max>, %scan3A_254#3 masked %reduce_max3A_329 : vector<16xf32>, vector<16xi1> -> vector<16xf32>
      %reduce_max3A_331 = vector.extract %reduce_max3A_330[15] : f32 from vector<16xf32>
      %broadcast_in_dim3A_332 = vector.broadcast %reduce_max3A_331 : f32 to vector<16xf32>
      %eq3A_333 = arith.cmpf oeq, %scan3A_254#3, %broadcast_in_dim3A_332 : vector<16xf32>
      %broadcast_in_dim3A_334 = arith.constant 1073741824 : i32
      %broadcast_in_dim3A_335 = vector.broadcast %broadcast_in_dim3A_334 : i32 to vector<16xi32>
      %select_n3A_336 = arith.select %eq3A_333, %scan3A_254#7, %broadcast_in_dim3A_335 : vector<16xi1>, vector<16xi32>
      %reduce_min3A_337 = arith.constant true
      %reduce_min3A_338 = vector.broadcast %reduce_min3A_337 : i1 to vector<16xi1>
      %reduce_min3A_339 = arith.constant -2147483648 : i32
      %reduce_min3A_340 = vector.broadcast %reduce_min3A_339 : i32 to vector<16xi32>
      %reduce_min3A_341 = arith.xori %select_n3A_336, %reduce_min3A_340 : vector<16xi32>
      %reduce_min3A_342 = tpu.scan <min>, %reduce_min3A_341 masked %reduce_min3A_338 : vector<16xi32>, vector<16xi1> -> vector<16xi32>
      %reduce_min3A_343 = arith.xori %reduce_min3A_342, %reduce_min3A_340 : vector<16xi32>
      %reduce_min3A_344 = vector.extract %reduce_min3A_343[15] : i32 from vector<16xi32>
      %add3A_345 = arith.constant 0 : i32
      %add3A_346 = arith.addi %add3A_345, %mul3A_93 : i32
      %add3A_347 = arith.constant 3 : i32
      %add3A_348 = arith.addi %add3A_346, %add3A_347 : i32
      %add3A_349 = vector.broadcast %add3A_348 : i32 to vector<16xi32>
      %add3A_350 = arith.addi %broadcast_in_dim3A_2, %add3A_349 : vector<16xi32>
      %broadcast_in_dim3A_351 = vector.broadcast %reduce_max3A_331 : f32 to vector<16xf32>
      tpu.vector_store_idx %arg13[%add3A_350], %broadcast_in_dim3A_351 masked %eq3A_1 : memref<448xf32, #tpu.memory_space<vmem>>[vector<16xi32>], vector<16xf32>, vector<16xi1>
      %broadcast_in_dim3A_352 = vector.broadcast %reduce_min3A_344 : i32 to vector<16xi32>
      tpu.vector_store_idx %arg14[%add3A_350], %broadcast_in_dim3A_352 masked %eq3A_1 : memref<448xi32, #tpu.memory_space<vmem>>[vector<16xi32>], vector<16xi32>, vector<16xi1>
      %scan3A_353 = arith.constant 0 : i32
      scf.yield %scan3A_353 : i32
    }
    %scan3A_23 = arith.constant 25 : i32
    %mul3A_24 = arith.constant 4 : i32
    %mul3A_25 = arith.muli %arg0, %mul3A_24 : i32
    %add3A_26 = arith.constant 1 : i32
    %add3A_27 = arith.addi %mul3A_25, %add3A_26 : i32
    "tpu.region"() ({
      %run_scoped3A = tpu.sem_alloc : memref<!tpu.dma_semaphore, #tpu.memory_space<semaphore_mem>>
      %dma_start3A = arith.constant 0 : i32
      %dma_start3A_90 = tpu.memref_slice %arg3[%add3A_27, %dma_start3A] : memref<8x400xf32, #tpu.memory_space<hbm>> -> memref<1x400xf32, #tpu.memory_space<hbm>>
      %dma_start3A_91 = tpu.memref_squeeze %dma_start3A_90 : memref<1x400xf32, #tpu.memory_space<hbm>> -> memref<400xf32, #tpu.memory_space<hbm>>
      %dma_start3A_92 = arith.constant 0 : i32
      %dma_start3A_93 = tpu.memref_slice %arg3[%add3A_27, %dma_start3A_92] : memref<8x400xf32, #tpu.memory_space<hbm>> -> memref<1x400xf32, #tpu.memory_space<hbm>>
      %dma_start3A_94 = tpu.memref_squeeze %dma_start3A_93 : memref<1x400xf32, #tpu.memory_space<hbm>> -> memref<400xf32, #tpu.memory_space<hbm>>
      tpu.enqueue_dma source(%dma_start3A_94 : memref<400xf32, #tpu.memory_space<hbm>>) target(%arg12 : memref<400xf32, #tpu.memory_space<vmem>>) target_semaphore(%run_scoped3A : memref<!tpu.dma_semaphore, #tpu.memory_space<semaphore_mem>>)
      %dma_wait3A = arith.constant 0 : i32
      %dma_wait3A_95 = tpu.memref_slice %arg3[%add3A_27, %dma_wait3A] : memref<8x400xf32, #tpu.memory_space<hbm>> -> memref<1x400xf32, #tpu.memory_space<hbm>>
      %dma_wait3A_96 = tpu.memref_squeeze %dma_wait3A_95 : memref<1x400xf32, #tpu.memory_space<hbm>> -> memref<400xf32, #tpu.memory_space<hbm>>
      %dma_wait3A_97 = arith.constant 0 : i32
      %dma_wait3A_98 = tpu.memref_slice %arg3[%add3A_27, %dma_wait3A_97] : memref<8x400xf32, #tpu.memory_space<hbm>> -> memref<1x400xf32, #tpu.memory_space<hbm>>
      %dma_wait3A_99 = tpu.memref_squeeze %dma_wait3A_98 : memref<1x400xf32, #tpu.memory_space<hbm>> -> memref<400xf32, #tpu.memory_space<hbm>>
      tpu.wait_dma2 semaphore(%run_scoped3A : memref<!tpu.dma_semaphore, #tpu.memory_space<semaphore_mem>>) src(%dma_wait3A_99 : memref<400xf32, #tpu.memory_space<hbm>>) dst(%arg12 : memref<400xf32, #tpu.memory_space<vmem>>)
      tpu.yield
    }) : () -> ()
    %add3A_28 = vector.broadcast %add3A_27 : i32 to vector<16xi32>
    %add3A_29 = arith.addi %broadcast_in_dim3A_2, %add3A_28 : vector<16xi32>
    %scan3A_30 = arith.constant 0 : i32
    %scan3A_31 = arith.constant 0 : i32
    %scan3A_32 = arith.constant 36 : i32
    %scan3A_33 = arith.addi %scan3A_31, %scan3A_32 : i32
    %scan3A_34 = arith.constant 1 : i32
    %scan3A_35 = scf.for %scan3A_90 = %scan3A_31 to %scan3A_33 step %scan3A_34 iter_args(%scan3A_91 = %scan3A_30) -> (i32)  : i32 {
      %mul3A_92 = arith.constant 64 : i32
      %mul3A_93 = arith.muli %scan3A_90, %mul3A_92 : i32
      %mul3A_94 = arith.constant 4 : i32
      %mul3A_95 = vector.broadcast %mul3A_94 : i32 to vector<16xi32>
      %mul3A_96 = arith.muli %iota3A, %mul3A_95 : vector<16xi32>
      %add3A_97 = vector.broadcast %mul3A_93 : i32 to vector<16xi32>
      %add3A_98 = arith.addi %add3A_97, %mul3A_96 : vector<16xi32>
      %gather3A = tpu.vector_load_idx %arg6[%add3A_29, %add3A_98] : memref<8x2304xf32, #tpu.memory_space<vmem>>[vector<16xi32>, vector<16xi32>], vector<16xf32>,
      %add3A_99 = arith.constant 1 : i32
      %add3A_100 = vector.broadcast %add3A_99 : i32 to vector<16xi32>
      %add3A_101 = arith.addi %add3A_98, %add3A_100 : vector<16xi32>
      %gather3A_102 = tpu.vector_load_idx %arg6[%add3A_29, %add3A_101] : memref<8x2304xf32, #tpu.memory_space<vmem>>[vector<16xi32>, vector<16xi32>], vector<16xf32>,
      %add3A_103 = arith.constant 2 : i32
      %add3A_104 = vector.broadcast %add3A_103 : i32 to vector<16xi32>
      %add3A_105 = arith.addi %add3A_98, %add3A_104 : vector<16xi32>
      %gather3A_106 = tpu.vector_load_idx %arg6[%add3A_29, %add3A_105] : memref<8x2304xf32, #tpu.memory_space<vmem>>[vector<16xi32>, vector<16xi32>], vector<16xf32>,
      %add3A_107 = arith.constant 3 : i32
      %add3A_108 = vector.broadcast %add3A_107 : i32 to vector<16xi32>
      %add3A_109 = arith.addi %add3A_98, %add3A_108 : vector<16xi32>
      %gather3A_110 = tpu.vector_load_idx %arg6[%add3A_29, %add3A_109] : memref<8x2304xf32, #tpu.memory_space<vmem>>[vector<16xi32>, vector<16xi32>], vector<16xf32>,
      %mul3A_111 = arith.constant 5.000000e-01 : f32
      %mul3A_112 = vector.broadcast %mul3A_111 : f32 to vector<16xf32>
      %mul3A_113 = arith.mulf %mul3A_112, %gather3A_106 : vector<16xf32>
      %sub3A = arith.subf %gather3A, %mul3A_113 : vector<16xf32>
      %mul3A_114 = arith.constant 5.000000e-01 : f32
      %mul3A_115 = vector.broadcast %mul3A_114 : f32 to vector<16xf32>
      %mul3A_116 = arith.mulf %mul3A_115, %gather3A_110 : vector<16xf32>
      %sub3A_117 = arith.subf %gather3A_102, %mul3A_116 : vector<16xf32>
      %mul3A_118 = arith.constant 5.000000e-01 : f32
      %mul3A_119 = vector.broadcast %mul3A_118 : f32 to vector<16xf32>
      %mul3A_120 = arith.mulf %mul3A_119, %gather3A_106 : vector<16xf32>
      %add3A_121 = arith.addf %gather3A, %mul3A_120 : vector<16xf32>
      %mul3A_122 = arith.constant 5.000000e-01 : f32
      %mul3A_123 = vector.broadcast %mul3A_122 : f32 to vector<16xf32>
      %mul3A_124 = arith.mulf %mul3A_123, %gather3A_110 : vector<16xf32>
      %add3A_125 = arith.addf %gather3A_102, %mul3A_124 : vector<16xf32>
      %mul3A_126 = arith.constant 16 : i32
      %mul3A_127 = arith.muli %scan3A_90, %mul3A_126 : i32
      %swap3A = arith.index_cast %mul3A_127 : i32 to index
      %swap3A_128 = tpu.vector_load %arg7[%swap3A] {strides = array<i32>} : memref<576xf32, #tpu.memory_space<vmem>>, vector<16xf32>,
      tpu.vector_store %arg7[%swap3A], %sub3A {strides = array<i32>} : memref<576xf32, #tpu.memory_space<vmem>>, vector<16xf32>,
      %swap3A_129 = arith.index_cast %mul3A_127 : i32 to index
      %swap3A_130 = tpu.vector_load %arg8[%swap3A_129] {strides = array<i32>} : memref<576xf32, #tpu.memory_space<vmem>>, vector<16xf32>,
      tpu.vector_store %arg8[%swap3A_129], %sub3A_117 {strides = array<i32>} : memref<576xf32, #tpu.memory_space<vmem>>, vector<16xf32>,
      %swap3A_131 = arith.index_cast %mul3A_127 : i32 to index
      %swap3A_132 = tpu.vector_load %arg9[%swap3A_131] {strides = array<i32>} : memref<576xf32, #tpu.memory_space<vmem>>, vector<16xf32>,
      tpu.vector_store %arg9[%swap3A_131], %add3A_121 {strides = array<i32>} : memref<576xf32, #tpu.memory_space<vmem>>, vector<16xf32>,
      %swap3A_133 = arith.index_cast %mul3A_127 : i32 to index
      %swap3A_134 = tpu.vector_load %arg10[%swap3A_133] {strides = array<i32>} : memref<576xf32, #tpu.memory_space<vmem>>, vector<16xf32>,
      tpu.vector_store %arg10[%swap3A_133], %add3A_125 {strides = array<i32>} : memref<576xf32, #tpu.memory_space<vmem>>, vector<16xf32>,
      %sub3A_135 = arith.subf %add3A_121, %sub3A : vector<16xf32>
      %sub3A_136 = arith.subf %add3A_125, %sub3A_117 : vector<16xf32>
      %mul3A_137 = arith.mulf %sub3A_135, %sub3A_136 : vector<16xf32>
      %swap3A_138 = arith.index_cast %mul3A_127 : i32 to index
      %swap3A_139 = tpu.vector_load %arg11[%swap3A_138] {strides = array<i32>} : memref<576xf32, #tpu.memory_space<vmem>>, vector<16xf32>,
      tpu.vector_store %arg11[%swap3A_138], %mul3A_137 {strides = array<i32>} : memref<576xf32, #tpu.memory_space<vmem>>, vector<16xf32>,
      %scan3A_140 = arith.constant 0 : i32
      scf.yield %scan3A_140 : i32
    }
    %scan3A_36 = arith.constant 36 : i32
    %scan3A_37 = arith.constant 0 : i32
    %scan3A_38 = arith.constant 0 : i32
    %scan3A_39 = arith.constant 25 : i32
    %scan3A_40 = arith.addi %scan3A_38, %scan3A_39 : i32
    %scan3A_41 = arith.constant 1 : i32
    %scan3A_42 = scf.for %scan3A_90 = %scan3A_38 to %scan3A_40 step %scan3A_41 iter_args(%scan3A_91 = %scan3A_37) -> (i32)  : i32 {
      %mul3A_92 = arith.constant 4 : i32
      %mul3A_93 = arith.muli %scan3A_90, %mul3A_92 : i32
      %add3A_94 = arith.constant 0 : i32
      %add3A_95 = arith.addi %mul3A_93, %add3A_94 : i32
      %mul3A_96 = arith.constant 4 : i32
      %mul3A_97 = arith.muli %add3A_95, %mul3A_96 : i32
      %add3A_98 = vector.broadcast %mul3A_97 : i32 to vector<16xi32>
      %add3A_99 = arith.addi %broadcast_in_dim3A_2, %add3A_98 : vector<16xi32>
      %gather3A = tpu.vector_load_idx %arg12[%add3A_99] : memref<400xf32, #tpu.memory_space<vmem>>[vector<16xi32>], vector<16xf32>,
      %add3A_100 = arith.constant 1 : i32
      %add3A_101 = vector.broadcast %add3A_100 : i32 to vector<16xi32>
      %add3A_102 = arith.addi %add3A_99, %add3A_101 : vector<16xi32>
      %gather3A_103 = tpu.vector_load_idx %arg12[%add3A_102] : memref<400xf32, #tpu.memory_space<vmem>>[vector<16xi32>], vector<16xf32>,
      %add3A_104 = arith.constant 2 : i32
      %add3A_105 = vector.broadcast %add3A_104 : i32 to vector<16xi32>
      %add3A_106 = arith.addi %add3A_99, %add3A_105 : vector<16xi32>
      %gather3A_107 = tpu.vector_load_idx %arg12[%add3A_106] : memref<400xf32, #tpu.memory_space<vmem>>[vector<16xi32>], vector<16xf32>,
      %add3A_108 = arith.constant 3 : i32
      %add3A_109 = vector.broadcast %add3A_108 : i32 to vector<16xi32>
      %add3A_110 = arith.addi %add3A_99, %add3A_109 : vector<16xi32>
      %gather3A_111 = tpu.vector_load_idx %arg12[%add3A_110] : memref<400xf32, #tpu.memory_space<vmem>>[vector<16xi32>], vector<16xf32>,
      %mul3A_112 = arith.constant 5.000000e-01 : f32
      %mul3A_113 = vector.broadcast %mul3A_112 : f32 to vector<16xf32>
      %mul3A_114 = arith.mulf %mul3A_113, %gather3A_107 : vector<16xf32>
      %sub3A = arith.subf %gather3A, %mul3A_114 : vector<16xf32>
      %mul3A_115 = arith.constant 5.000000e-01 : f32
      %mul3A_116 = vector.broadcast %mul3A_115 : f32 to vector<16xf32>
      %mul3A_117 = arith.mulf %mul3A_116, %gather3A_111 : vector<16xf32>
      %sub3A_118 = arith.subf %gather3A_103, %mul3A_117 : vector<16xf32>
      %mul3A_119 = arith.constant 5.000000e-01 : f32
      %mul3A_120 = vector.broadcast %mul3A_119 : f32 to vector<16xf32>
      %mul3A_121 = arith.mulf %mul3A_120, %gather3A_107 : vector<16xf32>
      %add3A_122 = arith.addf %gather3A, %mul3A_121 : vector<16xf32>
      %mul3A_123 = arith.constant 5.000000e-01 : f32
      %mul3A_124 = vector.broadcast %mul3A_123 : f32 to vector<16xf32>
      %mul3A_125 = arith.mulf %mul3A_124, %gather3A_111 : vector<16xf32>
      %add3A_126 = arith.addf %gather3A_103, %mul3A_125 : vector<16xf32>
      %sub3A_127 = arith.subf %add3A_122, %sub3A : vector<16xf32>
      %sub3A_128 = arith.subf %add3A_126, %sub3A_118 : vector<16xf32>
      %mul3A_129 = arith.mulf %sub3A_127, %sub3A_128 : vector<16xf32>
      %add3A_130 = arith.constant 1 : i32
      %add3A_131 = arith.addi %mul3A_93, %add3A_130 : i32
      %mul3A_132 = arith.constant 4 : i32
      %mul3A_133 = arith.muli %add3A_131, %mul3A_132 : i32
      %add3A_134 = vector.broadcast %mul3A_133 : i32 to vector<16xi32>
      %add3A_135 = arith.addi %broadcast_in_dim3A_2, %add3A_134 : vector<16xi32>
      %gather3A_136 = tpu.vector_load_idx %arg12[%add3A_135] : memref<400xf32, #tpu.memory_space<vmem>>[vector<16xi32>], vector<16xf32>,
      %add3A_137 = arith.constant 1 : i32
      %add3A_138 = vector.broadcast %add3A_137 : i32 to vector<16xi32>
      %add3A_139 = arith.addi %add3A_135, %add3A_138 : vector<16xi32>
      %gather3A_140 = tpu.vector_load_idx %arg12[%add3A_139] : memref<400xf32, #tpu.memory_space<vmem>>[vector<16xi32>], vector<16xf32>,
      %add3A_141 = arith.constant 2 : i32
      %add3A_142 = vector.broadcast %add3A_141 : i32 to vector<16xi32>
      %add3A_143 = arith.addi %add3A_135, %add3A_142 : vector<16xi32>
      %gather3A_144 = tpu.vector_load_idx %arg12[%add3A_143] : memref<400xf32, #tpu.memory_space<vmem>>[vector<16xi32>], vector<16xf32>,
      %add3A_145 = arith.constant 3 : i32
      %add3A_146 = vector.broadcast %add3A_145 : i32 to vector<16xi32>
      %add3A_147 = arith.addi %add3A_135, %add3A_146 : vector<16xi32>
      %gather3A_148 = tpu.vector_load_idx %arg12[%add3A_147] : memref<400xf32, #tpu.memory_space<vmem>>[vector<16xi32>], vector<16xf32>,
      %mul3A_149 = arith.constant 5.000000e-01 : f32
      %mul3A_150 = vector.broadcast %mul3A_149 : f32 to vector<16xf32>
      %mul3A_151 = arith.mulf %mul3A_150, %gather3A_144 : vector<16xf32>
      %sub3A_152 = arith.subf %gather3A_136, %mul3A_151 : vector<16xf32>
      %mul3A_153 = arith.constant 5.000000e-01 : f32
      %mul3A_154 = vector.broadcast %mul3A_153 : f32 to vector<16xf32>
      %mul3A_155 = arith.mulf %mul3A_154, %gather3A_148 : vector<16xf32>
      %sub3A_156 = arith.subf %gather3A_140, %mul3A_155 : vector<16xf32>
      %mul3A_157 = arith.constant 5.000000e-01 : f32
      %mul3A_158 = vector.broadcast %mul3A_157 : f32 to vector<16xf32>
      %mul3A_159 = arith.mulf %mul3A_158, %gather3A_144 : vector<16xf32>
      %add3A_160 = arith.addf %gather3A_136, %mul3A_159 : vector<16xf32>
      %mul3A_161 = arith.constant 5.000000e-01 : f32
      %mul3A_162 = vector.broadcast %mul3A_161 : f32 to vector<16xf32>
      %mul3A_163 = arith.mulf %mul3A_162, %gather3A_148 : vector<16xf32>
      %add3A_164 = arith.addf %gather3A_140, %mul3A_163 : vector<16xf32>
      %sub3A_165 = arith.subf %add3A_160, %sub3A_152 : vector<16xf32>
      %sub3A_166 = arith.subf %add3A_164, %sub3A_156 : vector<16xf32>
      %mul3A_167 = arith.mulf %sub3A_165, %sub3A_166 : vector<16xf32>
      %add3A_168 = arith.constant 2 : i32
      %add3A_169 = arith.addi %mul3A_93, %add3A_168 : i32
      %mul3A_170 = arith.constant 4 : i32
      %mul3A_171 = arith.muli %add3A_169, %mul3A_170 : i32
      %add3A_172 = vector.broadcast %mul3A_171 : i32 to vector<16xi32>
      %add3A_173 = arith.addi %broadcast_in_dim3A_2, %add3A_172 : vector<16xi32>
      %gather3A_174 = tpu.vector_load_idx %arg12[%add3A_173] : memref<400xf32, #tpu.memory_space<vmem>>[vector<16xi32>], vector<16xf32>,
      %add3A_175 = arith.constant 1 : i32
      %add3A_176 = vector.broadcast %add3A_175 : i32 to vector<16xi32>
      %add3A_177 = arith.addi %add3A_173, %add3A_176 : vector<16xi32>
      %gather3A_178 = tpu.vector_load_idx %arg12[%add3A_177] : memref<400xf32, #tpu.memory_space<vmem>>[vector<16xi32>], vector<16xf32>,
      %add3A_179 = arith.constant 2 : i32
      %add3A_180 = vector.broadcast %add3A_179 : i32 to vector<16xi32>
      %add3A_181 = arith.addi %add3A_173, %add3A_180 : vector<16xi32>
      %gather3A_182 = tpu.vector_load_idx %arg12[%add3A_181] : memref<400xf32, #tpu.memory_space<vmem>>[vector<16xi32>], vector<16xf32>,
      %add3A_183 = arith.constant 3 : i32
      %add3A_184 = vector.broadcast %add3A_183 : i32 to vector<16xi32>
      %add3A_185 = arith.addi %add3A_173, %add3A_184 : vector<16xi32>
      %gather3A_186 = tpu.vector_load_idx %arg12[%add3A_185] : memref<400xf32, #tpu.memory_space<vmem>>[vector<16xi32>], vector<16xf32>,
      %mul3A_187 = arith.constant 5.000000e-01 : f32
      %mul3A_188 = vector.broadcast %mul3A_187 : f32 to vector<16xf32>
      %mul3A_189 = arith.mulf %mul3A_188, %gather3A_182 : vector<16xf32>
      %sub3A_190 = arith.subf %gather3A_174, %mul3A_189 : vector<16xf32>
      %mul3A_191 = arith.constant 5.000000e-01 : f32
      %mul3A_192 = vector.broadcast %mul3A_191 : f32 to vector<16xf32>
      %mul3A_193 = arith.mulf %mul3A_192, %gather3A_186 : vector<16xf32>
      %sub3A_194 = arith.subf %gather3A_178, %mul3A_193 : vector<16xf32>
      %mul3A_195 = arith.constant 5.000000e-01 : f32
      %mul3A_196 = vector.broadcast %mul3A_195 : f32 to vector<16xf32>
      %mul3A_197 = arith.mulf %mul3A_196, %gather3A_182 : vector<16xf32>
      %add3A_198 = arith.addf %gather3A_174, %mul3A_197 : vector<16xf32>
      %mul3A_199 = arith.constant 5.000000e-01 : f32
      %mul3A_200 = vector.broadcast %mul3A_199 : f32 to vector<16xf32>
      %mul3A_201 = arith.mulf %mul3A_200, %gather3A_186 : vector<16xf32>
      %add3A_202 = arith.addf %gather3A_178, %mul3A_201 : vector<16xf32>
      %sub3A_203 = arith.subf %add3A_198, %sub3A_190 : vector<16xf32>
      %sub3A_204 = arith.subf %add3A_202, %sub3A_194 : vector<16xf32>
      %mul3A_205 = arith.mulf %sub3A_203, %sub3A_204 : vector<16xf32>
      %add3A_206 = arith.constant 3 : i32
      %add3A_207 = arith.addi %mul3A_93, %add3A_206 : i32
      %mul3A_208 = arith.constant 4 : i32
      %mul3A_209 = arith.muli %add3A_207, %mul3A_208 : i32
      %add3A_210 = vector.broadcast %mul3A_209 : i32 to vector<16xi32>
      %add3A_211 = arith.addi %broadcast_in_dim3A_2, %add3A_210 : vector<16xi32>
      %gather3A_212 = tpu.vector_load_idx %arg12[%add3A_211] : memref<400xf32, #tpu.memory_space<vmem>>[vector<16xi32>], vector<16xf32>,
      %add3A_213 = arith.constant 1 : i32
      %add3A_214 = vector.broadcast %add3A_213 : i32 to vector<16xi32>
      %add3A_215 = arith.addi %add3A_211, %add3A_214 : vector<16xi32>
      %gather3A_216 = tpu.vector_load_idx %arg12[%add3A_215] : memref<400xf32, #tpu.memory_space<vmem>>[vector<16xi32>], vector<16xf32>,
      %add3A_217 = arith.constant 2 : i32
      %add3A_218 = vector.broadcast %add3A_217 : i32 to vector<16xi32>
      %add3A_219 = arith.addi %add3A_211, %add3A_218 : vector<16xi32>
      %gather3A_220 = tpu.vector_load_idx %arg12[%add3A_219] : memref<400xf32, #tpu.memory_space<vmem>>[vector<16xi32>], vector<16xf32>,
      %add3A_221 = arith.constant 3 : i32
      %add3A_222 = vector.broadcast %add3A_221 : i32 to vector<16xi32>
      %add3A_223 = arith.addi %add3A_211, %add3A_222 : vector<16xi32>
      %gather3A_224 = tpu.vector_load_idx %arg12[%add3A_223] : memref<400xf32, #tpu.memory_space<vmem>>[vector<16xi32>], vector<16xf32>,
      %mul3A_225 = arith.constant 5.000000e-01 : f32
      %mul3A_226 = vector.broadcast %mul3A_225 : f32 to vector<16xf32>
      %mul3A_227 = arith.mulf %mul3A_226, %gather3A_220 : vector<16xf32>
      %sub3A_228 = arith.subf %gather3A_212, %mul3A_227 : vector<16xf32>
      %mul3A_229 = arith.constant 5.000000e-01 : f32
      %mul3A_230 = vector.broadcast %mul3A_229 : f32 to vector<16xf32>
      %mul3A_231 = arith.mulf %mul3A_230, %gather3A_224 : vector<16xf32>
      %sub3A_232 = arith.subf %gather3A_216, %mul3A_231 : vector<16xf32>
      %mul3A_233 = arith.constant 5.000000e-01 : f32
      %mul3A_234 = vector.broadcast %mul3A_233 : f32 to vector<16xf32>
      %mul3A_235 = arith.mulf %mul3A_234, %gather3A_220 : vector<16xf32>
      %add3A_236 = arith.addf %gather3A_212, %mul3A_235 : vector<16xf32>
      %mul3A_237 = arith.constant 5.000000e-01 : f32
      %mul3A_238 = vector.broadcast %mul3A_237 : f32 to vector<16xf32>
      %mul3A_239 = arith.mulf %mul3A_238, %gather3A_224 : vector<16xf32>
      %add3A_240 = arith.addf %gather3A_216, %mul3A_239 : vector<16xf32>
      %sub3A_241 = arith.subf %add3A_236, %sub3A_228 : vector<16xf32>
      %sub3A_242 = arith.subf %add3A_240, %sub3A_232 : vector<16xf32>
      %mul3A_243 = arith.mulf %sub3A_241, %sub3A_242 : vector<16xf32>
      %broadcast_in_dim3A_244 = arith.constant -3.000000e+38 : f32
      %broadcast_in_dim3A_245 = vector.broadcast %broadcast_in_dim3A_244 : f32 to vector<16xf32>
      %broadcast_in_dim3A_246 = arith.constant 0 : i32
      %broadcast_in_dim3A_247 = vector.broadcast %broadcast_in_dim3A_246 : i32 to vector<16xi32>
      %add3A_248 = vector.broadcast %mul3A_3 : i32 to vector<16xi32>
      %add3A_249 = arith.addi %add3A_248, %iota3A : vector<16xi32>
      %scan3A_250 = arith.constant 0 : i32
      %scan3A_251 = arith.constant 36 : i32
      %scan3A_252 = arith.addi %scan3A_250, %scan3A_251 : i32
      %scan3A_253 = arith.constant 1 : i32
      %scan3A_254:9 = scf.for %scan3A_354 = %scan3A_250 to %scan3A_252 step %scan3A_253 iter_args(%scan3A_355 = %broadcast_in_dim3A_245, %scan3A_356 = %broadcast_in_dim3A_245, %scan3A_357 = %broadcast_in_dim3A_245, %scan3A_358 = %broadcast_in_dim3A_245, %scan3A_359 = %broadcast_in_dim3A_247, %scan3A_360 = %broadcast_in_dim3A_247, %scan3A_361 = %broadcast_in_dim3A_247, %scan3A_362 = %broadcast_in_dim3A_247, %scan3A_363 = %add3A_249) -> (vector<16xf32>, vector<16xf32>, vector<16xf32>, vector<16xf32>, vector<16xi32>, vector<16xi32>, vector<16xi32>, vector<16xi32>, vector<16xi32>)  : i32 {
        %mul3A_364 = arith.constant 16 : i32
        %mul3A_365 = arith.muli %scan3A_354, %mul3A_364 : i32
        %get3A = arith.index_cast %mul3A_365 : i32 to index
        %get3A_366 = tpu.vector_load %arg7[%get3A] {strides = array<i32>} : memref<576xf32, #tpu.memory_space<vmem>>, vector<16xf32>,
        %get3A_367 = arith.index_cast %mul3A_365 : i32 to index
        %get3A_368 = tpu.vector_load %arg8[%get3A_367] {strides = array<i32>} : memref<576xf32, #tpu.memory_space<vmem>>, vector<16xf32>,
        %get3A_369 = arith.index_cast %mul3A_365 : i32 to index
        %get3A_370 = tpu.vector_load %arg9[%get3A_369] {strides = array<i32>} : memref<576xf32, #tpu.memory_space<vmem>>, vector<16xf32>,
        %get3A_371 = arith.index_cast %mul3A_365 : i32 to index
        %get3A_372 = tpu.vector_load %arg10[%get3A_371] {strides = array<i32>} : memref<576xf32, #tpu.memory_space<vmem>>, vector<16xf32>,
        %get3A_373 = arith.index_cast %mul3A_365 : i32 to index
        %get3A_374 = tpu.vector_load %arg11[%get3A_373] {strides = array<i32>} : memref<576xf32, #tpu.memory_space<vmem>>, vector<16xf32>,
        %max3A = arith.maximumf %get3A_366, %sub3A : vector<16xf32>
        %max3A_375 = arith.maximumf %get3A_368, %sub3A_118 : vector<16xf32>
        %min3A = arith.minimumf %get3A_370, %add3A_122 : vector<16xf32>
        %min3A_376 = arith.minimumf %get3A_372, %add3A_126 : vector<16xf32>
        %sub3A_377 = arith.subf %min3A, %max3A : vector<16xf32>
        %max3A_378 = arith.constant 0.000000e+00 : f32
        %max3A_379 = vector.broadcast %max3A_378 : f32 to vector<16xf32>
        %max3A_380 = arith.maximumf %sub3A_377, %max3A_379 : vector<16xf32>
        %sub3A_381 = arith.subf %min3A_376, %max3A_375 : vector<16xf32>
        %max3A_382 = arith.constant 0.000000e+00 : f32
        %max3A_383 = vector.broadcast %max3A_382 : f32 to vector<16xf32>
        %max3A_384 = arith.maximumf %sub3A_381, %max3A_383 : vector<16xf32>
        %mul3A_385 = arith.mulf %max3A_380, %max3A_384 : vector<16xf32>
        %add3A_386 = arith.addf %get3A_374, %mul3A_129 : vector<16xf32>
        %sub3A_387 = arith.subf %add3A_386, %mul3A_385 : vector<16xf32>
        %max3A_388 = arith.constant 9.99999971E-10 : f32
        %max3A_389 = vector.broadcast %max3A_388 : f32 to vector<16xf32>
        %max3A_390 = arith.maximumf %sub3A_387, %max3A_389 : vector<16xf32>
        %div3A = arith.divf %mul3A_385, %max3A_390 : vector<16xf32>
        %min3A_391 = arith.minimumf %get3A_366, %sub3A : vector<16xf32>
        %min3A_392 = arith.minimumf %get3A_368, %sub3A_118 : vector<16xf32>
        %max3A_393 = arith.maximumf %get3A_370, %add3A_122 : vector<16xf32>
        %max3A_394 = arith.maximumf %get3A_372, %add3A_126 : vector<16xf32>
        %sub3A_395 = arith.subf %max3A_393, %min3A_391 : vector<16xf32>
        %sub3A_396 = arith.subf %max3A_394, %min3A_392 : vector<16xf32>
        %mul3A_397 = arith.mulf %sub3A_395, %sub3A_396 : vector<16xf32>
        %sub3A_398 = arith.subf %mul3A_397, %sub3A_387 : vector<16xf32>
        %max3A_399 = arith.constant 9.99999971E-10 : f32
        %max3A_400 = vector.broadcast %max3A_399 : f32 to vector<16xf32>
        %max3A_401 = arith.maximumf %mul3A_397, %max3A_400 : vector<16xf32>
        %div3A_402 = arith.divf %sub3A_398, %max3A_401 : vector<16xf32>
        %sub3A_403 = arith.subf %div3A, %div3A_402 : vector<16xf32>
        %gt3A = arith.cmpf ogt, %sub3A_403, %scan3A_355 : vector<16xf32>
        %select_n3A_404 = arith.select %gt3A, %sub3A_403, %scan3A_355 : vector<16xi1>, vector<16xf32>
        %select_n3A_405 = arith.select %gt3A, %scan3A_363, %scan3A_359 : vector<16xi1>, vector<16xi32>
        %max3A_406 = arith.maximumf %get3A_366, %sub3A_152 : vector<16xf32>
        %max3A_407 = arith.maximumf %get3A_368, %sub3A_156 : vector<16xf32>
        %min3A_408 = arith.minimumf %get3A_370, %add3A_160 : vector<16xf32>
        %min3A_409 = arith.minimumf %get3A_372, %add3A_164 : vector<16xf32>
        %sub3A_410 = arith.subf %min3A_408, %max3A_406 : vector<16xf32>
        %max3A_411 = arith.constant 0.000000e+00 : f32
        %max3A_412 = vector.broadcast %max3A_411 : f32 to vector<16xf32>
        %max3A_413 = arith.maximumf %sub3A_410, %max3A_412 : vector<16xf32>
        %sub3A_414 = arith.subf %min3A_409, %max3A_407 : vector<16xf32>
        %max3A_415 = arith.constant 0.000000e+00 : f32
        %max3A_416 = vector.broadcast %max3A_415 : f32 to vector<16xf32>
        %max3A_417 = arith.maximumf %sub3A_414, %max3A_416 : vector<16xf32>
        %mul3A_418 = arith.mulf %max3A_413, %max3A_417 : vector<16xf32>
        %add3A_419 = arith.addf %get3A_374, %mul3A_167 : vector<16xf32>
        %sub3A_420 = arith.subf %add3A_419, %mul3A_418 : vector<16xf32>
        %max3A_421 = arith.constant 9.99999971E-10 : f32
        %max3A_422 = vector.broadcast %max3A_421 : f32 to vector<16xf32>
        %max3A_423 = arith.maximumf %sub3A_420, %max3A_422 : vector<16xf32>
        %div3A_424 = arith.divf %mul3A_418, %max3A_423 : vector<16xf32>
        %min3A_425 = arith.minimumf %get3A_366, %sub3A_152 : vector<16xf32>
        %min3A_426 = arith.minimumf %get3A_368, %sub3A_156 : vector<16xf32>
        %max3A_427 = arith.maximumf %get3A_370, %add3A_160 : vector<16xf32>
        %max3A_428 = arith.maximumf %get3A_372, %add3A_164 : vector<16xf32>
        %sub3A_429 = arith.subf %max3A_427, %min3A_425 : vector<16xf32>
        %sub3A_430 = arith.subf %max3A_428, %min3A_426 : vector<16xf32>
        %mul3A_431 = arith.mulf %sub3A_429, %sub3A_430 : vector<16xf32>
        %sub3A_432 = arith.subf %mul3A_431, %sub3A_420 : vector<16xf32>
        %max3A_433 = arith.constant 9.99999971E-10 : f32
        %max3A_434 = vector.broadcast %max3A_433 : f32 to vector<16xf32>
        %max3A_435 = arith.maximumf %mul3A_431, %max3A_434 : vector<16xf32>
        %div3A_436 = arith.divf %sub3A_432, %max3A_435 : vector<16xf32>
        %sub3A_437 = arith.subf %div3A_424, %div3A_436 : vector<16xf32>
        %gt3A_438 = arith.cmpf ogt, %sub3A_437, %scan3A_356 : vector<16xf32>
        %select_n3A_439 = arith.select %gt3A_438, %sub3A_437, %scan3A_356 : vector<16xi1>, vector<16xf32>
        %select_n3A_440 = arith.select %gt3A_438, %scan3A_363, %scan3A_360 : vector<16xi1>, vector<16xi32>
        %max3A_441 = arith.maximumf %get3A_366, %sub3A_190 : vector<16xf32>
        %max3A_442 = arith.maximumf %get3A_368, %sub3A_194 : vector<16xf32>
        %min3A_443 = arith.minimumf %get3A_370, %add3A_198 : vector<16xf32>
        %min3A_444 = arith.minimumf %get3A_372, %add3A_202 : vector<16xf32>
        %sub3A_445 = arith.subf %min3A_443, %max3A_441 : vector<16xf32>
        %max3A_446 = arith.constant 0.000000e+00 : f32
        %max3A_447 = vector.broadcast %max3A_446 : f32 to vector<16xf32>
        %max3A_448 = arith.maximumf %sub3A_445, %max3A_447 : vector<16xf32>
        %sub3A_449 = arith.subf %min3A_444, %max3A_442 : vector<16xf32>
        %max3A_450 = arith.constant 0.000000e+00 : f32
        %max3A_451 = vector.broadcast %max3A_450 : f32 to vector<16xf32>
        %max3A_452 = arith.maximumf %sub3A_449, %max3A_451 : vector<16xf32>
        %mul3A_453 = arith.mulf %max3A_448, %max3A_452 : vector<16xf32>
        %add3A_454 = arith.addf %get3A_374, %mul3A_205 : vector<16xf32>
        %sub3A_455 = arith.subf %add3A_454, %mul3A_453 : vector<16xf32>
        %max3A_456 = arith.constant 9.99999971E-10 : f32
        %max3A_457 = vector.broadcast %max3A_456 : f32 to vector<16xf32>
        %max3A_458 = arith.maximumf %sub3A_455, %max3A_457 : vector<16xf32>
        %div3A_459 = arith.divf %mul3A_453, %max3A_458 : vector<16xf32>
        %min3A_460 = arith.minimumf %get3A_366, %sub3A_190 : vector<16xf32>
        %min3A_461 = arith.minimumf %get3A_368, %sub3A_194 : vector<16xf32>
        %max3A_462 = arith.maximumf %get3A_370, %add3A_198 : vector<16xf32>
        %max3A_463 = arith.maximumf %get3A_372, %add3A_202 : vector<16xf32>
        %sub3A_464 = arith.subf %max3A_462, %min3A_460 : vector<16xf32>
        %sub3A_465 = arith.subf %max3A_463, %min3A_461 : vector<16xf32>
        %mul3A_466 = arith.mulf %sub3A_464, %sub3A_465 : vector<16xf32>
        %sub3A_467 = arith.subf %mul3A_466, %sub3A_455 : vector<16xf32>
        %max3A_468 = arith.constant 9.99999971E-10 : f32
        %max3A_469 = vector.broadcast %max3A_468 : f32 to vector<16xf32>
        %max3A_470 = arith.maximumf %mul3A_466, %max3A_469 : vector<16xf32>
        %div3A_471 = arith.divf %sub3A_467, %max3A_470 : vector<16xf32>
        %sub3A_472 = arith.subf %div3A_459, %div3A_471 : vector<16xf32>
        %gt3A_473 = arith.cmpf ogt, %sub3A_472, %scan3A_357 : vector<16xf32>
        %select_n3A_474 = arith.select %gt3A_473, %sub3A_472, %scan3A_357 : vector<16xi1>, vector<16xf32>
        %select_n3A_475 = arith.select %gt3A_473, %scan3A_363, %scan3A_361 : vector<16xi1>, vector<16xi32>
        %max3A_476 = arith.maximumf %get3A_366, %sub3A_228 : vector<16xf32>
        %max3A_477 = arith.maximumf %get3A_368, %sub3A_232 : vector<16xf32>
        %min3A_478 = arith.minimumf %get3A_370, %add3A_236 : vector<16xf32>
        %min3A_479 = arith.minimumf %get3A_372, %add3A_240 : vector<16xf32>
        %sub3A_480 = arith.subf %min3A_478, %max3A_476 : vector<16xf32>
        %max3A_481 = arith.constant 0.000000e+00 : f32
        %max3A_482 = vector.broadcast %max3A_481 : f32 to vector<16xf32>
        %max3A_483 = arith.maximumf %sub3A_480, %max3A_482 : vector<16xf32>
        %sub3A_484 = arith.subf %min3A_479, %max3A_477 : vector<16xf32>
        %max3A_485 = arith.constant 0.000000e+00 : f32
        %max3A_486 = vector.broadcast %max3A_485 : f32 to vector<16xf32>
        %max3A_487 = arith.maximumf %sub3A_484, %max3A_486 : vector<16xf32>
        %mul3A_488 = arith.mulf %max3A_483, %max3A_487 : vector<16xf32>
        %add3A_489 = arith.addf %get3A_374, %mul3A_243 : vector<16xf32>
        %sub3A_490 = arith.subf %add3A_489, %mul3A_488 : vector<16xf32>
        %max3A_491 = arith.constant 9.99999971E-10 : f32
        %max3A_492 = vector.broadcast %max3A_491 : f32 to vector<16xf32>
        %max3A_493 = arith.maximumf %sub3A_490, %max3A_492 : vector<16xf32>
        %div3A_494 = arith.divf %mul3A_488, %max3A_493 : vector<16xf32>
        %min3A_495 = arith.minimumf %get3A_366, %sub3A_228 : vector<16xf32>
        %min3A_496 = arith.minimumf %get3A_368, %sub3A_232 : vector<16xf32>
        %max3A_497 = arith.maximumf %get3A_370, %add3A_236 : vector<16xf32>
        %max3A_498 = arith.maximumf %get3A_372, %add3A_240 : vector<16xf32>
        %sub3A_499 = arith.subf %max3A_497, %min3A_495 : vector<16xf32>
        %sub3A_500 = arith.subf %max3A_498, %min3A_496 : vector<16xf32>
        %mul3A_501 = arith.mulf %sub3A_499, %sub3A_500 : vector<16xf32>
        %sub3A_502 = arith.subf %mul3A_501, %sub3A_490 : vector<16xf32>
        %max3A_503 = arith.constant 9.99999971E-10 : f32
        %max3A_504 = vector.broadcast %max3A_503 : f32 to vector<16xf32>
        %max3A_505 = arith.maximumf %mul3A_501, %max3A_504 : vector<16xf32>
        %div3A_506 = arith.divf %sub3A_502, %max3A_505 : vector<16xf32>
        %sub3A_507 = arith.subf %div3A_494, %div3A_506 : vector<16xf32>
        %gt3A_508 = arith.cmpf ogt, %sub3A_507, %scan3A_358 : vector<16xf32>
        %select_n3A_509 = arith.select %gt3A_508, %sub3A_507, %scan3A_358 : vector<16xi1>, vector<16xf32>
        %select_n3A_510 = arith.select %gt3A_508, %scan3A_363, %scan3A_362 : vector<16xi1>, vector<16xi32>
        %add3A_511 = arith.constant 16 : i32
        %add3A_512 = vector.broadcast %add3A_511 : i32 to vector<16xi32>
        %add3A_513 = arith.addi %scan3A_363, %add3A_512 : vector<16xi32>
        scf.yield %select_n3A_404, %select_n3A_439, %select_n3A_474, %select_n3A_509, %select_n3A_405, %select_n3A_440, %select_n3A_475, %select_n3A_510, %add3A_513 : vector<16xf32>, vector<16xf32>, vector<16xf32>, vector<16xf32>, vector<16xi32>, vector<16xi32>, vector<16xi32>, vector<16xi32>, vector<16xi32>
      }
      %scan3A_255 = arith.constant 36 : i32
      %reduce_max3A = arith.constant true
      %reduce_max3A_256 = vector.broadcast %reduce_max3A : i1 to vector<16xi1>
      %reduce_max3A_257 = tpu.scan <max>, %scan3A_254#0 masked %reduce_max3A_256 : vector<16xf32>, vector<16xi1> -> vector<16xf32>
      %reduce_max3A_258 = vector.extract %reduce_max3A_257[15] : f32 from vector<16xf32>
      %broadcast_in_dim3A_259 = vector.broadcast %reduce_max3A_258 : f32 to vector<16xf32>
      %eq3A_260 = arith.cmpf oeq, %scan3A_254#0, %broadcast_in_dim3A_259 : vector<16xf32>
      %broadcast_in_dim3A_261 = arith.constant 1073741824 : i32
      %broadcast_in_dim3A_262 = vector.broadcast %broadcast_in_dim3A_261 : i32 to vector<16xi32>
      %select_n3A = arith.select %eq3A_260, %scan3A_254#4, %broadcast_in_dim3A_262 : vector<16xi1>, vector<16xi32>
      %reduce_min3A = arith.constant true
      %reduce_min3A_263 = vector.broadcast %reduce_min3A : i1 to vector<16xi1>
      %reduce_min3A_264 = arith.constant -2147483648 : i32
      %reduce_min3A_265 = vector.broadcast %reduce_min3A_264 : i32 to vector<16xi32>
      %reduce_min3A_266 = arith.xori %select_n3A, %reduce_min3A_265 : vector<16xi32>
      %reduce_min3A_267 = tpu.scan <min>, %reduce_min3A_266 masked %reduce_min3A_263 : vector<16xi32>, vector<16xi1> -> vector<16xi32>
      %reduce_min3A_268 = arith.xori %reduce_min3A_267, %reduce_min3A_265 : vector<16xi32>
      %reduce_min3A_269 = vector.extract %reduce_min3A_268[15] : i32 from vector<16xi32>
      %add3A_270 = arith.constant 112 : i32
      %add3A_271 = arith.addi %add3A_270, %mul3A_93 : i32
      %add3A_272 = arith.constant 0 : i32
      %add3A_273 = arith.addi %add3A_271, %add3A_272 : i32
      %add3A_274 = vector.broadcast %add3A_273 : i32 to vector<16xi32>
      %add3A_275 = arith.addi %broadcast_in_dim3A_2, %add3A_274 : vector<16xi32>
      %broadcast_in_dim3A_276 = vector.broadcast %reduce_max3A_258 : f32 to vector<16xf32>
      tpu.vector_store_idx %arg13[%add3A_275], %broadcast_in_dim3A_276 masked %eq3A_1 : memref<448xf32, #tpu.memory_space<vmem>>[vector<16xi32>], vector<16xf32>, vector<16xi1>
      %broadcast_in_dim3A_277 = vector.broadcast %reduce_min3A_269 : i32 to vector<16xi32>
      tpu.vector_store_idx %arg14[%add3A_275], %broadcast_in_dim3A_277 masked %eq3A_1 : memref<448xi32, #tpu.memory_space<vmem>>[vector<16xi32>], vector<16xi32>, vector<16xi1>
      %reduce_max3A_278 = arith.constant true
      %reduce_max3A_279 = vector.broadcast %reduce_max3A_278 : i1 to vector<16xi1>
      %reduce_max3A_280 = tpu.scan <max>, %scan3A_254#1 masked %reduce_max3A_279 : vector<16xf32>, vector<16xi1> -> vector<16xf32>
      %reduce_max3A_281 = vector.extract %reduce_max3A_280[15] : f32 from vector<16xf32>
      %broadcast_in_dim3A_282 = vector.broadcast %reduce_max3A_281 : f32 to vector<16xf32>
      %eq3A_283 = arith.cmpf oeq, %scan3A_254#1, %broadcast_in_dim3A_282 : vector<16xf32>
      %broadcast_in_dim3A_284 = arith.constant 1073741824 : i32
      %broadcast_in_dim3A_285 = vector.broadcast %broadcast_in_dim3A_284 : i32 to vector<16xi32>
      %select_n3A_286 = arith.select %eq3A_283, %scan3A_254#5, %broadcast_in_dim3A_285 : vector<16xi1>, vector<16xi32>
      %reduce_min3A_287 = arith.constant true
      %reduce_min3A_288 = vector.broadcast %reduce_min3A_287 : i1 to vector<16xi1>
      %reduce_min3A_289 = arith.constant -2147483648 : i32
      %reduce_min3A_290 = vector.broadcast %reduce_min3A_289 : i32 to vector<16xi32>
      %reduce_min3A_291 = arith.xori %select_n3A_286, %reduce_min3A_290 : vector<16xi32>
      %reduce_min3A_292 = tpu.scan <min>, %reduce_min3A_291 masked %reduce_min3A_288 : vector<16xi32>, vector<16xi1> -> vector<16xi32>
      %reduce_min3A_293 = arith.xori %reduce_min3A_292, %reduce_min3A_290 : vector<16xi32>
      %reduce_min3A_294 = vector.extract %reduce_min3A_293[15] : i32 from vector<16xi32>
      %add3A_295 = arith.constant 112 : i32
      %add3A_296 = arith.addi %add3A_295, %mul3A_93 : i32
      %add3A_297 = arith.constant 1 : i32
      %add3A_298 = arith.addi %add3A_296, %add3A_297 : i32
      %add3A_299 = vector.broadcast %add3A_298 : i32 to vector<16xi32>
      %add3A_300 = arith.addi %broadcast_in_dim3A_2, %add3A_299 : vector<16xi32>
      %broadcast_in_dim3A_301 = vector.broadcast %reduce_max3A_281 : f32 to vector<16xf32>
      tpu.vector_store_idx %arg13[%add3A_300], %broadcast_in_dim3A_301 masked %eq3A_1 : memref<448xf32, #tpu.memory_space<vmem>>[vector<16xi32>], vector<16xf32>, vector<16xi1>
      %broadcast_in_dim3A_302 = vector.broadcast %reduce_min3A_294 : i32 to vector<16xi32>
      tpu.vector_store_idx %arg14[%add3A_300], %broadcast_in_dim3A_302 masked %eq3A_1 : memref<448xi32, #tpu.memory_space<vmem>>[vector<16xi32>], vector<16xi32>, vector<16xi1>
      %reduce_max3A_303 = arith.constant true
      %reduce_max3A_304 = vector.broadcast %reduce_max3A_303 : i1 to vector<16xi1>
      %reduce_max3A_305 = tpu.scan <max>, %scan3A_254#2 masked %reduce_max3A_304 : vector<16xf32>, vector<16xi1> -> vector<16xf32>
      %reduce_max3A_306 = vector.extract %reduce_max3A_305[15] : f32 from vector<16xf32>
      %broadcast_in_dim3A_307 = vector.broadcast %reduce_max3A_306 : f32 to vector<16xf32>
      %eq3A_308 = arith.cmpf oeq, %scan3A_254#2, %broadcast_in_dim3A_307 : vector<16xf32>
      %broadcast_in_dim3A_309 = arith.constant 1073741824 : i32
      %broadcast_in_dim3A_310 = vector.broadcast %broadcast_in_dim3A_309 : i32 to vector<16xi32>
      %select_n3A_311 = arith.select %eq3A_308, %scan3A_254#6, %broadcast_in_dim3A_310 : vector<16xi1>, vector<16xi32>
      %reduce_min3A_312 = arith.constant true
      %reduce_min3A_313 = vector.broadcast %reduce_min3A_312 : i1 to vector<16xi1>
      %reduce_min3A_314 = arith.constant -2147483648 : i32
      %reduce_min3A_315 = vector.broadcast %reduce_min3A_314 : i32 to vector<16xi32>
      %reduce_min3A_316 = arith.xori %select_n3A_311, %reduce_min3A_315 : vector<16xi32>
      %reduce_min3A_317 = tpu.scan <min>, %reduce_min3A_316 masked %reduce_min3A_313 : vector<16xi32>, vector<16xi1> -> vector<16xi32>
      %reduce_min3A_318 = arith.xori %reduce_min3A_317, %reduce_min3A_315 : vector<16xi32>
      %reduce_min3A_319 = vector.extract %reduce_min3A_318[15] : i32 from vector<16xi32>
      %add3A_320 = arith.constant 112 : i32
      %add3A_321 = arith.addi %add3A_320, %mul3A_93 : i32
      %add3A_322 = arith.constant 2 : i32
      %add3A_323 = arith.addi %add3A_321, %add3A_322 : i32
      %add3A_324 = vector.broadcast %add3A_323 : i32 to vector<16xi32>
      %add3A_325 = arith.addi %broadcast_in_dim3A_2, %add3A_324 : vector<16xi32>
      %broadcast_in_dim3A_326 = vector.broadcast %reduce_max3A_306 : f32 to vector<16xf32>
      tpu.vector_store_idx %arg13[%add3A_325], %broadcast_in_dim3A_326 masked %eq3A_1 : memref<448xf32, #tpu.memory_space<vmem>>[vector<16xi32>], vector<16xf32>, vector<16xi1>
      %broadcast_in_dim3A_327 = vector.broadcast %reduce_min3A_319 : i32 to vector<16xi32>
      tpu.vector_store_idx %arg14[%add3A_325], %broadcast_in_dim3A_327 masked %eq3A_1 : memref<448xi32, #tpu.memory_space<vmem>>[vector<16xi32>], vector<16xi32>, vector<16xi1>
      %reduce_max3A_328 = arith.constant true
      %reduce_max3A_329 = vector.broadcast %reduce_max3A_328 : i1 to vector<16xi1>
      %reduce_max3A_330 = tpu.scan <max>, %scan3A_254#3 masked %reduce_max3A_329 : vector<16xf32>, vector<16xi1> -> vector<16xf32>
      %reduce_max3A_331 = vector.extract %reduce_max3A_330[15] : f32 from vector<16xf32>
      %broadcast_in_dim3A_332 = vector.broadcast %reduce_max3A_331 : f32 to vector<16xf32>
      %eq3A_333 = arith.cmpf oeq, %scan3A_254#3, %broadcast_in_dim3A_332 : vector<16xf32>
      %broadcast_in_dim3A_334 = arith.constant 1073741824 : i32
      %broadcast_in_dim3A_335 = vector.broadcast %broadcast_in_dim3A_334 : i32 to vector<16xi32>
      %select_n3A_336 = arith.select %eq3A_333, %scan3A_254#7, %broadcast_in_dim3A_335 : vector<16xi1>, vector<16xi32>
      %reduce_min3A_337 = arith.constant true
      %reduce_min3A_338 = vector.broadcast %reduce_min3A_337 : i1 to vector<16xi1>
      %reduce_min3A_339 = arith.constant -2147483648 : i32
      %reduce_min3A_340 = vector.broadcast %reduce_min3A_339 : i32 to vector<16xi32>
      %reduce_min3A_341 = arith.xori %select_n3A_336, %reduce_min3A_340 : vector<16xi32>
      %reduce_min3A_342 = tpu.scan <min>, %reduce_min3A_341 masked %reduce_min3A_338 : vector<16xi32>, vector<16xi1> -> vector<16xi32>
      %reduce_min3A_343 = arith.xori %reduce_min3A_342, %reduce_min3A_340 : vector<16xi32>
      %reduce_min3A_344 = vector.extract %reduce_min3A_343[15] : i32 from vector<16xi32>
      %add3A_345 = arith.constant 112 : i32
      %add3A_346 = arith.addi %add3A_345, %mul3A_93 : i32
      %add3A_347 = arith.constant 3 : i32
      %add3A_348 = arith.addi %add3A_346, %add3A_347 : i32
      %add3A_349 = vector.broadcast %add3A_348 : i32 to vector<16xi32>
      %add3A_350 = arith.addi %broadcast_in_dim3A_2, %add3A_349 : vector<16xi32>
      %broadcast_in_dim3A_351 = vector.broadcast %reduce_max3A_331 : f32 to vector<16xf32>
      tpu.vector_store_idx %arg13[%add3A_350], %broadcast_in_dim3A_351 masked %eq3A_1 : memref<448xf32, #tpu.memory_space<vmem>>[vector<16xi32>], vector<16xf32>, vector<16xi1>
      %broadcast_in_dim3A_352 = vector.broadcast %reduce_min3A_344 : i32 to vector<16xi32>
      tpu.vector_store_idx %arg14[%add3A_350], %broadcast_in_dim3A_352 masked %eq3A_1 : memref<448xi32, #tpu.memory_space<vmem>>[vector<16xi32>], vector<16xi32>, vector<16xi1>
      %scan3A_353 = arith.constant 0 : i32
      scf.yield %scan3A_353 : i32
    }
    %scan3A_43 = arith.constant 25 : i32
    %mul3A_44 = arith.constant 4 : i32
    %mul3A_45 = arith.muli %arg0, %mul3A_44 : i32
    %add3A_46 = arith.constant 2 : i32
    %add3A_47 = arith.addi %mul3A_45, %add3A_46 : i32
    "tpu.region"() ({
      %run_scoped3A = tpu.sem_alloc : memref<!tpu.dma_semaphore, #tpu.memory_space<semaphore_mem>>
      %dma_start3A = arith.constant 0 : i32
      %dma_start3A_90 = tpu.memref_slice %arg3[%add3A_47, %dma_start3A] : memref<8x400xf32, #tpu.memory_space<hbm>> -> memref<1x400xf32, #tpu.memory_space<hbm>>
      %dma_start3A_91 = tpu.memref_squeeze %dma_start3A_90 : memref<1x400xf32, #tpu.memory_space<hbm>> -> memref<400xf32, #tpu.memory_space<hbm>>
      %dma_start3A_92 = arith.constant 0 : i32
      %dma_start3A_93 = tpu.memref_slice %arg3[%add3A_47, %dma_start3A_92] : memref<8x400xf32, #tpu.memory_space<hbm>> -> memref<1x400xf32, #tpu.memory_space<hbm>>
      %dma_start3A_94 = tpu.memref_squeeze %dma_start3A_93 : memref<1x400xf32, #tpu.memory_space<hbm>> -> memref<400xf32, #tpu.memory_space<hbm>>
      tpu.enqueue_dma source(%dma_start3A_94 : memref<400xf32, #tpu.memory_space<hbm>>) target(%arg12 : memref<400xf32, #tpu.memory_space<vmem>>) target_semaphore(%run_scoped3A : memref<!tpu.dma_semaphore, #tpu.memory_space<semaphore_mem>>)
      %dma_wait3A = arith.constant 0 : i32
      %dma_wait3A_95 = tpu.memref_slice %arg3[%add3A_47, %dma_wait3A] : memref<8x400xf32, #tpu.memory_space<hbm>> -> memref<1x400xf32, #tpu.memory_space<hbm>>
      %dma_wait3A_96 = tpu.memref_squeeze %dma_wait3A_95 : memref<1x400xf32, #tpu.memory_space<hbm>> -> memref<400xf32, #tpu.memory_space<hbm>>
      %dma_wait3A_97 = arith.constant 0 : i32
      %dma_wait3A_98 = tpu.memref_slice %arg3[%add3A_47, %dma_wait3A_97] : memref<8x400xf32, #tpu.memory_space<hbm>> -> memref<1x400xf32, #tpu.memory_space<hbm>>
      %dma_wait3A_99 = tpu.memref_squeeze %dma_wait3A_98 : memref<1x400xf32, #tpu.memory_space<hbm>> -> memref<400xf32, #tpu.memory_space<hbm>>
      tpu.wait_dma2 semaphore(%run_scoped3A : memref<!tpu.dma_semaphore, #tpu.memory_space<semaphore_mem>>) src(%dma_wait3A_99 : memref<400xf32, #tpu.memory_space<hbm>>) dst(%arg12 : memref<400xf32, #tpu.memory_space<vmem>>)
      tpu.yield
    }) : () -> ()
    %add3A_48 = vector.broadcast %add3A_47 : i32 to vector<16xi32>
    %add3A_49 = arith.addi %broadcast_in_dim3A_2, %add3A_48 : vector<16xi32>
    %scan3A_50 = arith.constant 0 : i32
    %scan3A_51 = arith.constant 0 : i32
    %scan3A_52 = arith.constant 36 : i32
    %scan3A_53 = arith.addi %scan3A_51, %scan3A_52 : i32
    %scan3A_54 = arith.constant 1 : i32
    %scan3A_55 = scf.for %scan3A_90 = %scan3A_51 to %scan3A_53 step %scan3A_54 iter_args(%scan3A_91 = %scan3A_50) -> (i32)  : i32 {
      %mul3A_92 = arith.constant 64 : i32
      %mul3A_93 = arith.muli %scan3A_90, %mul3A_92 : i32
      %mul3A_94 = arith.constant 4 : i32
      %mul3A_95 = vector.broadcast %mul3A_94 : i32 to vector<16xi32>
      %mul3A_96 = arith.muli %iota3A, %mul3A_95 : vector<16xi32>
      %add3A_97 = vector.broadcast %mul3A_93 : i32 to vector<16xi32>
      %add3A_98 = arith.addi %add3A_97, %mul3A_96 : vector<16xi32>
      %gather3A = tpu.vector_load_idx %arg6[%add3A_49, %add3A_98] : memref<8x2304xf32, #tpu.memory_space<vmem>>[vector<16xi32>, vector<16xi32>], vector<16xf32>,
      %add3A_99 = arith.constant 1 : i32
      %add3A_100 = vector.broadcast %add3A_99 : i32 to vector<16xi32>
      %add3A_101 = arith.addi %add3A_98, %add3A_100 : vector<16xi32>
      %gather3A_102 = tpu.vector_load_idx %arg6[%add3A_49, %add3A_101] : memref<8x2304xf32, #tpu.memory_space<vmem>>[vector<16xi32>, vector<16xi32>], vector<16xf32>,
      %add3A_103 = arith.constant 2 : i32
      %add3A_104 = vector.broadcast %add3A_103 : i32 to vector<16xi32>
      %add3A_105 = arith.addi %add3A_98, %add3A_104 : vector<16xi32>
      %gather3A_106 = tpu.vector_load_idx %arg6[%add3A_49, %add3A_105] : memref<8x2304xf32, #tpu.memory_space<vmem>>[vector<16xi32>, vector<16xi32>], vector<16xf32>,
      %add3A_107 = arith.constant 3 : i32
      %add3A_108 = vector.broadcast %add3A_107 : i32 to vector<16xi32>
      %add3A_109 = arith.addi %add3A_98, %add3A_108 : vector<16xi32>
      %gather3A_110 = tpu.vector_load_idx %arg6[%add3A_49, %add3A_109] : memref<8x2304xf32, #tpu.memory_space<vmem>>[vector<16xi32>, vector<16xi32>], vector<16xf32>,
      %mul3A_111 = arith.constant 5.000000e-01 : f32
      %mul3A_112 = vector.broadcast %mul3A_111 : f32 to vector<16xf32>
      %mul3A_113 = arith.mulf %mul3A_112, %gather3A_106 : vector<16xf32>
      %sub3A = arith.subf %gather3A, %mul3A_113 : vector<16xf32>
      %mul3A_114 = arith.constant 5.000000e-01 : f32
      %mul3A_115 = vector.broadcast %mul3A_114 : f32 to vector<16xf32>
      %mul3A_116 = arith.mulf %mul3A_115, %gather3A_110 : vector<16xf32>
      %sub3A_117 = arith.subf %gather3A_102, %mul3A_116 : vector<16xf32>
      %mul3A_118 = arith.constant 5.000000e-01 : f32
      %mul3A_119 = vector.broadcast %mul3A_118 : f32 to vector<16xf32>
      %mul3A_120 = arith.mulf %mul3A_119, %gather3A_106 : vector<16xf32>
      %add3A_121 = arith.addf %gather3A, %mul3A_120 : vector<16xf32>
      %mul3A_122 = arith.constant 5.000000e-01 : f32
      %mul3A_123 = vector.broadcast %mul3A_122 : f32 to vector<16xf32>
      %mul3A_124 = arith.mulf %mul3A_123, %gather3A_110 : vector<16xf32>
      %add3A_125 = arith.addf %gather3A_102, %mul3A_124 : vector<16xf32>
      %mul3A_126 = arith.constant 16 : i32
      %mul3A_127 = arith.muli %scan3A_90, %mul3A_126 : i32
      %swap3A = arith.index_cast %mul3A_127 : i32 to index
      %swap3A_128 = tpu.vector_load %arg7[%swap3A] {strides = array<i32>} : memref<576xf32, #tpu.memory_space<vmem>>, vector<16xf32>,
      tpu.vector_store %arg7[%swap3A], %sub3A {strides = array<i32>} : memref<576xf32, #tpu.memory_space<vmem>>, vector<16xf32>,
      %swap3A_129 = arith.index_cast %mul3A_127 : i32 to index
      %swap3A_130 = tpu.vector_load %arg8[%swap3A_129] {strides = array<i32>} : memref<576xf32, #tpu.memory_space<vmem>>, vector<16xf32>,
      tpu.vector_store %arg8[%swap3A_129], %sub3A_117 {strides = array<i32>} : memref<576xf32, #tpu.memory_space<vmem>>, vector<16xf32>,
      %swap3A_131 = arith.index_cast %mul3A_127 : i32 to index
      %swap3A_132 = tpu.vector_load %arg9[%swap3A_131] {strides = array<i32>} : memref<576xf32, #tpu.memory_space<vmem>>, vector<16xf32>,
      tpu.vector_store %arg9[%swap3A_131], %add3A_121 {strides = array<i32>} : memref<576xf32, #tpu.memory_space<vmem>>, vector<16xf32>,
      %swap3A_133 = arith.index_cast %mul3A_127 : i32 to index
      %swap3A_134 = tpu.vector_load %arg10[%swap3A_133] {strides = array<i32>} : memref<576xf32, #tpu.memory_space<vmem>>, vector<16xf32>,
      tpu.vector_store %arg10[%swap3A_133], %add3A_125 {strides = array<i32>} : memref<576xf32, #tpu.memory_space<vmem>>, vector<16xf32>,
      %sub3A_135 = arith.subf %add3A_121, %sub3A : vector<16xf32>
      %sub3A_136 = arith.subf %add3A_125, %sub3A_117 : vector<16xf32>
      %mul3A_137 = arith.mulf %sub3A_135, %sub3A_136 : vector<16xf32>
      %swap3A_138 = arith.index_cast %mul3A_127 : i32 to index
      %swap3A_139 = tpu.vector_load %arg11[%swap3A_138] {strides = array<i32>} : memref<576xf32, #tpu.memory_space<vmem>>, vector<16xf32>,
      tpu.vector_store %arg11[%swap3A_138], %mul3A_137 {strides = array<i32>} : memref<576xf32, #tpu.memory_space<vmem>>, vector<16xf32>,
      %scan3A_140 = arith.constant 0 : i32
      scf.yield %scan3A_140 : i32
    }
    %scan3A_56 = arith.constant 36 : i32
    %scan3A_57 = arith.constant 0 : i32
    %scan3A_58 = arith.constant 0 : i32
    %scan3A_59 = arith.constant 25 : i32
    %scan3A_60 = arith.addi %scan3A_58, %scan3A_59 : i32
    %scan3A_61 = arith.constant 1 : i32
    %scan3A_62 = scf.for %scan3A_90 = %scan3A_58 to %scan3A_60 step %scan3A_61 iter_args(%scan3A_91 = %scan3A_57) -> (i32)  : i32 {
      %mul3A_92 = arith.constant 4 : i32
      %mul3A_93 = arith.muli %scan3A_90, %mul3A_92 : i32
      %add3A_94 = arith.constant 0 : i32
      %add3A_95 = arith.addi %mul3A_93, %add3A_94 : i32
      %mul3A_96 = arith.constant 4 : i32
      %mul3A_97 = arith.muli %add3A_95, %mul3A_96 : i32
      %add3A_98 = vector.broadcast %mul3A_97 : i32 to vector<16xi32>
      %add3A_99 = arith.addi %broadcast_in_dim3A_2, %add3A_98 : vector<16xi32>
      %gather3A = tpu.vector_load_idx %arg12[%add3A_99] : memref<400xf32, #tpu.memory_space<vmem>>[vector<16xi32>], vector<16xf32>,
      %add3A_100 = arith.constant 1 : i32
      %add3A_101 = vector.broadcast %add3A_100 : i32 to vector<16xi32>
      %add3A_102 = arith.addi %add3A_99, %add3A_101 : vector<16xi32>
      %gather3A_103 = tpu.vector_load_idx %arg12[%add3A_102] : memref<400xf32, #tpu.memory_space<vmem>>[vector<16xi32>], vector<16xf32>,
      %add3A_104 = arith.constant 2 : i32
      %add3A_105 = vector.broadcast %add3A_104 : i32 to vector<16xi32>
      %add3A_106 = arith.addi %add3A_99, %add3A_105 : vector<16xi32>
      %gather3A_107 = tpu.vector_load_idx %arg12[%add3A_106] : memref<400xf32, #tpu.memory_space<vmem>>[vector<16xi32>], vector<16xf32>,
      %add3A_108 = arith.constant 3 : i32
      %add3A_109 = vector.broadcast %add3A_108 : i32 to vector<16xi32>
      %add3A_110 = arith.addi %add3A_99, %add3A_109 : vector<16xi32>
      %gather3A_111 = tpu.vector_load_idx %arg12[%add3A_110] : memref<400xf32, #tpu.memory_space<vmem>>[vector<16xi32>], vector<16xf32>,
      %mul3A_112 = arith.constant 5.000000e-01 : f32
      %mul3A_113 = vector.broadcast %mul3A_112 : f32 to vector<16xf32>
      %mul3A_114 = arith.mulf %mul3A_113, %gather3A_107 : vector<16xf32>
      %sub3A = arith.subf %gather3A, %mul3A_114 : vector<16xf32>
      %mul3A_115 = arith.constant 5.000000e-01 : f32
      %mul3A_116 = vector.broadcast %mul3A_115 : f32 to vector<16xf32>
      %mul3A_117 = arith.mulf %mul3A_116, %gather3A_111 : vector<16xf32>
      %sub3A_118 = arith.subf %gather3A_103, %mul3A_117 : vector<16xf32>
      %mul3A_119 = arith.constant 5.000000e-01 : f32
      %mul3A_120 = vector.broadcast %mul3A_119 : f32 to vector<16xf32>
      %mul3A_121 = arith.mulf %mul3A_120, %gather3A_107 : vector<16xf32>
      %add3A_122 = arith.addf %gather3A, %mul3A_121 : vector<16xf32>
      %mul3A_123 = arith.constant 5.000000e-01 : f32
      %mul3A_124 = vector.broadcast %mul3A_123 : f32 to vector<16xf32>
      %mul3A_125 = arith.mulf %mul3A_124, %gather3A_111 : vector<16xf32>
      %add3A_126 = arith.addf %gather3A_103, %mul3A_125 : vector<16xf32>
      %sub3A_127 = arith.subf %add3A_122, %sub3A : vector<16xf32>
      %sub3A_128 = arith.subf %add3A_126, %sub3A_118 : vector<16xf32>
      %mul3A_129 = arith.mulf %sub3A_127, %sub3A_128 : vector<16xf32>
      %add3A_130 = arith.constant 1 : i32
      %add3A_131 = arith.addi %mul3A_93, %add3A_130 : i32
      %mul3A_132 = arith.constant 4 : i32
      %mul3A_133 = arith.muli %add3A_131, %mul3A_132 : i32
      %add3A_134 = vector.broadcast %mul3A_133 : i32 to vector<16xi32>
      %add3A_135 = arith.addi %broadcast_in_dim3A_2, %add3A_134 : vector<16xi32>
      %gather3A_136 = tpu.vector_load_idx %arg12[%add3A_135] : memref<400xf32, #tpu.memory_space<vmem>>[vector<16xi32>], vector<16xf32>,
      %add3A_137 = arith.constant 1 : i32
      %add3A_138 = vector.broadcast %add3A_137 : i32 to vector<16xi32>
      %add3A_139 = arith.addi %add3A_135, %add3A_138 : vector<16xi32>
      %gather3A_140 = tpu.vector_load_idx %arg12[%add3A_139] : memref<400xf32, #tpu.memory_space<vmem>>[vector<16xi32>], vector<16xf32>,
      %add3A_141 = arith.constant 2 : i32
      %add3A_142 = vector.broadcast %add3A_141 : i32 to vector<16xi32>
      %add3A_143 = arith.addi %add3A_135, %add3A_142 : vector<16xi32>
      %gather3A_144 = tpu.vector_load_idx %arg12[%add3A_143] : memref<400xf32, #tpu.memory_space<vmem>>[vector<16xi32>], vector<16xf32>,
      %add3A_145 = arith.constant 3 : i32
      %add3A_146 = vector.broadcast %add3A_145 : i32 to vector<16xi32>
      %add3A_147 = arith.addi %add3A_135, %add3A_146 : vector<16xi32>
      %gather3A_148 = tpu.vector_load_idx %arg12[%add3A_147] : memref<400xf32, #tpu.memory_space<vmem>>[vector<16xi32>], vector<16xf32>,
      %mul3A_149 = arith.constant 5.000000e-01 : f32
      %mul3A_150 = vector.broadcast %mul3A_149 : f32 to vector<16xf32>
      %mul3A_151 = arith.mulf %mul3A_150, %gather3A_144 : vector<16xf32>
      %sub3A_152 = arith.subf %gather3A_136, %mul3A_151 : vector<16xf32>
      %mul3A_153 = arith.constant 5.000000e-01 : f32
      %mul3A_154 = vector.broadcast %mul3A_153 : f32 to vector<16xf32>
      %mul3A_155 = arith.mulf %mul3A_154, %gather3A_148 : vector<16xf32>
      %sub3A_156 = arith.subf %gather3A_140, %mul3A_155 : vector<16xf32>
      %mul3A_157 = arith.constant 5.000000e-01 : f32
      %mul3A_158 = vector.broadcast %mul3A_157 : f32 to vector<16xf32>
      %mul3A_159 = arith.mulf %mul3A_158, %gather3A_144 : vector<16xf32>
      %add3A_160 = arith.addf %gather3A_136, %mul3A_159 : vector<16xf32>
      %mul3A_161 = arith.constant 5.000000e-01 : f32
      %mul3A_162 = vector.broadcast %mul3A_161 : f32 to vector<16xf32>
      %mul3A_163 = arith.mulf %mul3A_162, %gather3A_148 : vector<16xf32>
      %add3A_164 = arith.addf %gather3A_140, %mul3A_163 : vector<16xf32>
      %sub3A_165 = arith.subf %add3A_160, %sub3A_152 : vector<16xf32>
      %sub3A_166 = arith.subf %add3A_164, %sub3A_156 : vector<16xf32>
      %mul3A_167 = arith.mulf %sub3A_165, %sub3A_166 : vector<16xf32>
      %add3A_168 = arith.constant 2 : i32
      %add3A_169 = arith.addi %mul3A_93, %add3A_168 : i32
      %mul3A_170 = arith.constant 4 : i32
      %mul3A_171 = arith.muli %add3A_169, %mul3A_170 : i32
      %add3A_172 = vector.broadcast %mul3A_171 : i32 to vector<16xi32>
      %add3A_173 = arith.addi %broadcast_in_dim3A_2, %add3A_172 : vector<16xi32>
      %gather3A_174 = tpu.vector_load_idx %arg12[%add3A_173] : memref<400xf32, #tpu.memory_space<vmem>>[vector<16xi32>], vector<16xf32>,
      %add3A_175 = arith.constant 1 : i32
      %add3A_176 = vector.broadcast %add3A_175 : i32 to vector<16xi32>
      %add3A_177 = arith.addi %add3A_173, %add3A_176 : vector<16xi32>
      %gather3A_178 = tpu.vector_load_idx %arg12[%add3A_177] : memref<400xf32, #tpu.memory_space<vmem>>[vector<16xi32>], vector<16xf32>,
      %add3A_179 = arith.constant 2 : i32
      %add3A_180 = vector.broadcast %add3A_179 : i32 to vector<16xi32>
      %add3A_181 = arith.addi %add3A_173, %add3A_180 : vector<16xi32>
      %gather3A_182 = tpu.vector_load_idx %arg12[%add3A_181] : memref<400xf32, #tpu.memory_space<vmem>>[vector<16xi32>], vector<16xf32>,
      %add3A_183 = arith.constant 3 : i32
      %add3A_184 = vector.broadcast %add3A_183 : i32 to vector<16xi32>
      %add3A_185 = arith.addi %add3A_173, %add3A_184 : vector<16xi32>
      %gather3A_186 = tpu.vector_load_idx %arg12[%add3A_185] : memref<400xf32, #tpu.memory_space<vmem>>[vector<16xi32>], vector<16xf32>,
      %mul3A_187 = arith.constant 5.000000e-01 : f32
      %mul3A_188 = vector.broadcast %mul3A_187 : f32 to vector<16xf32>
      %mul3A_189 = arith.mulf %mul3A_188, %gather3A_182 : vector<16xf32>
      %sub3A_190 = arith.subf %gather3A_174, %mul3A_189 : vector<16xf32>
      %mul3A_191 = arith.constant 5.000000e-01 : f32
      %mul3A_192 = vector.broadcast %mul3A_191 : f32 to vector<16xf32>
      %mul3A_193 = arith.mulf %mul3A_192, %gather3A_186 : vector<16xf32>
      %sub3A_194 = arith.subf %gather3A_178, %mul3A_193 : vector<16xf32>
      %mul3A_195 = arith.constant 5.000000e-01 : f32
      %mul3A_196 = vector.broadcast %mul3A_195 : f32 to vector<16xf32>
      %mul3A_197 = arith.mulf %mul3A_196, %gather3A_182 : vector<16xf32>
      %add3A_198 = arith.addf %gather3A_174, %mul3A_197 : vector<16xf32>
      %mul3A_199 = arith.constant 5.000000e-01 : f32
      %mul3A_200 = vector.broadcast %mul3A_199 : f32 to vector<16xf32>
      %mul3A_201 = arith.mulf %mul3A_200, %gather3A_186 : vector<16xf32>
      %add3A_202 = arith.addf %gather3A_178, %mul3A_201 : vector<16xf32>
      %sub3A_203 = arith.subf %add3A_198, %sub3A_190 : vector<16xf32>
      %sub3A_204 = arith.subf %add3A_202, %sub3A_194 : vector<16xf32>
      %mul3A_205 = arith.mulf %sub3A_203, %sub3A_204 : vector<16xf32>
      %add3A_206 = arith.constant 3 : i32
      %add3A_207 = arith.addi %mul3A_93, %add3A_206 : i32
      %mul3A_208 = arith.constant 4 : i32
      %mul3A_209 = arith.muli %add3A_207, %mul3A_208 : i32
      %add3A_210 = vector.broadcast %mul3A_209 : i32 to vector<16xi32>
      %add3A_211 = arith.addi %broadcast_in_dim3A_2, %add3A_210 : vector<16xi32>
      %gather3A_212 = tpu.vector_load_idx %arg12[%add3A_211] : memref<400xf32, #tpu.memory_space<vmem>>[vector<16xi32>], vector<16xf32>,
      %add3A_213 = arith.constant 1 : i32
      %add3A_214 = vector.broadcast %add3A_213 : i32 to vector<16xi32>
      %add3A_215 = arith.addi %add3A_211, %add3A_214 : vector<16xi32>
      %gather3A_216 = tpu.vector_load_idx %arg12[%add3A_215] : memref<400xf32, #tpu.memory_space<vmem>>[vector<16xi32>], vector<16xf32>,
      %add3A_217 = arith.constant 2 : i32
      %add3A_218 = vector.broadcast %add3A_217 : i32 to vector<16xi32>
      %add3A_219 = arith.addi %add3A_211, %add3A_218 : vector<16xi32>
      %gather3A_220 = tpu.vector_load_idx %arg12[%add3A_219] : memref<400xf32, #tpu.memory_space<vmem>>[vector<16xi32>], vector<16xf32>,
      %add3A_221 = arith.constant 3 : i32
      %add3A_222 = vector.broadcast %add3A_221 : i32 to vector<16xi32>
      %add3A_223 = arith.addi %add3A_211, %add3A_222 : vector<16xi32>
      %gather3A_224 = tpu.vector_load_idx %arg12[%add3A_223] : memref<400xf32, #tpu.memory_space<vmem>>[vector<16xi32>], vector<16xf32>,
      %mul3A_225 = arith.constant 5.000000e-01 : f32
      %mul3A_226 = vector.broadcast %mul3A_225 : f32 to vector<16xf32>
      %mul3A_227 = arith.mulf %mul3A_226, %gather3A_220 : vector<16xf32>
      %sub3A_228 = arith.subf %gather3A_212, %mul3A_227 : vector<16xf32>
      %mul3A_229 = arith.constant 5.000000e-01 : f32
      %mul3A_230 = vector.broadcast %mul3A_229 : f32 to vector<16xf32>
      %mul3A_231 = arith.mulf %mul3A_230, %gather3A_224 : vector<16xf32>
      %sub3A_232 = arith.subf %gather3A_216, %mul3A_231 : vector<16xf32>
      %mul3A_233 = arith.constant 5.000000e-01 : f32
      %mul3A_234 = vector.broadcast %mul3A_233 : f32 to vector<16xf32>
      %mul3A_235 = arith.mulf %mul3A_234, %gather3A_220 : vector<16xf32>
      %add3A_236 = arith.addf %gather3A_212, %mul3A_235 : vector<16xf32>
      %mul3A_237 = arith.constant 5.000000e-01 : f32
      %mul3A_238 = vector.broadcast %mul3A_237 : f32 to vector<16xf32>
      %mul3A_239 = arith.mulf %mul3A_238, %gather3A_224 : vector<16xf32>
      %add3A_240 = arith.addf %gather3A_216, %mul3A_239 : vector<16xf32>
      %sub3A_241 = arith.subf %add3A_236, %sub3A_228 : vector<16xf32>
      %sub3A_242 = arith.subf %add3A_240, %sub3A_232 : vector<16xf32>
      %mul3A_243 = arith.mulf %sub3A_241, %sub3A_242 : vector<16xf32>
      %broadcast_in_dim3A_244 = arith.constant -3.000000e+38 : f32
      %broadcast_in_dim3A_245 = vector.broadcast %broadcast_in_dim3A_244 : f32 to vector<16xf32>
      %broadcast_in_dim3A_246 = arith.constant 0 : i32
      %broadcast_in_dim3A_247 = vector.broadcast %broadcast_in_dim3A_246 : i32 to vector<16xi32>
      %add3A_248 = vector.broadcast %mul3A_3 : i32 to vector<16xi32>
      %add3A_249 = arith.addi %add3A_248, %iota3A : vector<16xi32>
      %scan3A_250 = arith.constant 0 : i32
      %scan3A_251 = arith.constant 36 : i32
      %scan3A_252 = arith.addi %scan3A_250, %scan3A_251 : i32
      %scan3A_253 = arith.constant 1 : i32
      %scan3A_254:9 = scf.for %scan3A_354 = %scan3A_250 to %scan3A_252 step %scan3A_253 iter_args(%scan3A_355 = %broadcast_in_dim3A_245, %scan3A_356 = %broadcast_in_dim3A_245, %scan3A_357 = %broadcast_in_dim3A_245, %scan3A_358 = %broadcast_in_dim3A_245, %scan3A_359 = %broadcast_in_dim3A_247, %scan3A_360 = %broadcast_in_dim3A_247, %scan3A_361 = %broadcast_in_dim3A_247, %scan3A_362 = %broadcast_in_dim3A_247, %scan3A_363 = %add3A_249) -> (vector<16xf32>, vector<16xf32>, vector<16xf32>, vector<16xf32>, vector<16xi32>, vector<16xi32>, vector<16xi32>, vector<16xi32>, vector<16xi32>)  : i32 {
        %mul3A_364 = arith.constant 16 : i32
        %mul3A_365 = arith.muli %scan3A_354, %mul3A_364 : i32
        %get3A = arith.index_cast %mul3A_365 : i32 to index
        %get3A_366 = tpu.vector_load %arg7[%get3A] {strides = array<i32>} : memref<576xf32, #tpu.memory_space<vmem>>, vector<16xf32>,
        %get3A_367 = arith.index_cast %mul3A_365 : i32 to index
        %get3A_368 = tpu.vector_load %arg8[%get3A_367] {strides = array<i32>} : memref<576xf32, #tpu.memory_space<vmem>>, vector<16xf32>,
        %get3A_369 = arith.index_cast %mul3A_365 : i32 to index
        %get3A_370 = tpu.vector_load %arg9[%get3A_369] {strides = array<i32>} : memref<576xf32, #tpu.memory_space<vmem>>, vector<16xf32>,
        %get3A_371 = arith.index_cast %mul3A_365 : i32 to index
        %get3A_372 = tpu.vector_load %arg10[%get3A_371] {strides = array<i32>} : memref<576xf32, #tpu.memory_space<vmem>>, vector<16xf32>,
        %get3A_373 = arith.index_cast %mul3A_365 : i32 to index
        %get3A_374 = tpu.vector_load %arg11[%get3A_373] {strides = array<i32>} : memref<576xf32, #tpu.memory_space<vmem>>, vector<16xf32>,
        %max3A = arith.maximumf %get3A_366, %sub3A : vector<16xf32>
        %max3A_375 = arith.maximumf %get3A_368, %sub3A_118 : vector<16xf32>
        %min3A = arith.minimumf %get3A_370, %add3A_122 : vector<16xf32>
        %min3A_376 = arith.minimumf %get3A_372, %add3A_126 : vector<16xf32>
        %sub3A_377 = arith.subf %min3A, %max3A : vector<16xf32>
        %max3A_378 = arith.constant 0.000000e+00 : f32
        %max3A_379 = vector.broadcast %max3A_378 : f32 to vector<16xf32>
        %max3A_380 = arith.maximumf %sub3A_377, %max3A_379 : vector<16xf32>
        %sub3A_381 = arith.subf %min3A_376, %max3A_375 : vector<16xf32>
        %max3A_382 = arith.constant 0.000000e+00 : f32
        %max3A_383 = vector.broadcast %max3A_382 : f32 to vector<16xf32>
        %max3A_384 = arith.maximumf %sub3A_381, %max3A_383 : vector<16xf32>
        %mul3A_385 = arith.mulf %max3A_380, %max3A_384 : vector<16xf32>
        %add3A_386 = arith.addf %get3A_374, %mul3A_129 : vector<16xf32>
        %sub3A_387 = arith.subf %add3A_386, %mul3A_385 : vector<16xf32>
        %max3A_388 = arith.constant 9.99999971E-10 : f32
        %max3A_389 = vector.broadcast %max3A_388 : f32 to vector<16xf32>
        %max3A_390 = arith.maximumf %sub3A_387, %max3A_389 : vector<16xf32>
        %div3A = arith.divf %mul3A_385, %max3A_390 : vector<16xf32>
        %min3A_391 = arith.minimumf %get3A_366, %sub3A : vector<16xf32>
        %min3A_392 = arith.minimumf %get3A_368, %sub3A_118 : vector<16xf32>
        %max3A_393 = arith.maximumf %get3A_370, %add3A_122 : vector<16xf32>
        %max3A_394 = arith.maximumf %get3A_372, %add3A_126 : vector<16xf32>
        %sub3A_395 = arith.subf %max3A_393, %min3A_391 : vector<16xf32>
        %sub3A_396 = arith.subf %max3A_394, %min3A_392 : vector<16xf32>
        %mul3A_397 = arith.mulf %sub3A_395, %sub3A_396 : vector<16xf32>
        %sub3A_398 = arith.subf %mul3A_397, %sub3A_387 : vector<16xf32>
        %max3A_399 = arith.constant 9.99999971E-10 : f32
        %max3A_400 = vector.broadcast %max3A_399 : f32 to vector<16xf32>
        %max3A_401 = arith.maximumf %mul3A_397, %max3A_400 : vector<16xf32>
        %div3A_402 = arith.divf %sub3A_398, %max3A_401 : vector<16xf32>
        %sub3A_403 = arith.subf %div3A, %div3A_402 : vector<16xf32>
        %gt3A = arith.cmpf ogt, %sub3A_403, %scan3A_355 : vector<16xf32>
        %select_n3A_404 = arith.select %gt3A, %sub3A_403, %scan3A_355 : vector<16xi1>, vector<16xf32>
        %select_n3A_405 = arith.select %gt3A, %scan3A_363, %scan3A_359 : vector<16xi1>, vector<16xi32>
        %max3A_406 = arith.maximumf %get3A_366, %sub3A_152 : vector<16xf32>
        %max3A_407 = arith.maximumf %get3A_368, %sub3A_156 : vector<16xf32>
        %min3A_408 = arith.minimumf %get3A_370, %add3A_160 : vector<16xf32>
        %min3A_409 = arith.minimumf %get3A_372, %add3A_164 : vector<16xf32>
        %sub3A_410 = arith.subf %min3A_408, %max3A_406 : vector<16xf32>
        %max3A_411 = arith.constant 0.000000e+00 : f32
        %max3A_412 = vector.broadcast %max3A_411 : f32 to vector<16xf32>
        %max3A_413 = arith.maximumf %sub3A_410, %max3A_412 : vector<16xf32>
        %sub3A_414 = arith.subf %min3A_409, %max3A_407 : vector<16xf32>
        %max3A_415 = arith.constant 0.000000e+00 : f32
        %max3A_416 = vector.broadcast %max3A_415 : f32 to vector<16xf32>
        %max3A_417 = arith.maximumf %sub3A_414, %max3A_416 : vector<16xf32>
        %mul3A_418 = arith.mulf %max3A_413, %max3A_417 : vector<16xf32>
        %add3A_419 = arith.addf %get3A_374, %mul3A_167 : vector<16xf32>
        %sub3A_420 = arith.subf %add3A_419, %mul3A_418 : vector<16xf32>
        %max3A_421 = arith.constant 9.99999971E-10 : f32
        %max3A_422 = vector.broadcast %max3A_421 : f32 to vector<16xf32>
        %max3A_423 = arith.maximumf %sub3A_420, %max3A_422 : vector<16xf32>
        %div3A_424 = arith.divf %mul3A_418, %max3A_423 : vector<16xf32>
        %min3A_425 = arith.minimumf %get3A_366, %sub3A_152 : vector<16xf32>
        %min3A_426 = arith.minimumf %get3A_368, %sub3A_156 : vector<16xf32>
        %max3A_427 = arith.maximumf %get3A_370, %add3A_160 : vector<16xf32>
        %max3A_428 = arith.maximumf %get3A_372, %add3A_164 : vector<16xf32>
        %sub3A_429 = arith.subf %max3A_427, %min3A_425 : vector<16xf32>
        %sub3A_430 = arith.subf %max3A_428, %min3A_426 : vector<16xf32>
        %mul3A_431 = arith.mulf %sub3A_429, %sub3A_430 : vector<16xf32>
        %sub3A_432 = arith.subf %mul3A_431, %sub3A_420 : vector<16xf32>
        %max3A_433 = arith.constant 9.99999971E-10 : f32
        %max3A_434 = vector.broadcast %max3A_433 : f32 to vector<16xf32>
        %max3A_435 = arith.maximumf %mul3A_431, %max3A_434 : vector<16xf32>
        %div3A_436 = arith.divf %sub3A_432, %max3A_435 : vector<16xf32>
        %sub3A_437 = arith.subf %div3A_424, %div3A_436 : vector<16xf32>
        %gt3A_438 = arith.cmpf ogt, %sub3A_437, %scan3A_356 : vector<16xf32>
        %select_n3A_439 = arith.select %gt3A_438, %sub3A_437, %scan3A_356 : vector<16xi1>, vector<16xf32>
        %select_n3A_440 = arith.select %gt3A_438, %scan3A_363, %scan3A_360 : vector<16xi1>, vector<16xi32>
        %max3A_441 = arith.maximumf %get3A_366, %sub3A_190 : vector<16xf32>
        %max3A_442 = arith.maximumf %get3A_368, %sub3A_194 : vector<16xf32>
        %min3A_443 = arith.minimumf %get3A_370, %add3A_198 : vector<16xf32>
        %min3A_444 = arith.minimumf %get3A_372, %add3A_202 : vector<16xf32>
        %sub3A_445 = arith.subf %min3A_443, %max3A_441 : vector<16xf32>
        %max3A_446 = arith.constant 0.000000e+00 : f32
        %max3A_447 = vector.broadcast %max3A_446 : f32 to vector<16xf32>
        %max3A_448 = arith.maximumf %sub3A_445, %max3A_447 : vector<16xf32>
        %sub3A_449 = arith.subf %min3A_444, %max3A_442 : vector<16xf32>
        %max3A_450 = arith.constant 0.000000e+00 : f32
        %max3A_451 = vector.broadcast %max3A_450 : f32 to vector<16xf32>
        %max3A_452 = arith.maximumf %sub3A_449, %max3A_451 : vector<16xf32>
        %mul3A_453 = arith.mulf %max3A_448, %max3A_452 : vector<16xf32>
        %add3A_454 = arith.addf %get3A_374, %mul3A_205 : vector<16xf32>
        %sub3A_455 = arith.subf %add3A_454, %mul3A_453 : vector<16xf32>
        %max3A_456 = arith.constant 9.99999971E-10 : f32
        %max3A_457 = vector.broadcast %max3A_456 : f32 to vector<16xf32>
        %max3A_458 = arith.maximumf %sub3A_455, %max3A_457 : vector<16xf32>
        %div3A_459 = arith.divf %mul3A_453, %max3A_458 : vector<16xf32>
        %min3A_460 = arith.minimumf %get3A_366, %sub3A_190 : vector<16xf32>
        %min3A_461 = arith.minimumf %get3A_368, %sub3A_194 : vector<16xf32>
        %max3A_462 = arith.maximumf %get3A_370, %add3A_198 : vector<16xf32>
        %max3A_463 = arith.maximumf %get3A_372, %add3A_202 : vector<16xf32>
        %sub3A_464 = arith.subf %max3A_462, %min3A_460 : vector<16xf32>
        %sub3A_465 = arith.subf %max3A_463, %min3A_461 : vector<16xf32>
        %mul3A_466 = arith.mulf %sub3A_464, %sub3A_465 : vector<16xf32>
        %sub3A_467 = arith.subf %mul3A_466, %sub3A_455 : vector<16xf32>
        %max3A_468 = arith.constant 9.99999971E-10 : f32
        %max3A_469 = vector.broadcast %max3A_468 : f32 to vector<16xf32>
        %max3A_470 = arith.maximumf %mul3A_466, %max3A_469 : vector<16xf32>
        %div3A_471 = arith.divf %sub3A_467, %max3A_470 : vector<16xf32>
        %sub3A_472 = arith.subf %div3A_459, %div3A_471 : vector<16xf32>
        %gt3A_473 = arith.cmpf ogt, %sub3A_472, %scan3A_357 : vector<16xf32>
        %select_n3A_474 = arith.select %gt3A_473, %sub3A_472, %scan3A_357 : vector<16xi1>, vector<16xf32>
        %select_n3A_475 = arith.select %gt3A_473, %scan3A_363, %scan3A_361 : vector<16xi1>, vector<16xi32>
        %max3A_476 = arith.maximumf %get3A_366, %sub3A_228 : vector<16xf32>
        %max3A_477 = arith.maximumf %get3A_368, %sub3A_232 : vector<16xf32>
        %min3A_478 = arith.minimumf %get3A_370, %add3A_236 : vector<16xf32>
        %min3A_479 = arith.minimumf %get3A_372, %add3A_240 : vector<16xf32>
        %sub3A_480 = arith.subf %min3A_478, %max3A_476 : vector<16xf32>
        %max3A_481 = arith.constant 0.000000e+00 : f32
        %max3A_482 = vector.broadcast %max3A_481 : f32 to vector<16xf32>
        %max3A_483 = arith.maximumf %sub3A_480, %max3A_482 : vector<16xf32>
        %sub3A_484 = arith.subf %min3A_479, %max3A_477 : vector<16xf32>
        %max3A_485 = arith.constant 0.000000e+00 : f32
        %max3A_486 = vector.broadcast %max3A_485 : f32 to vector<16xf32>
        %max3A_487 = arith.maximumf %sub3A_484, %max3A_486 : vector<16xf32>
        %mul3A_488 = arith.mulf %max3A_483, %max3A_487 : vector<16xf32>
        %add3A_489 = arith.addf %get3A_374, %mul3A_243 : vector<16xf32>
        %sub3A_490 = arith.subf %add3A_489, %mul3A_488 : vector<16xf32>
        %max3A_491 = arith.constant 9.99999971E-10 : f32
        %max3A_492 = vector.broadcast %max3A_491 : f32 to vector<16xf32>
        %max3A_493 = arith.maximumf %sub3A_490, %max3A_492 : vector<16xf32>
        %div3A_494 = arith.divf %mul3A_488, %max3A_493 : vector<16xf32>
        %min3A_495 = arith.minimumf %get3A_366, %sub3A_228 : vector<16xf32>
        %min3A_496 = arith.minimumf %get3A_368, %sub3A_232 : vector<16xf32>
        %max3A_497 = arith.maximumf %get3A_370, %add3A_236 : vector<16xf32>
        %max3A_498 = arith.maximumf %get3A_372, %add3A_240 : vector<16xf32>
        %sub3A_499 = arith.subf %max3A_497, %min3A_495 : vector<16xf32>
        %sub3A_500 = arith.subf %max3A_498, %min3A_496 : vector<16xf32>
        %mul3A_501 = arith.mulf %sub3A_499, %sub3A_500 : vector<16xf32>
        %sub3A_502 = arith.subf %mul3A_501, %sub3A_490 : vector<16xf32>
        %max3A_503 = arith.constant 9.99999971E-10 : f32
        %max3A_504 = vector.broadcast %max3A_503 : f32 to vector<16xf32>
        %max3A_505 = arith.maximumf %mul3A_501, %max3A_504 : vector<16xf32>
        %div3A_506 = arith.divf %sub3A_502, %max3A_505 : vector<16xf32>
        %sub3A_507 = arith.subf %div3A_494, %div3A_506 : vector<16xf32>
        %gt3A_508 = arith.cmpf ogt, %sub3A_507, %scan3A_358 : vector<16xf32>
        %select_n3A_509 = arith.select %gt3A_508, %sub3A_507, %scan3A_358 : vector<16xi1>, vector<16xf32>
        %select_n3A_510 = arith.select %gt3A_508, %scan3A_363, %scan3A_362 : vector<16xi1>, vector<16xi32>
        %add3A_511 = arith.constant 16 : i32
        %add3A_512 = vector.broadcast %add3A_511 : i32 to vector<16xi32>
        %add3A_513 = arith.addi %scan3A_363, %add3A_512 : vector<16xi32>
        scf.yield %select_n3A_404, %select_n3A_439, %select_n3A_474, %select_n3A_509, %select_n3A_405, %select_n3A_440, %select_n3A_475, %select_n3A_510, %add3A_513 : vector<16xf32>, vector<16xf32>, vector<16xf32>, vector<16xf32>, vector<16xi32>, vector<16xi32>, vector<16xi32>, vector<16xi32>, vector<16xi32>
      }
      %scan3A_255 = arith.constant 36 : i32
      %reduce_max3A = arith.constant true
      %reduce_max3A_256 = vector.broadcast %reduce_max3A : i1 to vector<16xi1>
      %reduce_max3A_257 = tpu.scan <max>, %scan3A_254#0 masked %reduce_max3A_256 : vector<16xf32>, vector<16xi1> -> vector<16xf32>
      %reduce_max3A_258 = vector.extract %reduce_max3A_257[15] : f32 from vector<16xf32>
      %broadcast_in_dim3A_259 = vector.broadcast %reduce_max3A_258 : f32 to vector<16xf32>
      %eq3A_260 = arith.cmpf oeq, %scan3A_254#0, %broadcast_in_dim3A_259 : vector<16xf32>
      %broadcast_in_dim3A_261 = arith.constant 1073741824 : i32
      %broadcast_in_dim3A_262 = vector.broadcast %broadcast_in_dim3A_261 : i32 to vector<16xi32>
      %select_n3A = arith.select %eq3A_260, %scan3A_254#4, %broadcast_in_dim3A_262 : vector<16xi1>, vector<16xi32>
      %reduce_min3A = arith.constant true
      %reduce_min3A_263 = vector.broadcast %reduce_min3A : i1 to vector<16xi1>
      %reduce_min3A_264 = arith.constant -2147483648 : i32
      %reduce_min3A_265 = vector.broadcast %reduce_min3A_264 : i32 to vector<16xi32>
      %reduce_min3A_266 = arith.xori %select_n3A, %reduce_min3A_265 : vector<16xi32>
      %reduce_min3A_267 = tpu.scan <min>, %reduce_min3A_266 masked %reduce_min3A_263 : vector<16xi32>, vector<16xi1> -> vector<16xi32>
      %reduce_min3A_268 = arith.xori %reduce_min3A_267, %reduce_min3A_265 : vector<16xi32>
      %reduce_min3A_269 = vector.extract %reduce_min3A_268[15] : i32 from vector<16xi32>
      %add3A_270 = arith.constant 224 : i32
      %add3A_271 = arith.addi %add3A_270, %mul3A_93 : i32
      %add3A_272 = arith.constant 0 : i32
      %add3A_273 = arith.addi %add3A_271, %add3A_272 : i32
      %add3A_274 = vector.broadcast %add3A_273 : i32 to vector<16xi32>
      %add3A_275 = arith.addi %broadcast_in_dim3A_2, %add3A_274 : vector<16xi32>
      %broadcast_in_dim3A_276 = vector.broadcast %reduce_max3A_258 : f32 to vector<16xf32>
      tpu.vector_store_idx %arg13[%add3A_275], %broadcast_in_dim3A_276 masked %eq3A_1 : memref<448xf32, #tpu.memory_space<vmem>>[vector<16xi32>], vector<16xf32>, vector<16xi1>
      %broadcast_in_dim3A_277 = vector.broadcast %reduce_min3A_269 : i32 to vector<16xi32>
      tpu.vector_store_idx %arg14[%add3A_275], %broadcast_in_dim3A_277 masked %eq3A_1 : memref<448xi32, #tpu.memory_space<vmem>>[vector<16xi32>], vector<16xi32>, vector<16xi1>
      %reduce_max3A_278 = arith.constant true
      %reduce_max3A_279 = vector.broadcast %reduce_max3A_278 : i1 to vector<16xi1>
      %reduce_max3A_280 = tpu.scan <max>, %scan3A_254#1 masked %reduce_max3A_279 : vector<16xf32>, vector<16xi1> -> vector<16xf32>
      %reduce_max3A_281 = vector.extract %reduce_max3A_280[15] : f32 from vector<16xf32>
      %broadcast_in_dim3A_282 = vector.broadcast %reduce_max3A_281 : f32 to vector<16xf32>
      %eq3A_283 = arith.cmpf oeq, %scan3A_254#1, %broadcast_in_dim3A_282 : vector<16xf32>
      %broadcast_in_dim3A_284 = arith.constant 1073741824 : i32
      %broadcast_in_dim3A_285 = vector.broadcast %broadcast_in_dim3A_284 : i32 to vector<16xi32>
      %select_n3A_286 = arith.select %eq3A_283, %scan3A_254#5, %broadcast_in_dim3A_285 : vector<16xi1>, vector<16xi32>
      %reduce_min3A_287 = arith.constant true
      %reduce_min3A_288 = vector.broadcast %reduce_min3A_287 : i1 to vector<16xi1>
      %reduce_min3A_289 = arith.constant -2147483648 : i32
      %reduce_min3A_290 = vector.broadcast %reduce_min3A_289 : i32 to vector<16xi32>
      %reduce_min3A_291 = arith.xori %select_n3A_286, %reduce_min3A_290 : vector<16xi32>
      %reduce_min3A_292 = tpu.scan <min>, %reduce_min3A_291 masked %reduce_min3A_288 : vector<16xi32>, vector<16xi1> -> vector<16xi32>
      %reduce_min3A_293 = arith.xori %reduce_min3A_292, %reduce_min3A_290 : vector<16xi32>
      %reduce_min3A_294 = vector.extract %reduce_min3A_293[15] : i32 from vector<16xi32>
      %add3A_295 = arith.constant 224 : i32
      %add3A_296 = arith.addi %add3A_295, %mul3A_93 : i32
      %add3A_297 = arith.constant 1 : i32
      %add3A_298 = arith.addi %add3A_296, %add3A_297 : i32
      %add3A_299 = vector.broadcast %add3A_298 : i32 to vector<16xi32>
      %add3A_300 = arith.addi %broadcast_in_dim3A_2, %add3A_299 : vector<16xi32>
      %broadcast_in_dim3A_301 = vector.broadcast %reduce_max3A_281 : f32 to vector<16xf32>
      tpu.vector_store_idx %arg13[%add3A_300], %broadcast_in_dim3A_301 masked %eq3A_1 : memref<448xf32, #tpu.memory_space<vmem>>[vector<16xi32>], vector<16xf32>, vector<16xi1>
      %broadcast_in_dim3A_302 = vector.broadcast %reduce_min3A_294 : i32 to vector<16xi32>
      tpu.vector_store_idx %arg14[%add3A_300], %broadcast_in_dim3A_302 masked %eq3A_1 : memref<448xi32, #tpu.memory_space<vmem>>[vector<16xi32>], vector<16xi32>, vector<16xi1>
      %reduce_max3A_303 = arith.constant true
      %reduce_max3A_304 = vector.broadcast %reduce_max3A_303 : i1 to vector<16xi1>
      %reduce_max3A_305 = tpu.scan <max>, %scan3A_254#2 masked %reduce_max3A_304 : vector<16xf32>, vector<16xi1> -> vector<16xf32>
      %reduce_max3A_306 = vector.extract %reduce_max3A_305[15] : f32 from vector<16xf32>
      %broadcast_in_dim3A_307 = vector.broadcast %reduce_max3A_306 : f32 to vector<16xf32>
      %eq3A_308 = arith.cmpf oeq, %scan3A_254#2, %broadcast_in_dim3A_307 : vector<16xf32>
      %broadcast_in_dim3A_309 = arith.constant 1073741824 : i32
      %broadcast_in_dim3A_310 = vector.broadcast %broadcast_in_dim3A_309 : i32 to vector<16xi32>
      %select_n3A_311 = arith.select %eq3A_308, %scan3A_254#6, %broadcast_in_dim3A_310 : vector<16xi1>, vector<16xi32>
      %reduce_min3A_312 = arith.constant true
      %reduce_min3A_313 = vector.broadcast %reduce_min3A_312 : i1 to vector<16xi1>
      %reduce_min3A_314 = arith.constant -2147483648 : i32
      %reduce_min3A_315 = vector.broadcast %reduce_min3A_314 : i32 to vector<16xi32>
      %reduce_min3A_316 = arith.xori %select_n3A_311, %reduce_min3A_315 : vector<16xi32>
      %reduce_min3A_317 = tpu.scan <min>, %reduce_min3A_316 masked %reduce_min3A_313 : vector<16xi32>, vector<16xi1> -> vector<16xi32>
      %reduce_min3A_318 = arith.xori %reduce_min3A_317, %reduce_min3A_315 : vector<16xi32>
      %reduce_min3A_319 = vector.extract %reduce_min3A_318[15] : i32 from vector<16xi32>
      %add3A_320 = arith.constant 224 : i32
      %add3A_321 = arith.addi %add3A_320, %mul3A_93 : i32
      %add3A_322 = arith.constant 2 : i32
      %add3A_323 = arith.addi %add3A_321, %add3A_322 : i32
      %add3A_324 = vector.broadcast %add3A_323 : i32 to vector<16xi32>
      %add3A_325 = arith.addi %broadcast_in_dim3A_2, %add3A_324 : vector<16xi32>
      %broadcast_in_dim3A_326 = vector.broadcast %reduce_max3A_306 : f32 to vector<16xf32>
      tpu.vector_store_idx %arg13[%add3A_325], %broadcast_in_dim3A_326 masked %eq3A_1 : memref<448xf32, #tpu.memory_space<vmem>>[vector<16xi32>], vector<16xf32>, vector<16xi1>
      %broadcast_in_dim3A_327 = vector.broadcast %reduce_min3A_319 : i32 to vector<16xi32>
      tpu.vector_store_idx %arg14[%add3A_325], %broadcast_in_dim3A_327 masked %eq3A_1 : memref<448xi32, #tpu.memory_space<vmem>>[vector<16xi32>], vector<16xi32>, vector<16xi1>
      %reduce_max3A_328 = arith.constant true
      %reduce_max3A_329 = vector.broadcast %reduce_max3A_328 : i1 to vector<16xi1>
      %reduce_max3A_330 = tpu.scan <max>, %scan3A_254#3 masked %reduce_max3A_329 : vector<16xf32>, vector<16xi1> -> vector<16xf32>
      %reduce_max3A_331 = vector.extract %reduce_max3A_330[15] : f32 from vector<16xf32>
      %broadcast_in_dim3A_332 = vector.broadcast %reduce_max3A_331 : f32 to vector<16xf32>
      %eq3A_333 = arith.cmpf oeq, %scan3A_254#3, %broadcast_in_dim3A_332 : vector<16xf32>
      %broadcast_in_dim3A_334 = arith.constant 1073741824 : i32
      %broadcast_in_dim3A_335 = vector.broadcast %broadcast_in_dim3A_334 : i32 to vector<16xi32>
      %select_n3A_336 = arith.select %eq3A_333, %scan3A_254#7, %broadcast_in_dim3A_335 : vector<16xi1>, vector<16xi32>
      %reduce_min3A_337 = arith.constant true
      %reduce_min3A_338 = vector.broadcast %reduce_min3A_337 : i1 to vector<16xi1>
      %reduce_min3A_339 = arith.constant -2147483648 : i32
      %reduce_min3A_340 = vector.broadcast %reduce_min3A_339 : i32 to vector<16xi32>
      %reduce_min3A_341 = arith.xori %select_n3A_336, %reduce_min3A_340 : vector<16xi32>
      %reduce_min3A_342 = tpu.scan <min>, %reduce_min3A_341 masked %reduce_min3A_338 : vector<16xi32>, vector<16xi1> -> vector<16xi32>
      %reduce_min3A_343 = arith.xori %reduce_min3A_342, %reduce_min3A_340 : vector<16xi32>
      %reduce_min3A_344 = vector.extract %reduce_min3A_343[15] : i32 from vector<16xi32>
      %add3A_345 = arith.constant 224 : i32
      %add3A_346 = arith.addi %add3A_345, %mul3A_93 : i32
      %add3A_347 = arith.constant 3 : i32
      %add3A_348 = arith.addi %add3A_346, %add3A_347 : i32
      %add3A_349 = vector.broadcast %add3A_348 : i32 to vector<16xi32>
      %add3A_350 = arith.addi %broadcast_in_dim3A_2, %add3A_349 : vector<16xi32>
      %broadcast_in_dim3A_351 = vector.broadcast %reduce_max3A_331 : f32 to vector<16xf32>
      tpu.vector_store_idx %arg13[%add3A_350], %broadcast_in_dim3A_351 masked %eq3A_1 : memref<448xf32, #tpu.memory_space<vmem>>[vector<16xi32>], vector<16xf32>, vector<16xi1>
      %broadcast_in_dim3A_352 = vector.broadcast %reduce_min3A_344 : i32 to vector<16xi32>
      tpu.vector_store_idx %arg14[%add3A_350], %broadcast_in_dim3A_352 masked %eq3A_1 : memref<448xi32, #tpu.memory_space<vmem>>[vector<16xi32>], vector<16xi32>, vector<16xi1>
      %scan3A_353 = arith.constant 0 : i32
      scf.yield %scan3A_353 : i32
    }
    %scan3A_63 = arith.constant 25 : i32
    %mul3A_64 = arith.constant 4 : i32
    %mul3A_65 = arith.muli %arg0, %mul3A_64 : i32
    %add3A_66 = arith.constant 3 : i32
    %add3A_67 = arith.addi %mul3A_65, %add3A_66 : i32
    "tpu.region"() ({
      %run_scoped3A = tpu.sem_alloc : memref<!tpu.dma_semaphore, #tpu.memory_space<semaphore_mem>>
      %dma_start3A = arith.constant 0 : i32
      %dma_start3A_90 = tpu.memref_slice %arg3[%add3A_67, %dma_start3A] : memref<8x400xf32, #tpu.memory_space<hbm>> -> memref<1x400xf32, #tpu.memory_space<hbm>>
      %dma_start3A_91 = tpu.memref_squeeze %dma_start3A_90 : memref<1x400xf32, #tpu.memory_space<hbm>> -> memref<400xf32, #tpu.memory_space<hbm>>
      %dma_start3A_92 = arith.constant 0 : i32
      %dma_start3A_93 = tpu.memref_slice %arg3[%add3A_67, %dma_start3A_92] : memref<8x400xf32, #tpu.memory_space<hbm>> -> memref<1x400xf32, #tpu.memory_space<hbm>>
      %dma_start3A_94 = tpu.memref_squeeze %dma_start3A_93 : memref<1x400xf32, #tpu.memory_space<hbm>> -> memref<400xf32, #tpu.memory_space<hbm>>
      tpu.enqueue_dma source(%dma_start3A_94 : memref<400xf32, #tpu.memory_space<hbm>>) target(%arg12 : memref<400xf32, #tpu.memory_space<vmem>>) target_semaphore(%run_scoped3A : memref<!tpu.dma_semaphore, #tpu.memory_space<semaphore_mem>>)
      %dma_wait3A = arith.constant 0 : i32
      %dma_wait3A_95 = tpu.memref_slice %arg3[%add3A_67, %dma_wait3A] : memref<8x400xf32, #tpu.memory_space<hbm>> -> memref<1x400xf32, #tpu.memory_space<hbm>>
      %dma_wait3A_96 = tpu.memref_squeeze %dma_wait3A_95 : memref<1x400xf32, #tpu.memory_space<hbm>> -> memref<400xf32, #tpu.memory_space<hbm>>
      %dma_wait3A_97 = arith.constant 0 : i32
      %dma_wait3A_98 = tpu.memref_slice %arg3[%add3A_67, %dma_wait3A_97] : memref<8x400xf32, #tpu.memory_space<hbm>> -> memref<1x400xf32, #tpu.memory_space<hbm>>
      %dma_wait3A_99 = tpu.memref_squeeze %dma_wait3A_98 : memref<1x400xf32, #tpu.memory_space<hbm>> -> memref<400xf32, #tpu.memory_space<hbm>>
      tpu.wait_dma2 semaphore(%run_scoped3A : memref<!tpu.dma_semaphore, #tpu.memory_space<semaphore_mem>>) src(%dma_wait3A_99 : memref<400xf32, #tpu.memory_space<hbm>>) dst(%arg12 : memref<400xf32, #tpu.memory_space<vmem>>)
      tpu.yield
    }) : () -> ()
    %add3A_68 = vector.broadcast %add3A_67 : i32 to vector<16xi32>
    %add3A_69 = arith.addi %broadcast_in_dim3A_2, %add3A_68 : vector<16xi32>
    %scan3A_70 = arith.constant 0 : i32
    %scan3A_71 = arith.constant 0 : i32
    %scan3A_72 = arith.constant 36 : i32
    %scan3A_73 = arith.addi %scan3A_71, %scan3A_72 : i32
    %scan3A_74 = arith.constant 1 : i32
    %scan3A_75 = scf.for %scan3A_90 = %scan3A_71 to %scan3A_73 step %scan3A_74 iter_args(%scan3A_91 = %scan3A_70) -> (i32)  : i32 {
      %mul3A_92 = arith.constant 64 : i32
      %mul3A_93 = arith.muli %scan3A_90, %mul3A_92 : i32
      %mul3A_94 = arith.constant 4 : i32
      %mul3A_95 = vector.broadcast %mul3A_94 : i32 to vector<16xi32>
      %mul3A_96 = arith.muli %iota3A, %mul3A_95 : vector<16xi32>
      %add3A_97 = vector.broadcast %mul3A_93 : i32 to vector<16xi32>
      %add3A_98 = arith.addi %add3A_97, %mul3A_96 : vector<16xi32>
      %gather3A = tpu.vector_load_idx %arg6[%add3A_69, %add3A_98] : memref<8x2304xf32, #tpu.memory_space<vmem>>[vector<16xi32>, vector<16xi32>], vector<16xf32>,
      %add3A_99 = arith.constant 1 : i32
      %add3A_100 = vector.broadcast %add3A_99 : i32 to vector<16xi32>
      %add3A_101 = arith.addi %add3A_98, %add3A_100 : vector<16xi32>
      %gather3A_102 = tpu.vector_load_idx %arg6[%add3A_69, %add3A_101] : memref<8x2304xf32, #tpu.memory_space<vmem>>[vector<16xi32>, vector<16xi32>], vector<16xf32>,
      %add3A_103 = arith.constant 2 : i32
      %add3A_104 = vector.broadcast %add3A_103 : i32 to vector<16xi32>
      %add3A_105 = arith.addi %add3A_98, %add3A_104 : vector<16xi32>
      %gather3A_106 = tpu.vector_load_idx %arg6[%add3A_69, %add3A_105] : memref<8x2304xf32, #tpu.memory_space<vmem>>[vector<16xi32>, vector<16xi32>], vector<16xf32>,
      %add3A_107 = arith.constant 3 : i32
      %add3A_108 = vector.broadcast %add3A_107 : i32 to vector<16xi32>
      %add3A_109 = arith.addi %add3A_98, %add3A_108 : vector<16xi32>
      %gather3A_110 = tpu.vector_load_idx %arg6[%add3A_69, %add3A_109] : memref<8x2304xf32, #tpu.memory_space<vmem>>[vector<16xi32>, vector<16xi32>], vector<16xf32>,
      %mul3A_111 = arith.constant 5.000000e-01 : f32
      %mul3A_112 = vector.broadcast %mul3A_111 : f32 to vector<16xf32>
      %mul3A_113 = arith.mulf %mul3A_112, %gather3A_106 : vector<16xf32>
      %sub3A = arith.subf %gather3A, %mul3A_113 : vector<16xf32>
      %mul3A_114 = arith.constant 5.000000e-01 : f32
      %mul3A_115 = vector.broadcast %mul3A_114 : f32 to vector<16xf32>
      %mul3A_116 = arith.mulf %mul3A_115, %gather3A_110 : vector<16xf32>
      %sub3A_117 = arith.subf %gather3A_102, %mul3A_116 : vector<16xf32>
      %mul3A_118 = arith.constant 5.000000e-01 : f32
      %mul3A_119 = vector.broadcast %mul3A_118 : f32 to vector<16xf32>
      %mul3A_120 = arith.mulf %mul3A_119, %gather3A_106 : vector<16xf32>
      %add3A_121 = arith.addf %gather3A, %mul3A_120 : vector<16xf32>
      %mul3A_122 = arith.constant 5.000000e-01 : f32
      %mul3A_123 = vector.broadcast %mul3A_122 : f32 to vector<16xf32>
      %mul3A_124 = arith.mulf %mul3A_123, %gather3A_110 : vector<16xf32>
      %add3A_125 = arith.addf %gather3A_102, %mul3A_124 : vector<16xf32>
      %mul3A_126 = arith.constant 16 : i32
      %mul3A_127 = arith.muli %scan3A_90, %mul3A_126 : i32
      %swap3A = arith.index_cast %mul3A_127 : i32 to index
      %swap3A_128 = tpu.vector_load %arg7[%swap3A] {strides = array<i32>} : memref<576xf32, #tpu.memory_space<vmem>>, vector<16xf32>,
      tpu.vector_store %arg7[%swap3A], %sub3A {strides = array<i32>} : memref<576xf32, #tpu.memory_space<vmem>>, vector<16xf32>,
      %swap3A_129 = arith.index_cast %mul3A_127 : i32 to index
      %swap3A_130 = tpu.vector_load %arg8[%swap3A_129] {strides = array<i32>} : memref<576xf32, #tpu.memory_space<vmem>>, vector<16xf32>,
      tpu.vector_store %arg8[%swap3A_129], %sub3A_117 {strides = array<i32>} : memref<576xf32, #tpu.memory_space<vmem>>, vector<16xf32>,
      %swap3A_131 = arith.index_cast %mul3A_127 : i32 to index
      %swap3A_132 = tpu.vector_load %arg9[%swap3A_131] {strides = array<i32>} : memref<576xf32, #tpu.memory_space<vmem>>, vector<16xf32>,
      tpu.vector_store %arg9[%swap3A_131], %add3A_121 {strides = array<i32>} : memref<576xf32, #tpu.memory_space<vmem>>, vector<16xf32>,
      %swap3A_133 = arith.index_cast %mul3A_127 : i32 to index
      %swap3A_134 = tpu.vector_load %arg10[%swap3A_133] {strides = array<i32>} : memref<576xf32, #tpu.memory_space<vmem>>, vector<16xf32>,
      tpu.vector_store %arg10[%swap3A_133], %add3A_125 {strides = array<i32>} : memref<576xf32, #tpu.memory_space<vmem>>, vector<16xf32>,
      %sub3A_135 = arith.subf %add3A_121, %sub3A : vector<16xf32>
      %sub3A_136 = arith.subf %add3A_125, %sub3A_117 : vector<16xf32>
      %mul3A_137 = arith.mulf %sub3A_135, %sub3A_136 : vector<16xf32>
      %swap3A_138 = arith.index_cast %mul3A_127 : i32 to index
      %swap3A_139 = tpu.vector_load %arg11[%swap3A_138] {strides = array<i32>} : memref<576xf32, #tpu.memory_space<vmem>>, vector<16xf32>,
      tpu.vector_store %arg11[%swap3A_138], %mul3A_137 {strides = array<i32>} : memref<576xf32, #tpu.memory_space<vmem>>, vector<16xf32>,
      %scan3A_140 = arith.constant 0 : i32
      scf.yield %scan3A_140 : i32
    }
    %scan3A_76 = arith.constant 36 : i32
    %scan3A_77 = arith.constant 0 : i32
    %scan3A_78 = arith.constant 0 : i32
    %scan3A_79 = arith.constant 25 : i32
    %scan3A_80 = arith.addi %scan3A_78, %scan3A_79 : i32
    %scan3A_81 = arith.constant 1 : i32
    %scan3A_82 = scf.for %scan3A_90 = %scan3A_78 to %scan3A_80 step %scan3A_81 iter_args(%scan3A_91 = %scan3A_77) -> (i32)  : i32 {
      %mul3A_92 = arith.constant 4 : i32
      %mul3A_93 = arith.muli %scan3A_90, %mul3A_92 : i32
      %add3A_94 = arith.constant 0 : i32
      %add3A_95 = arith.addi %mul3A_93, %add3A_94 : i32
      %mul3A_96 = arith.constant 4 : i32
      %mul3A_97 = arith.muli %add3A_95, %mul3A_96 : i32
      %add3A_98 = vector.broadcast %mul3A_97 : i32 to vector<16xi32>
      %add3A_99 = arith.addi %broadcast_in_dim3A_2, %add3A_98 : vector<16xi32>
      %gather3A = tpu.vector_load_idx %arg12[%add3A_99] : memref<400xf32, #tpu.memory_space<vmem>>[vector<16xi32>], vector<16xf32>,
      %add3A_100 = arith.constant 1 : i32
      %add3A_101 = vector.broadcast %add3A_100 : i32 to vector<16xi32>
      %add3A_102 = arith.addi %add3A_99, %add3A_101 : vector<16xi32>
      %gather3A_103 = tpu.vector_load_idx %arg12[%add3A_102] : memref<400xf32, #tpu.memory_space<vmem>>[vector<16xi32>], vector<16xf32>,
      %add3A_104 = arith.constant 2 : i32
      %add3A_105 = vector.broadcast %add3A_104 : i32 to vector<16xi32>
      %add3A_106 = arith.addi %add3A_99, %add3A_105 : vector<16xi32>
      %gather3A_107 = tpu.vector_load_idx %arg12[%add3A_106] : memref<400xf32, #tpu.memory_space<vmem>>[vector<16xi32>], vector<16xf32>,
      %add3A_108 = arith.constant 3 : i32
      %add3A_109 = vector.broadcast %add3A_108 : i32 to vector<16xi32>
      %add3A_110 = arith.addi %add3A_99, %add3A_109 : vector<16xi32>
      %gather3A_111 = tpu.vector_load_idx %arg12[%add3A_110] : memref<400xf32, #tpu.memory_space<vmem>>[vector<16xi32>], vector<16xf32>,
      %mul3A_112 = arith.constant 5.000000e-01 : f32
      %mul3A_113 = vector.broadcast %mul3A_112 : f32 to vector<16xf32>
      %mul3A_114 = arith.mulf %mul3A_113, %gather3A_107 : vector<16xf32>
      %sub3A = arith.subf %gather3A, %mul3A_114 : vector<16xf32>
      %mul3A_115 = arith.constant 5.000000e-01 : f32
      %mul3A_116 = vector.broadcast %mul3A_115 : f32 to vector<16xf32>
      %mul3A_117 = arith.mulf %mul3A_116, %gather3A_111 : vector<16xf32>
      %sub3A_118 = arith.subf %gather3A_103, %mul3A_117 : vector<16xf32>
      %mul3A_119 = arith.constant 5.000000e-01 : f32
      %mul3A_120 = vector.broadcast %mul3A_119 : f32 to vector<16xf32>
      %mul3A_121 = arith.mulf %mul3A_120, %gather3A_107 : vector<16xf32>
      %add3A_122 = arith.addf %gather3A, %mul3A_121 : vector<16xf32>
      %mul3A_123 = arith.constant 5.000000e-01 : f32
      %mul3A_124 = vector.broadcast %mul3A_123 : f32 to vector<16xf32>
      %mul3A_125 = arith.mulf %mul3A_124, %gather3A_111 : vector<16xf32>
      %add3A_126 = arith.addf %gather3A_103, %mul3A_125 : vector<16xf32>
      %sub3A_127 = arith.subf %add3A_122, %sub3A : vector<16xf32>
      %sub3A_128 = arith.subf %add3A_126, %sub3A_118 : vector<16xf32>
      %mul3A_129 = arith.mulf %sub3A_127, %sub3A_128 : vector<16xf32>
      %add3A_130 = arith.constant 1 : i32
      %add3A_131 = arith.addi %mul3A_93, %add3A_130 : i32
      %mul3A_132 = arith.constant 4 : i32
      %mul3A_133 = arith.muli %add3A_131, %mul3A_132 : i32
      %add3A_134 = vector.broadcast %mul3A_133 : i32 to vector<16xi32>
      %add3A_135 = arith.addi %broadcast_in_dim3A_2, %add3A_134 : vector<16xi32>
      %gather3A_136 = tpu.vector_load_idx %arg12[%add3A_135] : memref<400xf32, #tpu.memory_space<vmem>>[vector<16xi32>], vector<16xf32>,
      %add3A_137 = arith.constant 1 : i32
      %add3A_138 = vector.broadcast %add3A_137 : i32 to vector<16xi32>
      %add3A_139 = arith.addi %add3A_135, %add3A_138 : vector<16xi32>
      %gather3A_140 = tpu.vector_load_idx %arg12[%add3A_139] : memref<400xf32, #tpu.memory_space<vmem>>[vector<16xi32>], vector<16xf32>,
      %add3A_141 = arith.constant 2 : i32
      %add3A_142 = vector.broadcast %add3A_141 : i32 to vector<16xi32>
      %add3A_143 = arith.addi %add3A_135, %add3A_142 : vector<16xi32>
      %gather3A_144 = tpu.vector_load_idx %arg12[%add3A_143] : memref<400xf32, #tpu.memory_space<vmem>>[vector<16xi32>], vector<16xf32>,
      %add3A_145 = arith.constant 3 : i32
      %add3A_146 = vector.broadcast %add3A_145 : i32 to vector<16xi32>
      %add3A_147 = arith.addi %add3A_135, %add3A_146 : vector<16xi32>
      %gather3A_148 = tpu.vector_load_idx %arg12[%add3A_147] : memref<400xf32, #tpu.memory_space<vmem>>[vector<16xi32>], vector<16xf32>,
      %mul3A_149 = arith.constant 5.000000e-01 : f32
      %mul3A_150 = vector.broadcast %mul3A_149 : f32 to vector<16xf32>
      %mul3A_151 = arith.mulf %mul3A_150, %gather3A_144 : vector<16xf32>
      %sub3A_152 = arith.subf %gather3A_136, %mul3A_151 : vector<16xf32>
      %mul3A_153 = arith.constant 5.000000e-01 : f32
      %mul3A_154 = vector.broadcast %mul3A_153 : f32 to vector<16xf32>
      %mul3A_155 = arith.mulf %mul3A_154, %gather3A_148 : vector<16xf32>
      %sub3A_156 = arith.subf %gather3A_140, %mul3A_155 : vector<16xf32>
      %mul3A_157 = arith.constant 5.000000e-01 : f32
      %mul3A_158 = vector.broadcast %mul3A_157 : f32 to vector<16xf32>
      %mul3A_159 = arith.mulf %mul3A_158, %gather3A_144 : vector<16xf32>
      %add3A_160 = arith.addf %gather3A_136, %mul3A_159 : vector<16xf32>
      %mul3A_161 = arith.constant 5.000000e-01 : f32
      %mul3A_162 = vector.broadcast %mul3A_161 : f32 to vector<16xf32>
      %mul3A_163 = arith.mulf %mul3A_162, %gather3A_148 : vector<16xf32>
      %add3A_164 = arith.addf %gather3A_140, %mul3A_163 : vector<16xf32>
      %sub3A_165 = arith.subf %add3A_160, %sub3A_152 : vector<16xf32>
      %sub3A_166 = arith.subf %add3A_164, %sub3A_156 : vector<16xf32>
      %mul3A_167 = arith.mulf %sub3A_165, %sub3A_166 : vector<16xf32>
      %add3A_168 = arith.constant 2 : i32
      %add3A_169 = arith.addi %mul3A_93, %add3A_168 : i32
      %mul3A_170 = arith.constant 4 : i32
      %mul3A_171 = arith.muli %add3A_169, %mul3A_170 : i32
      %add3A_172 = vector.broadcast %mul3A_171 : i32 to vector<16xi32>
      %add3A_173 = arith.addi %broadcast_in_dim3A_2, %add3A_172 : vector<16xi32>
      %gather3A_174 = tpu.vector_load_idx %arg12[%add3A_173] : memref<400xf32, #tpu.memory_space<vmem>>[vector<16xi32>], vector<16xf32>,
      %add3A_175 = arith.constant 1 : i32
      %add3A_176 = vector.broadcast %add3A_175 : i32 to vector<16xi32>
      %add3A_177 = arith.addi %add3A_173, %add3A_176 : vector<16xi32>
      %gather3A_178 = tpu.vector_load_idx %arg12[%add3A_177] : memref<400xf32, #tpu.memory_space<vmem>>[vector<16xi32>], vector<16xf32>,
      %add3A_179 = arith.constant 2 : i32
      %add3A_180 = vector.broadcast %add3A_179 : i32 to vector<16xi32>
      %add3A_181 = arith.addi %add3A_173, %add3A_180 : vector<16xi32>
      %gather3A_182 = tpu.vector_load_idx %arg12[%add3A_181] : memref<400xf32, #tpu.memory_space<vmem>>[vector<16xi32>], vector<16xf32>,
      %add3A_183 = arith.constant 3 : i32
      %add3A_184 = vector.broadcast %add3A_183 : i32 to vector<16xi32>
      %add3A_185 = arith.addi %add3A_173, %add3A_184 : vector<16xi32>
      %gather3A_186 = tpu.vector_load_idx %arg12[%add3A_185] : memref<400xf32, #tpu.memory_space<vmem>>[vector<16xi32>], vector<16xf32>,
      %mul3A_187 = arith.constant 5.000000e-01 : f32
      %mul3A_188 = vector.broadcast %mul3A_187 : f32 to vector<16xf32>
      %mul3A_189 = arith.mulf %mul3A_188, %gather3A_182 : vector<16xf32>
      %sub3A_190 = arith.subf %gather3A_174, %mul3A_189 : vector<16xf32>
      %mul3A_191 = arith.constant 5.000000e-01 : f32
      %mul3A_192 = vector.broadcast %mul3A_191 : f32 to vector<16xf32>
      %mul3A_193 = arith.mulf %mul3A_192, %gather3A_186 : vector<16xf32>
      %sub3A_194 = arith.subf %gather3A_178, %mul3A_193 : vector<16xf32>
      %mul3A_195 = arith.constant 5.000000e-01 : f32
      %mul3A_196 = vector.broadcast %mul3A_195 : f32 to vector<16xf32>
      %mul3A_197 = arith.mulf %mul3A_196, %gather3A_182 : vector<16xf32>
      %add3A_198 = arith.addf %gather3A_174, %mul3A_197 : vector<16xf32>
      %mul3A_199 = arith.constant 5.000000e-01 : f32
      %mul3A_200 = vector.broadcast %mul3A_199 : f32 to vector<16xf32>
      %mul3A_201 = arith.mulf %mul3A_200, %gather3A_186 : vector<16xf32>
      %add3A_202 = arith.addf %gather3A_178, %mul3A_201 : vector<16xf32>
      %sub3A_203 = arith.subf %add3A_198, %sub3A_190 : vector<16xf32>
      %sub3A_204 = arith.subf %add3A_202, %sub3A_194 : vector<16xf32>
      %mul3A_205 = arith.mulf %sub3A_203, %sub3A_204 : vector<16xf32>
      %add3A_206 = arith.constant 3 : i32
      %add3A_207 = arith.addi %mul3A_93, %add3A_206 : i32
      %mul3A_208 = arith.constant 4 : i32
      %mul3A_209 = arith.muli %add3A_207, %mul3A_208 : i32
      %add3A_210 = vector.broadcast %mul3A_209 : i32 to vector<16xi32>
      %add3A_211 = arith.addi %broadcast_in_dim3A_2, %add3A_210 : vector<16xi32>
      %gather3A_212 = tpu.vector_load_idx %arg12[%add3A_211] : memref<400xf32, #tpu.memory_space<vmem>>[vector<16xi32>], vector<16xf32>,
      %add3A_213 = arith.constant 1 : i32
      %add3A_214 = vector.broadcast %add3A_213 : i32 to vector<16xi32>
      %add3A_215 = arith.addi %add3A_211, %add3A_214 : vector<16xi32>
      %gather3A_216 = tpu.vector_load_idx %arg12[%add3A_215] : memref<400xf32, #tpu.memory_space<vmem>>[vector<16xi32>], vector<16xf32>,
      %add3A_217 = arith.constant 2 : i32
      %add3A_218 = vector.broadcast %add3A_217 : i32 to vector<16xi32>
      %add3A_219 = arith.addi %add3A_211, %add3A_218 : vector<16xi32>
      %gather3A_220 = tpu.vector_load_idx %arg12[%add3A_219] : memref<400xf32, #tpu.memory_space<vmem>>[vector<16xi32>], vector<16xf32>,
      %add3A_221 = arith.constant 3 : i32
      %add3A_222 = vector.broadcast %add3A_221 : i32 to vector<16xi32>
      %add3A_223 = arith.addi %add3A_211, %add3A_222 : vector<16xi32>
      %gather3A_224 = tpu.vector_load_idx %arg12[%add3A_223] : memref<400xf32, #tpu.memory_space<vmem>>[vector<16xi32>], vector<16xf32>,
      %mul3A_225 = arith.constant 5.000000e-01 : f32
      %mul3A_226 = vector.broadcast %mul3A_225 : f32 to vector<16xf32>
      %mul3A_227 = arith.mulf %mul3A_226, %gather3A_220 : vector<16xf32>
      %sub3A_228 = arith.subf %gather3A_212, %mul3A_227 : vector<16xf32>
      %mul3A_229 = arith.constant 5.000000e-01 : f32
      %mul3A_230 = vector.broadcast %mul3A_229 : f32 to vector<16xf32>
      %mul3A_231 = arith.mulf %mul3A_230, %gather3A_224 : vector<16xf32>
      %sub3A_232 = arith.subf %gather3A_216, %mul3A_231 : vector<16xf32>
      %mul3A_233 = arith.constant 5.000000e-01 : f32
      %mul3A_234 = vector.broadcast %mul3A_233 : f32 to vector<16xf32>
      %mul3A_235 = arith.mulf %mul3A_234, %gather3A_220 : vector<16xf32>
      %add3A_236 = arith.addf %gather3A_212, %mul3A_235 : vector<16xf32>
      %mul3A_237 = arith.constant 5.000000e-01 : f32
      %mul3A_238 = vector.broadcast %mul3A_237 : f32 to vector<16xf32>
      %mul3A_239 = arith.mulf %mul3A_238, %gather3A_224 : vector<16xf32>
      %add3A_240 = arith.addf %gather3A_216, %mul3A_239 : vector<16xf32>
      %sub3A_241 = arith.subf %add3A_236, %sub3A_228 : vector<16xf32>
      %sub3A_242 = arith.subf %add3A_240, %sub3A_232 : vector<16xf32>
      %mul3A_243 = arith.mulf %sub3A_241, %sub3A_242 : vector<16xf32>
      %broadcast_in_dim3A_244 = arith.constant -3.000000e+38 : f32
      %broadcast_in_dim3A_245 = vector.broadcast %broadcast_in_dim3A_244 : f32 to vector<16xf32>
      %broadcast_in_dim3A_246 = arith.constant 0 : i32
      %broadcast_in_dim3A_247 = vector.broadcast %broadcast_in_dim3A_246 : i32 to vector<16xi32>
      %add3A_248 = vector.broadcast %mul3A_3 : i32 to vector<16xi32>
      %add3A_249 = arith.addi %add3A_248, %iota3A : vector<16xi32>
      %scan3A_250 = arith.constant 0 : i32
      %scan3A_251 = arith.constant 36 : i32
      %scan3A_252 = arith.addi %scan3A_250, %scan3A_251 : i32
      %scan3A_253 = arith.constant 1 : i32
      %scan3A_254:9 = scf.for %scan3A_354 = %scan3A_250 to %scan3A_252 step %scan3A_253 iter_args(%scan3A_355 = %broadcast_in_dim3A_245, %scan3A_356 = %broadcast_in_dim3A_245, %scan3A_357 = %broadcast_in_dim3A_245, %scan3A_358 = %broadcast_in_dim3A_245, %scan3A_359 = %broadcast_in_dim3A_247, %scan3A_360 = %broadcast_in_dim3A_247, %scan3A_361 = %broadcast_in_dim3A_247, %scan3A_362 = %broadcast_in_dim3A_247, %scan3A_363 = %add3A_249) -> (vector<16xf32>, vector<16xf32>, vector<16xf32>, vector<16xf32>, vector<16xi32>, vector<16xi32>, vector<16xi32>, vector<16xi32>, vector<16xi32>)  : i32 {
        %mul3A_364 = arith.constant 16 : i32
        %mul3A_365 = arith.muli %scan3A_354, %mul3A_364 : i32
        %get3A = arith.index_cast %mul3A_365 : i32 to index
        %get3A_366 = tpu.vector_load %arg7[%get3A] {strides = array<i32>} : memref<576xf32, #tpu.memory_space<vmem>>, vector<16xf32>,
        %get3A_367 = arith.index_cast %mul3A_365 : i32 to index
        %get3A_368 = tpu.vector_load %arg8[%get3A_367] {strides = array<i32>} : memref<576xf32, #tpu.memory_space<vmem>>, vector<16xf32>,
        %get3A_369 = arith.index_cast %mul3A_365 : i32 to index
        %get3A_370 = tpu.vector_load %arg9[%get3A_369] {strides = array<i32>} : memref<576xf32, #tpu.memory_space<vmem>>, vector<16xf32>,
        %get3A_371 = arith.index_cast %mul3A_365 : i32 to index
        %get3A_372 = tpu.vector_load %arg10[%get3A_371] {strides = array<i32>} : memref<576xf32, #tpu.memory_space<vmem>>, vector<16xf32>,
        %get3A_373 = arith.index_cast %mul3A_365 : i32 to index
        %get3A_374 = tpu.vector_load %arg11[%get3A_373] {strides = array<i32>} : memref<576xf32, #tpu.memory_space<vmem>>, vector<16xf32>,
        %max3A = arith.maximumf %get3A_366, %sub3A : vector<16xf32>
        %max3A_375 = arith.maximumf %get3A_368, %sub3A_118 : vector<16xf32>
        %min3A = arith.minimumf %get3A_370, %add3A_122 : vector<16xf32>
        %min3A_376 = arith.minimumf %get3A_372, %add3A_126 : vector<16xf32>
        %sub3A_377 = arith.subf %min3A, %max3A : vector<16xf32>
        %max3A_378 = arith.constant 0.000000e+00 : f32
        %max3A_379 = vector.broadcast %max3A_378 : f32 to vector<16xf32>
        %max3A_380 = arith.maximumf %sub3A_377, %max3A_379 : vector<16xf32>
        %sub3A_381 = arith.subf %min3A_376, %max3A_375 : vector<16xf32>
        %max3A_382 = arith.constant 0.000000e+00 : f32
        %max3A_383 = vector.broadcast %max3A_382 : f32 to vector<16xf32>
        %max3A_384 = arith.maximumf %sub3A_381, %max3A_383 : vector<16xf32>
        %mul3A_385 = arith.mulf %max3A_380, %max3A_384 : vector<16xf32>
        %add3A_386 = arith.addf %get3A_374, %mul3A_129 : vector<16xf32>
        %sub3A_387 = arith.subf %add3A_386, %mul3A_385 : vector<16xf32>
        %max3A_388 = arith.constant 9.99999971E-10 : f32
        %max3A_389 = vector.broadcast %max3A_388 : f32 to vector<16xf32>
        %max3A_390 = arith.maximumf %sub3A_387, %max3A_389 : vector<16xf32>
        %div3A = arith.divf %mul3A_385, %max3A_390 : vector<16xf32>
        %min3A_391 = arith.minimumf %get3A_366, %sub3A : vector<16xf32>
        %min3A_392 = arith.minimumf %get3A_368, %sub3A_118 : vector<16xf32>
        %max3A_393 = arith.maximumf %get3A_370, %add3A_122 : vector<16xf32>
        %max3A_394 = arith.maximumf %get3A_372, %add3A_126 : vector<16xf32>
        %sub3A_395 = arith.subf %max3A_393, %min3A_391 : vector<16xf32>
        %sub3A_396 = arith.subf %max3A_394, %min3A_392 : vector<16xf32>
        %mul3A_397 = arith.mulf %sub3A_395, %sub3A_396 : vector<16xf32>
        %sub3A_398 = arith.subf %mul3A_397, %sub3A_387 : vector<16xf32>
        %max3A_399 = arith.constant 9.99999971E-10 : f32
        %max3A_400 = vector.broadcast %max3A_399 : f32 to vector<16xf32>
        %max3A_401 = arith.maximumf %mul3A_397, %max3A_400 : vector<16xf32>
        %div3A_402 = arith.divf %sub3A_398, %max3A_401 : vector<16xf32>
        %sub3A_403 = arith.subf %div3A, %div3A_402 : vector<16xf32>
        %gt3A = arith.cmpf ogt, %sub3A_403, %scan3A_355 : vector<16xf32>
        %select_n3A_404 = arith.select %gt3A, %sub3A_403, %scan3A_355 : vector<16xi1>, vector<16xf32>
        %select_n3A_405 = arith.select %gt3A, %scan3A_363, %scan3A_359 : vector<16xi1>, vector<16xi32>
        %max3A_406 = arith.maximumf %get3A_366, %sub3A_152 : vector<16xf32>
        %max3A_407 = arith.maximumf %get3A_368, %sub3A_156 : vector<16xf32>
        %min3A_408 = arith.minimumf %get3A_370, %add3A_160 : vector<16xf32>
        %min3A_409 = arith.minimumf %get3A_372, %add3A_164 : vector<16xf32>
        %sub3A_410 = arith.subf %min3A_408, %max3A_406 : vector<16xf32>
        %max3A_411 = arith.constant 0.000000e+00 : f32
        %max3A_412 = vector.broadcast %max3A_411 : f32 to vector<16xf32>
        %max3A_413 = arith.maximumf %sub3A_410, %max3A_412 : vector<16xf32>
        %sub3A_414 = arith.subf %min3A_409, %max3A_407 : vector<16xf32>
        %max3A_415 = arith.constant 0.000000e+00 : f32
        %max3A_416 = vector.broadcast %max3A_415 : f32 to vector<16xf32>
        %max3A_417 = arith.maximumf %sub3A_414, %max3A_416 : vector<16xf32>
        %mul3A_418 = arith.mulf %max3A_413, %max3A_417 : vector<16xf32>
        %add3A_419 = arith.addf %get3A_374, %mul3A_167 : vector<16xf32>
        %sub3A_420 = arith.subf %add3A_419, %mul3A_418 : vector<16xf32>
        %max3A_421 = arith.constant 9.99999971E-10 : f32
        %max3A_422 = vector.broadcast %max3A_421 : f32 to vector<16xf32>
        %max3A_423 = arith.maximumf %sub3A_420, %max3A_422 : vector<16xf32>
        %div3A_424 = arith.divf %mul3A_418, %max3A_423 : vector<16xf32>
        %min3A_425 = arith.minimumf %get3A_366, %sub3A_152 : vector<16xf32>
        %min3A_426 = arith.minimumf %get3A_368, %sub3A_156 : vector<16xf32>
        %max3A_427 = arith.maximumf %get3A_370, %add3A_160 : vector<16xf32>
        %max3A_428 = arith.maximumf %get3A_372, %add3A_164 : vector<16xf32>
        %sub3A_429 = arith.subf %max3A_427, %min3A_425 : vector<16xf32>
        %sub3A_430 = arith.subf %max3A_428, %min3A_426 : vector<16xf32>
        %mul3A_431 = arith.mulf %sub3A_429, %sub3A_430 : vector<16xf32>
        %sub3A_432 = arith.subf %mul3A_431, %sub3A_420 : vector<16xf32>
        %max3A_433 = arith.constant 9.99999971E-10 : f32
        %max3A_434 = vector.broadcast %max3A_433 : f32 to vector<16xf32>
        %max3A_435 = arith.maximumf %mul3A_431, %max3A_434 : vector<16xf32>
        %div3A_436 = arith.divf %sub3A_432, %max3A_435 : vector<16xf32>
        %sub3A_437 = arith.subf %div3A_424, %div3A_436 : vector<16xf32>
        %gt3A_438 = arith.cmpf ogt, %sub3A_437, %scan3A_356 : vector<16xf32>
        %select_n3A_439 = arith.select %gt3A_438, %sub3A_437, %scan3A_356 : vector<16xi1>, vector<16xf32>
        %select_n3A_440 = arith.select %gt3A_438, %scan3A_363, %scan3A_360 : vector<16xi1>, vector<16xi32>
        %max3A_441 = arith.maximumf %get3A_366, %sub3A_190 : vector<16xf32>
        %max3A_442 = arith.maximumf %get3A_368, %sub3A_194 : vector<16xf32>
        %min3A_443 = arith.minimumf %get3A_370, %add3A_198 : vector<16xf32>
        %min3A_444 = arith.minimumf %get3A_372, %add3A_202 : vector<16xf32>
        %sub3A_445 = arith.subf %min3A_443, %max3A_441 : vector<16xf32>
        %max3A_446 = arith.constant 0.000000e+00 : f32
        %max3A_447 = vector.broadcast %max3A_446 : f32 to vector<16xf32>
        %max3A_448 = arith.maximumf %sub3A_445, %max3A_447 : vector<16xf32>
        %sub3A_449 = arith.subf %min3A_444, %max3A_442 : vector<16xf32>
        %max3A_450 = arith.constant 0.000000e+00 : f32
        %max3A_451 = vector.broadcast %max3A_450 : f32 to vector<16xf32>
        %max3A_452 = arith.maximumf %sub3A_449, %max3A_451 : vector<16xf32>
        %mul3A_453 = arith.mulf %max3A_448, %max3A_452 : vector<16xf32>
        %add3A_454 = arith.addf %get3A_374, %mul3A_205 : vector<16xf32>
        %sub3A_455 = arith.subf %add3A_454, %mul3A_453 : vector<16xf32>
        %max3A_456 = arith.constant 9.99999971E-10 : f32
        %max3A_457 = vector.broadcast %max3A_456 : f32 to vector<16xf32>
        %max3A_458 = arith.maximumf %sub3A_455, %max3A_457 : vector<16xf32>
        %div3A_459 = arith.divf %mul3A_453, %max3A_458 : vector<16xf32>
        %min3A_460 = arith.minimumf %get3A_366, %sub3A_190 : vector<16xf32>
        %min3A_461 = arith.minimumf %get3A_368, %sub3A_194 : vector<16xf32>
        %max3A_462 = arith.maximumf %get3A_370, %add3A_198 : vector<16xf32>
        %max3A_463 = arith.maximumf %get3A_372, %add3A_202 : vector<16xf32>
        %sub3A_464 = arith.subf %max3A_462, %min3A_460 : vector<16xf32>
        %sub3A_465 = arith.subf %max3A_463, %min3A_461 : vector<16xf32>
        %mul3A_466 = arith.mulf %sub3A_464, %sub3A_465 : vector<16xf32>
        %sub3A_467 = arith.subf %mul3A_466, %sub3A_455 : vector<16xf32>
        %max3A_468 = arith.constant 9.99999971E-10 : f32
        %max3A_469 = vector.broadcast %max3A_468 : f32 to vector<16xf32>
        %max3A_470 = arith.maximumf %mul3A_466, %max3A_469 : vector<16xf32>
        %div3A_471 = arith.divf %sub3A_467, %max3A_470 : vector<16xf32>
        %sub3A_472 = arith.subf %div3A_459, %div3A_471 : vector<16xf32>
        %gt3A_473 = arith.cmpf ogt, %sub3A_472, %scan3A_357 : vector<16xf32>
        %select_n3A_474 = arith.select %gt3A_473, %sub3A_472, %scan3A_357 : vector<16xi1>, vector<16xf32>
        %select_n3A_475 = arith.select %gt3A_473, %scan3A_363, %scan3A_361 : vector<16xi1>, vector<16xi32>
        %max3A_476 = arith.maximumf %get3A_366, %sub3A_228 : vector<16xf32>
        %max3A_477 = arith.maximumf %get3A_368, %sub3A_232 : vector<16xf32>
        %min3A_478 = arith.minimumf %get3A_370, %add3A_236 : vector<16xf32>
        %min3A_479 = arith.minimumf %get3A_372, %add3A_240 : vector<16xf32>
        %sub3A_480 = arith.subf %min3A_478, %max3A_476 : vector<16xf32>
        %max3A_481 = arith.constant 0.000000e+00 : f32
        %max3A_482 = vector.broadcast %max3A_481 : f32 to vector<16xf32>
        %max3A_483 = arith.maximumf %sub3A_480, %max3A_482 : vector<16xf32>
        %sub3A_484 = arith.subf %min3A_479, %max3A_477 : vector<16xf32>
        %max3A_485 = arith.constant 0.000000e+00 : f32
        %max3A_486 = vector.broadcast %max3A_485 : f32 to vector<16xf32>
        %max3A_487 = arith.maximumf %sub3A_484, %max3A_486 : vector<16xf32>
        %mul3A_488 = arith.mulf %max3A_483, %max3A_487 : vector<16xf32>
        %add3A_489 = arith.addf %get3A_374, %mul3A_243 : vector<16xf32>
        %sub3A_490 = arith.subf %add3A_489, %mul3A_488 : vector<16xf32>
        %max3A_491 = arith.constant 9.99999971E-10 : f32
        %max3A_492 = vector.broadcast %max3A_491 : f32 to vector<16xf32>
        %max3A_493 = arith.maximumf %sub3A_490, %max3A_492 : vector<16xf32>
        %div3A_494 = arith.divf %mul3A_488, %max3A_493 : vector<16xf32>
        %min3A_495 = arith.minimumf %get3A_366, %sub3A_228 : vector<16xf32>
        %min3A_496 = arith.minimumf %get3A_368, %sub3A_232 : vector<16xf32>
        %max3A_497 = arith.maximumf %get3A_370, %add3A_236 : vector<16xf32>
        %max3A_498 = arith.maximumf %get3A_372, %add3A_240 : vector<16xf32>
        %sub3A_499 = arith.subf %max3A_497, %min3A_495 : vector<16xf32>
        %sub3A_500 = arith.subf %max3A_498, %min3A_496 : vector<16xf32>
        %mul3A_501 = arith.mulf %sub3A_499, %sub3A_500 : vector<16xf32>
        %sub3A_502 = arith.subf %mul3A_501, %sub3A_490 : vector<16xf32>
        %max3A_503 = arith.constant 9.99999971E-10 : f32
        %max3A_504 = vector.broadcast %max3A_503 : f32 to vector<16xf32>
        %max3A_505 = arith.maximumf %mul3A_501, %max3A_504 : vector<16xf32>
        %div3A_506 = arith.divf %sub3A_502, %max3A_505 : vector<16xf32>
        %sub3A_507 = arith.subf %div3A_494, %div3A_506 : vector<16xf32>
        %gt3A_508 = arith.cmpf ogt, %sub3A_507, %scan3A_358 : vector<16xf32>
        %select_n3A_509 = arith.select %gt3A_508, %sub3A_507, %scan3A_358 : vector<16xi1>, vector<16xf32>
        %select_n3A_510 = arith.select %gt3A_508, %scan3A_363, %scan3A_362 : vector<16xi1>, vector<16xi32>
        %add3A_511 = arith.constant 16 : i32
        %add3A_512 = vector.broadcast %add3A_511 : i32 to vector<16xi32>
        %add3A_513 = arith.addi %scan3A_363, %add3A_512 : vector<16xi32>
        scf.yield %select_n3A_404, %select_n3A_439, %select_n3A_474, %select_n3A_509, %select_n3A_405, %select_n3A_440, %select_n3A_475, %select_n3A_510, %add3A_513 : vector<16xf32>, vector<16xf32>, vector<16xf32>, vector<16xf32>, vector<16xi32>, vector<16xi32>, vector<16xi32>, vector<16xi32>, vector<16xi32>
      }
      %scan3A_255 = arith.constant 36 : i32
      %reduce_max3A = arith.constant true
      %reduce_max3A_256 = vector.broadcast %reduce_max3A : i1 to vector<16xi1>
      %reduce_max3A_257 = tpu.scan <max>, %scan3A_254#0 masked %reduce_max3A_256 : vector<16xf32>, vector<16xi1> -> vector<16xf32>
      %reduce_max3A_258 = vector.extract %reduce_max3A_257[15] : f32 from vector<16xf32>
      %broadcast_in_dim3A_259 = vector.broadcast %reduce_max3A_258 : f32 to vector<16xf32>
      %eq3A_260 = arith.cmpf oeq, %scan3A_254#0, %broadcast_in_dim3A_259 : vector<16xf32>
      %broadcast_in_dim3A_261 = arith.constant 1073741824 : i32
      %broadcast_in_dim3A_262 = vector.broadcast %broadcast_in_dim3A_261 : i32 to vector<16xi32>
      %select_n3A = arith.select %eq3A_260, %scan3A_254#4, %broadcast_in_dim3A_262 : vector<16xi1>, vector<16xi32>
      %reduce_min3A = arith.constant true
      %reduce_min3A_263 = vector.broadcast %reduce_min3A : i1 to vector<16xi1>
      %reduce_min3A_264 = arith.constant -2147483648 : i32
      %reduce_min3A_265 = vector.broadcast %reduce_min3A_264 : i32 to vector<16xi32>
      %reduce_min3A_266 = arith.xori %select_n3A, %reduce_min3A_265 : vector<16xi32>
      %reduce_min3A_267 = tpu.scan <min>, %reduce_min3A_266 masked %reduce_min3A_263 : vector<16xi32>, vector<16xi1> -> vector<16xi32>
      %reduce_min3A_268 = arith.xori %reduce_min3A_267, %reduce_min3A_265 : vector<16xi32>
      %reduce_min3A_269 = vector.extract %reduce_min3A_268[15] : i32 from vector<16xi32>
      %add3A_270 = arith.constant 336 : i32
      %add3A_271 = arith.addi %add3A_270, %mul3A_93 : i32
      %add3A_272 = arith.constant 0 : i32
      %add3A_273 = arith.addi %add3A_271, %add3A_272 : i32
      %add3A_274 = vector.broadcast %add3A_273 : i32 to vector<16xi32>
      %add3A_275 = arith.addi %broadcast_in_dim3A_2, %add3A_274 : vector<16xi32>
      %broadcast_in_dim3A_276 = vector.broadcast %reduce_max3A_258 : f32 to vector<16xf32>
      tpu.vector_store_idx %arg13[%add3A_275], %broadcast_in_dim3A_276 masked %eq3A_1 : memref<448xf32, #tpu.memory_space<vmem>>[vector<16xi32>], vector<16xf32>, vector<16xi1>
      %broadcast_in_dim3A_277 = vector.broadcast %reduce_min3A_269 : i32 to vector<16xi32>
      tpu.vector_store_idx %arg14[%add3A_275], %broadcast_in_dim3A_277 masked %eq3A_1 : memref<448xi32, #tpu.memory_space<vmem>>[vector<16xi32>], vector<16xi32>, vector<16xi1>
      %reduce_max3A_278 = arith.constant true
      %reduce_max3A_279 = vector.broadcast %reduce_max3A_278 : i1 to vector<16xi1>
      %reduce_max3A_280 = tpu.scan <max>, %scan3A_254#1 masked %reduce_max3A_279 : vector<16xf32>, vector<16xi1> -> vector<16xf32>
      %reduce_max3A_281 = vector.extract %reduce_max3A_280[15] : f32 from vector<16xf32>
      %broadcast_in_dim3A_282 = vector.broadcast %reduce_max3A_281 : f32 to vector<16xf32>
      %eq3A_283 = arith.cmpf oeq, %scan3A_254#1, %broadcast_in_dim3A_282 : vector<16xf32>
      %broadcast_in_dim3A_284 = arith.constant 1073741824 : i32
      %broadcast_in_dim3A_285 = vector.broadcast %broadcast_in_dim3A_284 : i32 to vector<16xi32>
      %select_n3A_286 = arith.select %eq3A_283, %scan3A_254#5, %broadcast_in_dim3A_285 : vector<16xi1>, vector<16xi32>
      %reduce_min3A_287 = arith.constant true
      %reduce_min3A_288 = vector.broadcast %reduce_min3A_287 : i1 to vector<16xi1>
      %reduce_min3A_289 = arith.constant -2147483648 : i32
      %reduce_min3A_290 = vector.broadcast %reduce_min3A_289 : i32 to vector<16xi32>
      %reduce_min3A_291 = arith.xori %select_n3A_286, %reduce_min3A_290 : vector<16xi32>
      %reduce_min3A_292 = tpu.scan <min>, %reduce_min3A_291 masked %reduce_min3A_288 : vector<16xi32>, vector<16xi1> -> vector<16xi32>
      %reduce_min3A_293 = arith.xori %reduce_min3A_292, %reduce_min3A_290 : vector<16xi32>
      %reduce_min3A_294 = vector.extract %reduce_min3A_293[15] : i32 from vector<16xi32>
      %add3A_295 = arith.constant 336 : i32
      %add3A_296 = arith.addi %add3A_295, %mul3A_93 : i32
      %add3A_297 = arith.constant 1 : i32
      %add3A_298 = arith.addi %add3A_296, %add3A_297 : i32
      %add3A_299 = vector.broadcast %add3A_298 : i32 to vector<16xi32>
      %add3A_300 = arith.addi %broadcast_in_dim3A_2, %add3A_299 : vector<16xi32>
      %broadcast_in_dim3A_301 = vector.broadcast %reduce_max3A_281 : f32 to vector<16xf32>
      tpu.vector_store_idx %arg13[%add3A_300], %broadcast_in_dim3A_301 masked %eq3A_1 : memref<448xf32, #tpu.memory_space<vmem>>[vector<16xi32>], vector<16xf32>, vector<16xi1>
      %broadcast_in_dim3A_302 = vector.broadcast %reduce_min3A_294 : i32 to vector<16xi32>
      tpu.vector_store_idx %arg14[%add3A_300], %broadcast_in_dim3A_302 masked %eq3A_1 : memref<448xi32, #tpu.memory_space<vmem>>[vector<16xi32>], vector<16xi32>, vector<16xi1>
      %reduce_max3A_303 = arith.constant true
      %reduce_max3A_304 = vector.broadcast %reduce_max3A_303 : i1 to vector<16xi1>
      %reduce_max3A_305 = tpu.scan <max>, %scan3A_254#2 masked %reduce_max3A_304 : vector<16xf32>, vector<16xi1> -> vector<16xf32>
      %reduce_max3A_306 = vector.extract %reduce_max3A_305[15] : f32 from vector<16xf32>
      %broadcast_in_dim3A_307 = vector.broadcast %reduce_max3A_306 : f32 to vector<16xf32>
      %eq3A_308 = arith.cmpf oeq, %scan3A_254#2, %broadcast_in_dim3A_307 : vector<16xf32>
      %broadcast_in_dim3A_309 = arith.constant 1073741824 : i32
      %broadcast_in_dim3A_310 = vector.broadcast %broadcast_in_dim3A_309 : i32 to vector<16xi32>
      %select_n3A_311 = arith.select %eq3A_308, %scan3A_254#6, %broadcast_in_dim3A_310 : vector<16xi1>, vector<16xi32>
      %reduce_min3A_312 = arith.constant true
      %reduce_min3A_313 = vector.broadcast %reduce_min3A_312 : i1 to vector<16xi1>
      %reduce_min3A_314 = arith.constant -2147483648 : i32
      %reduce_min3A_315 = vector.broadcast %reduce_min3A_314 : i32 to vector<16xi32>
      %reduce_min3A_316 = arith.xori %select_n3A_311, %reduce_min3A_315 : vector<16xi32>
      %reduce_min3A_317 = tpu.scan <min>, %reduce_min3A_316 masked %reduce_min3A_313 : vector<16xi32>, vector<16xi1> -> vector<16xi32>
      %reduce_min3A_318 = arith.xori %reduce_min3A_317, %reduce_min3A_315 : vector<16xi32>
      %reduce_min3A_319 = vector.extract %reduce_min3A_318[15] : i32 from vector<16xi32>
      %add3A_320 = arith.constant 336 : i32
      %add3A_321 = arith.addi %add3A_320, %mul3A_93 : i32
      %add3A_322 = arith.constant 2 : i32
      %add3A_323 = arith.addi %add3A_321, %add3A_322 : i32
      %add3A_324 = vector.broadcast %add3A_323 : i32 to vector<16xi32>
      %add3A_325 = arith.addi %broadcast_in_dim3A_2, %add3A_324 : vector<16xi32>
      %broadcast_in_dim3A_326 = vector.broadcast %reduce_max3A_306 : f32 to vector<16xf32>
      tpu.vector_store_idx %arg13[%add3A_325], %broadcast_in_dim3A_326 masked %eq3A_1 : memref<448xf32, #tpu.memory_space<vmem>>[vector<16xi32>], vector<16xf32>, vector<16xi1>
      %broadcast_in_dim3A_327 = vector.broadcast %reduce_min3A_319 : i32 to vector<16xi32>
      tpu.vector_store_idx %arg14[%add3A_325], %broadcast_in_dim3A_327 masked %eq3A_1 : memref<448xi32, #tpu.memory_space<vmem>>[vector<16xi32>], vector<16xi32>, vector<16xi1>
      %reduce_max3A_328 = arith.constant true
      %reduce_max3A_329 = vector.broadcast %reduce_max3A_328 : i1 to vector<16xi1>
      %reduce_max3A_330 = tpu.scan <max>, %scan3A_254#3 masked %reduce_max3A_329 : vector<16xf32>, vector<16xi1> -> vector<16xf32>
      %reduce_max3A_331 = vector.extract %reduce_max3A_330[15] : f32 from vector<16xf32>
      %broadcast_in_dim3A_332 = vector.broadcast %reduce_max3A_331 : f32 to vector<16xf32>
      %eq3A_333 = arith.cmpf oeq, %scan3A_254#3, %broadcast_in_dim3A_332 : vector<16xf32>
      %broadcast_in_dim3A_334 = arith.constant 1073741824 : i32
      %broadcast_in_dim3A_335 = vector.broadcast %broadcast_in_dim3A_334 : i32 to vector<16xi32>
      %select_n3A_336 = arith.select %eq3A_333, %scan3A_254#7, %broadcast_in_dim3A_335 : vector<16xi1>, vector<16xi32>
      %reduce_min3A_337 = arith.constant true
      %reduce_min3A_338 = vector.broadcast %reduce_min3A_337 : i1 to vector<16xi1>
      %reduce_min3A_339 = arith.constant -2147483648 : i32
      %reduce_min3A_340 = vector.broadcast %reduce_min3A_339 : i32 to vector<16xi32>
      %reduce_min3A_341 = arith.xori %select_n3A_336, %reduce_min3A_340 : vector<16xi32>
      %reduce_min3A_342 = tpu.scan <min>, %reduce_min3A_341 masked %reduce_min3A_338 : vector<16xi32>, vector<16xi1> -> vector<16xi32>
      %reduce_min3A_343 = arith.xori %reduce_min3A_342, %reduce_min3A_340 : vector<16xi32>
      %reduce_min3A_344 = vector.extract %reduce_min3A_343[15] : i32 from vector<16xi32>
      %add3A_345 = arith.constant 336 : i32
      %add3A_346 = arith.addi %add3A_345, %mul3A_93 : i32
      %add3A_347 = arith.constant 3 : i32
      %add3A_348 = arith.addi %add3A_346, %add3A_347 : i32
      %add3A_349 = vector.broadcast %add3A_348 : i32 to vector<16xi32>
      %add3A_350 = arith.addi %broadcast_in_dim3A_2, %add3A_349 : vector<16xi32>
      %broadcast_in_dim3A_351 = vector.broadcast %reduce_max3A_331 : f32 to vector<16xf32>
      tpu.vector_store_idx %arg13[%add3A_350], %broadcast_in_dim3A_351 masked %eq3A_1 : memref<448xf32, #tpu.memory_space<vmem>>[vector<16xi32>], vector<16xf32>, vector<16xi1>
      %broadcast_in_dim3A_352 = vector.broadcast %reduce_min3A_344 : i32 to vector<16xi32>
      tpu.vector_store_idx %arg14[%add3A_350], %broadcast_in_dim3A_352 masked %eq3A_1 : memref<448xi32, #tpu.memory_space<vmem>>[vector<16xi32>], vector<16xi32>, vector<16xi1>
      %scan3A_353 = arith.constant 0 : i32
      scf.yield %scan3A_353 : i32
    }
    %scan3A_83 = arith.constant 25 : i32
    %mul3A_84 = arith.constant 448 : i32
    %mul3A_85 = arith.muli %arg1, %mul3A_84 : i32
    "tpu.region"() ({
      %run_scoped3A = tpu.sem_alloc : memref<!tpu.dma_semaphore, #tpu.memory_space<semaphore_mem>>
      %dma_start3A = tpu.memref_slice %arg19[%mul3A_85] : memref<7168xf32, #tpu.memory_space<vmem_shared>> -> memref<448xf32, #tpu.memory_space<vmem_shared>>
      %dma_start3A_90 = tpu.memref_slice %arg19[%mul3A_85] : memref<7168xf32, #tpu.memory_space<vmem_shared>> -> memref<448xf32, #tpu.memory_space<vmem_shared>>
      tpu.enqueue_dma source(%arg13 : memref<448xf32, #tpu.memory_space<vmem>>) target(%dma_start3A_90 : memref<448xf32, #tpu.memory_space<vmem_shared>>) target_semaphore(%run_scoped3A : memref<!tpu.dma_semaphore, #tpu.memory_space<semaphore_mem>>)
      %dma_wait3A = tpu.memref_slice %arg19[%mul3A_85] : memref<7168xf32, #tpu.memory_space<vmem_shared>> -> memref<448xf32, #tpu.memory_space<vmem_shared>>
      %dma_wait3A_91 = tpu.memref_slice %arg19[%mul3A_85] : memref<7168xf32, #tpu.memory_space<vmem_shared>> -> memref<448xf32, #tpu.memory_space<vmem_shared>>
      tpu.wait_dma2 semaphore(%run_scoped3A : memref<!tpu.dma_semaphore, #tpu.memory_space<semaphore_mem>>) src(%arg13 : memref<448xf32, #tpu.memory_space<vmem>>) dst(%dma_wait3A_91 : memref<448xf32, #tpu.memory_space<vmem_shared>>)
      tpu.yield
    }) : () -> ()
    %mul3A_86 = arith.constant 448 : i32
    %mul3A_87 = arith.muli %arg1, %mul3A_86 : i32
    "tpu.region"() ({
      %run_scoped3A = tpu.sem_alloc : memref<!tpu.dma_semaphore, #tpu.memory_space<semaphore_mem>>
      %dma_start3A = tpu.memref_slice %arg20[%mul3A_87] : memref<7168xi32, #tpu.memory_space<vmem_shared>> -> memref<448xi32, #tpu.memory_space<vmem_shared>>
      %dma_start3A_90 = tpu.memref_slice %arg20[%mul3A_87] : memref<7168xi32, #tpu.memory_space<vmem_shared>> -> memref<448xi32, #tpu.memory_space<vmem_shared>>
      tpu.enqueue_dma source(%arg14 : memref<448xi32, #tpu.memory_space<vmem>>) target(%dma_start3A_90 : memref<448xi32, #tpu.memory_space<vmem_shared>>) target_semaphore(%run_scoped3A : memref<!tpu.dma_semaphore, #tpu.memory_space<semaphore_mem>>)
      %dma_wait3A = tpu.memref_slice %arg20[%mul3A_87] : memref<7168xi32, #tpu.memory_space<vmem_shared>> -> memref<448xi32, #tpu.memory_space<vmem_shared>>
      %dma_wait3A_91 = tpu.memref_slice %arg20[%mul3A_87] : memref<7168xi32, #tpu.memory_space<vmem_shared>> -> memref<448xi32, #tpu.memory_space<vmem_shared>>
      tpu.wait_dma2 semaphore(%run_scoped3A : memref<!tpu.dma_semaphore, #tpu.memory_space<semaphore_mem>>) src(%arg14 : memref<448xi32, #tpu.memory_space<vmem>>) dst(%dma_wait3A_91 : memref<448xi32, #tpu.memory_space<vmem_shared>>)
      tpu.yield
    }) : () -> ()
    %barrier3A = arith.constant 0 : index
    tpu.barrier barrier_id(%barrier3A)
    %lt3A = arith.constant 4 : i32
    %lt3A_88 = arith.cmpi slt, %arg1, %lt3A : i32
    %convert_element_type3A = arith.extui %lt3A_88 : i1 to i32
    %cond3A = arith.constant 0 : i32
    %cond3A_89 = arith.cmpi ne, %convert_element_type3A, %cond3A : i32
    scf.if %cond3A_89 {
      %mul3A_90 = arith.constant 112 : i32
      %mul3A_91 = arith.muli %arg1, %mul3A_90 : i32
      %add3A_92 = arith.constant 0 : i32
      %add3A_93 = arith.addi %add3A_92, %mul3A_91 : i32
      "tpu.region"() ({
        %run_scoped3A = tpu.sem_alloc : memref<!tpu.dma_semaphore, #tpu.memory_space<semaphore_mem>>
        %dma_start3A = arith.constant 0 : i32
        %dma_start3A_232 = tpu.memref_slice %arg15[%dma_start3A] : memref<1792xf32, #tpu.memory_space<vmem>> -> memref<112xf32, #tpu.memory_space<vmem>>
        %dma_start3A_233 = tpu.memref_slice %arg19[%add3A_93] : memref<7168xf32, #tpu.memory_space<vmem_shared>> -> memref<112xf32, #tpu.memory_space<vmem_shared>>
        %dma_start3A_234 = arith.constant 0 : i32
        %dma_start3A_235 = tpu.memref_slice %arg15[%dma_start3A_234] : memref<1792xf32, #tpu.memory_space<vmem>> -> memref<112xf32, #tpu.memory_space<vmem>>
        %dma_start3A_236 = tpu.memref_slice %arg19[%add3A_93] : memref<7168xf32, #tpu.memory_space<vmem_shared>> -> memref<112xf32, #tpu.memory_space<vmem_shared>>
        tpu.enqueue_dma source(%dma_start3A_236 : memref<112xf32, #tpu.memory_space<vmem_shared>>) target(%dma_start3A_235 : memref<112xf32, #tpu.memory_space<vmem>>) target_semaphore(%run_scoped3A : memref<!tpu.dma_semaphore, #tpu.memory_space<semaphore_mem>>)
        %dma_wait3A = arith.constant 0 : i32
        %dma_wait3A_237 = tpu.memref_slice %arg15[%dma_wait3A] : memref<1792xf32, #tpu.memory_space<vmem>> -> memref<112xf32, #tpu.memory_space<vmem>>
        %dma_wait3A_238 = tpu.memref_slice %arg19[%add3A_93] : memref<7168xf32, #tpu.memory_space<vmem_shared>> -> memref<112xf32, #tpu.memory_space<vmem_shared>>
        %dma_wait3A_239 = arith.constant 0 : i32
        %dma_wait3A_240 = tpu.memref_slice %arg15[%dma_wait3A_239] : memref<1792xf32, #tpu.memory_space<vmem>> -> memref<112xf32, #tpu.memory_space<vmem>>
        %dma_wait3A_241 = tpu.memref_slice %arg19[%add3A_93] : memref<7168xf32, #tpu.memory_space<vmem_shared>> -> memref<112xf32, #tpu.memory_space<vmem_shared>>
        tpu.wait_dma2 semaphore(%run_scoped3A : memref<!tpu.dma_semaphore, #tpu.memory_space<semaphore_mem>>) src(%dma_wait3A_241 : memref<112xf32, #tpu.memory_space<vmem_shared>>) dst(%dma_wait3A_240 : memref<112xf32, #tpu.memory_space<vmem>>)
        tpu.yield
      }) : () -> ()
      %mul3A_94 = arith.constant 112 : i32
      %mul3A_95 = arith.muli %arg1, %mul3A_94 : i32
      %add3A_96 = arith.constant 0 : i32
      %add3A_97 = arith.addi %add3A_96, %mul3A_95 : i32
      "tpu.region"() ({
        %run_scoped3A = tpu.sem_alloc : memref<!tpu.dma_semaphore, #tpu.memory_space<semaphore_mem>>
        %dma_start3A = arith.constant 0 : i32
        %dma_start3A_232 = tpu.memref_slice %arg16[%dma_start3A] : memref<1792xi32, #tpu.memory_space<vmem>> -> memref<112xi32, #tpu.memory_space<vmem>>
        %dma_start3A_233 = tpu.memref_slice %arg20[%add3A_97] : memref<7168xi32, #tpu.memory_space<vmem_shared>> -> memref<112xi32, #tpu.memory_space<vmem_shared>>
        %dma_start3A_234 = arith.constant 0 : i32
        %dma_start3A_235 = tpu.memref_slice %arg16[%dma_start3A_234] : memref<1792xi32, #tpu.memory_space<vmem>> -> memref<112xi32, #tpu.memory_space<vmem>>
        %dma_start3A_236 = tpu.memref_slice %arg20[%add3A_97] : memref<7168xi32, #tpu.memory_space<vmem_shared>> -> memref<112xi32, #tpu.memory_space<vmem_shared>>
        tpu.enqueue_dma source(%dma_start3A_236 : memref<112xi32, #tpu.memory_space<vmem_shared>>) target(%dma_start3A_235 : memref<112xi32, #tpu.memory_space<vmem>>) target_semaphore(%run_scoped3A : memref<!tpu.dma_semaphore, #tpu.memory_space<semaphore_mem>>)
        %dma_wait3A = arith.constant 0 : i32
        %dma_wait3A_237 = tpu.memref_slice %arg16[%dma_wait3A] : memref<1792xi32, #tpu.memory_space<vmem>> -> memref<112xi32, #tpu.memory_space<vmem>>
        %dma_wait3A_238 = tpu.memref_slice %arg20[%add3A_97] : memref<7168xi32, #tpu.memory_space<vmem_shared>> -> memref<112xi32, #tpu.memory_space<vmem_shared>>
        %dma_wait3A_239 = arith.constant 0 : i32
        %dma_wait3A_240 = tpu.memref_slice %arg16[%dma_wait3A_239] : memref<1792xi32, #tpu.memory_space<vmem>> -> memref<112xi32, #tpu.memory_space<vmem>>
        %dma_wait3A_241 = tpu.memref_slice %arg20[%add3A_97] : memref<7168xi32, #tpu.memory_space<vmem_shared>> -> memref<112xi32, #tpu.memory_space<vmem_shared>>
        tpu.wait_dma2 semaphore(%run_scoped3A : memref<!tpu.dma_semaphore, #tpu.memory_space<semaphore_mem>>) src(%dma_wait3A_241 : memref<112xi32, #tpu.memory_space<vmem_shared>>) dst(%dma_wait3A_240 : memref<112xi32, #tpu.memory_space<vmem>>)
        tpu.yield
      }) : () -> ()
      %mul3A_98 = arith.constant 112 : i32
      %mul3A_99 = arith.muli %arg1, %mul3A_98 : i32
      %add3A_100 = arith.constant 448 : i32
      %add3A_101 = arith.addi %add3A_100, %mul3A_99 : i32
      "tpu.region"() ({
        %run_scoped3A = tpu.sem_alloc : memref<!tpu.dma_semaphore, #tpu.memory_space<semaphore_mem>>
        %dma_start3A = arith.constant 112 : i32
        %dma_start3A_232 = tpu.memref_slice %arg15[%dma_start3A] : memref<1792xf32, #tpu.memory_space<vmem>> -> memref<112xf32, #tpu.memory_space<vmem>>
        %dma_start3A_233 = tpu.memref_slice %arg19[%add3A_101] : memref<7168xf32, #tpu.memory_space<vmem_shared>> -> memref<112xf32, #tpu.memory_space<vmem_shared>>
        %dma_start3A_234 = arith.constant 112 : i32
        %dma_start3A_235 = tpu.memref_slice %arg15[%dma_start3A_234] : memref<1792xf32, #tpu.memory_space<vmem>> -> memref<112xf32, #tpu.memory_space<vmem>>
        %dma_start3A_236 = tpu.memref_slice %arg19[%add3A_101] : memref<7168xf32, #tpu.memory_space<vmem_shared>> -> memref<112xf32, #tpu.memory_space<vmem_shared>>
        tpu.enqueue_dma source(%dma_start3A_236 : memref<112xf32, #tpu.memory_space<vmem_shared>>) target(%dma_start3A_235 : memref<112xf32, #tpu.memory_space<vmem>>) target_semaphore(%run_scoped3A : memref<!tpu.dma_semaphore, #tpu.memory_space<semaphore_mem>>)
        %dma_wait3A = arith.constant 112 : i32
        %dma_wait3A_237 = tpu.memref_slice %arg15[%dma_wait3A] : memref<1792xf32, #tpu.memory_space<vmem>> -> memref<112xf32, #tpu.memory_space<vmem>>
        %dma_wait3A_238 = tpu.memref_slice %arg19[%add3A_101] : memref<7168xf32, #tpu.memory_space<vmem_shared>> -> memref<112xf32, #tpu.memory_space<vmem_shared>>
        %dma_wait3A_239 = arith.constant 112 : i32
        %dma_wait3A_240 = tpu.memref_slice %arg15[%dma_wait3A_239] : memref<1792xf32, #tpu.memory_space<vmem>> -> memref<112xf32, #tpu.memory_space<vmem>>
        %dma_wait3A_241 = tpu.memref_slice %arg19[%add3A_101] : memref<7168xf32, #tpu.memory_space<vmem_shared>> -> memref<112xf32, #tpu.memory_space<vmem_shared>>
        tpu.wait_dma2 semaphore(%run_scoped3A : memref<!tpu.dma_semaphore, #tpu.memory_space<semaphore_mem>>) src(%dma_wait3A_241 : memref<112xf32, #tpu.memory_space<vmem_shared>>) dst(%dma_wait3A_240 : memref<112xf32, #tpu.memory_space<vmem>>)
        tpu.yield
      }) : () -> ()
      %mul3A_102 = arith.constant 112 : i32
      %mul3A_103 = arith.muli %arg1, %mul3A_102 : i32
      %add3A_104 = arith.constant 448 : i32
      %add3A_105 = arith.addi %add3A_104, %mul3A_103 : i32
      "tpu.region"() ({
        %run_scoped3A = tpu.sem_alloc : memref<!tpu.dma_semaphore, #tpu.memory_space<semaphore_mem>>
        %dma_start3A = arith.constant 112 : i32
        %dma_start3A_232 = tpu.memref_slice %arg16[%dma_start3A] : memref<1792xi32, #tpu.memory_space<vmem>> -> memref<112xi32, #tpu.memory_space<vmem>>
        %dma_start3A_233 = tpu.memref_slice %arg20[%add3A_105] : memref<7168xi32, #tpu.memory_space<vmem_shared>> -> memref<112xi32, #tpu.memory_space<vmem_shared>>
        %dma_start3A_234 = arith.constant 112 : i32
        %dma_start3A_235 = tpu.memref_slice %arg16[%dma_start3A_234] : memref<1792xi32, #tpu.memory_space<vmem>> -> memref<112xi32, #tpu.memory_space<vmem>>
        %dma_start3A_236 = tpu.memref_slice %arg20[%add3A_105] : memref<7168xi32, #tpu.memory_space<vmem_shared>> -> memref<112xi32, #tpu.memory_space<vmem_shared>>
        tpu.enqueue_dma source(%dma_start3A_236 : memref<112xi32, #tpu.memory_space<vmem_shared>>) target(%dma_start3A_235 : memref<112xi32, #tpu.memory_space<vmem>>) target_semaphore(%run_scoped3A : memref<!tpu.dma_semaphore, #tpu.memory_space<semaphore_mem>>)
        %dma_wait3A = arith.constant 112 : i32
        %dma_wait3A_237 = tpu.memref_slice %arg16[%dma_wait3A] : memref<1792xi32, #tpu.memory_space<vmem>> -> memref<112xi32, #tpu.memory_space<vmem>>
        %dma_wait3A_238 = tpu.memref_slice %arg20[%add3A_105] : memref<7168xi32, #tpu.memory_space<vmem_shared>> -> memref<112xi32, #tpu.memory_space<vmem_shared>>
        %dma_wait3A_239 = arith.constant 112 : i32
        %dma_wait3A_240 = tpu.memref_slice %arg16[%dma_wait3A_239] : memref<1792xi32, #tpu.memory_space<vmem>> -> memref<112xi32, #tpu.memory_space<vmem>>
        %dma_wait3A_241 = tpu.memref_slice %arg20[%add3A_105] : memref<7168xi32, #tpu.memory_space<vmem_shared>> -> memref<112xi32, #tpu.memory_space<vmem_shared>>
        tpu.wait_dma2 semaphore(%run_scoped3A : memref<!tpu.dma_semaphore, #tpu.memory_space<semaphore_mem>>) src(%dma_wait3A_241 : memref<112xi32, #tpu.memory_space<vmem_shared>>) dst(%dma_wait3A_240 : memref<112xi32, #tpu.memory_space<vmem>>)
        tpu.yield
      }) : () -> ()
      %mul3A_106 = arith.constant 112 : i32
      %mul3A_107 = arith.muli %arg1, %mul3A_106 : i32
      %add3A_108 = arith.constant 896 : i32
      %add3A_109 = arith.addi %add3A_108, %mul3A_107 : i32
      "tpu.region"() ({
        %run_scoped3A = tpu.sem_alloc : memref<!tpu.dma_semaphore, #tpu.memory_space<semaphore_mem>>
        %dma_start3A = arith.constant 224 : i32
        %dma_start3A_232 = tpu.memref_slice %arg15[%dma_start3A] : memref<1792xf32, #tpu.memory_space<vmem>> -> memref<112xf32, #tpu.memory_space<vmem>>
        %dma_start3A_233 = tpu.memref_slice %arg19[%add3A_109] : memref<7168xf32, #tpu.memory_space<vmem_shared>> -> memref<112xf32, #tpu.memory_space<vmem_shared>>
        %dma_start3A_234 = arith.constant 224 : i32
        %dma_start3A_235 = tpu.memref_slice %arg15[%dma_start3A_234] : memref<1792xf32, #tpu.memory_space<vmem>> -> memref<112xf32, #tpu.memory_space<vmem>>
        %dma_start3A_236 = tpu.memref_slice %arg19[%add3A_109] : memref<7168xf32, #tpu.memory_space<vmem_shared>> -> memref<112xf32, #tpu.memory_space<vmem_shared>>
        tpu.enqueue_dma source(%dma_start3A_236 : memref<112xf32, #tpu.memory_space<vmem_shared>>) target(%dma_start3A_235 : memref<112xf32, #tpu.memory_space<vmem>>) target_semaphore(%run_scoped3A : memref<!tpu.dma_semaphore, #tpu.memory_space<semaphore_mem>>)
        %dma_wait3A = arith.constant 224 : i32
        %dma_wait3A_237 = tpu.memref_slice %arg15[%dma_wait3A] : memref<1792xf32, #tpu.memory_space<vmem>> -> memref<112xf32, #tpu.memory_space<vmem>>
        %dma_wait3A_238 = tpu.memref_slice %arg19[%add3A_109] : memref<7168xf32, #tpu.memory_space<vmem_shared>> -> memref<112xf32, #tpu.memory_space<vmem_shared>>
        %dma_wait3A_239 = arith.constant 224 : i32
        %dma_wait3A_240 = tpu.memref_slice %arg15[%dma_wait3A_239] : memref<1792xf32, #tpu.memory_space<vmem>> -> memref<112xf32, #tpu.memory_space<vmem>>
        %dma_wait3A_241 = tpu.memref_slice %arg19[%add3A_109] : memref<7168xf32, #tpu.memory_space<vmem_shared>> -> memref<112xf32, #tpu.memory_space<vmem_shared>>
        tpu.wait_dma2 semaphore(%run_scoped3A : memref<!tpu.dma_semaphore, #tpu.memory_space<semaphore_mem>>) src(%dma_wait3A_241 : memref<112xf32, #tpu.memory_space<vmem_shared>>) dst(%dma_wait3A_240 : memref<112xf32, #tpu.memory_space<vmem>>)
        tpu.yield
      }) : () -> ()
      %mul3A_110 = arith.constant 112 : i32
      %mul3A_111 = arith.muli %arg1, %mul3A_110 : i32
      %add3A_112 = arith.constant 896 : i32
      %add3A_113 = arith.addi %add3A_112, %mul3A_111 : i32
      "tpu.region"() ({
        %run_scoped3A = tpu.sem_alloc : memref<!tpu.dma_semaphore, #tpu.memory_space<semaphore_mem>>
        %dma_start3A = arith.constant 224 : i32
        %dma_start3A_232 = tpu.memref_slice %arg16[%dma_start3A] : memref<1792xi32, #tpu.memory_space<vmem>> -> memref<112xi32, #tpu.memory_space<vmem>>
        %dma_start3A_233 = tpu.memref_slice %arg20[%add3A_113] : memref<7168xi32, #tpu.memory_space<vmem_shared>> -> memref<112xi32, #tpu.memory_space<vmem_shared>>
        %dma_start3A_234 = arith.constant 224 : i32
        %dma_start3A_235 = tpu.memref_slice %arg16[%dma_start3A_234] : memref<1792xi32, #tpu.memory_space<vmem>> -> memref<112xi32, #tpu.memory_space<vmem>>
        %dma_start3A_236 = tpu.memref_slice %arg20[%add3A_113] : memref<7168xi32, #tpu.memory_space<vmem_shared>> -> memref<112xi32, #tpu.memory_space<vmem_shared>>
        tpu.enqueue_dma source(%dma_start3A_236 : memref<112xi32, #tpu.memory_space<vmem_shared>>) target(%dma_start3A_235 : memref<112xi32, #tpu.memory_space<vmem>>) target_semaphore(%run_scoped3A : memref<!tpu.dma_semaphore, #tpu.memory_space<semaphore_mem>>)
        %dma_wait3A = arith.constant 224 : i32
        %dma_wait3A_237 = tpu.memref_slice %arg16[%dma_wait3A] : memref<1792xi32, #tpu.memory_space<vmem>> -> memref<112xi32, #tpu.memory_space<vmem>>
        %dma_wait3A_238 = tpu.memref_slice %arg20[%add3A_113] : memref<7168xi32, #tpu.memory_space<vmem_shared>> -> memref<112xi32, #tpu.memory_space<vmem_shared>>
        %dma_wait3A_239 = arith.constant 224 : i32
        %dma_wait3A_240 = tpu.memref_slice %arg16[%dma_wait3A_239] : memref<1792xi32, #tpu.memory_space<vmem>> -> memref<112xi32, #tpu.memory_space<vmem>>
        %dma_wait3A_241 = tpu.memref_slice %arg20[%add3A_113] : memref<7168xi32, #tpu.memory_space<vmem_shared>> -> memref<112xi32, #tpu.memory_space<vmem_shared>>
        tpu.wait_dma2 semaphore(%run_scoped3A : memref<!tpu.dma_semaphore, #tpu.memory_space<semaphore_mem>>) src(%dma_wait3A_241 : memref<112xi32, #tpu.memory_space<vmem_shared>>) dst(%dma_wait3A_240 : memref<112xi32, #tpu.memory_space<vmem>>)
        tpu.yield
      }) : () -> ()
      %mul3A_114 = arith.constant 112 : i32
      %mul3A_115 = arith.muli %arg1, %mul3A_114 : i32
      %add3A_116 = arith.constant 1344 : i32
      %add3A_117 = arith.addi %add3A_116, %mul3A_115 : i32
      "tpu.region"() ({
        %run_scoped3A = tpu.sem_alloc : memref<!tpu.dma_semaphore, #tpu.memory_space<semaphore_mem>>
        %dma_start3A = arith.constant 336 : i32
        %dma_start3A_232 = tpu.memref_slice %arg15[%dma_start3A] : memref<1792xf32, #tpu.memory_space<vmem>> -> memref<112xf32, #tpu.memory_space<vmem>>
        %dma_start3A_233 = tpu.memref_slice %arg19[%add3A_117] : memref<7168xf32, #tpu.memory_space<vmem_shared>> -> memref<112xf32, #tpu.memory_space<vmem_shared>>
        %dma_start3A_234 = arith.constant 336 : i32
        %dma_start3A_235 = tpu.memref_slice %arg15[%dma_start3A_234] : memref<1792xf32, #tpu.memory_space<vmem>> -> memref<112xf32, #tpu.memory_space<vmem>>
        %dma_start3A_236 = tpu.memref_slice %arg19[%add3A_117] : memref<7168xf32, #tpu.memory_space<vmem_shared>> -> memref<112xf32, #tpu.memory_space<vmem_shared>>
        tpu.enqueue_dma source(%dma_start3A_236 : memref<112xf32, #tpu.memory_space<vmem_shared>>) target(%dma_start3A_235 : memref<112xf32, #tpu.memory_space<vmem>>) target_semaphore(%run_scoped3A : memref<!tpu.dma_semaphore, #tpu.memory_space<semaphore_mem>>)
        %dma_wait3A = arith.constant 336 : i32
        %dma_wait3A_237 = tpu.memref_slice %arg15[%dma_wait3A] : memref<1792xf32, #tpu.memory_space<vmem>> -> memref<112xf32, #tpu.memory_space<vmem>>
        %dma_wait3A_238 = tpu.memref_slice %arg19[%add3A_117] : memref<7168xf32, #tpu.memory_space<vmem_shared>> -> memref<112xf32, #tpu.memory_space<vmem_shared>>
        %dma_wait3A_239 = arith.constant 336 : i32
        %dma_wait3A_240 = tpu.memref_slice %arg15[%dma_wait3A_239] : memref<1792xf32, #tpu.memory_space<vmem>> -> memref<112xf32, #tpu.memory_space<vmem>>
        %dma_wait3A_241 = tpu.memref_slice %arg19[%add3A_117] : memref<7168xf32, #tpu.memory_space<vmem_shared>> -> memref<112xf32, #tpu.memory_space<vmem_shared>>
        tpu.wait_dma2 semaphore(%run_scoped3A : memref<!tpu.dma_semaphore, #tpu.memory_space<semaphore_mem>>) src(%dma_wait3A_241 : memref<112xf32, #tpu.memory_space<vmem_shared>>) dst(%dma_wait3A_240 : memref<112xf32, #tpu.memory_space<vmem>>)
        tpu.yield
      }) : () -> ()
      %mul3A_118 = arith.constant 112 : i32
      %mul3A_119 = arith.muli %arg1, %mul3A_118 : i32
      %add3A_120 = arith.constant 1344 : i32
      %add3A_121 = arith.addi %add3A_120, %mul3A_119 : i32
      "tpu.region"() ({
        %run_scoped3A = tpu.sem_alloc : memref<!tpu.dma_semaphore, #tpu.memory_space<semaphore_mem>>
        %dma_start3A = arith.constant 336 : i32
        %dma_start3A_232 = tpu.memref_slice %arg16[%dma_start3A] : memref<1792xi32, #tpu.memory_space<vmem>> -> memref<112xi32, #tpu.memory_space<vmem>>
        %dma_start3A_233 = tpu.memref_slice %arg20[%add3A_121] : memref<7168xi32, #tpu.memory_space<vmem_shared>> -> memref<112xi32, #tpu.memory_space<vmem_shared>>
        %dma_start3A_234 = arith.constant 336 : i32
        %dma_start3A_235 = tpu.memref_slice %arg16[%dma_start3A_234] : memref<1792xi32, #tpu.memory_space<vmem>> -> memref<112xi32, #tpu.memory_space<vmem>>
        %dma_start3A_236 = tpu.memref_slice %arg20[%add3A_121] : memref<7168xi32, #tpu.memory_space<vmem_shared>> -> memref<112xi32, #tpu.memory_space<vmem_shared>>
        tpu.enqueue_dma source(%dma_start3A_236 : memref<112xi32, #tpu.memory_space<vmem_shared>>) target(%dma_start3A_235 : memref<112xi32, #tpu.memory_space<vmem>>) target_semaphore(%run_scoped3A : memref<!tpu.dma_semaphore, #tpu.memory_space<semaphore_mem>>)
        %dma_wait3A = arith.constant 336 : i32
        %dma_wait3A_237 = tpu.memref_slice %arg16[%dma_wait3A] : memref<1792xi32, #tpu.memory_space<vmem>> -> memref<112xi32, #tpu.memory_space<vmem>>
        %dma_wait3A_238 = tpu.memref_slice %arg20[%add3A_121] : memref<7168xi32, #tpu.memory_space<vmem_shared>> -> memref<112xi32, #tpu.memory_space<vmem_shared>>
        %dma_wait3A_239 = arith.constant 336 : i32
        %dma_wait3A_240 = tpu.memref_slice %arg16[%dma_wait3A_239] : memref<1792xi32, #tpu.memory_space<vmem>> -> memref<112xi32, #tpu.memory_space<vmem>>
        %dma_wait3A_241 = tpu.memref_slice %arg20[%add3A_121] : memref<7168xi32, #tpu.memory_space<vmem_shared>> -> memref<112xi32, #tpu.memory_space<vmem_shared>>
        tpu.wait_dma2 semaphore(%run_scoped3A : memref<!tpu.dma_semaphore, #tpu.memory_space<semaphore_mem>>) src(%dma_wait3A_241 : memref<112xi32, #tpu.memory_space<vmem_shared>>) dst(%dma_wait3A_240 : memref<112xi32, #tpu.memory_space<vmem>>)
        tpu.yield
      }) : () -> ()
      %mul3A_122 = arith.constant 112 : i32
      %mul3A_123 = arith.muli %arg1, %mul3A_122 : i32
      %add3A_124 = arith.constant 1792 : i32
      %add3A_125 = arith.addi %add3A_124, %mul3A_123 : i32
      "tpu.region"() ({
        %run_scoped3A = tpu.sem_alloc : memref<!tpu.dma_semaphore, #tpu.memory_space<semaphore_mem>>
        %dma_start3A = arith.constant 448 : i32
        %dma_start3A_232 = tpu.memref_slice %arg15[%dma_start3A] : memref<1792xf32, #tpu.memory_space<vmem>> -> memref<112xf32, #tpu.memory_space<vmem>>
        %dma_start3A_233 = tpu.memref_slice %arg19[%add3A_125] : memref<7168xf32, #tpu.memory_space<vmem_shared>> -> memref<112xf32, #tpu.memory_space<vmem_shared>>
        %dma_start3A_234 = arith.constant 448 : i32
        %dma_start3A_235 = tpu.memref_slice %arg15[%dma_start3A_234] : memref<1792xf32, #tpu.memory_space<vmem>> -> memref<112xf32, #tpu.memory_space<vmem>>
        %dma_start3A_236 = tpu.memref_slice %arg19[%add3A_125] : memref<7168xf32, #tpu.memory_space<vmem_shared>> -> memref<112xf32, #tpu.memory_space<vmem_shared>>
        tpu.enqueue_dma source(%dma_start3A_236 : memref<112xf32, #tpu.memory_space<vmem_shared>>) target(%dma_start3A_235 : memref<112xf32, #tpu.memory_space<vmem>>) target_semaphore(%run_scoped3A : memref<!tpu.dma_semaphore, #tpu.memory_space<semaphore_mem>>)
        %dma_wait3A = arith.constant 448 : i32
        %dma_wait3A_237 = tpu.memref_slice %arg15[%dma_wait3A] : memref<1792xf32, #tpu.memory_space<vmem>> -> memref<112xf32, #tpu.memory_space<vmem>>
        %dma_wait3A_238 = tpu.memref_slice %arg19[%add3A_125] : memref<7168xf32, #tpu.memory_space<vmem_shared>> -> memref<112xf32, #tpu.memory_space<vmem_shared>>
        %dma_wait3A_239 = arith.constant 448 : i32
        %dma_wait3A_240 = tpu.memref_slice %arg15[%dma_wait3A_239] : memref<1792xf32, #tpu.memory_space<vmem>> -> memref<112xf32, #tpu.memory_space<vmem>>
        %dma_wait3A_241 = tpu.memref_slice %arg19[%add3A_125] : memref<7168xf32, #tpu.memory_space<vmem_shared>> -> memref<112xf32, #tpu.memory_space<vmem_shared>>
        tpu.wait_dma2 semaphore(%run_scoped3A : memref<!tpu.dma_semaphore, #tpu.memory_space<semaphore_mem>>) src(%dma_wait3A_241 : memref<112xf32, #tpu.memory_space<vmem_shared>>) dst(%dma_wait3A_240 : memref<112xf32, #tpu.memory_space<vmem>>)
        tpu.yield
      }) : () -> ()
      %mul3A_126 = arith.constant 112 : i32
      %mul3A_127 = arith.muli %arg1, %mul3A_126 : i32
      %add3A_128 = arith.constant 1792 : i32
      %add3A_129 = arith.addi %add3A_128, %mul3A_127 : i32
      "tpu.region"() ({
        %run_scoped3A = tpu.sem_alloc : memref<!tpu.dma_semaphore, #tpu.memory_space<semaphore_mem>>
        %dma_start3A = arith.constant 448 : i32
        %dma_start3A_232 = tpu.memref_slice %arg16[%dma_start3A] : memref<1792xi32, #tpu.memory_space<vmem>> -> memref<112xi32, #tpu.memory_space<vmem>>
        %dma_start3A_233 = tpu.memref_slice %arg20[%add3A_129] : memref<7168xi32, #tpu.memory_space<vmem_shared>> -> memref<112xi32, #tpu.memory_space<vmem_shared>>
        %dma_start3A_234 = arith.constant 448 : i32
        %dma_start3A_235 = tpu.memref_slice %arg16[%dma_start3A_234] : memref<1792xi32, #tpu.memory_space<vmem>> -> memref<112xi32, #tpu.memory_space<vmem>>
        %dma_start3A_236 = tpu.memref_slice %arg20[%add3A_129] : memref<7168xi32, #tpu.memory_space<vmem_shared>> -> memref<112xi32, #tpu.memory_space<vmem_shared>>
        tpu.enqueue_dma source(%dma_start3A_236 : memref<112xi32, #tpu.memory_space<vmem_shared>>) target(%dma_start3A_235 : memref<112xi32, #tpu.memory_space<vmem>>) target_semaphore(%run_scoped3A : memref<!tpu.dma_semaphore, #tpu.memory_space<semaphore_mem>>)
        %dma_wait3A = arith.constant 448 : i32
        %dma_wait3A_237 = tpu.memref_slice %arg16[%dma_wait3A] : memref<1792xi32, #tpu.memory_space<vmem>> -> memref<112xi32, #tpu.memory_space<vmem>>
        %dma_wait3A_238 = tpu.memref_slice %arg20[%add3A_129] : memref<7168xi32, #tpu.memory_space<vmem_shared>> -> memref<112xi32, #tpu.memory_space<vmem_shared>>
        %dma_wait3A_239 = arith.constant 448 : i32
        %dma_wait3A_240 = tpu.memref_slice %arg16[%dma_wait3A_239] : memref<1792xi32, #tpu.memory_space<vmem>> -> memref<112xi32, #tpu.memory_space<vmem>>
        %dma_wait3A_241 = tpu.memref_slice %arg20[%add3A_129] : memref<7168xi32, #tpu.memory_space<vmem_shared>> -> memref<112xi32, #tpu.memory_space<vmem_shared>>
        tpu.wait_dma2 semaphore(%run_scoped3A : memref<!tpu.dma_semaphore, #tpu.memory_space<semaphore_mem>>) src(%dma_wait3A_241 : memref<112xi32, #tpu.memory_space<vmem_shared>>) dst(%dma_wait3A_240 : memref<112xi32, #tpu.memory_space<vmem>>)
        tpu.yield
      }) : () -> ()
      %mul3A_130 = arith.constant 112 : i32
      %mul3A_131 = arith.muli %arg1, %mul3A_130 : i32
      %add3A_132 = arith.constant 2240 : i32
      %add3A_133 = arith.addi %add3A_132, %mul3A_131 : i32
      "tpu.region"() ({
        %run_scoped3A = tpu.sem_alloc : memref<!tpu.dma_semaphore, #tpu.memory_space<semaphore_mem>>
        %dma_start3A = arith.constant 560 : i32
        %dma_start3A_232 = tpu.memref_slice %arg15[%dma_start3A] : memref<1792xf32, #tpu.memory_space<vmem>> -> memref<112xf32, #tpu.memory_space<vmem>>
        %dma_start3A_233 = tpu.memref_slice %arg19[%add3A_133] : memref<7168xf32, #tpu.memory_space<vmem_shared>> -> memref<112xf32, #tpu.memory_space<vmem_shared>>
        %dma_start3A_234 = arith.constant 560 : i32
        %dma_start3A_235 = tpu.memref_slice %arg15[%dma_start3A_234] : memref<1792xf32, #tpu.memory_space<vmem>> -> memref<112xf32, #tpu.memory_space<vmem>>
        %dma_start3A_236 = tpu.memref_slice %arg19[%add3A_133] : memref<7168xf32, #tpu.memory_space<vmem_shared>> -> memref<112xf32, #tpu.memory_space<vmem_shared>>
        tpu.enqueue_dma source(%dma_start3A_236 : memref<112xf32, #tpu.memory_space<vmem_shared>>) target(%dma_start3A_235 : memref<112xf32, #tpu.memory_space<vmem>>) target_semaphore(%run_scoped3A : memref<!tpu.dma_semaphore, #tpu.memory_space<semaphore_mem>>)
        %dma_wait3A = arith.constant 560 : i32
        %dma_wait3A_237 = tpu.memref_slice %arg15[%dma_wait3A] : memref<1792xf32, #tpu.memory_space<vmem>> -> memref<112xf32, #tpu.memory_space<vmem>>
        %dma_wait3A_238 = tpu.memref_slice %arg19[%add3A_133] : memref<7168xf32, #tpu.memory_space<vmem_shared>> -> memref<112xf32, #tpu.memory_space<vmem_shared>>
        %dma_wait3A_239 = arith.constant 560 : i32
        %dma_wait3A_240 = tpu.memref_slice %arg15[%dma_wait3A_239] : memref<1792xf32, #tpu.memory_space<vmem>> -> memref<112xf32, #tpu.memory_space<vmem>>
        %dma_wait3A_241 = tpu.memref_slice %arg19[%add3A_133] : memref<7168xf32, #tpu.memory_space<vmem_shared>> -> memref<112xf32, #tpu.memory_space<vmem_shared>>
        tpu.wait_dma2 semaphore(%run_scoped3A : memref<!tpu.dma_semaphore, #tpu.memory_space<semaphore_mem>>) src(%dma_wait3A_241 : memref<112xf32, #tpu.memory_space<vmem_shared>>) dst(%dma_wait3A_240 : memref<112xf32, #tpu.memory_space<vmem>>)
        tpu.yield
      }) : () -> ()
      %mul3A_134 = arith.constant 112 : i32
      %mul3A_135 = arith.muli %arg1, %mul3A_134 : i32
      %add3A_136 = arith.constant 2240 : i32
      %add3A_137 = arith.addi %add3A_136, %mul3A_135 : i32
      "tpu.region"() ({
        %run_scoped3A = tpu.sem_alloc : memref<!tpu.dma_semaphore, #tpu.memory_space<semaphore_mem>>
        %dma_start3A = arith.constant 560 : i32
        %dma_start3A_232 = tpu.memref_slice %arg16[%dma_start3A] : memref<1792xi32, #tpu.memory_space<vmem>> -> memref<112xi32, #tpu.memory_space<vmem>>
        %dma_start3A_233 = tpu.memref_slice %arg20[%add3A_137] : memref<7168xi32, #tpu.memory_space<vmem_shared>> -> memref<112xi32, #tpu.memory_space<vmem_shared>>
        %dma_start3A_234 = arith.constant 560 : i32
        %dma_start3A_235 = tpu.memref_slice %arg16[%dma_start3A_234] : memref<1792xi32, #tpu.memory_space<vmem>> -> memref<112xi32, #tpu.memory_space<vmem>>
        %dma_start3A_236 = tpu.memref_slice %arg20[%add3A_137] : memref<7168xi32, #tpu.memory_space<vmem_shared>> -> memref<112xi32, #tpu.memory_space<vmem_shared>>
        tpu.enqueue_dma source(%dma_start3A_236 : memref<112xi32, #tpu.memory_space<vmem_shared>>) target(%dma_start3A_235 : memref<112xi32, #tpu.memory_space<vmem>>) target_semaphore(%run_scoped3A : memref<!tpu.dma_semaphore, #tpu.memory_space<semaphore_mem>>)
        %dma_wait3A = arith.constant 560 : i32
        %dma_wait3A_237 = tpu.memref_slice %arg16[%dma_wait3A] : memref<1792xi32, #tpu.memory_space<vmem>> -> memref<112xi32, #tpu.memory_space<vmem>>
        %dma_wait3A_238 = tpu.memref_slice %arg20[%add3A_137] : memref<7168xi32, #tpu.memory_space<vmem_shared>> -> memref<112xi32, #tpu.memory_space<vmem_shared>>
        %dma_wait3A_239 = arith.constant 560 : i32
        %dma_wait3A_240 = tpu.memref_slice %arg16[%dma_wait3A_239] : memref<1792xi32, #tpu.memory_space<vmem>> -> memref<112xi32, #tpu.memory_space<vmem>>
        %dma_wait3A_241 = tpu.memref_slice %arg20[%add3A_137] : memref<7168xi32, #tpu.memory_space<vmem_shared>> -> memref<112xi32, #tpu.memory_space<vmem_shared>>
        tpu.wait_dma2 semaphore(%run_scoped3A : memref<!tpu.dma_semaphore, #tpu.memory_space<semaphore_mem>>) src(%dma_wait3A_241 : memref<112xi32, #tpu.memory_space<vmem_shared>>) dst(%dma_wait3A_240 : memref<112xi32, #tpu.memory_space<vmem>>)
        tpu.yield
      }) : () -> ()
      %mul3A_138 = arith.constant 112 : i32
      %mul3A_139 = arith.muli %arg1, %mul3A_138 : i32
      %add3A_140 = arith.constant 2688 : i32
      %add3A_141 = arith.addi %add3A_140, %mul3A_139 : i32
      "tpu.region"() ({
        %run_scoped3A = tpu.sem_alloc : memref<!tpu.dma_semaphore, #tpu.memory_space<semaphore_mem>>
        %dma_start3A = arith.constant 672 : i32
        %dma_start3A_232 = tpu.memref_slice %arg15[%dma_start3A] : memref<1792xf32, #tpu.memory_space<vmem>> -> memref<112xf32, #tpu.memory_space<vmem>>
        %dma_start3A_233 = tpu.memref_slice %arg19[%add3A_141] : memref<7168xf32, #tpu.memory_space<vmem_shared>> -> memref<112xf32, #tpu.memory_space<vmem_shared>>
        %dma_start3A_234 = arith.constant 672 : i32
        %dma_start3A_235 = tpu.memref_slice %arg15[%dma_start3A_234] : memref<1792xf32, #tpu.memory_space<vmem>> -> memref<112xf32, #tpu.memory_space<vmem>>
        %dma_start3A_236 = tpu.memref_slice %arg19[%add3A_141] : memref<7168xf32, #tpu.memory_space<vmem_shared>> -> memref<112xf32, #tpu.memory_space<vmem_shared>>
        tpu.enqueue_dma source(%dma_start3A_236 : memref<112xf32, #tpu.memory_space<vmem_shared>>) target(%dma_start3A_235 : memref<112xf32, #tpu.memory_space<vmem>>) target_semaphore(%run_scoped3A : memref<!tpu.dma_semaphore, #tpu.memory_space<semaphore_mem>>)
        %dma_wait3A = arith.constant 672 : i32
        %dma_wait3A_237 = tpu.memref_slice %arg15[%dma_wait3A] : memref<1792xf32, #tpu.memory_space<vmem>> -> memref<112xf32, #tpu.memory_space<vmem>>
        %dma_wait3A_238 = tpu.memref_slice %arg19[%add3A_141] : memref<7168xf32, #tpu.memory_space<vmem_shared>> -> memref<112xf32, #tpu.memory_space<vmem_shared>>
        %dma_wait3A_239 = arith.constant 672 : i32
        %dma_wait3A_240 = tpu.memref_slice %arg15[%dma_wait3A_239] : memref<1792xf32, #tpu.memory_space<vmem>> -> memref<112xf32, #tpu.memory_space<vmem>>
        %dma_wait3A_241 = tpu.memref_slice %arg19[%add3A_141] : memref<7168xf32, #tpu.memory_space<vmem_shared>> -> memref<112xf32, #tpu.memory_space<vmem_shared>>
        tpu.wait_dma2 semaphore(%run_scoped3A : memref<!tpu.dma_semaphore, #tpu.memory_space<semaphore_mem>>) src(%dma_wait3A_241 : memref<112xf32, #tpu.memory_space<vmem_shared>>) dst(%dma_wait3A_240 : memref<112xf32, #tpu.memory_space<vmem>>)
        tpu.yield
      }) : () -> ()
      %mul3A_142 = arith.constant 112 : i32
      %mul3A_143 = arith.muli %arg1, %mul3A_142 : i32
      %add3A_144 = arith.constant 2688 : i32
      %add3A_145 = arith.addi %add3A_144, %mul3A_143 : i32
      "tpu.region"() ({
        %run_scoped3A = tpu.sem_alloc : memref<!tpu.dma_semaphore, #tpu.memory_space<semaphore_mem>>
        %dma_start3A = arith.constant 672 : i32
        %dma_start3A_232 = tpu.memref_slice %arg16[%dma_start3A] : memref<1792xi32, #tpu.memory_space<vmem>> -> memref<112xi32, #tpu.memory_space<vmem>>
        %dma_start3A_233 = tpu.memref_slice %arg20[%add3A_145] : memref<7168xi32, #tpu.memory_space<vmem_shared>> -> memref<112xi32, #tpu.memory_space<vmem_shared>>
        %dma_start3A_234 = arith.constant 672 : i32
        %dma_start3A_235 = tpu.memref_slice %arg16[%dma_start3A_234] : memref<1792xi32, #tpu.memory_space<vmem>> -> memref<112xi32, #tpu.memory_space<vmem>>
        %dma_start3A_236 = tpu.memref_slice %arg20[%add3A_145] : memref<7168xi32, #tpu.memory_space<vmem_shared>> -> memref<112xi32, #tpu.memory_space<vmem_shared>>
        tpu.enqueue_dma source(%dma_start3A_236 : memref<112xi32, #tpu.memory_space<vmem_shared>>) target(%dma_start3A_235 : memref<112xi32, #tpu.memory_space<vmem>>) target_semaphore(%run_scoped3A : memref<!tpu.dma_semaphore, #tpu.memory_space<semaphore_mem>>)
        %dma_wait3A = arith.constant 672 : i32
        %dma_wait3A_237 = tpu.memref_slice %arg16[%dma_wait3A] : memref<1792xi32, #tpu.memory_space<vmem>> -> memref<112xi32, #tpu.memory_space<vmem>>
        %dma_wait3A_238 = tpu.memref_slice %arg20[%add3A_145] : memref<7168xi32, #tpu.memory_space<vmem_shared>> -> memref<112xi32, #tpu.memory_space<vmem_shared>>
        %dma_wait3A_239 = arith.constant 672 : i32
        %dma_wait3A_240 = tpu.memref_slice %arg16[%dma_wait3A_239] : memref<1792xi32, #tpu.memory_space<vmem>> -> memref<112xi32, #tpu.memory_space<vmem>>
        %dma_wait3A_241 = tpu.memref_slice %arg20[%add3A_145] : memref<7168xi32, #tpu.memory_space<vmem_shared>> -> memref<112xi32, #tpu.memory_space<vmem_shared>>
        tpu.wait_dma2 semaphore(%run_scoped3A : memref<!tpu.dma_semaphore, #tpu.memory_space<semaphore_mem>>) src(%dma_wait3A_241 : memref<112xi32, #tpu.memory_space<vmem_shared>>) dst(%dma_wait3A_240 : memref<112xi32, #tpu.memory_space<vmem>>)
        tpu.yield
      }) : () -> ()
      %mul3A_146 = arith.constant 112 : i32
      %mul3A_147 = arith.muli %arg1, %mul3A_146 : i32
      %add3A_148 = arith.constant 3136 : i32
      %add3A_149 = arith.addi %add3A_148, %mul3A_147 : i32
      "tpu.region"() ({
        %run_scoped3A = tpu.sem_alloc : memref<!tpu.dma_semaphore, #tpu.memory_space<semaphore_mem>>
        %dma_start3A = arith.constant 784 : i32
        %dma_start3A_232 = tpu.memref_slice %arg15[%dma_start3A] : memref<1792xf32, #tpu.memory_space<vmem>> -> memref<112xf32, #tpu.memory_space<vmem>>
        %dma_start3A_233 = tpu.memref_slice %arg19[%add3A_149] : memref<7168xf32, #tpu.memory_space<vmem_shared>> -> memref<112xf32, #tpu.memory_space<vmem_shared>>
        %dma_start3A_234 = arith.constant 784 : i32
        %dma_start3A_235 = tpu.memref_slice %arg15[%dma_start3A_234] : memref<1792xf32, #tpu.memory_space<vmem>> -> memref<112xf32, #tpu.memory_space<vmem>>
        %dma_start3A_236 = tpu.memref_slice %arg19[%add3A_149] : memref<7168xf32, #tpu.memory_space<vmem_shared>> -> memref<112xf32, #tpu.memory_space<vmem_shared>>
        tpu.enqueue_dma source(%dma_start3A_236 : memref<112xf32, #tpu.memory_space<vmem_shared>>) target(%dma_start3A_235 : memref<112xf32, #tpu.memory_space<vmem>>) target_semaphore(%run_scoped3A : memref<!tpu.dma_semaphore, #tpu.memory_space<semaphore_mem>>)
        %dma_wait3A = arith.constant 784 : i32
        %dma_wait3A_237 = tpu.memref_slice %arg15[%dma_wait3A] : memref<1792xf32, #tpu.memory_space<vmem>> -> memref<112xf32, #tpu.memory_space<vmem>>
        %dma_wait3A_238 = tpu.memref_slice %arg19[%add3A_149] : memref<7168xf32, #tpu.memory_space<vmem_shared>> -> memref<112xf32, #tpu.memory_space<vmem_shared>>
        %dma_wait3A_239 = arith.constant 784 : i32
        %dma_wait3A_240 = tpu.memref_slice %arg15[%dma_wait3A_239] : memref<1792xf32, #tpu.memory_space<vmem>> -> memref<112xf32, #tpu.memory_space<vmem>>
        %dma_wait3A_241 = tpu.memref_slice %arg19[%add3A_149] : memref<7168xf32, #tpu.memory_space<vmem_shared>> -> memref<112xf32, #tpu.memory_space<vmem_shared>>
        tpu.wait_dma2 semaphore(%run_scoped3A : memref<!tpu.dma_semaphore, #tpu.memory_space<semaphore_mem>>) src(%dma_wait3A_241 : memref<112xf32, #tpu.memory_space<vmem_shared>>) dst(%dma_wait3A_240 : memref<112xf32, #tpu.memory_space<vmem>>)
        tpu.yield
      }) : () -> ()
      %mul3A_150 = arith.constant 112 : i32
      %mul3A_151 = arith.muli %arg1, %mul3A_150 : i32
      %add3A_152 = arith.constant 3136 : i32
      %add3A_153 = arith.addi %add3A_152, %mul3A_151 : i32
      "tpu.region"() ({
        %run_scoped3A = tpu.sem_alloc : memref<!tpu.dma_semaphore, #tpu.memory_space<semaphore_mem>>
        %dma_start3A = arith.constant 784 : i32
        %dma_start3A_232 = tpu.memref_slice %arg16[%dma_start3A] : memref<1792xi32, #tpu.memory_space<vmem>> -> memref<112xi32, #tpu.memory_space<vmem>>
        %dma_start3A_233 = tpu.memref_slice %arg20[%add3A_153] : memref<7168xi32, #tpu.memory_space<vmem_shared>> -> memref<112xi32, #tpu.memory_space<vmem_shared>>
        %dma_start3A_234 = arith.constant 784 : i32
        %dma_start3A_235 = tpu.memref_slice %arg16[%dma_start3A_234] : memref<1792xi32, #tpu.memory_space<vmem>> -> memref<112xi32, #tpu.memory_space<vmem>>
        %dma_start3A_236 = tpu.memref_slice %arg20[%add3A_153] : memref<7168xi32, #tpu.memory_space<vmem_shared>> -> memref<112xi32, #tpu.memory_space<vmem_shared>>
        tpu.enqueue_dma source(%dma_start3A_236 : memref<112xi32, #tpu.memory_space<vmem_shared>>) target(%dma_start3A_235 : memref<112xi32, #tpu.memory_space<vmem>>) target_semaphore(%run_scoped3A : memref<!tpu.dma_semaphore, #tpu.memory_space<semaphore_mem>>)
        %dma_wait3A = arith.constant 784 : i32
        %dma_wait3A_237 = tpu.memref_slice %arg16[%dma_wait3A] : memref<1792xi32, #tpu.memory_space<vmem>> -> memref<112xi32, #tpu.memory_space<vmem>>
        %dma_wait3A_238 = tpu.memref_slice %arg20[%add3A_153] : memref<7168xi32, #tpu.memory_space<vmem_shared>> -> memref<112xi32, #tpu.memory_space<vmem_shared>>
        %dma_wait3A_239 = arith.constant 784 : i32
        %dma_wait3A_240 = tpu.memref_slice %arg16[%dma_wait3A_239] : memref<1792xi32, #tpu.memory_space<vmem>> -> memref<112xi32, #tpu.memory_space<vmem>>
        %dma_wait3A_241 = tpu.memref_slice %arg20[%add3A_153] : memref<7168xi32, #tpu.memory_space<vmem_shared>> -> memref<112xi32, #tpu.memory_space<vmem_shared>>
        tpu.wait_dma2 semaphore(%run_scoped3A : memref<!tpu.dma_semaphore, #tpu.memory_space<semaphore_mem>>) src(%dma_wait3A_241 : memref<112xi32, #tpu.memory_space<vmem_shared>>) dst(%dma_wait3A_240 : memref<112xi32, #tpu.memory_space<vmem>>)
        tpu.yield
      }) : () -> ()
      %mul3A_154 = arith.constant 112 : i32
      %mul3A_155 = arith.muli %arg1, %mul3A_154 : i32
      %add3A_156 = arith.constant 3584 : i32
      %add3A_157 = arith.addi %add3A_156, %mul3A_155 : i32
      "tpu.region"() ({
        %run_scoped3A = tpu.sem_alloc : memref<!tpu.dma_semaphore, #tpu.memory_space<semaphore_mem>>
        %dma_start3A = arith.constant 896 : i32
        %dma_start3A_232 = tpu.memref_slice %arg15[%dma_start3A] : memref<1792xf32, #tpu.memory_space<vmem>> -> memref<112xf32, #tpu.memory_space<vmem>>
        %dma_start3A_233 = tpu.memref_slice %arg19[%add3A_157] : memref<7168xf32, #tpu.memory_space<vmem_shared>> -> memref<112xf32, #tpu.memory_space<vmem_shared>>
        %dma_start3A_234 = arith.constant 896 : i32
        %dma_start3A_235 = tpu.memref_slice %arg15[%dma_start3A_234] : memref<1792xf32, #tpu.memory_space<vmem>> -> memref<112xf32, #tpu.memory_space<vmem>>
        %dma_start3A_236 = tpu.memref_slice %arg19[%add3A_157] : memref<7168xf32, #tpu.memory_space<vmem_shared>> -> memref<112xf32, #tpu.memory_space<vmem_shared>>
        tpu.enqueue_dma source(%dma_start3A_236 : memref<112xf32, #tpu.memory_space<vmem_shared>>) target(%dma_start3A_235 : memref<112xf32, #tpu.memory_space<vmem>>) target_semaphore(%run_scoped3A : memref<!tpu.dma_semaphore, #tpu.memory_space<semaphore_mem>>)
        %dma_wait3A = arith.constant 896 : i32
        %dma_wait3A_237 = tpu.memref_slice %arg15[%dma_wait3A] : memref<1792xf32, #tpu.memory_space<vmem>> -> memref<112xf32, #tpu.memory_space<vmem>>
        %dma_wait3A_238 = tpu.memref_slice %arg19[%add3A_157] : memref<7168xf32, #tpu.memory_space<vmem_shared>> -> memref<112xf32, #tpu.memory_space<vmem_shared>>
        %dma_wait3A_239 = arith.constant 896 : i32
        %dma_wait3A_240 = tpu.memref_slice %arg15[%dma_wait3A_239] : memref<1792xf32, #tpu.memory_space<vmem>> -> memref<112xf32, #tpu.memory_space<vmem>>
        %dma_wait3A_241 = tpu.memref_slice %arg19[%add3A_157] : memref<7168xf32, #tpu.memory_space<vmem_shared>> -> memref<112xf32, #tpu.memory_space<vmem_shared>>
        tpu.wait_dma2 semaphore(%run_scoped3A : memref<!tpu.dma_semaphore, #tpu.memory_space<semaphore_mem>>) src(%dma_wait3A_241 : memref<112xf32, #tpu.memory_space<vmem_shared>>) dst(%dma_wait3A_240 : memref<112xf32, #tpu.memory_space<vmem>>)
        tpu.yield
      }) : () -> ()
      %mul3A_158 = arith.constant 112 : i32
      %mul3A_159 = arith.muli %arg1, %mul3A_158 : i32
      %add3A_160 = arith.constant 3584 : i32
      %add3A_161 = arith.addi %add3A_160, %mul3A_159 : i32
      "tpu.region"() ({
        %run_scoped3A = tpu.sem_alloc : memref<!tpu.dma_semaphore, #tpu.memory_space<semaphore_mem>>
        %dma_start3A = arith.constant 896 : i32
        %dma_start3A_232 = tpu.memref_slice %arg16[%dma_start3A] : memref<1792xi32, #tpu.memory_space<vmem>> -> memref<112xi32, #tpu.memory_space<vmem>>
        %dma_start3A_233 = tpu.memref_slice %arg20[%add3A_161] : memref<7168xi32, #tpu.memory_space<vmem_shared>> -> memref<112xi32, #tpu.memory_space<vmem_shared>>
        %dma_start3A_234 = arith.constant 896 : i32
        %dma_start3A_235 = tpu.memref_slice %arg16[%dma_start3A_234] : memref<1792xi32, #tpu.memory_space<vmem>> -> memref<112xi32, #tpu.memory_space<vmem>>
        %dma_start3A_236 = tpu.memref_slice %arg20[%add3A_161] : memref<7168xi32, #tpu.memory_space<vmem_shared>> -> memref<112xi32, #tpu.memory_space<vmem_shared>>
        tpu.enqueue_dma source(%dma_start3A_236 : memref<112xi32, #tpu.memory_space<vmem_shared>>) target(%dma_start3A_235 : memref<112xi32, #tpu.memory_space<vmem>>) target_semaphore(%run_scoped3A : memref<!tpu.dma_semaphore, #tpu.memory_space<semaphore_mem>>)
        %dma_wait3A = arith.constant 896 : i32
        %dma_wait3A_237 = tpu.memref_slice %arg16[%dma_wait3A] : memref<1792xi32, #tpu.memory_space<vmem>> -> memref<112xi32, #tpu.memory_space<vmem>>
        %dma_wait3A_238 = tpu.memref_slice %arg20[%add3A_161] : memref<7168xi32, #tpu.memory_space<vmem_shared>> -> memref<112xi32, #tpu.memory_space<vmem_shared>>
        %dma_wait3A_239 = arith.constant 896 : i32
        %dma_wait3A_240 = tpu.memref_slice %arg16[%dma_wait3A_239] : memref<1792xi32, #tpu.memory_space<vmem>> -> memref<112xi32, #tpu.memory_space<vmem>>
        %dma_wait3A_241 = tpu.memref_slice %arg20[%add3A_161] : memref<7168xi32, #tpu.memory_space<vmem_shared>> -> memref<112xi32, #tpu.memory_space<vmem_shared>>
        tpu.wait_dma2 semaphore(%run_scoped3A : memref<!tpu.dma_semaphore, #tpu.memory_space<semaphore_mem>>) src(%dma_wait3A_241 : memref<112xi32, #tpu.memory_space<vmem_shared>>) dst(%dma_wait3A_240 : memref<112xi32, #tpu.memory_space<vmem>>)
        tpu.yield
      }) : () -> ()
      %mul3A_162 = arith.constant 112 : i32
      %mul3A_163 = arith.muli %arg1, %mul3A_162 : i32
      %add3A_164 = arith.constant 4032 : i32
      %add3A_165 = arith.addi %add3A_164, %mul3A_163 : i32
      "tpu.region"() ({
        %run_scoped3A = tpu.sem_alloc : memref<!tpu.dma_semaphore, #tpu.memory_space<semaphore_mem>>
        %dma_start3A = arith.constant 1008 : i32
        %dma_start3A_232 = tpu.memref_slice %arg15[%dma_start3A] : memref<1792xf32, #tpu.memory_space<vmem>> -> memref<112xf32, #tpu.memory_space<vmem>>
        %dma_start3A_233 = tpu.memref_slice %arg19[%add3A_165] : memref<7168xf32, #tpu.memory_space<vmem_shared>> -> memref<112xf32, #tpu.memory_space<vmem_shared>>
        %dma_start3A_234 = arith.constant 1008 : i32
        %dma_start3A_235 = tpu.memref_slice %arg15[%dma_start3A_234] : memref<1792xf32, #tpu.memory_space<vmem>> -> memref<112xf32, #tpu.memory_space<vmem>>
        %dma_start3A_236 = tpu.memref_slice %arg19[%add3A_165] : memref<7168xf32, #tpu.memory_space<vmem_shared>> -> memref<112xf32, #tpu.memory_space<vmem_shared>>
        tpu.enqueue_dma source(%dma_start3A_236 : memref<112xf32, #tpu.memory_space<vmem_shared>>) target(%dma_start3A_235 : memref<112xf32, #tpu.memory_space<vmem>>) target_semaphore(%run_scoped3A : memref<!tpu.dma_semaphore, #tpu.memory_space<semaphore_mem>>)
        %dma_wait3A = arith.constant 1008 : i32
        %dma_wait3A_237 = tpu.memref_slice %arg15[%dma_wait3A] : memref<1792xf32, #tpu.memory_space<vmem>> -> memref<112xf32, #tpu.memory_space<vmem>>
        %dma_wait3A_238 = tpu.memref_slice %arg19[%add3A_165] : memref<7168xf32, #tpu.memory_space<vmem_shared>> -> memref<112xf32, #tpu.memory_space<vmem_shared>>
        %dma_wait3A_239 = arith.constant 1008 : i32
        %dma_wait3A_240 = tpu.memref_slice %arg15[%dma_wait3A_239] : memref<1792xf32, #tpu.memory_space<vmem>> -> memref<112xf32, #tpu.memory_space<vmem>>
        %dma_wait3A_241 = tpu.memref_slice %arg19[%add3A_165] : memref<7168xf32, #tpu.memory_space<vmem_shared>> -> memref<112xf32, #tpu.memory_space<vmem_shared>>
        tpu.wait_dma2 semaphore(%run_scoped3A : memref<!tpu.dma_semaphore, #tpu.memory_space<semaphore_mem>>) src(%dma_wait3A_241 : memref<112xf32, #tpu.memory_space<vmem_shared>>) dst(%dma_wait3A_240 : memref<112xf32, #tpu.memory_space<vmem>>)
        tpu.yield
      }) : () -> ()
      %mul3A_166 = arith.constant 112 : i32
      %mul3A_167 = arith.muli %arg1, %mul3A_166 : i32
      %add3A_168 = arith.constant 4032 : i32
      %add3A_169 = arith.addi %add3A_168, %mul3A_167 : i32
      "tpu.region"() ({
        %run_scoped3A = tpu.sem_alloc : memref<!tpu.dma_semaphore, #tpu.memory_space<semaphore_mem>>
        %dma_start3A = arith.constant 1008 : i32
        %dma_start3A_232 = tpu.memref_slice %arg16[%dma_start3A] : memref<1792xi32, #tpu.memory_space<vmem>> -> memref<112xi32, #tpu.memory_space<vmem>>
        %dma_start3A_233 = tpu.memref_slice %arg20[%add3A_169] : memref<7168xi32, #tpu.memory_space<vmem_shared>> -> memref<112xi32, #tpu.memory_space<vmem_shared>>
        %dma_start3A_234 = arith.constant 1008 : i32
        %dma_start3A_235 = tpu.memref_slice %arg16[%dma_start3A_234] : memref<1792xi32, #tpu.memory_space<vmem>> -> memref<112xi32, #tpu.memory_space<vmem>>
        %dma_start3A_236 = tpu.memref_slice %arg20[%add3A_169] : memref<7168xi32, #tpu.memory_space<vmem_shared>> -> memref<112xi32, #tpu.memory_space<vmem_shared>>
        tpu.enqueue_dma source(%dma_start3A_236 : memref<112xi32, #tpu.memory_space<vmem_shared>>) target(%dma_start3A_235 : memref<112xi32, #tpu.memory_space<vmem>>) target_semaphore(%run_scoped3A : memref<!tpu.dma_semaphore, #tpu.memory_space<semaphore_mem>>)
        %dma_wait3A = arith.constant 1008 : i32
        %dma_wait3A_237 = tpu.memref_slice %arg16[%dma_wait3A] : memref<1792xi32, #tpu.memory_space<vmem>> -> memref<112xi32, #tpu.memory_space<vmem>>
        %dma_wait3A_238 = tpu.memref_slice %arg20[%add3A_169] : memref<7168xi32, #tpu.memory_space<vmem_shared>> -> memref<112xi32, #tpu.memory_space<vmem_shared>>
        %dma_wait3A_239 = arith.constant 1008 : i32
        %dma_wait3A_240 = tpu.memref_slice %arg16[%dma_wait3A_239] : memref<1792xi32, #tpu.memory_space<vmem>> -> memref<112xi32, #tpu.memory_space<vmem>>
        %dma_wait3A_241 = tpu.memref_slice %arg20[%add3A_169] : memref<7168xi32, #tpu.memory_space<vmem_shared>> -> memref<112xi32, #tpu.memory_space<vmem_shared>>
        tpu.wait_dma2 semaphore(%run_scoped3A : memref<!tpu.dma_semaphore, #tpu.memory_space<semaphore_mem>>) src(%dma_wait3A_241 : memref<112xi32, #tpu.memory_space<vmem_shared>>) dst(%dma_wait3A_240 : memref<112xi32, #tpu.memory_space<vmem>>)
        tpu.yield
      }) : () -> ()
      %mul3A_170 = arith.constant 112 : i32
      %mul3A_171 = arith.muli %arg1, %mul3A_170 : i32
      %add3A_172 = arith.constant 4480 : i32
      %add3A_173 = arith.addi %add3A_172, %mul3A_171 : i32
      "tpu.region"() ({
        %run_scoped3A = tpu.sem_alloc : memref<!tpu.dma_semaphore, #tpu.memory_space<semaphore_mem>>
        %dma_start3A = arith.constant 1120 : i32
        %dma_start3A_232 = tpu.memref_slice %arg15[%dma_start3A] : memref<1792xf32, #tpu.memory_space<vmem>> -> memref<112xf32, #tpu.memory_space<vmem>>
        %dma_start3A_233 = tpu.memref_slice %arg19[%add3A_173] : memref<7168xf32, #tpu.memory_space<vmem_shared>> -> memref<112xf32, #tpu.memory_space<vmem_shared>>
        %dma_start3A_234 = arith.constant 1120 : i32
        %dma_start3A_235 = tpu.memref_slice %arg15[%dma_start3A_234] : memref<1792xf32, #tpu.memory_space<vmem>> -> memref<112xf32, #tpu.memory_space<vmem>>
        %dma_start3A_236 = tpu.memref_slice %arg19[%add3A_173] : memref<7168xf32, #tpu.memory_space<vmem_shared>> -> memref<112xf32, #tpu.memory_space<vmem_shared>>
        tpu.enqueue_dma source(%dma_start3A_236 : memref<112xf32, #tpu.memory_space<vmem_shared>>) target(%dma_start3A_235 : memref<112xf32, #tpu.memory_space<vmem>>) target_semaphore(%run_scoped3A : memref<!tpu.dma_semaphore, #tpu.memory_space<semaphore_mem>>)
        %dma_wait3A = arith.constant 1120 : i32
        %dma_wait3A_237 = tpu.memref_slice %arg15[%dma_wait3A] : memref<1792xf32, #tpu.memory_space<vmem>> -> memref<112xf32, #tpu.memory_space<vmem>>
        %dma_wait3A_238 = tpu.memref_slice %arg19[%add3A_173] : memref<7168xf32, #tpu.memory_space<vmem_shared>> -> memref<112xf32, #tpu.memory_space<vmem_shared>>
        %dma_wait3A_239 = arith.constant 1120 : i32
        %dma_wait3A_240 = tpu.memref_slice %arg15[%dma_wait3A_239] : memref<1792xf32, #tpu.memory_space<vmem>> -> memref<112xf32, #tpu.memory_space<vmem>>
        %dma_wait3A_241 = tpu.memref_slice %arg19[%add3A_173] : memref<7168xf32, #tpu.memory_space<vmem_shared>> -> memref<112xf32, #tpu.memory_space<vmem_shared>>
        tpu.wait_dma2 semaphore(%run_scoped3A : memref<!tpu.dma_semaphore, #tpu.memory_space<semaphore_mem>>) src(%dma_wait3A_241 : memref<112xf32, #tpu.memory_space<vmem_shared>>) dst(%dma_wait3A_240 : memref<112xf32, #tpu.memory_space<vmem>>)
        tpu.yield
      }) : () -> ()
      %mul3A_174 = arith.constant 112 : i32
      %mul3A_175 = arith.muli %arg1, %mul3A_174 : i32
      %add3A_176 = arith.constant 4480 : i32
      %add3A_177 = arith.addi %add3A_176, %mul3A_175 : i32
      "tpu.region"() ({
        %run_scoped3A = tpu.sem_alloc : memref<!tpu.dma_semaphore, #tpu.memory_space<semaphore_mem>>
        %dma_start3A = arith.constant 1120 : i32
        %dma_start3A_232 = tpu.memref_slice %arg16[%dma_start3A] : memref<1792xi32, #tpu.memory_space<vmem>> -> memref<112xi32, #tpu.memory_space<vmem>>
        %dma_start3A_233 = tpu.memref_slice %arg20[%add3A_177] : memref<7168xi32, #tpu.memory_space<vmem_shared>> -> memref<112xi32, #tpu.memory_space<vmem_shared>>
        %dma_start3A_234 = arith.constant 1120 : i32
        %dma_start3A_235 = tpu.memref_slice %arg16[%dma_start3A_234] : memref<1792xi32, #tpu.memory_space<vmem>> -> memref<112xi32, #tpu.memory_space<vmem>>
        %dma_start3A_236 = tpu.memref_slice %arg20[%add3A_177] : memref<7168xi32, #tpu.memory_space<vmem_shared>> -> memref<112xi32, #tpu.memory_space<vmem_shared>>
        tpu.enqueue_dma source(%dma_start3A_236 : memref<112xi32, #tpu.memory_space<vmem_shared>>) target(%dma_start3A_235 : memref<112xi32, #tpu.memory_space<vmem>>) target_semaphore(%run_scoped3A : memref<!tpu.dma_semaphore, #tpu.memory_space<semaphore_mem>>)
        %dma_wait3A = arith.constant 1120 : i32
        %dma_wait3A_237 = tpu.memref_slice %arg16[%dma_wait3A] : memref<1792xi32, #tpu.memory_space<vmem>> -> memref<112xi32, #tpu.memory_space<vmem>>
        %dma_wait3A_238 = tpu.memref_slice %arg20[%add3A_177] : memref<7168xi32, #tpu.memory_space<vmem_shared>> -> memref<112xi32, #tpu.memory_space<vmem_shared>>
        %dma_wait3A_239 = arith.constant 1120 : i32
        %dma_wait3A_240 = tpu.memref_slice %arg16[%dma_wait3A_239] : memref<1792xi32, #tpu.memory_space<vmem>> -> memref<112xi32, #tpu.memory_space<vmem>>
        %dma_wait3A_241 = tpu.memref_slice %arg20[%add3A_177] : memref<7168xi32, #tpu.memory_space<vmem_shared>> -> memref<112xi32, #tpu.memory_space<vmem_shared>>
        tpu.wait_dma2 semaphore(%run_scoped3A : memref<!tpu.dma_semaphore, #tpu.memory_space<semaphore_mem>>) src(%dma_wait3A_241 : memref<112xi32, #tpu.memory_space<vmem_shared>>) dst(%dma_wait3A_240 : memref<112xi32, #tpu.memory_space<vmem>>)
        tpu.yield
      }) : () -> ()
      %mul3A_178 = arith.constant 112 : i32
      %mul3A_179 = arith.muli %arg1, %mul3A_178 : i32
      %add3A_180 = arith.constant 4928 : i32
      %add3A_181 = arith.addi %add3A_180, %mul3A_179 : i32
      "tpu.region"() ({
        %run_scoped3A = tpu.sem_alloc : memref<!tpu.dma_semaphore, #tpu.memory_space<semaphore_mem>>
        %dma_start3A = arith.constant 1232 : i32
        %dma_start3A_232 = tpu.memref_slice %arg15[%dma_start3A] : memref<1792xf32, #tpu.memory_space<vmem>> -> memref<112xf32, #tpu.memory_space<vmem>>
        %dma_start3A_233 = tpu.memref_slice %arg19[%add3A_181] : memref<7168xf32, #tpu.memory_space<vmem_shared>> -> memref<112xf32, #tpu.memory_space<vmem_shared>>
        %dma_start3A_234 = arith.constant 1232 : i32
        %dma_start3A_235 = tpu.memref_slice %arg15[%dma_start3A_234] : memref<1792xf32, #tpu.memory_space<vmem>> -> memref<112xf32, #tpu.memory_space<vmem>>
        %dma_start3A_236 = tpu.memref_slice %arg19[%add3A_181] : memref<7168xf32, #tpu.memory_space<vmem_shared>> -> memref<112xf32, #tpu.memory_space<vmem_shared>>
        tpu.enqueue_dma source(%dma_start3A_236 : memref<112xf32, #tpu.memory_space<vmem_shared>>) target(%dma_start3A_235 : memref<112xf32, #tpu.memory_space<vmem>>) target_semaphore(%run_scoped3A : memref<!tpu.dma_semaphore, #tpu.memory_space<semaphore_mem>>)
        %dma_wait3A = arith.constant 1232 : i32
        %dma_wait3A_237 = tpu.memref_slice %arg15[%dma_wait3A] : memref<1792xf32, #tpu.memory_space<vmem>> -> memref<112xf32, #tpu.memory_space<vmem>>
        %dma_wait3A_238 = tpu.memref_slice %arg19[%add3A_181] : memref<7168xf32, #tpu.memory_space<vmem_shared>> -> memref<112xf32, #tpu.memory_space<vmem_shared>>
        %dma_wait3A_239 = arith.constant 1232 : i32
        %dma_wait3A_240 = tpu.memref_slice %arg15[%dma_wait3A_239] : memref<1792xf32, #tpu.memory_space<vmem>> -> memref<112xf32, #tpu.memory_space<vmem>>
        %dma_wait3A_241 = tpu.memref_slice %arg19[%add3A_181] : memref<7168xf32, #tpu.memory_space<vmem_shared>> -> memref<112xf32, #tpu.memory_space<vmem_shared>>
        tpu.wait_dma2 semaphore(%run_scoped3A : memref<!tpu.dma_semaphore, #tpu.memory_space<semaphore_mem>>) src(%dma_wait3A_241 : memref<112xf32, #tpu.memory_space<vmem_shared>>) dst(%dma_wait3A_240 : memref<112xf32, #tpu.memory_space<vmem>>)
        tpu.yield
      }) : () -> ()
      %mul3A_182 = arith.constant 112 : i32
      %mul3A_183 = arith.muli %arg1, %mul3A_182 : i32
      %add3A_184 = arith.constant 4928 : i32
      %add3A_185 = arith.addi %add3A_184, %mul3A_183 : i32
      "tpu.region"() ({
        %run_scoped3A = tpu.sem_alloc : memref<!tpu.dma_semaphore, #tpu.memory_space<semaphore_mem>>
        %dma_start3A = arith.constant 1232 : i32
        %dma_start3A_232 = tpu.memref_slice %arg16[%dma_start3A] : memref<1792xi32, #tpu.memory_space<vmem>> -> memref<112xi32, #tpu.memory_space<vmem>>
        %dma_start3A_233 = tpu.memref_slice %arg20[%add3A_185] : memref<7168xi32, #tpu.memory_space<vmem_shared>> -> memref<112xi32, #tpu.memory_space<vmem_shared>>
        %dma_start3A_234 = arith.constant 1232 : i32
        %dma_start3A_235 = tpu.memref_slice %arg16[%dma_start3A_234] : memref<1792xi32, #tpu.memory_space<vmem>> -> memref<112xi32, #tpu.memory_space<vmem>>
        %dma_start3A_236 = tpu.memref_slice %arg20[%add3A_185] : memref<7168xi32, #tpu.memory_space<vmem_shared>> -> memref<112xi32, #tpu.memory_space<vmem_shared>>
        tpu.enqueue_dma source(%dma_start3A_236 : memref<112xi32, #tpu.memory_space<vmem_shared>>) target(%dma_start3A_235 : memref<112xi32, #tpu.memory_space<vmem>>) target_semaphore(%run_scoped3A : memref<!tpu.dma_semaphore, #tpu.memory_space<semaphore_mem>>)
        %dma_wait3A = arith.constant 1232 : i32
        %dma_wait3A_237 = tpu.memref_slice %arg16[%dma_wait3A] : memref<1792xi32, #tpu.memory_space<vmem>> -> memref<112xi32, #tpu.memory_space<vmem>>
        %dma_wait3A_238 = tpu.memref_slice %arg20[%add3A_185] : memref<7168xi32, #tpu.memory_space<vmem_shared>> -> memref<112xi32, #tpu.memory_space<vmem_shared>>
        %dma_wait3A_239 = arith.constant 1232 : i32
        %dma_wait3A_240 = tpu.memref_slice %arg16[%dma_wait3A_239] : memref<1792xi32, #tpu.memory_space<vmem>> -> memref<112xi32, #tpu.memory_space<vmem>>
        %dma_wait3A_241 = tpu.memref_slice %arg20[%add3A_185] : memref<7168xi32, #tpu.memory_space<vmem_shared>> -> memref<112xi32, #tpu.memory_space<vmem_shared>>
        tpu.wait_dma2 semaphore(%run_scoped3A : memref<!tpu.dma_semaphore, #tpu.memory_space<semaphore_mem>>) src(%dma_wait3A_241 : memref<112xi32, #tpu.memory_space<vmem_shared>>) dst(%dma_wait3A_240 : memref<112xi32, #tpu.memory_space<vmem>>)
        tpu.yield
      }) : () -> ()
      %mul3A_186 = arith.constant 112 : i32
      %mul3A_187 = arith.muli %arg1, %mul3A_186 : i32
      %add3A_188 = arith.constant 5376 : i32
      %add3A_189 = arith.addi %add3A_188, %mul3A_187 : i32
      "tpu.region"() ({
        %run_scoped3A = tpu.sem_alloc : memref<!tpu.dma_semaphore, #tpu.memory_space<semaphore_mem>>
        %dma_start3A = arith.constant 1344 : i32
        %dma_start3A_232 = tpu.memref_slice %arg15[%dma_start3A] : memref<1792xf32, #tpu.memory_space<vmem>> -> memref<112xf32, #tpu.memory_space<vmem>>
        %dma_start3A_233 = tpu.memref_slice %arg19[%add3A_189] : memref<7168xf32, #tpu.memory_space<vmem_shared>> -> memref<112xf32, #tpu.memory_space<vmem_shared>>
        %dma_start3A_234 = arith.constant 1344 : i32
        %dma_start3A_235 = tpu.memref_slice %arg15[%dma_start3A_234] : memref<1792xf32, #tpu.memory_space<vmem>> -> memref<112xf32, #tpu.memory_space<vmem>>
        %dma_start3A_236 = tpu.memref_slice %arg19[%add3A_189] : memref<7168xf32, #tpu.memory_space<vmem_shared>> -> memref<112xf32, #tpu.memory_space<vmem_shared>>
        tpu.enqueue_dma source(%dma_start3A_236 : memref<112xf32, #tpu.memory_space<vmem_shared>>) target(%dma_start3A_235 : memref<112xf32, #tpu.memory_space<vmem>>) target_semaphore(%run_scoped3A : memref<!tpu.dma_semaphore, #tpu.memory_space<semaphore_mem>>)
        %dma_wait3A = arith.constant 1344 : i32
        %dma_wait3A_237 = tpu.memref_slice %arg15[%dma_wait3A] : memref<1792xf32, #tpu.memory_space<vmem>> -> memref<112xf32, #tpu.memory_space<vmem>>
        %dma_wait3A_238 = tpu.memref_slice %arg19[%add3A_189] : memref<7168xf32, #tpu.memory_space<vmem_shared>> -> memref<112xf32, #tpu.memory_space<vmem_shared>>
        %dma_wait3A_239 = arith.constant 1344 : i32
        %dma_wait3A_240 = tpu.memref_slice %arg15[%dma_wait3A_239] : memref<1792xf32, #tpu.memory_space<vmem>> -> memref<112xf32, #tpu.memory_space<vmem>>
        %dma_wait3A_241 = tpu.memref_slice %arg19[%add3A_189] : memref<7168xf32, #tpu.memory_space<vmem_shared>> -> memref<112xf32, #tpu.memory_space<vmem_shared>>
        tpu.wait_dma2 semaphore(%run_scoped3A : memref<!tpu.dma_semaphore, #tpu.memory_space<semaphore_mem>>) src(%dma_wait3A_241 : memref<112xf32, #tpu.memory_space<vmem_shared>>) dst(%dma_wait3A_240 : memref<112xf32, #tpu.memory_space<vmem>>)
        tpu.yield
      }) : () -> ()
      %mul3A_190 = arith.constant 112 : i32
      %mul3A_191 = arith.muli %arg1, %mul3A_190 : i32
      %add3A_192 = arith.constant 5376 : i32
      %add3A_193 = arith.addi %add3A_192, %mul3A_191 : i32
      "tpu.region"() ({
        %run_scoped3A = tpu.sem_alloc : memref<!tpu.dma_semaphore, #tpu.memory_space<semaphore_mem>>
        %dma_start3A = arith.constant 1344 : i32
        %dma_start3A_232 = tpu.memref_slice %arg16[%dma_start3A] : memref<1792xi32, #tpu.memory_space<vmem>> -> memref<112xi32, #tpu.memory_space<vmem>>
        %dma_start3A_233 = tpu.memref_slice %arg20[%add3A_193] : memref<7168xi32, #tpu.memory_space<vmem_shared>> -> memref<112xi32, #tpu.memory_space<vmem_shared>>
        %dma_start3A_234 = arith.constant 1344 : i32
        %dma_start3A_235 = tpu.memref_slice %arg16[%dma_start3A_234] : memref<1792xi32, #tpu.memory_space<vmem>> -> memref<112xi32, #tpu.memory_space<vmem>>
        %dma_start3A_236 = tpu.memref_slice %arg20[%add3A_193] : memref<7168xi32, #tpu.memory_space<vmem_shared>> -> memref<112xi32, #tpu.memory_space<vmem_shared>>
        tpu.enqueue_dma source(%dma_start3A_236 : memref<112xi32, #tpu.memory_space<vmem_shared>>) target(%dma_start3A_235 : memref<112xi32, #tpu.memory_space<vmem>>) target_semaphore(%run_scoped3A : memref<!tpu.dma_semaphore, #tpu.memory_space<semaphore_mem>>)
        %dma_wait3A = arith.constant 1344 : i32
        %dma_wait3A_237 = tpu.memref_slice %arg16[%dma_wait3A] : memref<1792xi32, #tpu.memory_space<vmem>> -> memref<112xi32, #tpu.memory_space<vmem>>
        %dma_wait3A_238 = tpu.memref_slice %arg20[%add3A_193] : memref<7168xi32, #tpu.memory_space<vmem_shared>> -> memref<112xi32, #tpu.memory_space<vmem_shared>>
        %dma_wait3A_239 = arith.constant 1344 : i32
        %dma_wait3A_240 = tpu.memref_slice %arg16[%dma_wait3A_239] : memref<1792xi32, #tpu.memory_space<vmem>> -> memref<112xi32, #tpu.memory_space<vmem>>
        %dma_wait3A_241 = tpu.memref_slice %arg20[%add3A_193] : memref<7168xi32, #tpu.memory_space<vmem_shared>> -> memref<112xi32, #tpu.memory_space<vmem_shared>>
        tpu.wait_dma2 semaphore(%run_scoped3A : memref<!tpu.dma_semaphore, #tpu.memory_space<semaphore_mem>>) src(%dma_wait3A_241 : memref<112xi32, #tpu.memory_space<vmem_shared>>) dst(%dma_wait3A_240 : memref<112xi32, #tpu.memory_space<vmem>>)
        tpu.yield
      }) : () -> ()
      %mul3A_194 = arith.constant 112 : i32
      %mul3A_195 = arith.muli %arg1, %mul3A_194 : i32
      %add3A_196 = arith.constant 5824 : i32
      %add3A_197 = arith.addi %add3A_196, %mul3A_195 : i32
      "tpu.region"() ({
        %run_scoped3A = tpu.sem_alloc : memref<!tpu.dma_semaphore, #tpu.memory_space<semaphore_mem>>
        %dma_start3A = arith.constant 1456 : i32
        %dma_start3A_232 = tpu.memref_slice %arg15[%dma_start3A] : memref<1792xf32, #tpu.memory_space<vmem>> -> memref<112xf32, #tpu.memory_space<vmem>>
        %dma_start3A_233 = tpu.memref_slice %arg19[%add3A_197] : memref<7168xf32, #tpu.memory_space<vmem_shared>> -> memref<112xf32, #tpu.memory_space<vmem_shared>>
        %dma_start3A_234 = arith.constant 1456 : i32
        %dma_start3A_235 = tpu.memref_slice %arg15[%dma_start3A_234] : memref<1792xf32, #tpu.memory_space<vmem>> -> memref<112xf32, #tpu.memory_space<vmem>>
        %dma_start3A_236 = tpu.memref_slice %arg19[%add3A_197] : memref<7168xf32, #tpu.memory_space<vmem_shared>> -> memref<112xf32, #tpu.memory_space<vmem_shared>>
        tpu.enqueue_dma source(%dma_start3A_236 : memref<112xf32, #tpu.memory_space<vmem_shared>>) target(%dma_start3A_235 : memref<112xf32, #tpu.memory_space<vmem>>) target_semaphore(%run_scoped3A : memref<!tpu.dma_semaphore, #tpu.memory_space<semaphore_mem>>)
        %dma_wait3A = arith.constant 1456 : i32
        %dma_wait3A_237 = tpu.memref_slice %arg15[%dma_wait3A] : memref<1792xf32, #tpu.memory_space<vmem>> -> memref<112xf32, #tpu.memory_space<vmem>>
        %dma_wait3A_238 = tpu.memref_slice %arg19[%add3A_197] : memref<7168xf32, #tpu.memory_space<vmem_shared>> -> memref<112xf32, #tpu.memory_space<vmem_shared>>
        %dma_wait3A_239 = arith.constant 1456 : i32
        %dma_wait3A_240 = tpu.memref_slice %arg15[%dma_wait3A_239] : memref<1792xf32, #tpu.memory_space<vmem>> -> memref<112xf32, #tpu.memory_space<vmem>>
        %dma_wait3A_241 = tpu.memref_slice %arg19[%add3A_197] : memref<7168xf32, #tpu.memory_space<vmem_shared>> -> memref<112xf32, #tpu.memory_space<vmem_shared>>
        tpu.wait_dma2 semaphore(%run_scoped3A : memref<!tpu.dma_semaphore, #tpu.memory_space<semaphore_mem>>) src(%dma_wait3A_241 : memref<112xf32, #tpu.memory_space<vmem_shared>>) dst(%dma_wait3A_240 : memref<112xf32, #tpu.memory_space<vmem>>)
        tpu.yield
      }) : () -> ()
      %mul3A_198 = arith.constant 112 : i32
      %mul3A_199 = arith.muli %arg1, %mul3A_198 : i32
      %add3A_200 = arith.constant 5824 : i32
      %add3A_201 = arith.addi %add3A_200, %mul3A_199 : i32
      "tpu.region"() ({
        %run_scoped3A = tpu.sem_alloc : memref<!tpu.dma_semaphore, #tpu.memory_space<semaphore_mem>>
        %dma_start3A = arith.constant 1456 : i32
        %dma_start3A_232 = tpu.memref_slice %arg16[%dma_start3A] : memref<1792xi32, #tpu.memory_space<vmem>> -> memref<112xi32, #tpu.memory_space<vmem>>
        %dma_start3A_233 = tpu.memref_slice %arg20[%add3A_201] : memref<7168xi32, #tpu.memory_space<vmem_shared>> -> memref<112xi32, #tpu.memory_space<vmem_shared>>
        %dma_start3A_234 = arith.constant 1456 : i32
        %dma_start3A_235 = tpu.memref_slice %arg16[%dma_start3A_234] : memref<1792xi32, #tpu.memory_space<vmem>> -> memref<112xi32, #tpu.memory_space<vmem>>
        %dma_start3A_236 = tpu.memref_slice %arg20[%add3A_201] : memref<7168xi32, #tpu.memory_space<vmem_shared>> -> memref<112xi32, #tpu.memory_space<vmem_shared>>
        tpu.enqueue_dma source(%dma_start3A_236 : memref<112xi32, #tpu.memory_space<vmem_shared>>) target(%dma_start3A_235 : memref<112xi32, #tpu.memory_space<vmem>>) target_semaphore(%run_scoped3A : memref<!tpu.dma_semaphore, #tpu.memory_space<semaphore_mem>>)
        %dma_wait3A = arith.constant 1456 : i32
        %dma_wait3A_237 = tpu.memref_slice %arg16[%dma_wait3A] : memref<1792xi32, #tpu.memory_space<vmem>> -> memref<112xi32, #tpu.memory_space<vmem>>
        %dma_wait3A_238 = tpu.memref_slice %arg20[%add3A_201] : memref<7168xi32, #tpu.memory_space<vmem_shared>> -> memref<112xi32, #tpu.memory_space<vmem_shared>>
        %dma_wait3A_239 = arith.constant 1456 : i32
        %dma_wait3A_240 = tpu.memref_slice %arg16[%dma_wait3A_239] : memref<1792xi32, #tpu.memory_space<vmem>> -> memref<112xi32, #tpu.memory_space<vmem>>
        %dma_wait3A_241 = tpu.memref_slice %arg20[%add3A_201] : memref<7168xi32, #tpu.memory_space<vmem_shared>> -> memref<112xi32, #tpu.memory_space<vmem_shared>>
        tpu.wait_dma2 semaphore(%run_scoped3A : memref<!tpu.dma_semaphore, #tpu.memory_space<semaphore_mem>>) src(%dma_wait3A_241 : memref<112xi32, #tpu.memory_space<vmem_shared>>) dst(%dma_wait3A_240 : memref<112xi32, #tpu.memory_space<vmem>>)
        tpu.yield
      }) : () -> ()
      %mul3A_202 = arith.constant 112 : i32
      %mul3A_203 = arith.muli %arg1, %mul3A_202 : i32
      %add3A_204 = arith.constant 6272 : i32
      %add3A_205 = arith.addi %add3A_204, %mul3A_203 : i32
      "tpu.region"() ({
        %run_scoped3A = tpu.sem_alloc : memref<!tpu.dma_semaphore, #tpu.memory_space<semaphore_mem>>
        %dma_start3A = arith.constant 1568 : i32
        %dma_start3A_232 = tpu.memref_slice %arg15[%dma_start3A] : memref<1792xf32, #tpu.memory_space<vmem>> -> memref<112xf32, #tpu.memory_space<vmem>>
        %dma_start3A_233 = tpu.memref_slice %arg19[%add3A_205] : memref<7168xf32, #tpu.memory_space<vmem_shared>> -> memref<112xf32, #tpu.memory_space<vmem_shared>>
        %dma_start3A_234 = arith.constant 1568 : i32
        %dma_start3A_235 = tpu.memref_slice %arg15[%dma_start3A_234] : memref<1792xf32, #tpu.memory_space<vmem>> -> memref<112xf32, #tpu.memory_space<vmem>>
        %dma_start3A_236 = tpu.memref_slice %arg19[%add3A_205] : memref<7168xf32, #tpu.memory_space<vmem_shared>> -> memref<112xf32, #tpu.memory_space<vmem_shared>>
        tpu.enqueue_dma source(%dma_start3A_236 : memref<112xf32, #tpu.memory_space<vmem_shared>>) target(%dma_start3A_235 : memref<112xf32, #tpu.memory_space<vmem>>) target_semaphore(%run_scoped3A : memref<!tpu.dma_semaphore, #tpu.memory_space<semaphore_mem>>)
        %dma_wait3A = arith.constant 1568 : i32
        %dma_wait3A_237 = tpu.memref_slice %arg15[%dma_wait3A] : memref<1792xf32, #tpu.memory_space<vmem>> -> memref<112xf32, #tpu.memory_space<vmem>>
        %dma_wait3A_238 = tpu.memref_slice %arg19[%add3A_205] : memref<7168xf32, #tpu.memory_space<vmem_shared>> -> memref<112xf32, #tpu.memory_space<vmem_shared>>
        %dma_wait3A_239 = arith.constant 1568 : i32
        %dma_wait3A_240 = tpu.memref_slice %arg15[%dma_wait3A_239] : memref<1792xf32, #tpu.memory_space<vmem>> -> memref<112xf32, #tpu.memory_space<vmem>>
        %dma_wait3A_241 = tpu.memref_slice %arg19[%add3A_205] : memref<7168xf32, #tpu.memory_space<vmem_shared>> -> memref<112xf32, #tpu.memory_space<vmem_shared>>
        tpu.wait_dma2 semaphore(%run_scoped3A : memref<!tpu.dma_semaphore, #tpu.memory_space<semaphore_mem>>) src(%dma_wait3A_241 : memref<112xf32, #tpu.memory_space<vmem_shared>>) dst(%dma_wait3A_240 : memref<112xf32, #tpu.memory_space<vmem>>)
        tpu.yield
      }) : () -> ()
      %mul3A_206 = arith.constant 112 : i32
      %mul3A_207 = arith.muli %arg1, %mul3A_206 : i32
      %add3A_208 = arith.constant 6272 : i32
      %add3A_209 = arith.addi %add3A_208, %mul3A_207 : i32
      "tpu.region"() ({
        %run_scoped3A = tpu.sem_alloc : memref<!tpu.dma_semaphore, #tpu.memory_space<semaphore_mem>>
        %dma_start3A = arith.constant 1568 : i32
        %dma_start3A_232 = tpu.memref_slice %arg16[%dma_start3A] : memref<1792xi32, #tpu.memory_space<vmem>> -> memref<112xi32, #tpu.memory_space<vmem>>
        %dma_start3A_233 = tpu.memref_slice %arg20[%add3A_209] : memref<7168xi32, #tpu.memory_space<vmem_shared>> -> memref<112xi32, #tpu.memory_space<vmem_shared>>
        %dma_start3A_234 = arith.constant 1568 : i32
        %dma_start3A_235 = tpu.memref_slice %arg16[%dma_start3A_234] : memref<1792xi32, #tpu.memory_space<vmem>> -> memref<112xi32, #tpu.memory_space<vmem>>
        %dma_start3A_236 = tpu.memref_slice %arg20[%add3A_209] : memref<7168xi32, #tpu.memory_space<vmem_shared>> -> memref<112xi32, #tpu.memory_space<vmem_shared>>
        tpu.enqueue_dma source(%dma_start3A_236 : memref<112xi32, #tpu.memory_space<vmem_shared>>) target(%dma_start3A_235 : memref<112xi32, #tpu.memory_space<vmem>>) target_semaphore(%run_scoped3A : memref<!tpu.dma_semaphore, #tpu.memory_space<semaphore_mem>>)
        %dma_wait3A = arith.constant 1568 : i32
        %dma_wait3A_237 = tpu.memref_slice %arg16[%dma_wait3A] : memref<1792xi32, #tpu.memory_space<vmem>> -> memref<112xi32, #tpu.memory_space<vmem>>
        %dma_wait3A_238 = tpu.memref_slice %arg20[%add3A_209] : memref<7168xi32, #tpu.memory_space<vmem_shared>> -> memref<112xi32, #tpu.memory_space<vmem_shared>>
        %dma_wait3A_239 = arith.constant 1568 : i32
        %dma_wait3A_240 = tpu.memref_slice %arg16[%dma_wait3A_239] : memref<1792xi32, #tpu.memory_space<vmem>> -> memref<112xi32, #tpu.memory_space<vmem>>
        %dma_wait3A_241 = tpu.memref_slice %arg20[%add3A_209] : memref<7168xi32, #tpu.memory_space<vmem_shared>> -> memref<112xi32, #tpu.memory_space<vmem_shared>>
        tpu.wait_dma2 semaphore(%run_scoped3A : memref<!tpu.dma_semaphore, #tpu.memory_space<semaphore_mem>>) src(%dma_wait3A_241 : memref<112xi32, #tpu.memory_space<vmem_shared>>) dst(%dma_wait3A_240 : memref<112xi32, #tpu.memory_space<vmem>>)
        tpu.yield
      }) : () -> ()
      %mul3A_210 = arith.constant 112 : i32
      %mul3A_211 = arith.muli %arg1, %mul3A_210 : i32
      %add3A_212 = arith.constant 6720 : i32
      %add3A_213 = arith.addi %add3A_212, %mul3A_211 : i32
      "tpu.region"() ({
        %run_scoped3A = tpu.sem_alloc : memref<!tpu.dma_semaphore, #tpu.memory_space<semaphore_mem>>
        %dma_start3A = arith.constant 1680 : i32
        %dma_start3A_232 = tpu.memref_slice %arg15[%dma_start3A] : memref<1792xf32, #tpu.memory_space<vmem>> -> memref<112xf32, #tpu.memory_space<vmem>>
        %dma_start3A_233 = tpu.memref_slice %arg19[%add3A_213] : memref<7168xf32, #tpu.memory_space<vmem_shared>> -> memref<112xf32, #tpu.memory_space<vmem_shared>>
        %dma_start3A_234 = arith.constant 1680 : i32
        %dma_start3A_235 = tpu.memref_slice %arg15[%dma_start3A_234] : memref<1792xf32, #tpu.memory_space<vmem>> -> memref<112xf32, #tpu.memory_space<vmem>>
        %dma_start3A_236 = tpu.memref_slice %arg19[%add3A_213] : memref<7168xf32, #tpu.memory_space<vmem_shared>> -> memref<112xf32, #tpu.memory_space<vmem_shared>>
        tpu.enqueue_dma source(%dma_start3A_236 : memref<112xf32, #tpu.memory_space<vmem_shared>>) target(%dma_start3A_235 : memref<112xf32, #tpu.memory_space<vmem>>) target_semaphore(%run_scoped3A : memref<!tpu.dma_semaphore, #tpu.memory_space<semaphore_mem>>)
        %dma_wait3A = arith.constant 1680 : i32
        %dma_wait3A_237 = tpu.memref_slice %arg15[%dma_wait3A] : memref<1792xf32, #tpu.memory_space<vmem>> -> memref<112xf32, #tpu.memory_space<vmem>>
        %dma_wait3A_238 = tpu.memref_slice %arg19[%add3A_213] : memref<7168xf32, #tpu.memory_space<vmem_shared>> -> memref<112xf32, #tpu.memory_space<vmem_shared>>
        %dma_wait3A_239 = arith.constant 1680 : i32
        %dma_wait3A_240 = tpu.memref_slice %arg15[%dma_wait3A_239] : memref<1792xf32, #tpu.memory_space<vmem>> -> memref<112xf32, #tpu.memory_space<vmem>>
        %dma_wait3A_241 = tpu.memref_slice %arg19[%add3A_213] : memref<7168xf32, #tpu.memory_space<vmem_shared>> -> memref<112xf32, #tpu.memory_space<vmem_shared>>
        tpu.wait_dma2 semaphore(%run_scoped3A : memref<!tpu.dma_semaphore, #tpu.memory_space<semaphore_mem>>) src(%dma_wait3A_241 : memref<112xf32, #tpu.memory_space<vmem_shared>>) dst(%dma_wait3A_240 : memref<112xf32, #tpu.memory_space<vmem>>)
        tpu.yield
      }) : () -> ()
      %mul3A_214 = arith.constant 112 : i32
      %mul3A_215 = arith.muli %arg1, %mul3A_214 : i32
      %add3A_216 = arith.constant 6720 : i32
      %add3A_217 = arith.addi %add3A_216, %mul3A_215 : i32
      "tpu.region"() ({
        %run_scoped3A = tpu.sem_alloc : memref<!tpu.dma_semaphore, #tpu.memory_space<semaphore_mem>>
        %dma_start3A = arith.constant 1680 : i32
        %dma_start3A_232 = tpu.memref_slice %arg16[%dma_start3A] : memref<1792xi32, #tpu.memory_space<vmem>> -> memref<112xi32, #tpu.memory_space<vmem>>
        %dma_start3A_233 = tpu.memref_slice %arg20[%add3A_217] : memref<7168xi32, #tpu.memory_space<vmem_shared>> -> memref<112xi32, #tpu.memory_space<vmem_shared>>
        %dma_start3A_234 = arith.constant 1680 : i32
        %dma_start3A_235 = tpu.memref_slice %arg16[%dma_start3A_234] : memref<1792xi32, #tpu.memory_space<vmem>> -> memref<112xi32, #tpu.memory_space<vmem>>
        %dma_start3A_236 = tpu.memref_slice %arg20[%add3A_217] : memref<7168xi32, #tpu.memory_space<vmem_shared>> -> memref<112xi32, #tpu.memory_space<vmem_shared>>
        tpu.enqueue_dma source(%dma_start3A_236 : memref<112xi32, #tpu.memory_space<vmem_shared>>) target(%dma_start3A_235 : memref<112xi32, #tpu.memory_space<vmem>>) target_semaphore(%run_scoped3A : memref<!tpu.dma_semaphore, #tpu.memory_space<semaphore_mem>>)
        %dma_wait3A = arith.constant 1680 : i32
        %dma_wait3A_237 = tpu.memref_slice %arg16[%dma_wait3A] : memref<1792xi32, #tpu.memory_space<vmem>> -> memref<112xi32, #tpu.memory_space<vmem>>
        %dma_wait3A_238 = tpu.memref_slice %arg20[%add3A_217] : memref<7168xi32, #tpu.memory_space<vmem_shared>> -> memref<112xi32, #tpu.memory_space<vmem_shared>>
        %dma_wait3A_239 = arith.constant 1680 : i32
        %dma_wait3A_240 = tpu.memref_slice %arg16[%dma_wait3A_239] : memref<1792xi32, #tpu.memory_space<vmem>> -> memref<112xi32, #tpu.memory_space<vmem>>
        %dma_wait3A_241 = tpu.memref_slice %arg20[%add3A_217] : memref<7168xi32, #tpu.memory_space<vmem_shared>> -> memref<112xi32, #tpu.memory_space<vmem_shared>>
        tpu.wait_dma2 semaphore(%run_scoped3A : memref<!tpu.dma_semaphore, #tpu.memory_space<semaphore_mem>>) src(%dma_wait3A_241 : memref<112xi32, #tpu.memory_space<vmem_shared>>) dst(%dma_wait3A_240 : memref<112xi32, #tpu.memory_space<vmem>>)
        tpu.yield
      }) : () -> ()
      %scan3A_218 = arith.constant 0 : i32
      %scan3A_219 = arith.constant 0 : i32
      %scan3A_220 = arith.constant 7 : i32
      %scan3A_221 = arith.addi %scan3A_219, %scan3A_220 : i32
      %scan3A_222 = arith.constant 1 : i32
      %scan3A_223 = scf.for %scan3A_232 = %scan3A_219 to %scan3A_221 step %scan3A_222 iter_args(%scan3A_233 = %scan3A_218) -> (i32)  : i32 {
        %mul3A_234 = arith.constant 16 : i32
        %mul3A_235 = arith.muli %scan3A_232, %mul3A_234 : i32
        %get3A = arith.index_cast %mul3A_235 : i32 to index
        %get3A_236 = tpu.vector_load %arg15[%get3A] {strides = array<i32>} : memref<1792xf32, #tpu.memory_space<vmem>>, vector<16xf32>,
        %get3A_237 = arith.index_cast %mul3A_235 : i32 to index
        %get3A_238 = tpu.vector_load %arg16[%get3A_237] {strides = array<i32>} : memref<1792xi32, #tpu.memory_space<vmem>>, vector<16xi32>,
        %mul3A_239 = arith.constant 16 : i32
        %mul3A_240 = arith.muli %scan3A_232, %mul3A_239 : i32
        %add3A_241 = arith.constant 112 : i32
        %add3A_242 = arith.addi %add3A_241, %mul3A_240 : i32
        %get3A_243 = arith.index_cast %add3A_242 : i32 to index
        %get3A_244 = tpu.vector_load %arg15[%get3A_243] {strides = array<i32>} : memref<1792xf32, #tpu.memory_space<vmem>>, vector<16xf32>,
        %get3A_245 = arith.index_cast %add3A_242 : i32 to index
        %get3A_246 = tpu.vector_load %arg16[%get3A_245] {strides = array<i32>} : memref<1792xi32, #tpu.memory_space<vmem>>, vector<16xi32>,
        %gt3A = arith.cmpf ogt, %get3A_244, %get3A_236 : vector<16xf32>
        %eq3A_247 = arith.cmpf oeq, %get3A_244, %get3A_236 : vector<16xf32>
        %lt3A_248 = arith.cmpi slt, %get3A_246, %get3A_238 : vector<16xi32>
        %and3A = arith.andi %eq3A_247, %lt3A_248 : vector<16xi1>
        %or3A = arith.ori %gt3A, %and3A : vector<16xi1>
        %select_n3A = arith.select %or3A, %get3A_244, %get3A_236 : vector<16xi1>, vector<16xf32>
        %select_n3A_249 = arith.select %or3A, %get3A_246, %get3A_238 : vector<16xi1>, vector<16xi32>
        %mul3A_250 = arith.constant 16 : i32
        %mul3A_251 = arith.muli %scan3A_232, %mul3A_250 : i32
        %add3A_252 = arith.constant 224 : i32
        %add3A_253 = arith.addi %add3A_252, %mul3A_251 : i32
        %get3A_254 = arith.index_cast %add3A_253 : i32 to index
        %get3A_255 = tpu.vector_load %arg15[%get3A_254] {strides = array<i32>} : memref<1792xf32, #tpu.memory_space<vmem>>, vector<16xf32>,
        %get3A_256 = arith.index_cast %add3A_253 : i32 to index
        %get3A_257 = tpu.vector_load %arg16[%get3A_256] {strides = array<i32>} : memref<1792xi32, #tpu.memory_space<vmem>>, vector<16xi32>,
        %gt3A_258 = arith.cmpf ogt, %get3A_255, %select_n3A : vector<16xf32>
        %eq3A_259 = arith.cmpf oeq, %get3A_255, %select_n3A : vector<16xf32>
        %lt3A_260 = arith.cmpi slt, %get3A_257, %select_n3A_249 : vector<16xi32>
        %and3A_261 = arith.andi %eq3A_259, %lt3A_260 : vector<16xi1>
        %or3A_262 = arith.ori %gt3A_258, %and3A_261 : vector<16xi1>
        %select_n3A_263 = arith.select %or3A_262, %get3A_255, %select_n3A : vector<16xi1>, vector<16xf32>
        %select_n3A_264 = arith.select %or3A_262, %get3A_257, %select_n3A_249 : vector<16xi1>, vector<16xi32>
        %mul3A_265 = arith.constant 16 : i32
        %mul3A_266 = arith.muli %scan3A_232, %mul3A_265 : i32
        %add3A_267 = arith.constant 336 : i32
        %add3A_268 = arith.addi %add3A_267, %mul3A_266 : i32
        %get3A_269 = arith.index_cast %add3A_268 : i32 to index
        %get3A_270 = tpu.vector_load %arg15[%get3A_269] {strides = array<i32>} : memref<1792xf32, #tpu.memory_space<vmem>>, vector<16xf32>,
        %get3A_271 = arith.index_cast %add3A_268 : i32 to index
        %get3A_272 = tpu.vector_load %arg16[%get3A_271] {strides = array<i32>} : memref<1792xi32, #tpu.memory_space<vmem>>, vector<16xi32>,
        %gt3A_273 = arith.cmpf ogt, %get3A_270, %select_n3A_263 : vector<16xf32>
        %eq3A_274 = arith.cmpf oeq, %get3A_270, %select_n3A_263 : vector<16xf32>
        %lt3A_275 = arith.cmpi slt, %get3A_272, %select_n3A_264 : vector<16xi32>
        %and3A_276 = arith.andi %eq3A_274, %lt3A_275 : vector<16xi1>
        %or3A_277 = arith.ori %gt3A_273, %and3A_276 : vector<16xi1>
        %select_n3A_278 = arith.select %or3A_277, %get3A_270, %select_n3A_263 : vector<16xi1>, vector<16xf32>
        %select_n3A_279 = arith.select %or3A_277, %get3A_272, %select_n3A_264 : vector<16xi1>, vector<16xi32>
        %mul3A_280 = arith.constant 16 : i32
        %mul3A_281 = arith.muli %scan3A_232, %mul3A_280 : i32
        %add3A_282 = arith.constant 448 : i32
        %add3A_283 = arith.addi %add3A_282, %mul3A_281 : i32
        %get3A_284 = arith.index_cast %add3A_283 : i32 to index
        %get3A_285 = tpu.vector_load %arg15[%get3A_284] {strides = array<i32>} : memref<1792xf32, #tpu.memory_space<vmem>>, vector<16xf32>,
        %get3A_286 = arith.index_cast %add3A_283 : i32 to index
        %get3A_287 = tpu.vector_load %arg16[%get3A_286] {strides = array<i32>} : memref<1792xi32, #tpu.memory_space<vmem>>, vector<16xi32>,
        %gt3A_288 = arith.cmpf ogt, %get3A_285, %select_n3A_278 : vector<16xf32>
        %eq3A_289 = arith.cmpf oeq, %get3A_285, %select_n3A_278 : vector<16xf32>
        %lt3A_290 = arith.cmpi slt, %get3A_287, %select_n3A_279 : vector<16xi32>
        %and3A_291 = arith.andi %eq3A_289, %lt3A_290 : vector<16xi1>
        %or3A_292 = arith.ori %gt3A_288, %and3A_291 : vector<16xi1>
        %select_n3A_293 = arith.select %or3A_292, %get3A_285, %select_n3A_278 : vector<16xi1>, vector<16xf32>
        %select_n3A_294 = arith.select %or3A_292, %get3A_287, %select_n3A_279 : vector<16xi1>, vector<16xi32>
        %mul3A_295 = arith.constant 16 : i32
        %mul3A_296 = arith.muli %scan3A_232, %mul3A_295 : i32
        %add3A_297 = arith.constant 560 : i32
        %add3A_298 = arith.addi %add3A_297, %mul3A_296 : i32
        %get3A_299 = arith.index_cast %add3A_298 : i32 to index
        %get3A_300 = tpu.vector_load %arg15[%get3A_299] {strides = array<i32>} : memref<1792xf32, #tpu.memory_space<vmem>>, vector<16xf32>,
        %get3A_301 = arith.index_cast %add3A_298 : i32 to index
        %get3A_302 = tpu.vector_load %arg16[%get3A_301] {strides = array<i32>} : memref<1792xi32, #tpu.memory_space<vmem>>, vector<16xi32>,
        %gt3A_303 = arith.cmpf ogt, %get3A_300, %select_n3A_293 : vector<16xf32>
        %eq3A_304 = arith.cmpf oeq, %get3A_300, %select_n3A_293 : vector<16xf32>
        %lt3A_305 = arith.cmpi slt, %get3A_302, %select_n3A_294 : vector<16xi32>
        %and3A_306 = arith.andi %eq3A_304, %lt3A_305 : vector<16xi1>
        %or3A_307 = arith.ori %gt3A_303, %and3A_306 : vector<16xi1>
        %select_n3A_308 = arith.select %or3A_307, %get3A_300, %select_n3A_293 : vector<16xi1>, vector<16xf32>
        %select_n3A_309 = arith.select %or3A_307, %get3A_302, %select_n3A_294 : vector<16xi1>, vector<16xi32>
        %mul3A_310 = arith.constant 16 : i32
        %mul3A_311 = arith.muli %scan3A_232, %mul3A_310 : i32
        %add3A_312 = arith.constant 672 : i32
        %add3A_313 = arith.addi %add3A_312, %mul3A_311 : i32
        %get3A_314 = arith.index_cast %add3A_313 : i32 to index
        %get3A_315 = tpu.vector_load %arg15[%get3A_314] {strides = array<i32>} : memref<1792xf32, #tpu.memory_space<vmem>>, vector<16xf32>,
        %get3A_316 = arith.index_cast %add3A_313 : i32 to index
        %get3A_317 = tpu.vector_load %arg16[%get3A_316] {strides = array<i32>} : memref<1792xi32, #tpu.memory_space<vmem>>, vector<16xi32>,
        %gt3A_318 = arith.cmpf ogt, %get3A_315, %select_n3A_308 : vector<16xf32>
        %eq3A_319 = arith.cmpf oeq, %get3A_315, %select_n3A_308 : vector<16xf32>
        %lt3A_320 = arith.cmpi slt, %get3A_317, %select_n3A_309 : vector<16xi32>
        %and3A_321 = arith.andi %eq3A_319, %lt3A_320 : vector<16xi1>
        %or3A_322 = arith.ori %gt3A_318, %and3A_321 : vector<16xi1>
        %select_n3A_323 = arith.select %or3A_322, %get3A_315, %select_n3A_308 : vector<16xi1>, vector<16xf32>
        %select_n3A_324 = arith.select %or3A_322, %get3A_317, %select_n3A_309 : vector<16xi1>, vector<16xi32>
        %mul3A_325 = arith.constant 16 : i32
        %mul3A_326 = arith.muli %scan3A_232, %mul3A_325 : i32
        %add3A_327 = arith.constant 784 : i32
        %add3A_328 = arith.addi %add3A_327, %mul3A_326 : i32
        %get3A_329 = arith.index_cast %add3A_328 : i32 to index
        %get3A_330 = tpu.vector_load %arg15[%get3A_329] {strides = array<i32>} : memref<1792xf32, #tpu.memory_space<vmem>>, vector<16xf32>,
        %get3A_331 = arith.index_cast %add3A_328 : i32 to index
        %get3A_332 = tpu.vector_load %arg16[%get3A_331] {strides = array<i32>} : memref<1792xi32, #tpu.memory_space<vmem>>, vector<16xi32>,
        %gt3A_333 = arith.cmpf ogt, %get3A_330, %select_n3A_323 : vector<16xf32>
        %eq3A_334 = arith.cmpf oeq, %get3A_330, %select_n3A_323 : vector<16xf32>
        %lt3A_335 = arith.cmpi slt, %get3A_332, %select_n3A_324 : vector<16xi32>
        %and3A_336 = arith.andi %eq3A_334, %lt3A_335 : vector<16xi1>
        %or3A_337 = arith.ori %gt3A_333, %and3A_336 : vector<16xi1>
        %select_n3A_338 = arith.select %or3A_337, %get3A_330, %select_n3A_323 : vector<16xi1>, vector<16xf32>
        %select_n3A_339 = arith.select %or3A_337, %get3A_332, %select_n3A_324 : vector<16xi1>, vector<16xi32>
        %mul3A_340 = arith.constant 16 : i32
        %mul3A_341 = arith.muli %scan3A_232, %mul3A_340 : i32
        %add3A_342 = arith.constant 896 : i32
        %add3A_343 = arith.addi %add3A_342, %mul3A_341 : i32
        %get3A_344 = arith.index_cast %add3A_343 : i32 to index
        %get3A_345 = tpu.vector_load %arg15[%get3A_344] {strides = array<i32>} : memref<1792xf32, #tpu.memory_space<vmem>>, vector<16xf32>,
        %get3A_346 = arith.index_cast %add3A_343 : i32 to index
        %get3A_347 = tpu.vector_load %arg16[%get3A_346] {strides = array<i32>} : memref<1792xi32, #tpu.memory_space<vmem>>, vector<16xi32>,
        %gt3A_348 = arith.cmpf ogt, %get3A_345, %select_n3A_338 : vector<16xf32>
        %eq3A_349 = arith.cmpf oeq, %get3A_345, %select_n3A_338 : vector<16xf32>
        %lt3A_350 = arith.cmpi slt, %get3A_347, %select_n3A_339 : vector<16xi32>
        %and3A_351 = arith.andi %eq3A_349, %lt3A_350 : vector<16xi1>
        %or3A_352 = arith.ori %gt3A_348, %and3A_351 : vector<16xi1>
        %select_n3A_353 = arith.select %or3A_352, %get3A_345, %select_n3A_338 : vector<16xi1>, vector<16xf32>
        %select_n3A_354 = arith.select %or3A_352, %get3A_347, %select_n3A_339 : vector<16xi1>, vector<16xi32>
        %mul3A_355 = arith.constant 16 : i32
        %mul3A_356 = arith.muli %scan3A_232, %mul3A_355 : i32
        %add3A_357 = arith.constant 1008 : i32
        %add3A_358 = arith.addi %add3A_357, %mul3A_356 : i32
        %get3A_359 = arith.index_cast %add3A_358 : i32 to index
        %get3A_360 = tpu.vector_load %arg15[%get3A_359] {strides = array<i32>} : memref<1792xf32, #tpu.memory_space<vmem>>, vector<16xf32>,
        %get3A_361 = arith.index_cast %add3A_358 : i32 to index
        %get3A_362 = tpu.vector_load %arg16[%get3A_361] {strides = array<i32>} : memref<1792xi32, #tpu.memory_space<vmem>>, vector<16xi32>,
        %gt3A_363 = arith.cmpf ogt, %get3A_360, %select_n3A_353 : vector<16xf32>
        %eq3A_364 = arith.cmpf oeq, %get3A_360, %select_n3A_353 : vector<16xf32>
        %lt3A_365 = arith.cmpi slt, %get3A_362, %select_n3A_354 : vector<16xi32>
        %and3A_366 = arith.andi %eq3A_364, %lt3A_365 : vector<16xi1>
        %or3A_367 = arith.ori %gt3A_363, %and3A_366 : vector<16xi1>
        %select_n3A_368 = arith.select %or3A_367, %get3A_360, %select_n3A_353 : vector<16xi1>, vector<16xf32>
        %select_n3A_369 = arith.select %or3A_367, %get3A_362, %select_n3A_354 : vector<16xi1>, vector<16xi32>
        %mul3A_370 = arith.constant 16 : i32
        %mul3A_371 = arith.muli %scan3A_232, %mul3A_370 : i32
        %add3A_372 = arith.constant 1120 : i32
        %add3A_373 = arith.addi %add3A_372, %mul3A_371 : i32
        %get3A_374 = arith.index_cast %add3A_373 : i32 to index
        %get3A_375 = tpu.vector_load %arg15[%get3A_374] {strides = array<i32>} : memref<1792xf32, #tpu.memory_space<vmem>>, vector<16xf32>,
        %get3A_376 = arith.index_cast %add3A_373 : i32 to index
        %get3A_377 = tpu.vector_load %arg16[%get3A_376] {strides = array<i32>} : memref<1792xi32, #tpu.memory_space<vmem>>, vector<16xi32>,
        %gt3A_378 = arith.cmpf ogt, %get3A_375, %select_n3A_368 : vector<16xf32>
        %eq3A_379 = arith.cmpf oeq, %get3A_375, %select_n3A_368 : vector<16xf32>
        %lt3A_380 = arith.cmpi slt, %get3A_377, %select_n3A_369 : vector<16xi32>
        %and3A_381 = arith.andi %eq3A_379, %lt3A_380 : vector<16xi1>
        %or3A_382 = arith.ori %gt3A_378, %and3A_381 : vector<16xi1>
        %select_n3A_383 = arith.select %or3A_382, %get3A_375, %select_n3A_368 : vector<16xi1>, vector<16xf32>
        %select_n3A_384 = arith.select %or3A_382, %get3A_377, %select_n3A_369 : vector<16xi1>, vector<16xi32>
        %mul3A_385 = arith.constant 16 : i32
        %mul3A_386 = arith.muli %scan3A_232, %mul3A_385 : i32
        %add3A_387 = arith.constant 1232 : i32
        %add3A_388 = arith.addi %add3A_387, %mul3A_386 : i32
        %get3A_389 = arith.index_cast %add3A_388 : i32 to index
        %get3A_390 = tpu.vector_load %arg15[%get3A_389] {strides = array<i32>} : memref<1792xf32, #tpu.memory_space<vmem>>, vector<16xf32>,
        %get3A_391 = arith.index_cast %add3A_388 : i32 to index
        %get3A_392 = tpu.vector_load %arg16[%get3A_391] {strides = array<i32>} : memref<1792xi32, #tpu.memory_space<vmem>>, vector<16xi32>,
        %gt3A_393 = arith.cmpf ogt, %get3A_390, %select_n3A_383 : vector<16xf32>
        %eq3A_394 = arith.cmpf oeq, %get3A_390, %select_n3A_383 : vector<16xf32>
        %lt3A_395 = arith.cmpi slt, %get3A_392, %select_n3A_384 : vector<16xi32>
        %and3A_396 = arith.andi %eq3A_394, %lt3A_395 : vector<16xi1>
        %or3A_397 = arith.ori %gt3A_393, %and3A_396 : vector<16xi1>
        %select_n3A_398 = arith.select %or3A_397, %get3A_390, %select_n3A_383 : vector<16xi1>, vector<16xf32>
        %select_n3A_399 = arith.select %or3A_397, %get3A_392, %select_n3A_384 : vector<16xi1>, vector<16xi32>
        %mul3A_400 = arith.constant 16 : i32
        %mul3A_401 = arith.muli %scan3A_232, %mul3A_400 : i32
        %add3A_402 = arith.constant 1344 : i32
        %add3A_403 = arith.addi %add3A_402, %mul3A_401 : i32
        %get3A_404 = arith.index_cast %add3A_403 : i32 to index
        %get3A_405 = tpu.vector_load %arg15[%get3A_404] {strides = array<i32>} : memref<1792xf32, #tpu.memory_space<vmem>>, vector<16xf32>,
        %get3A_406 = arith.index_cast %add3A_403 : i32 to index
        %get3A_407 = tpu.vector_load %arg16[%get3A_406] {strides = array<i32>} : memref<1792xi32, #tpu.memory_space<vmem>>, vector<16xi32>,
        %gt3A_408 = arith.cmpf ogt, %get3A_405, %select_n3A_398 : vector<16xf32>
        %eq3A_409 = arith.cmpf oeq, %get3A_405, %select_n3A_398 : vector<16xf32>
        %lt3A_410 = arith.cmpi slt, %get3A_407, %select_n3A_399 : vector<16xi32>
        %and3A_411 = arith.andi %eq3A_409, %lt3A_410 : vector<16xi1>
        %or3A_412 = arith.ori %gt3A_408, %and3A_411 : vector<16xi1>
        %select_n3A_413 = arith.select %or3A_412, %get3A_405, %select_n3A_398 : vector<16xi1>, vector<16xf32>
        %select_n3A_414 = arith.select %or3A_412, %get3A_407, %select_n3A_399 : vector<16xi1>, vector<16xi32>
        %mul3A_415 = arith.constant 16 : i32
        %mul3A_416 = arith.muli %scan3A_232, %mul3A_415 : i32
        %add3A_417 = arith.constant 1456 : i32
        %add3A_418 = arith.addi %add3A_417, %mul3A_416 : i32
        %get3A_419 = arith.index_cast %add3A_418 : i32 to index
        %get3A_420 = tpu.vector_load %arg15[%get3A_419] {strides = array<i32>} : memref<1792xf32, #tpu.memory_space<vmem>>, vector<16xf32>,
        %get3A_421 = arith.index_cast %add3A_418 : i32 to index
        %get3A_422 = tpu.vector_load %arg16[%get3A_421] {strides = array<i32>} : memref<1792xi32, #tpu.memory_space<vmem>>, vector<16xi32>,
        %gt3A_423 = arith.cmpf ogt, %get3A_420, %select_n3A_413 : vector<16xf32>
        %eq3A_424 = arith.cmpf oeq, %get3A_420, %select_n3A_413 : vector<16xf32>
        %lt3A_425 = arith.cmpi slt, %get3A_422, %select_n3A_414 : vector<16xi32>
        %and3A_426 = arith.andi %eq3A_424, %lt3A_425 : vector<16xi1>
        %or3A_427 = arith.ori %gt3A_423, %and3A_426 : vector<16xi1>
        %select_n3A_428 = arith.select %or3A_427, %get3A_420, %select_n3A_413 : vector<16xi1>, vector<16xf32>
        %select_n3A_429 = arith.select %or3A_427, %get3A_422, %select_n3A_414 : vector<16xi1>, vector<16xi32>
        %mul3A_430 = arith.constant 16 : i32
        %mul3A_431 = arith.muli %scan3A_232, %mul3A_430 : i32
        %add3A_432 = arith.constant 1568 : i32
        %add3A_433 = arith.addi %add3A_432, %mul3A_431 : i32
        %get3A_434 = arith.index_cast %add3A_433 : i32 to index
        %get3A_435 = tpu.vector_load %arg15[%get3A_434] {strides = array<i32>} : memref<1792xf32, #tpu.memory_space<vmem>>, vector<16xf32>,
        %get3A_436 = arith.index_cast %add3A_433 : i32 to index
        %get3A_437 = tpu.vector_load %arg16[%get3A_436] {strides = array<i32>} : memref<1792xi32, #tpu.memory_space<vmem>>, vector<16xi32>,
        %gt3A_438 = arith.cmpf ogt, %get3A_435, %select_n3A_428 : vector<16xf32>
        %eq3A_439 = arith.cmpf oeq, %get3A_435, %select_n3A_428 : vector<16xf32>
        %lt3A_440 = arith.cmpi slt, %get3A_437, %select_n3A_429 : vector<16xi32>
        %and3A_441 = arith.andi %eq3A_439, %lt3A_440 : vector<16xi1>
        %or3A_442 = arith.ori %gt3A_438, %and3A_441 : vector<16xi1>
        %select_n3A_443 = arith.select %or3A_442, %get3A_435, %select_n3A_428 : vector<16xi1>, vector<16xf32>
        %select_n3A_444 = arith.select %or3A_442, %get3A_437, %select_n3A_429 : vector<16xi1>, vector<16xi32>
        %mul3A_445 = arith.constant 16 : i32
        %mul3A_446 = arith.muli %scan3A_232, %mul3A_445 : i32
        %add3A_447 = arith.constant 1680 : i32
        %add3A_448 = arith.addi %add3A_447, %mul3A_446 : i32
        %get3A_449 = arith.index_cast %add3A_448 : i32 to index
        %get3A_450 = tpu.vector_load %arg15[%get3A_449] {strides = array<i32>} : memref<1792xf32, #tpu.memory_space<vmem>>, vector<16xf32>,
        %get3A_451 = arith.index_cast %add3A_448 : i32 to index
        %get3A_452 = tpu.vector_load %arg16[%get3A_451] {strides = array<i32>} : memref<1792xi32, #tpu.memory_space<vmem>>, vector<16xi32>,
        %gt3A_453 = arith.cmpf ogt, %get3A_450, %select_n3A_443 : vector<16xf32>
        %eq3A_454 = arith.cmpf oeq, %get3A_450, %select_n3A_443 : vector<16xf32>
        %lt3A_455 = arith.cmpi slt, %get3A_452, %select_n3A_444 : vector<16xi32>
        %and3A_456 = arith.andi %eq3A_454, %lt3A_455 : vector<16xi1>
        %or3A_457 = arith.ori %gt3A_453, %and3A_456 : vector<16xi1>
        %select_n3A_458 = arith.select %or3A_457, %get3A_450, %select_n3A_443 : vector<16xi1>, vector<16xf32>
        %select_n3A_459 = arith.select %or3A_457, %get3A_452, %select_n3A_444 : vector<16xi1>, vector<16xi32>
        %swap3A = arith.index_cast %mul3A_235 : i32 to index
        %swap3A_460 = tpu.vector_load %arg17[%swap3A] {strides = array<i32>} : memref<112xf32, #tpu.memory_space<vmem>>, vector<16xf32>,
        tpu.vector_store %arg17[%swap3A], %select_n3A_458 {strides = array<i32>} : memref<112xf32, #tpu.memory_space<vmem>>, vector<16xf32>,
        %swap3A_461 = arith.index_cast %mul3A_235 : i32 to index
        %swap3A_462 = tpu.vector_load %arg18[%swap3A_461] {strides = array<i32>} : memref<112xi32, #tpu.memory_space<vmem>>, vector<16xi32>,
        tpu.vector_store %arg18[%swap3A_461], %select_n3A_459 {strides = array<i32>} : memref<112xi32, #tpu.memory_space<vmem>>, vector<16xi32>,
        %scan3A_463 = arith.constant 0 : i32
        scf.yield %scan3A_463 : i32
      }
      %scan3A_224 = arith.constant 7 : i32
      %mul3A_225 = arith.constant 4 : i32
      %mul3A_226 = arith.muli %arg0, %mul3A_225 : i32
      %add3A_227 = arith.addi %mul3A_226, %arg1 : i32
      %mul3A_228 = arith.constant 112 : i32
      %mul3A_229 = arith.muli %add3A_227, %mul3A_228 : i32
      "tpu.region"() ({
        %run_scoped3A = tpu.sem_alloc : memref<!tpu.dma_semaphore, #tpu.memory_space<semaphore_mem>>
        %dma_start3A = tpu.memref_slice %arg4[%mul3A_229] : memref<896xf32, #tpu.memory_space<hbm>> -> memref<112xf32, #tpu.memory_space<hbm>>
        %dma_start3A_232 = tpu.memref_slice %arg4[%mul3A_229] : memref<896xf32, #tpu.memory_space<hbm>> -> memref<112xf32, #tpu.memory_space<hbm>>
        tpu.enqueue_dma source(%arg17 : memref<112xf32, #tpu.memory_space<vmem>>) target(%dma_start3A_232 : memref<112xf32, #tpu.memory_space<hbm>>) target_semaphore(%run_scoped3A : memref<!tpu.dma_semaphore, #tpu.memory_space<semaphore_mem>>)
        %dma_wait3A = tpu.memref_slice %arg4[%mul3A_229] : memref<896xf32, #tpu.memory_space<hbm>> -> memref<112xf32, #tpu.memory_space<hbm>>
        %dma_wait3A_233 = tpu.memref_slice %arg4[%mul3A_229] : memref<896xf32, #tpu.memory_space<hbm>> -> memref<112xf32, #tpu.memory_space<hbm>>
        tpu.wait_dma2 semaphore(%run_scoped3A : memref<!tpu.dma_semaphore, #tpu.memory_space<semaphore_mem>>) src(%arg17 : memref<112xf32, #tpu.memory_space<vmem>>) dst(%dma_wait3A_233 : memref<112xf32, #tpu.memory_space<hbm>>)
        tpu.yield
      }) : () -> ()
      %mul3A_230 = arith.constant 112 : i32
      %mul3A_231 = arith.muli %add3A_227, %mul3A_230 : i32
      "tpu.region"() ({
        %run_scoped3A = tpu.sem_alloc : memref<!tpu.dma_semaphore, #tpu.memory_space<semaphore_mem>>
        %dma_start3A = tpu.memref_slice %arg5[%mul3A_231] : memref<896xi32, #tpu.memory_space<hbm>> -> memref<112xi32, #tpu.memory_space<hbm>>
        %dma_start3A_232 = tpu.memref_slice %arg5[%mul3A_231] : memref<896xi32, #tpu.memory_space<hbm>> -> memref<112xi32, #tpu.memory_space<hbm>>
        tpu.enqueue_dma source(%arg18 : memref<112xi32, #tpu.memory_space<vmem>>) target(%dma_start3A_232 : memref<112xi32, #tpu.memory_space<hbm>>) target_semaphore(%run_scoped3A : memref<!tpu.dma_semaphore, #tpu.memory_space<semaphore_mem>>)
        %dma_wait3A = tpu.memref_slice %arg5[%mul3A_231] : memref<896xi32, #tpu.memory_space<hbm>> -> memref<112xi32, #tpu.memory_space<hbm>>
        %dma_wait3A_233 = tpu.memref_slice %arg5[%mul3A_231] : memref<896xi32, #tpu.memory_space<hbm>> -> memref<112xi32, #tpu.memory_space<hbm>>
        tpu.wait_dma2 semaphore(%run_scoped3A : memref<!tpu.dma_semaphore, #tpu.memory_space<semaphore_mem>>) src(%arg18 : memref<112xi32, #tpu.memory_space<vmem>>) dst(%dma_wait3A_233 : memref<112xi32, #tpu.memory_space<hbm>>)
        tpu.yield
      }) : () -> ()
    } else {
    }
    return
  }
}

module attributes {stable_mosaic.version = 14 : i64} {
  func.func @_tc_body(%arg0: i32, %arg1: i32, %arg2: memref<1x88x128xf32, #tpu.memory_space<vmem>>, %arg3: memref<1x88x128xf32, #tpu.memory_space<vmem>>, %arg4: memref<1x88x128xf32, #tpu.memory_space<vmem>>, %arg5: memref<1x88x128xf32, #tpu.memory_space<vmem>>, %arg6: memref<1x104x4xf32, #tpu.memory_space<vmem>>, %arg7: memref<1x1x8x128xf32, #tpu.memory_space<vmem>>, %arg8: memref<1x1x8x128xi32, #tpu.memory_space<vmem>>, %arg9: memref<88x128xf32, #tpu.memory_space<vmem>>, %arg10: memref<88x128xf32, #tpu.memory_space<vmem>>, %arg11: memref<88x128xf32, #tpu.memory_space<vmem>>, %arg12: memref<88x128xf32, #tpu.memory_space<vmem>>, %arg13: memref<88x128xf32, #tpu.memory_space<vmem>>) attributes {dimension_semantics = [#tpu.dimension_semantics<arbitrary>, #tpu.dimension_semantics<arbitrary>], iteration_bounds = array<i64: 8, 13>, scalar_prefetch = 0 : i64, scratch_operands = 5 : i64, tpu.core_type = #tpu.core_type<tc>, window_params = [{transform_indices = @transform_0, window_bounds = array<i64: 1, 88, 128>}, {transform_indices = @transform_1, window_bounds = array<i64: 1, 88, 128>}, {transform_indices = @transform_2, window_bounds = array<i64: 1, 88, 128>}, {transform_indices = @transform_3, window_bounds = array<i64: 1, 88, 128>}, {transform_indices = @transform_4, window_bounds = array<i64: 1, 104, 4>}, {transform_indices = @transform_5, window_bounds = array<i64: 1, 1, 8, 128>}, {transform_indices = @transform_6, window_bounds = array<i64: 1, 1, 8, 128>}]} {
    %eq3A = arith.constant 0 : i32
    %eq3A_0 = arith.cmpi eq, %arg1, %eq3A : i32
    %convert_element_type3A = arith.extui %eq3A_0 : i1 to i32
    %cond3A = arith.constant 0 : i32
    %cond3A_1 = arith.cmpi ne, %convert_element_type3A, %cond3A : i32
    scf.if %cond3A_1 {
      %get3A_130 = arith.constant 0 : index
      %get3A_131 = arith.constant 0 : index
      %get3A_132 = arith.constant 0 : index
      %get3A_133 = vector.load %arg2[%get3A_130, %get3A_131, %get3A_132] : memref<1x88x128xf32, #tpu.memory_space<vmem>>, vector<1x88x128xf32>
      %get3A_134 = vector.shape_cast %get3A_133 : vector<1x88x128xf32> to vector<88x128xf32>
      %get3A_135 = arith.constant 0 : index
      %get3A_136 = arith.constant 0 : index
      %get3A_137 = arith.constant 0 : index
      %get3A_138 = vector.load %arg3[%get3A_135, %get3A_136, %get3A_137] : memref<1x88x128xf32, #tpu.memory_space<vmem>>, vector<1x88x128xf32>
      %get3A_139 = vector.shape_cast %get3A_138 : vector<1x88x128xf32> to vector<88x128xf32>
      %get3A_140 = arith.constant 0 : index
      %get3A_141 = arith.constant 0 : index
      %get3A_142 = arith.constant 0 : index
      %get3A_143 = vector.load %arg4[%get3A_140, %get3A_141, %get3A_142] : memref<1x88x128xf32, #tpu.memory_space<vmem>>, vector<1x88x128xf32>
      %get3A_144 = vector.shape_cast %get3A_143 : vector<1x88x128xf32> to vector<88x128xf32>
      %get3A_145 = arith.constant 0 : index
      %get3A_146 = arith.constant 0 : index
      %get3A_147 = arith.constant 0 : index
      %get3A_148 = vector.load %arg5[%get3A_145, %get3A_146, %get3A_147] : memref<1x88x128xf32, #tpu.memory_space<vmem>>, vector<1x88x128xf32>
      %get3A_149 = vector.shape_cast %get3A_148 : vector<1x88x128xf32> to vector<88x128xf32>
      %mul3A_150 = arith.constant 5.000000e-01 : f32
      %mul3A_151 = vector.broadcast %mul3A_150 : f32 to vector<88x128xf32>
      %mul3A_152 = arith.mulf %mul3A_151, %get3A_144 : vector<88x128xf32>
      %sub3A_153 = arith.subf %get3A_134, %mul3A_152 : vector<88x128xf32>
      %mul3A_154 = arith.constant 5.000000e-01 : f32
      %mul3A_155 = vector.broadcast %mul3A_154 : f32 to vector<88x128xf32>
      %mul3A_156 = arith.mulf %mul3A_155, %get3A_149 : vector<88x128xf32>
      %sub3A_157 = arith.subf %get3A_139, %mul3A_156 : vector<88x128xf32>
      %mul3A_158 = arith.constant 5.000000e-01 : f32
      %mul3A_159 = vector.broadcast %mul3A_158 : f32 to vector<88x128xf32>
      %mul3A_160 = arith.mulf %mul3A_159, %get3A_144 : vector<88x128xf32>
      %add3A_161 = arith.addf %get3A_134, %mul3A_160 : vector<88x128xf32>
      %mul3A_162 = arith.constant 5.000000e-01 : f32
      %mul3A_163 = vector.broadcast %mul3A_162 : f32 to vector<88x128xf32>
      %mul3A_164 = arith.mulf %mul3A_163, %get3A_149 : vector<88x128xf32>
      %add3A_165 = arith.addf %get3A_139, %mul3A_164 : vector<88x128xf32>
      %swap3A_166 = arith.constant 0 : index
      %swap3A_167 = arith.constant 0 : index
      %swap3A_168 = vector.load %arg9[%swap3A_166, %swap3A_167] : memref<88x128xf32, #tpu.memory_space<vmem>>, vector<88x128xf32>
      tpu.vector_store %arg9[%swap3A_166, %swap3A_167], %sub3A_153 {strides = array<i32>} : memref<88x128xf32, #tpu.memory_space<vmem>>, vector<88x128xf32>,
      %swap3A_169 = arith.constant 0 : index
      %swap3A_170 = arith.constant 0 : index
      %swap3A_171 = vector.load %arg10[%swap3A_169, %swap3A_170] : memref<88x128xf32, #tpu.memory_space<vmem>>, vector<88x128xf32>
      tpu.vector_store %arg10[%swap3A_169, %swap3A_170], %sub3A_157 {strides = array<i32>} : memref<88x128xf32, #tpu.memory_space<vmem>>, vector<88x128xf32>,
      %swap3A_172 = arith.constant 0 : index
      %swap3A_173 = arith.constant 0 : index
      %swap3A_174 = vector.load %arg11[%swap3A_172, %swap3A_173] : memref<88x128xf32, #tpu.memory_space<vmem>>, vector<88x128xf32>
      tpu.vector_store %arg11[%swap3A_172, %swap3A_173], %add3A_161 {strides = array<i32>} : memref<88x128xf32, #tpu.memory_space<vmem>>, vector<88x128xf32>,
      %swap3A_175 = arith.constant 0 : index
      %swap3A_176 = arith.constant 0 : index
      %swap3A_177 = vector.load %arg12[%swap3A_175, %swap3A_176] : memref<88x128xf32, #tpu.memory_space<vmem>>, vector<88x128xf32>
      tpu.vector_store %arg12[%swap3A_175, %swap3A_176], %add3A_165 {strides = array<i32>} : memref<88x128xf32, #tpu.memory_space<vmem>>, vector<88x128xf32>,
      %sub3A_178 = arith.subf %add3A_161, %sub3A_153 : vector<88x128xf32>
      %sub3A_179 = arith.subf %add3A_165, %sub3A_157 : vector<88x128xf32>
      %mul3A_180 = arith.mulf %sub3A_178, %sub3A_179 : vector<88x128xf32>
      %swap3A_181 = arith.constant 0 : index
      %swap3A_182 = arith.constant 0 : index
      %swap3A_183 = vector.load %arg13[%swap3A_181, %swap3A_182] : memref<88x128xf32, #tpu.memory_space<vmem>>, vector<88x128xf32>
      tpu.vector_store %arg13[%swap3A_181, %swap3A_182], %mul3A_180 {strides = array<i32>} : memref<88x128xf32, #tpu.memory_space<vmem>>, vector<88x128xf32>,
    } else {
    }
    %mul3A = arith.constant 8 : i32
    %mul3A_2 = arith.muli %arg1, %mul3A : i32
    %get3A = arith.constant 0 : index
    %get3A_3 = arith.index_cast %mul3A_2 : i32 to index
    %get3A_4 = arith.constant 0 : index
    %get3A_5 = vector.load %arg6[%get3A, %get3A_3, %get3A_4] : memref<1x104x4xf32, #tpu.memory_space<vmem>>, vector<1x8x1xf32>
    %get3A_6 = vector.shape_cast %get3A_5 : vector<1x8x1xf32> to vector<8x1xf32>
    %mul3A_7 = arith.constant 8 : i32
    %mul3A_8 = arith.muli %arg1, %mul3A_7 : i32
    %get3A_9 = arith.constant 0 : index
    %get3A_10 = arith.index_cast %mul3A_8 : i32 to index
    %get3A_11 = arith.constant 1 : index
    %get3A_12 = vector.load %arg6[%get3A_9, %get3A_10, %get3A_11] : memref<1x104x4xf32, #tpu.memory_space<vmem>>, vector<1x8x1xf32>
    %get3A_13 = vector.shape_cast %get3A_12 : vector<1x8x1xf32> to vector<8x1xf32>
    %mul3A_14 = arith.constant 8 : i32
    %mul3A_15 = arith.muli %arg1, %mul3A_14 : i32
    %get3A_16 = arith.constant 0 : index
    %get3A_17 = arith.index_cast %mul3A_15 : i32 to index
    %get3A_18 = arith.constant 2 : index
    %get3A_19 = vector.load %arg6[%get3A_16, %get3A_17, %get3A_18] : memref<1x104x4xf32, #tpu.memory_space<vmem>>, vector<1x8x1xf32>
    %get3A_20 = vector.shape_cast %get3A_19 : vector<1x8x1xf32> to vector<8x1xf32>
    %mul3A_21 = arith.constant 8 : i32
    %mul3A_22 = arith.muli %arg1, %mul3A_21 : i32
    %get3A_23 = arith.constant 0 : index
    %get3A_24 = arith.index_cast %mul3A_22 : i32 to index
    %get3A_25 = arith.constant 3 : index
    %get3A_26 = vector.load %arg6[%get3A_23, %get3A_24, %get3A_25] : memref<1x104x4xf32, #tpu.memory_space<vmem>>, vector<1x8x1xf32>
    %get3A_27 = vector.shape_cast %get3A_26 : vector<1x8x1xf32> to vector<8x1xf32>
    %mul3A_28 = arith.constant 5.000000e-01 : f32
    %mul3A_29 = vector.broadcast %mul3A_28 : f32 to vector<8x1xf32>
    %mul3A_30 = arith.mulf %mul3A_29, %get3A_20 : vector<8x1xf32>
    %sub3A = arith.subf %get3A_6, %mul3A_30 : vector<8x1xf32>
    %broadcast_in_dim3A = vector.shape_cast %sub3A : vector<8x1xf32> to vector<8x1xf32>
    %broadcast_in_dim3A_31 = vector.broadcast %broadcast_in_dim3A : vector<8x1xf32> to vector<8x128xf32>
    %mul3A_32 = arith.constant 5.000000e-01 : f32
    %mul3A_33 = vector.broadcast %mul3A_32 : f32 to vector<8x1xf32>
    %mul3A_34 = arith.mulf %mul3A_33, %get3A_27 : vector<8x1xf32>
    %sub3A_35 = arith.subf %get3A_13, %mul3A_34 : vector<8x1xf32>
    %broadcast_in_dim3A_36 = vector.shape_cast %sub3A_35 : vector<8x1xf32> to vector<8x1xf32>
    %broadcast_in_dim3A_37 = vector.broadcast %broadcast_in_dim3A_36 : vector<8x1xf32> to vector<8x128xf32>
    %mul3A_38 = arith.constant 5.000000e-01 : f32
    %mul3A_39 = vector.broadcast %mul3A_38 : f32 to vector<8x1xf32>
    %mul3A_40 = arith.mulf %mul3A_39, %get3A_20 : vector<8x1xf32>
    %add3A = arith.addf %get3A_6, %mul3A_40 : vector<8x1xf32>
    %broadcast_in_dim3A_41 = vector.shape_cast %add3A : vector<8x1xf32> to vector<8x1xf32>
    %broadcast_in_dim3A_42 = vector.broadcast %broadcast_in_dim3A_41 : vector<8x1xf32> to vector<8x128xf32>
    %mul3A_43 = arith.constant 5.000000e-01 : f32
    %mul3A_44 = vector.broadcast %mul3A_43 : f32 to vector<8x1xf32>
    %mul3A_45 = arith.mulf %mul3A_44, %get3A_27 : vector<8x1xf32>
    %add3A_46 = arith.addf %get3A_13, %mul3A_45 : vector<8x1xf32>
    %broadcast_in_dim3A_47 = vector.shape_cast %add3A_46 : vector<8x1xf32> to vector<8x1xf32>
    %broadcast_in_dim3A_48 = vector.broadcast %broadcast_in_dim3A_47 : vector<8x1xf32> to vector<8x128xf32>
    %sub3A_49 = arith.subf %broadcast_in_dim3A_42, %broadcast_in_dim3A_31 : vector<8x128xf32>
    %sub3A_50 = arith.subf %broadcast_in_dim3A_48, %broadcast_in_dim3A_37 : vector<8x128xf32>
    %mul3A_51 = arith.mulf %sub3A_49, %sub3A_50 : vector<8x128xf32>
    %iota3A = tpu.iota {dimensions = array<i32: 1>} : vector<8x128xi32>
    %broadcast_in_dim3A_52 = arith.constant -3.000000e+38 : f32
    %broadcast_in_dim3A_53 = vector.broadcast %broadcast_in_dim3A_52 : f32 to vector<8x128xf32>
    %broadcast_in_dim3A_54 = arith.constant 0 : i32
    %broadcast_in_dim3A_55 = vector.broadcast %broadcast_in_dim3A_54 : i32 to vector<8x128xi32>
    %scan3A = arith.constant 0 : i32
    %scan3A_56 = arith.constant 11 : i32
    %scan3A_57 = arith.addi %scan3A, %scan3A_56 : i32
    %scan3A_58 = arith.constant 1 : i32
    %scan3A_59:16 = scf.for %scan3A_130 = %scan3A to %scan3A_57 step %scan3A_58 iter_args(%scan3A_131 = %broadcast_in_dim3A_53, %scan3A_132 = %broadcast_in_dim3A_53, %scan3A_133 = %broadcast_in_dim3A_53, %scan3A_134 = %broadcast_in_dim3A_53, %scan3A_135 = %broadcast_in_dim3A_53, %scan3A_136 = %broadcast_in_dim3A_53, %scan3A_137 = %broadcast_in_dim3A_53, %scan3A_138 = %broadcast_in_dim3A_53, %scan3A_139 = %broadcast_in_dim3A_55, %scan3A_140 = %broadcast_in_dim3A_55, %scan3A_141 = %broadcast_in_dim3A_55, %scan3A_142 = %broadcast_in_dim3A_55, %scan3A_143 = %broadcast_in_dim3A_55, %scan3A_144 = %broadcast_in_dim3A_55, %scan3A_145 = %broadcast_in_dim3A_55, %scan3A_146 = %broadcast_in_dim3A_55) -> (vector<8x128xf32>, vector<8x128xf32>, vector<8x128xf32>, vector<8x128xf32>, vector<8x128xf32>, vector<8x128xf32>, vector<8x128xf32>, vector<8x128xf32>, vector<8x128xi32>, vector<8x128xi32>, vector<8x128xi32>, vector<8x128xi32>, vector<8x128xi32>, vector<8x128xi32>, vector<8x128xi32>, vector<8x128xi32>)  : i32 {
      %mul3A_147 = arith.constant 8 : i32
      %mul3A_148 = arith.muli %scan3A_130, %mul3A_147 : i32
      %add3A_149 = arith.constant 0 : i32
      %add3A_150 = arith.addi %mul3A_148, %add3A_149 : i32
      %get3A_151 = arith.index_cast %add3A_150 : i32 to index
      %get3A_152 = arith.constant 0 : index
      %get3A_153 = vector.load %arg9[%get3A_151, %get3A_152] : memref<88x128xf32, #tpu.memory_space<vmem>>, vector<1x128xf32>
      %get3A_154 = arith.index_cast %add3A_150 : i32 to index
      %get3A_155 = arith.constant 0 : index
      %get3A_156 = vector.load %arg10[%get3A_154, %get3A_155] : memref<88x128xf32, #tpu.memory_space<vmem>>, vector<1x128xf32>
      %get3A_157 = arith.index_cast %add3A_150 : i32 to index
      %get3A_158 = arith.constant 0 : index
      %get3A_159 = vector.load %arg11[%get3A_157, %get3A_158] : memref<88x128xf32, #tpu.memory_space<vmem>>, vector<1x128xf32>
      %get3A_160 = arith.index_cast %add3A_150 : i32 to index
      %get3A_161 = arith.constant 0 : index
      %get3A_162 = vector.load %arg12[%get3A_160, %get3A_161] : memref<88x128xf32, #tpu.memory_space<vmem>>, vector<1x128xf32>
      %get3A_163 = arith.index_cast %add3A_150 : i32 to index
      %get3A_164 = arith.constant 0 : index
      %get3A_165 = vector.load %arg13[%get3A_163, %get3A_164] : memref<88x128xf32, #tpu.memory_space<vmem>>, vector<1x128xf32>
      %max3A = vector.broadcast %get3A_153 : vector<1x128xf32> to vector<8x128xf32>
      %max3A_166 = arith.maximumf %max3A, %broadcast_in_dim3A_31 : vector<8x128xf32>
      %max3A_167 = vector.broadcast %get3A_156 : vector<1x128xf32> to vector<8x128xf32>
      %max3A_168 = arith.maximumf %max3A_167, %broadcast_in_dim3A_37 : vector<8x128xf32>
      %min3A = vector.broadcast %get3A_159 : vector<1x128xf32> to vector<8x128xf32>
      %min3A_169 = arith.minimumf %min3A, %broadcast_in_dim3A_42 : vector<8x128xf32>
      %min3A_170 = vector.broadcast %get3A_162 : vector<1x128xf32> to vector<8x128xf32>
      %min3A_171 = arith.minimumf %min3A_170, %broadcast_in_dim3A_48 : vector<8x128xf32>
      %sub3A_172 = arith.subf %min3A_169, %max3A_166 : vector<8x128xf32>
      %max3A_173 = arith.constant 0.000000e+00 : f32
      %max3A_174 = vector.broadcast %max3A_173 : f32 to vector<8x128xf32>
      %max3A_175 = arith.maximumf %sub3A_172, %max3A_174 : vector<8x128xf32>
      %sub3A_176 = arith.subf %min3A_171, %max3A_168 : vector<8x128xf32>
      %max3A_177 = arith.constant 0.000000e+00 : f32
      %max3A_178 = vector.broadcast %max3A_177 : f32 to vector<8x128xf32>
      %max3A_179 = arith.maximumf %sub3A_176, %max3A_178 : vector<8x128xf32>
      %mul3A_180 = arith.mulf %max3A_175, %max3A_179 : vector<8x128xf32>
      %add3A_181 = vector.broadcast %get3A_165 : vector<1x128xf32> to vector<8x128xf32>
      %add3A_182 = arith.addf %add3A_181, %mul3A_51 : vector<8x128xf32>
      %sub3A_183 = arith.subf %add3A_182, %mul3A_180 : vector<8x128xf32>
      %max3A_184 = arith.constant 9.99999971E-10 : f32
      %max3A_185 = vector.broadcast %max3A_184 : f32 to vector<8x128xf32>
      %max3A_186 = arith.maximumf %sub3A_183, %max3A_185 : vector<8x128xf32>
      %div3A = arith.divf %mul3A_180, %max3A_186 : vector<8x128xf32>
      %min3A_187 = vector.broadcast %get3A_153 : vector<1x128xf32> to vector<8x128xf32>
      %min3A_188 = arith.minimumf %min3A_187, %broadcast_in_dim3A_31 : vector<8x128xf32>
      %min3A_189 = vector.broadcast %get3A_156 : vector<1x128xf32> to vector<8x128xf32>
      %min3A_190 = arith.minimumf %min3A_189, %broadcast_in_dim3A_37 : vector<8x128xf32>
      %max3A_191 = vector.broadcast %get3A_159 : vector<1x128xf32> to vector<8x128xf32>
      %max3A_192 = arith.maximumf %max3A_191, %broadcast_in_dim3A_42 : vector<8x128xf32>
      %max3A_193 = vector.broadcast %get3A_162 : vector<1x128xf32> to vector<8x128xf32>
      %max3A_194 = arith.maximumf %max3A_193, %broadcast_in_dim3A_48 : vector<8x128xf32>
      %sub3A_195 = arith.subf %max3A_192, %min3A_188 : vector<8x128xf32>
      %sub3A_196 = arith.subf %max3A_194, %min3A_190 : vector<8x128xf32>
      %mul3A_197 = arith.mulf %sub3A_195, %sub3A_196 : vector<8x128xf32>
      %sub3A_198 = arith.subf %mul3A_197, %sub3A_183 : vector<8x128xf32>
      %max3A_199 = arith.constant 9.99999971E-10 : f32
      %max3A_200 = vector.broadcast %max3A_199 : f32 to vector<8x128xf32>
      %max3A_201 = arith.maximumf %mul3A_197, %max3A_200 : vector<8x128xf32>
      %div3A_202 = arith.divf %sub3A_198, %max3A_201 : vector<8x128xf32>
      %sub3A_203 = arith.subf %div3A, %div3A_202 : vector<8x128xf32>
      %mul3A_204 = arith.constant 128 : i32
      %mul3A_205 = arith.muli %add3A_150, %mul3A_204 : i32
      %add3A_206 = vector.broadcast %mul3A_205 : i32 to vector<8x128xi32>
      %add3A_207 = arith.addi %iota3A, %add3A_206 : vector<8x128xi32>
      %gt3A_208 = arith.cmpf ogt, %sub3A_203, %scan3A_131 : vector<8x128xf32>
      %select_n3A_209 = arith.select %gt3A_208, %sub3A_203, %scan3A_131 : vector<8x128xi1>, vector<8x128xf32>
      %select_n3A_210 = arith.select %gt3A_208, %add3A_207, %scan3A_139 : vector<8x128xi1>, vector<8x128xi32>
      %mul3A_211 = arith.constant 8 : i32
      %mul3A_212 = arith.muli %scan3A_130, %mul3A_211 : i32
      %add3A_213 = arith.constant 1 : i32
      %add3A_214 = arith.addi %mul3A_212, %add3A_213 : i32
      %get3A_215 = arith.index_cast %add3A_214 : i32 to index
      %get3A_216 = arith.constant 0 : index
      %get3A_217 = vector.load %arg9[%get3A_215, %get3A_216] : memref<88x128xf32, #tpu.memory_space<vmem>>, vector<1x128xf32>
      %get3A_218 = arith.index_cast %add3A_214 : i32 to index
      %get3A_219 = arith.constant 0 : index
      %get3A_220 = vector.load %arg10[%get3A_218, %get3A_219] : memref<88x128xf32, #tpu.memory_space<vmem>>, vector<1x128xf32>
      %get3A_221 = arith.index_cast %add3A_214 : i32 to index
      %get3A_222 = arith.constant 0 : index
      %get3A_223 = vector.load %arg11[%get3A_221, %get3A_222] : memref<88x128xf32, #tpu.memory_space<vmem>>, vector<1x128xf32>
      %get3A_224 = arith.index_cast %add3A_214 : i32 to index
      %get3A_225 = arith.constant 0 : index
      %get3A_226 = vector.load %arg12[%get3A_224, %get3A_225] : memref<88x128xf32, #tpu.memory_space<vmem>>, vector<1x128xf32>
      %get3A_227 = arith.index_cast %add3A_214 : i32 to index
      %get3A_228 = arith.constant 0 : index
      %get3A_229 = vector.load %arg13[%get3A_227, %get3A_228] : memref<88x128xf32, #tpu.memory_space<vmem>>, vector<1x128xf32>
      %max3A_230 = vector.broadcast %get3A_217 : vector<1x128xf32> to vector<8x128xf32>
      %max3A_231 = arith.maximumf %max3A_230, %broadcast_in_dim3A_31 : vector<8x128xf32>
      %max3A_232 = vector.broadcast %get3A_220 : vector<1x128xf32> to vector<8x128xf32>
      %max3A_233 = arith.maximumf %max3A_232, %broadcast_in_dim3A_37 : vector<8x128xf32>
      %min3A_234 = vector.broadcast %get3A_223 : vector<1x128xf32> to vector<8x128xf32>
      %min3A_235 = arith.minimumf %min3A_234, %broadcast_in_dim3A_42 : vector<8x128xf32>
      %min3A_236 = vector.broadcast %get3A_226 : vector<1x128xf32> to vector<8x128xf32>
      %min3A_237 = arith.minimumf %min3A_236, %broadcast_in_dim3A_48 : vector<8x128xf32>
      %sub3A_238 = arith.subf %min3A_235, %max3A_231 : vector<8x128xf32>
      %max3A_239 = arith.constant 0.000000e+00 : f32
      %max3A_240 = vector.broadcast %max3A_239 : f32 to vector<8x128xf32>
      %max3A_241 = arith.maximumf %sub3A_238, %max3A_240 : vector<8x128xf32>
      %sub3A_242 = arith.subf %min3A_237, %max3A_233 : vector<8x128xf32>
      %max3A_243 = arith.constant 0.000000e+00 : f32
      %max3A_244 = vector.broadcast %max3A_243 : f32 to vector<8x128xf32>
      %max3A_245 = arith.maximumf %sub3A_242, %max3A_244 : vector<8x128xf32>
      %mul3A_246 = arith.mulf %max3A_241, %max3A_245 : vector<8x128xf32>
      %add3A_247 = vector.broadcast %get3A_229 : vector<1x128xf32> to vector<8x128xf32>
      %add3A_248 = arith.addf %add3A_247, %mul3A_51 : vector<8x128xf32>
      %sub3A_249 = arith.subf %add3A_248, %mul3A_246 : vector<8x128xf32>
      %max3A_250 = arith.constant 9.99999971E-10 : f32
      %max3A_251 = vector.broadcast %max3A_250 : f32 to vector<8x128xf32>
      %max3A_252 = arith.maximumf %sub3A_249, %max3A_251 : vector<8x128xf32>
      %div3A_253 = arith.divf %mul3A_246, %max3A_252 : vector<8x128xf32>
      %min3A_254 = vector.broadcast %get3A_217 : vector<1x128xf32> to vector<8x128xf32>
      %min3A_255 = arith.minimumf %min3A_254, %broadcast_in_dim3A_31 : vector<8x128xf32>
      %min3A_256 = vector.broadcast %get3A_220 : vector<1x128xf32> to vector<8x128xf32>
      %min3A_257 = arith.minimumf %min3A_256, %broadcast_in_dim3A_37 : vector<8x128xf32>
      %max3A_258 = vector.broadcast %get3A_223 : vector<1x128xf32> to vector<8x128xf32>
      %max3A_259 = arith.maximumf %max3A_258, %broadcast_in_dim3A_42 : vector<8x128xf32>
      %max3A_260 = vector.broadcast %get3A_226 : vector<1x128xf32> to vector<8x128xf32>
      %max3A_261 = arith.maximumf %max3A_260, %broadcast_in_dim3A_48 : vector<8x128xf32>
      %sub3A_262 = arith.subf %max3A_259, %min3A_255 : vector<8x128xf32>
      %sub3A_263 = arith.subf %max3A_261, %min3A_257 : vector<8x128xf32>
      %mul3A_264 = arith.mulf %sub3A_262, %sub3A_263 : vector<8x128xf32>
      %sub3A_265 = arith.subf %mul3A_264, %sub3A_249 : vector<8x128xf32>
      %max3A_266 = arith.constant 9.99999971E-10 : f32
      %max3A_267 = vector.broadcast %max3A_266 : f32 to vector<8x128xf32>
      %max3A_268 = arith.maximumf %mul3A_264, %max3A_267 : vector<8x128xf32>
      %div3A_269 = arith.divf %sub3A_265, %max3A_268 : vector<8x128xf32>
      %sub3A_270 = arith.subf %div3A_253, %div3A_269 : vector<8x128xf32>
      %mul3A_271 = arith.constant 128 : i32
      %mul3A_272 = arith.muli %add3A_214, %mul3A_271 : i32
      %add3A_273 = vector.broadcast %mul3A_272 : i32 to vector<8x128xi32>
      %add3A_274 = arith.addi %iota3A, %add3A_273 : vector<8x128xi32>
      %gt3A_275 = arith.cmpf ogt, %sub3A_270, %scan3A_132 : vector<8x128xf32>
      %select_n3A_276 = arith.select %gt3A_275, %sub3A_270, %scan3A_132 : vector<8x128xi1>, vector<8x128xf32>
      %select_n3A_277 = arith.select %gt3A_275, %add3A_274, %scan3A_140 : vector<8x128xi1>, vector<8x128xi32>
      %mul3A_278 = arith.constant 8 : i32
      %mul3A_279 = arith.muli %scan3A_130, %mul3A_278 : i32
      %add3A_280 = arith.constant 2 : i32
      %add3A_281 = arith.addi %mul3A_279, %add3A_280 : i32
      %get3A_282 = arith.index_cast %add3A_281 : i32 to index
      %get3A_283 = arith.constant 0 : index
      %get3A_284 = vector.load %arg9[%get3A_282, %get3A_283] : memref<88x128xf32, #tpu.memory_space<vmem>>, vector<1x128xf32>
      %get3A_285 = arith.index_cast %add3A_281 : i32 to index
      %get3A_286 = arith.constant 0 : index
      %get3A_287 = vector.load %arg10[%get3A_285, %get3A_286] : memref<88x128xf32, #tpu.memory_space<vmem>>, vector<1x128xf32>
      %get3A_288 = arith.index_cast %add3A_281 : i32 to index
      %get3A_289 = arith.constant 0 : index
      %get3A_290 = vector.load %arg11[%get3A_288, %get3A_289] : memref<88x128xf32, #tpu.memory_space<vmem>>, vector<1x128xf32>
      %get3A_291 = arith.index_cast %add3A_281 : i32 to index
      %get3A_292 = arith.constant 0 : index
      %get3A_293 = vector.load %arg12[%get3A_291, %get3A_292] : memref<88x128xf32, #tpu.memory_space<vmem>>, vector<1x128xf32>
      %get3A_294 = arith.index_cast %add3A_281 : i32 to index
      %get3A_295 = arith.constant 0 : index
      %get3A_296 = vector.load %arg13[%get3A_294, %get3A_295] : memref<88x128xf32, #tpu.memory_space<vmem>>, vector<1x128xf32>
      %max3A_297 = vector.broadcast %get3A_284 : vector<1x128xf32> to vector<8x128xf32>
      %max3A_298 = arith.maximumf %max3A_297, %broadcast_in_dim3A_31 : vector<8x128xf32>
      %max3A_299 = vector.broadcast %get3A_287 : vector<1x128xf32> to vector<8x128xf32>
      %max3A_300 = arith.maximumf %max3A_299, %broadcast_in_dim3A_37 : vector<8x128xf32>
      %min3A_301 = vector.broadcast %get3A_290 : vector<1x128xf32> to vector<8x128xf32>
      %min3A_302 = arith.minimumf %min3A_301, %broadcast_in_dim3A_42 : vector<8x128xf32>
      %min3A_303 = vector.broadcast %get3A_293 : vector<1x128xf32> to vector<8x128xf32>
      %min3A_304 = arith.minimumf %min3A_303, %broadcast_in_dim3A_48 : vector<8x128xf32>
      %sub3A_305 = arith.subf %min3A_302, %max3A_298 : vector<8x128xf32>
      %max3A_306 = arith.constant 0.000000e+00 : f32
      %max3A_307 = vector.broadcast %max3A_306 : f32 to vector<8x128xf32>
      %max3A_308 = arith.maximumf %sub3A_305, %max3A_307 : vector<8x128xf32>
      %sub3A_309 = arith.subf %min3A_304, %max3A_300 : vector<8x128xf32>
      %max3A_310 = arith.constant 0.000000e+00 : f32
      %max3A_311 = vector.broadcast %max3A_310 : f32 to vector<8x128xf32>
      %max3A_312 = arith.maximumf %sub3A_309, %max3A_311 : vector<8x128xf32>
      %mul3A_313 = arith.mulf %max3A_308, %max3A_312 : vector<8x128xf32>
      %add3A_314 = vector.broadcast %get3A_296 : vector<1x128xf32> to vector<8x128xf32>
      %add3A_315 = arith.addf %add3A_314, %mul3A_51 : vector<8x128xf32>
      %sub3A_316 = arith.subf %add3A_315, %mul3A_313 : vector<8x128xf32>
      %max3A_317 = arith.constant 9.99999971E-10 : f32
      %max3A_318 = vector.broadcast %max3A_317 : f32 to vector<8x128xf32>
      %max3A_319 = arith.maximumf %sub3A_316, %max3A_318 : vector<8x128xf32>
      %div3A_320 = arith.divf %mul3A_313, %max3A_319 : vector<8x128xf32>
      %min3A_321 = vector.broadcast %get3A_284 : vector<1x128xf32> to vector<8x128xf32>
      %min3A_322 = arith.minimumf %min3A_321, %broadcast_in_dim3A_31 : vector<8x128xf32>
      %min3A_323 = vector.broadcast %get3A_287 : vector<1x128xf32> to vector<8x128xf32>
      %min3A_324 = arith.minimumf %min3A_323, %broadcast_in_dim3A_37 : vector<8x128xf32>
      %max3A_325 = vector.broadcast %get3A_290 : vector<1x128xf32> to vector<8x128xf32>
      %max3A_326 = arith.maximumf %max3A_325, %broadcast_in_dim3A_42 : vector<8x128xf32>
      %max3A_327 = vector.broadcast %get3A_293 : vector<1x128xf32> to vector<8x128xf32>
      %max3A_328 = arith.maximumf %max3A_327, %broadcast_in_dim3A_48 : vector<8x128xf32>
      %sub3A_329 = arith.subf %max3A_326, %min3A_322 : vector<8x128xf32>
      %sub3A_330 = arith.subf %max3A_328, %min3A_324 : vector<8x128xf32>
      %mul3A_331 = arith.mulf %sub3A_329, %sub3A_330 : vector<8x128xf32>
      %sub3A_332 = arith.subf %mul3A_331, %sub3A_316 : vector<8x128xf32>
      %max3A_333 = arith.constant 9.99999971E-10 : f32
      %max3A_334 = vector.broadcast %max3A_333 : f32 to vector<8x128xf32>
      %max3A_335 = arith.maximumf %mul3A_331, %max3A_334 : vector<8x128xf32>
      %div3A_336 = arith.divf %sub3A_332, %max3A_335 : vector<8x128xf32>
      %sub3A_337 = arith.subf %div3A_320, %div3A_336 : vector<8x128xf32>
      %mul3A_338 = arith.constant 128 : i32
      %mul3A_339 = arith.muli %add3A_281, %mul3A_338 : i32
      %add3A_340 = vector.broadcast %mul3A_339 : i32 to vector<8x128xi32>
      %add3A_341 = arith.addi %iota3A, %add3A_340 : vector<8x128xi32>
      %gt3A_342 = arith.cmpf ogt, %sub3A_337, %scan3A_133 : vector<8x128xf32>
      %select_n3A_343 = arith.select %gt3A_342, %sub3A_337, %scan3A_133 : vector<8x128xi1>, vector<8x128xf32>
      %select_n3A_344 = arith.select %gt3A_342, %add3A_341, %scan3A_141 : vector<8x128xi1>, vector<8x128xi32>
      %mul3A_345 = arith.constant 8 : i32
      %mul3A_346 = arith.muli %scan3A_130, %mul3A_345 : i32
      %add3A_347 = arith.constant 3 : i32
      %add3A_348 = arith.addi %mul3A_346, %add3A_347 : i32
      %get3A_349 = arith.index_cast %add3A_348 : i32 to index
      %get3A_350 = arith.constant 0 : index
      %get3A_351 = vector.load %arg9[%get3A_349, %get3A_350] : memref<88x128xf32, #tpu.memory_space<vmem>>, vector<1x128xf32>
      %get3A_352 = arith.index_cast %add3A_348 : i32 to index
      %get3A_353 = arith.constant 0 : index
      %get3A_354 = vector.load %arg10[%get3A_352, %get3A_353] : memref<88x128xf32, #tpu.memory_space<vmem>>, vector<1x128xf32>
      %get3A_355 = arith.index_cast %add3A_348 : i32 to index
      %get3A_356 = arith.constant 0 : index
      %get3A_357 = vector.load %arg11[%get3A_355, %get3A_356] : memref<88x128xf32, #tpu.memory_space<vmem>>, vector<1x128xf32>
      %get3A_358 = arith.index_cast %add3A_348 : i32 to index
      %get3A_359 = arith.constant 0 : index
      %get3A_360 = vector.load %arg12[%get3A_358, %get3A_359] : memref<88x128xf32, #tpu.memory_space<vmem>>, vector<1x128xf32>
      %get3A_361 = arith.index_cast %add3A_348 : i32 to index
      %get3A_362 = arith.constant 0 : index
      %get3A_363 = vector.load %arg13[%get3A_361, %get3A_362] : memref<88x128xf32, #tpu.memory_space<vmem>>, vector<1x128xf32>
      %max3A_364 = vector.broadcast %get3A_351 : vector<1x128xf32> to vector<8x128xf32>
      %max3A_365 = arith.maximumf %max3A_364, %broadcast_in_dim3A_31 : vector<8x128xf32>
      %max3A_366 = vector.broadcast %get3A_354 : vector<1x128xf32> to vector<8x128xf32>
      %max3A_367 = arith.maximumf %max3A_366, %broadcast_in_dim3A_37 : vector<8x128xf32>
      %min3A_368 = vector.broadcast %get3A_357 : vector<1x128xf32> to vector<8x128xf32>
      %min3A_369 = arith.minimumf %min3A_368, %broadcast_in_dim3A_42 : vector<8x128xf32>
      %min3A_370 = vector.broadcast %get3A_360 : vector<1x128xf32> to vector<8x128xf32>
      %min3A_371 = arith.minimumf %min3A_370, %broadcast_in_dim3A_48 : vector<8x128xf32>
      %sub3A_372 = arith.subf %min3A_369, %max3A_365 : vector<8x128xf32>
      %max3A_373 = arith.constant 0.000000e+00 : f32
      %max3A_374 = vector.broadcast %max3A_373 : f32 to vector<8x128xf32>
      %max3A_375 = arith.maximumf %sub3A_372, %max3A_374 : vector<8x128xf32>
      %sub3A_376 = arith.subf %min3A_371, %max3A_367 : vector<8x128xf32>
      %max3A_377 = arith.constant 0.000000e+00 : f32
      %max3A_378 = vector.broadcast %max3A_377 : f32 to vector<8x128xf32>
      %max3A_379 = arith.maximumf %sub3A_376, %max3A_378 : vector<8x128xf32>
      %mul3A_380 = arith.mulf %max3A_375, %max3A_379 : vector<8x128xf32>
      %add3A_381 = vector.broadcast %get3A_363 : vector<1x128xf32> to vector<8x128xf32>
      %add3A_382 = arith.addf %add3A_381, %mul3A_51 : vector<8x128xf32>
      %sub3A_383 = arith.subf %add3A_382, %mul3A_380 : vector<8x128xf32>
      %max3A_384 = arith.constant 9.99999971E-10 : f32
      %max3A_385 = vector.broadcast %max3A_384 : f32 to vector<8x128xf32>
      %max3A_386 = arith.maximumf %sub3A_383, %max3A_385 : vector<8x128xf32>
      %div3A_387 = arith.divf %mul3A_380, %max3A_386 : vector<8x128xf32>
      %min3A_388 = vector.broadcast %get3A_351 : vector<1x128xf32> to vector<8x128xf32>
      %min3A_389 = arith.minimumf %min3A_388, %broadcast_in_dim3A_31 : vector<8x128xf32>
      %min3A_390 = vector.broadcast %get3A_354 : vector<1x128xf32> to vector<8x128xf32>
      %min3A_391 = arith.minimumf %min3A_390, %broadcast_in_dim3A_37 : vector<8x128xf32>
      %max3A_392 = vector.broadcast %get3A_357 : vector<1x128xf32> to vector<8x128xf32>
      %max3A_393 = arith.maximumf %max3A_392, %broadcast_in_dim3A_42 : vector<8x128xf32>
      %max3A_394 = vector.broadcast %get3A_360 : vector<1x128xf32> to vector<8x128xf32>
      %max3A_395 = arith.maximumf %max3A_394, %broadcast_in_dim3A_48 : vector<8x128xf32>
      %sub3A_396 = arith.subf %max3A_393, %min3A_389 : vector<8x128xf32>
      %sub3A_397 = arith.subf %max3A_395, %min3A_391 : vector<8x128xf32>
      %mul3A_398 = arith.mulf %sub3A_396, %sub3A_397 : vector<8x128xf32>
      %sub3A_399 = arith.subf %mul3A_398, %sub3A_383 : vector<8x128xf32>
      %max3A_400 = arith.constant 9.99999971E-10 : f32
      %max3A_401 = vector.broadcast %max3A_400 : f32 to vector<8x128xf32>
      %max3A_402 = arith.maximumf %mul3A_398, %max3A_401 : vector<8x128xf32>
      %div3A_403 = arith.divf %sub3A_399, %max3A_402 : vector<8x128xf32>
      %sub3A_404 = arith.subf %div3A_387, %div3A_403 : vector<8x128xf32>
      %mul3A_405 = arith.constant 128 : i32
      %mul3A_406 = arith.muli %add3A_348, %mul3A_405 : i32
      %add3A_407 = vector.broadcast %mul3A_406 : i32 to vector<8x128xi32>
      %add3A_408 = arith.addi %iota3A, %add3A_407 : vector<8x128xi32>
      %gt3A_409 = arith.cmpf ogt, %sub3A_404, %scan3A_134 : vector<8x128xf32>
      %select_n3A_410 = arith.select %gt3A_409, %sub3A_404, %scan3A_134 : vector<8x128xi1>, vector<8x128xf32>
      %select_n3A_411 = arith.select %gt3A_409, %add3A_408, %scan3A_142 : vector<8x128xi1>, vector<8x128xi32>
      %mul3A_412 = arith.constant 8 : i32
      %mul3A_413 = arith.muli %scan3A_130, %mul3A_412 : i32
      %add3A_414 = arith.constant 4 : i32
      %add3A_415 = arith.addi %mul3A_413, %add3A_414 : i32
      %get3A_416 = arith.index_cast %add3A_415 : i32 to index
      %get3A_417 = arith.constant 0 : index
      %get3A_418 = vector.load %arg9[%get3A_416, %get3A_417] : memref<88x128xf32, #tpu.memory_space<vmem>>, vector<1x128xf32>
      %get3A_419 = arith.index_cast %add3A_415 : i32 to index
      %get3A_420 = arith.constant 0 : index
      %get3A_421 = vector.load %arg10[%get3A_419, %get3A_420] : memref<88x128xf32, #tpu.memory_space<vmem>>, vector<1x128xf32>
      %get3A_422 = arith.index_cast %add3A_415 : i32 to index
      %get3A_423 = arith.constant 0 : index
      %get3A_424 = vector.load %arg11[%get3A_422, %get3A_423] : memref<88x128xf32, #tpu.memory_space<vmem>>, vector<1x128xf32>
      %get3A_425 = arith.index_cast %add3A_415 : i32 to index
      %get3A_426 = arith.constant 0 : index
      %get3A_427 = vector.load %arg12[%get3A_425, %get3A_426] : memref<88x128xf32, #tpu.memory_space<vmem>>, vector<1x128xf32>
      %get3A_428 = arith.index_cast %add3A_415 : i32 to index
      %get3A_429 = arith.constant 0 : index
      %get3A_430 = vector.load %arg13[%get3A_428, %get3A_429] : memref<88x128xf32, #tpu.memory_space<vmem>>, vector<1x128xf32>
      %max3A_431 = vector.broadcast %get3A_418 : vector<1x128xf32> to vector<8x128xf32>
      %max3A_432 = arith.maximumf %max3A_431, %broadcast_in_dim3A_31 : vector<8x128xf32>
      %max3A_433 = vector.broadcast %get3A_421 : vector<1x128xf32> to vector<8x128xf32>
      %max3A_434 = arith.maximumf %max3A_433, %broadcast_in_dim3A_37 : vector<8x128xf32>
      %min3A_435 = vector.broadcast %get3A_424 : vector<1x128xf32> to vector<8x128xf32>
      %min3A_436 = arith.minimumf %min3A_435, %broadcast_in_dim3A_42 : vector<8x128xf32>
      %min3A_437 = vector.broadcast %get3A_427 : vector<1x128xf32> to vector<8x128xf32>
      %min3A_438 = arith.minimumf %min3A_437, %broadcast_in_dim3A_48 : vector<8x128xf32>
      %sub3A_439 = arith.subf %min3A_436, %max3A_432 : vector<8x128xf32>
      %max3A_440 = arith.constant 0.000000e+00 : f32
      %max3A_441 = vector.broadcast %max3A_440 : f32 to vector<8x128xf32>
      %max3A_442 = arith.maximumf %sub3A_439, %max3A_441 : vector<8x128xf32>
      %sub3A_443 = arith.subf %min3A_438, %max3A_434 : vector<8x128xf32>
      %max3A_444 = arith.constant 0.000000e+00 : f32
      %max3A_445 = vector.broadcast %max3A_444 : f32 to vector<8x128xf32>
      %max3A_446 = arith.maximumf %sub3A_443, %max3A_445 : vector<8x128xf32>
      %mul3A_447 = arith.mulf %max3A_442, %max3A_446 : vector<8x128xf32>
      %add3A_448 = vector.broadcast %get3A_430 : vector<1x128xf32> to vector<8x128xf32>
      %add3A_449 = arith.addf %add3A_448, %mul3A_51 : vector<8x128xf32>
      %sub3A_450 = arith.subf %add3A_449, %mul3A_447 : vector<8x128xf32>
      %max3A_451 = arith.constant 9.99999971E-10 : f32
      %max3A_452 = vector.broadcast %max3A_451 : f32 to vector<8x128xf32>
      %max3A_453 = arith.maximumf %sub3A_450, %max3A_452 : vector<8x128xf32>
      %div3A_454 = arith.divf %mul3A_447, %max3A_453 : vector<8x128xf32>
      %min3A_455 = vector.broadcast %get3A_418 : vector<1x128xf32> to vector<8x128xf32>
      %min3A_456 = arith.minimumf %min3A_455, %broadcast_in_dim3A_31 : vector<8x128xf32>
      %min3A_457 = vector.broadcast %get3A_421 : vector<1x128xf32> to vector<8x128xf32>
      %min3A_458 = arith.minimumf %min3A_457, %broadcast_in_dim3A_37 : vector<8x128xf32>
      %max3A_459 = vector.broadcast %get3A_424 : vector<1x128xf32> to vector<8x128xf32>
      %max3A_460 = arith.maximumf %max3A_459, %broadcast_in_dim3A_42 : vector<8x128xf32>
      %max3A_461 = vector.broadcast %get3A_427 : vector<1x128xf32> to vector<8x128xf32>
      %max3A_462 = arith.maximumf %max3A_461, %broadcast_in_dim3A_48 : vector<8x128xf32>
      %sub3A_463 = arith.subf %max3A_460, %min3A_456 : vector<8x128xf32>
      %sub3A_464 = arith.subf %max3A_462, %min3A_458 : vector<8x128xf32>
      %mul3A_465 = arith.mulf %sub3A_463, %sub3A_464 : vector<8x128xf32>
      %sub3A_466 = arith.subf %mul3A_465, %sub3A_450 : vector<8x128xf32>
      %max3A_467 = arith.constant 9.99999971E-10 : f32
      %max3A_468 = vector.broadcast %max3A_467 : f32 to vector<8x128xf32>
      %max3A_469 = arith.maximumf %mul3A_465, %max3A_468 : vector<8x128xf32>
      %div3A_470 = arith.divf %sub3A_466, %max3A_469 : vector<8x128xf32>
      %sub3A_471 = arith.subf %div3A_454, %div3A_470 : vector<8x128xf32>
      %mul3A_472 = arith.constant 128 : i32
      %mul3A_473 = arith.muli %add3A_415, %mul3A_472 : i32
      %add3A_474 = vector.broadcast %mul3A_473 : i32 to vector<8x128xi32>
      %add3A_475 = arith.addi %iota3A, %add3A_474 : vector<8x128xi32>
      %gt3A_476 = arith.cmpf ogt, %sub3A_471, %scan3A_135 : vector<8x128xf32>
      %select_n3A_477 = arith.select %gt3A_476, %sub3A_471, %scan3A_135 : vector<8x128xi1>, vector<8x128xf32>
      %select_n3A_478 = arith.select %gt3A_476, %add3A_475, %scan3A_143 : vector<8x128xi1>, vector<8x128xi32>
      %mul3A_479 = arith.constant 8 : i32
      %mul3A_480 = arith.muli %scan3A_130, %mul3A_479 : i32
      %add3A_481 = arith.constant 5 : i32
      %add3A_482 = arith.addi %mul3A_480, %add3A_481 : i32
      %get3A_483 = arith.index_cast %add3A_482 : i32 to index
      %get3A_484 = arith.constant 0 : index
      %get3A_485 = vector.load %arg9[%get3A_483, %get3A_484] : memref<88x128xf32, #tpu.memory_space<vmem>>, vector<1x128xf32>
      %get3A_486 = arith.index_cast %add3A_482 : i32 to index
      %get3A_487 = arith.constant 0 : index
      %get3A_488 = vector.load %arg10[%get3A_486, %get3A_487] : memref<88x128xf32, #tpu.memory_space<vmem>>, vector<1x128xf32>
      %get3A_489 = arith.index_cast %add3A_482 : i32 to index
      %get3A_490 = arith.constant 0 : index
      %get3A_491 = vector.load %arg11[%get3A_489, %get3A_490] : memref<88x128xf32, #tpu.memory_space<vmem>>, vector<1x128xf32>
      %get3A_492 = arith.index_cast %add3A_482 : i32 to index
      %get3A_493 = arith.constant 0 : index
      %get3A_494 = vector.load %arg12[%get3A_492, %get3A_493] : memref<88x128xf32, #tpu.memory_space<vmem>>, vector<1x128xf32>
      %get3A_495 = arith.index_cast %add3A_482 : i32 to index
      %get3A_496 = arith.constant 0 : index
      %get3A_497 = vector.load %arg13[%get3A_495, %get3A_496] : memref<88x128xf32, #tpu.memory_space<vmem>>, vector<1x128xf32>
      %max3A_498 = vector.broadcast %get3A_485 : vector<1x128xf32> to vector<8x128xf32>
      %max3A_499 = arith.maximumf %max3A_498, %broadcast_in_dim3A_31 : vector<8x128xf32>
      %max3A_500 = vector.broadcast %get3A_488 : vector<1x128xf32> to vector<8x128xf32>
      %max3A_501 = arith.maximumf %max3A_500, %broadcast_in_dim3A_37 : vector<8x128xf32>
      %min3A_502 = vector.broadcast %get3A_491 : vector<1x128xf32> to vector<8x128xf32>
      %min3A_503 = arith.minimumf %min3A_502, %broadcast_in_dim3A_42 : vector<8x128xf32>
      %min3A_504 = vector.broadcast %get3A_494 : vector<1x128xf32> to vector<8x128xf32>
      %min3A_505 = arith.minimumf %min3A_504, %broadcast_in_dim3A_48 : vector<8x128xf32>
      %sub3A_506 = arith.subf %min3A_503, %max3A_499 : vector<8x128xf32>
      %max3A_507 = arith.constant 0.000000e+00 : f32
      %max3A_508 = vector.broadcast %max3A_507 : f32 to vector<8x128xf32>
      %max3A_509 = arith.maximumf %sub3A_506, %max3A_508 : vector<8x128xf32>
      %sub3A_510 = arith.subf %min3A_505, %max3A_501 : vector<8x128xf32>
      %max3A_511 = arith.constant 0.000000e+00 : f32
      %max3A_512 = vector.broadcast %max3A_511 : f32 to vector<8x128xf32>
      %max3A_513 = arith.maximumf %sub3A_510, %max3A_512 : vector<8x128xf32>
      %mul3A_514 = arith.mulf %max3A_509, %max3A_513 : vector<8x128xf32>
      %add3A_515 = vector.broadcast %get3A_497 : vector<1x128xf32> to vector<8x128xf32>
      %add3A_516 = arith.addf %add3A_515, %mul3A_51 : vector<8x128xf32>
      %sub3A_517 = arith.subf %add3A_516, %mul3A_514 : vector<8x128xf32>
      %max3A_518 = arith.constant 9.99999971E-10 : f32
      %max3A_519 = vector.broadcast %max3A_518 : f32 to vector<8x128xf32>
      %max3A_520 = arith.maximumf %sub3A_517, %max3A_519 : vector<8x128xf32>
      %div3A_521 = arith.divf %mul3A_514, %max3A_520 : vector<8x128xf32>
      %min3A_522 = vector.broadcast %get3A_485 : vector<1x128xf32> to vector<8x128xf32>
      %min3A_523 = arith.minimumf %min3A_522, %broadcast_in_dim3A_31 : vector<8x128xf32>
      %min3A_524 = vector.broadcast %get3A_488 : vector<1x128xf32> to vector<8x128xf32>
      %min3A_525 = arith.minimumf %min3A_524, %broadcast_in_dim3A_37 : vector<8x128xf32>
      %max3A_526 = vector.broadcast %get3A_491 : vector<1x128xf32> to vector<8x128xf32>
      %max3A_527 = arith.maximumf %max3A_526, %broadcast_in_dim3A_42 : vector<8x128xf32>
      %max3A_528 = vector.broadcast %get3A_494 : vector<1x128xf32> to vector<8x128xf32>
      %max3A_529 = arith.maximumf %max3A_528, %broadcast_in_dim3A_48 : vector<8x128xf32>
      %sub3A_530 = arith.subf %max3A_527, %min3A_523 : vector<8x128xf32>
      %sub3A_531 = arith.subf %max3A_529, %min3A_525 : vector<8x128xf32>
      %mul3A_532 = arith.mulf %sub3A_530, %sub3A_531 : vector<8x128xf32>
      %sub3A_533 = arith.subf %mul3A_532, %sub3A_517 : vector<8x128xf32>
      %max3A_534 = arith.constant 9.99999971E-10 : f32
      %max3A_535 = vector.broadcast %max3A_534 : f32 to vector<8x128xf32>
      %max3A_536 = arith.maximumf %mul3A_532, %max3A_535 : vector<8x128xf32>
      %div3A_537 = arith.divf %sub3A_533, %max3A_536 : vector<8x128xf32>
      %sub3A_538 = arith.subf %div3A_521, %div3A_537 : vector<8x128xf32>
      %mul3A_539 = arith.constant 128 : i32
      %mul3A_540 = arith.muli %add3A_482, %mul3A_539 : i32
      %add3A_541 = vector.broadcast %mul3A_540 : i32 to vector<8x128xi32>
      %add3A_542 = arith.addi %iota3A, %add3A_541 : vector<8x128xi32>
      %gt3A_543 = arith.cmpf ogt, %sub3A_538, %scan3A_136 : vector<8x128xf32>
      %select_n3A_544 = arith.select %gt3A_543, %sub3A_538, %scan3A_136 : vector<8x128xi1>, vector<8x128xf32>
      %select_n3A_545 = arith.select %gt3A_543, %add3A_542, %scan3A_144 : vector<8x128xi1>, vector<8x128xi32>
      %mul3A_546 = arith.constant 8 : i32
      %mul3A_547 = arith.muli %scan3A_130, %mul3A_546 : i32
      %add3A_548 = arith.constant 6 : i32
      %add3A_549 = arith.addi %mul3A_547, %add3A_548 : i32
      %get3A_550 = arith.index_cast %add3A_549 : i32 to index
      %get3A_551 = arith.constant 0 : index
      %get3A_552 = vector.load %arg9[%get3A_550, %get3A_551] : memref<88x128xf32, #tpu.memory_space<vmem>>, vector<1x128xf32>
      %get3A_553 = arith.index_cast %add3A_549 : i32 to index
      %get3A_554 = arith.constant 0 : index
      %get3A_555 = vector.load %arg10[%get3A_553, %get3A_554] : memref<88x128xf32, #tpu.memory_space<vmem>>, vector<1x128xf32>
      %get3A_556 = arith.index_cast %add3A_549 : i32 to index
      %get3A_557 = arith.constant 0 : index
      %get3A_558 = vector.load %arg11[%get3A_556, %get3A_557] : memref<88x128xf32, #tpu.memory_space<vmem>>, vector<1x128xf32>
      %get3A_559 = arith.index_cast %add3A_549 : i32 to index
      %get3A_560 = arith.constant 0 : index
      %get3A_561 = vector.load %arg12[%get3A_559, %get3A_560] : memref<88x128xf32, #tpu.memory_space<vmem>>, vector<1x128xf32>
      %get3A_562 = arith.index_cast %add3A_549 : i32 to index
      %get3A_563 = arith.constant 0 : index
      %get3A_564 = vector.load %arg13[%get3A_562, %get3A_563] : memref<88x128xf32, #tpu.memory_space<vmem>>, vector<1x128xf32>
      %max3A_565 = vector.broadcast %get3A_552 : vector<1x128xf32> to vector<8x128xf32>
      %max3A_566 = arith.maximumf %max3A_565, %broadcast_in_dim3A_31 : vector<8x128xf32>
      %max3A_567 = vector.broadcast %get3A_555 : vector<1x128xf32> to vector<8x128xf32>
      %max3A_568 = arith.maximumf %max3A_567, %broadcast_in_dim3A_37 : vector<8x128xf32>
      %min3A_569 = vector.broadcast %get3A_558 : vector<1x128xf32> to vector<8x128xf32>
      %min3A_570 = arith.minimumf %min3A_569, %broadcast_in_dim3A_42 : vector<8x128xf32>
      %min3A_571 = vector.broadcast %get3A_561 : vector<1x128xf32> to vector<8x128xf32>
      %min3A_572 = arith.minimumf %min3A_571, %broadcast_in_dim3A_48 : vector<8x128xf32>
      %sub3A_573 = arith.subf %min3A_570, %max3A_566 : vector<8x128xf32>
      %max3A_574 = arith.constant 0.000000e+00 : f32
      %max3A_575 = vector.broadcast %max3A_574 : f32 to vector<8x128xf32>
      %max3A_576 = arith.maximumf %sub3A_573, %max3A_575 : vector<8x128xf32>
      %sub3A_577 = arith.subf %min3A_572, %max3A_568 : vector<8x128xf32>
      %max3A_578 = arith.constant 0.000000e+00 : f32
      %max3A_579 = vector.broadcast %max3A_578 : f32 to vector<8x128xf32>
      %max3A_580 = arith.maximumf %sub3A_577, %max3A_579 : vector<8x128xf32>
      %mul3A_581 = arith.mulf %max3A_576, %max3A_580 : vector<8x128xf32>
      %add3A_582 = vector.broadcast %get3A_564 : vector<1x128xf32> to vector<8x128xf32>
      %add3A_583 = arith.addf %add3A_582, %mul3A_51 : vector<8x128xf32>
      %sub3A_584 = arith.subf %add3A_583, %mul3A_581 : vector<8x128xf32>
      %max3A_585 = arith.constant 9.99999971E-10 : f32
      %max3A_586 = vector.broadcast %max3A_585 : f32 to vector<8x128xf32>
      %max3A_587 = arith.maximumf %sub3A_584, %max3A_586 : vector<8x128xf32>
      %div3A_588 = arith.divf %mul3A_581, %max3A_587 : vector<8x128xf32>
      %min3A_589 = vector.broadcast %get3A_552 : vector<1x128xf32> to vector<8x128xf32>
      %min3A_590 = arith.minimumf %min3A_589, %broadcast_in_dim3A_31 : vector<8x128xf32>
      %min3A_591 = vector.broadcast %get3A_555 : vector<1x128xf32> to vector<8x128xf32>
      %min3A_592 = arith.minimumf %min3A_591, %broadcast_in_dim3A_37 : vector<8x128xf32>
      %max3A_593 = vector.broadcast %get3A_558 : vector<1x128xf32> to vector<8x128xf32>
      %max3A_594 = arith.maximumf %max3A_593, %broadcast_in_dim3A_42 : vector<8x128xf32>
      %max3A_595 = vector.broadcast %get3A_561 : vector<1x128xf32> to vector<8x128xf32>
      %max3A_596 = arith.maximumf %max3A_595, %broadcast_in_dim3A_48 : vector<8x128xf32>
      %sub3A_597 = arith.subf %max3A_594, %min3A_590 : vector<8x128xf32>
      %sub3A_598 = arith.subf %max3A_596, %min3A_592 : vector<8x128xf32>
      %mul3A_599 = arith.mulf %sub3A_597, %sub3A_598 : vector<8x128xf32>
      %sub3A_600 = arith.subf %mul3A_599, %sub3A_584 : vector<8x128xf32>
      %max3A_601 = arith.constant 9.99999971E-10 : f32
      %max3A_602 = vector.broadcast %max3A_601 : f32 to vector<8x128xf32>
      %max3A_603 = arith.maximumf %mul3A_599, %max3A_602 : vector<8x128xf32>
      %div3A_604 = arith.divf %sub3A_600, %max3A_603 : vector<8x128xf32>
      %sub3A_605 = arith.subf %div3A_588, %div3A_604 : vector<8x128xf32>
      %mul3A_606 = arith.constant 128 : i32
      %mul3A_607 = arith.muli %add3A_549, %mul3A_606 : i32
      %add3A_608 = vector.broadcast %mul3A_607 : i32 to vector<8x128xi32>
      %add3A_609 = arith.addi %iota3A, %add3A_608 : vector<8x128xi32>
      %gt3A_610 = arith.cmpf ogt, %sub3A_605, %scan3A_137 : vector<8x128xf32>
      %select_n3A_611 = arith.select %gt3A_610, %sub3A_605, %scan3A_137 : vector<8x128xi1>, vector<8x128xf32>
      %select_n3A_612 = arith.select %gt3A_610, %add3A_609, %scan3A_145 : vector<8x128xi1>, vector<8x128xi32>
      %mul3A_613 = arith.constant 8 : i32
      %mul3A_614 = arith.muli %scan3A_130, %mul3A_613 : i32
      %add3A_615 = arith.constant 7 : i32
      %add3A_616 = arith.addi %mul3A_614, %add3A_615 : i32
      %get3A_617 = arith.index_cast %add3A_616 : i32 to index
      %get3A_618 = arith.constant 0 : index
      %get3A_619 = vector.load %arg9[%get3A_617, %get3A_618] : memref<88x128xf32, #tpu.memory_space<vmem>>, vector<1x128xf32>
      %get3A_620 = arith.index_cast %add3A_616 : i32 to index
      %get3A_621 = arith.constant 0 : index
      %get3A_622 = vector.load %arg10[%get3A_620, %get3A_621] : memref<88x128xf32, #tpu.memory_space<vmem>>, vector<1x128xf32>
      %get3A_623 = arith.index_cast %add3A_616 : i32 to index
      %get3A_624 = arith.constant 0 : index
      %get3A_625 = vector.load %arg11[%get3A_623, %get3A_624] : memref<88x128xf32, #tpu.memory_space<vmem>>, vector<1x128xf32>
      %get3A_626 = arith.index_cast %add3A_616 : i32 to index
      %get3A_627 = arith.constant 0 : index
      %get3A_628 = vector.load %arg12[%get3A_626, %get3A_627] : memref<88x128xf32, #tpu.memory_space<vmem>>, vector<1x128xf32>
      %get3A_629 = arith.index_cast %add3A_616 : i32 to index
      %get3A_630 = arith.constant 0 : index
      %get3A_631 = vector.load %arg13[%get3A_629, %get3A_630] : memref<88x128xf32, #tpu.memory_space<vmem>>, vector<1x128xf32>
      %max3A_632 = vector.broadcast %get3A_619 : vector<1x128xf32> to vector<8x128xf32>
      %max3A_633 = arith.maximumf %max3A_632, %broadcast_in_dim3A_31 : vector<8x128xf32>
      %max3A_634 = vector.broadcast %get3A_622 : vector<1x128xf32> to vector<8x128xf32>
      %max3A_635 = arith.maximumf %max3A_634, %broadcast_in_dim3A_37 : vector<8x128xf32>
      %min3A_636 = vector.broadcast %get3A_625 : vector<1x128xf32> to vector<8x128xf32>
      %min3A_637 = arith.minimumf %min3A_636, %broadcast_in_dim3A_42 : vector<8x128xf32>
      %min3A_638 = vector.broadcast %get3A_628 : vector<1x128xf32> to vector<8x128xf32>
      %min3A_639 = arith.minimumf %min3A_638, %broadcast_in_dim3A_48 : vector<8x128xf32>
      %sub3A_640 = arith.subf %min3A_637, %max3A_633 : vector<8x128xf32>
      %max3A_641 = arith.constant 0.000000e+00 : f32
      %max3A_642 = vector.broadcast %max3A_641 : f32 to vector<8x128xf32>
      %max3A_643 = arith.maximumf %sub3A_640, %max3A_642 : vector<8x128xf32>
      %sub3A_644 = arith.subf %min3A_639, %max3A_635 : vector<8x128xf32>
      %max3A_645 = arith.constant 0.000000e+00 : f32
      %max3A_646 = vector.broadcast %max3A_645 : f32 to vector<8x128xf32>
      %max3A_647 = arith.maximumf %sub3A_644, %max3A_646 : vector<8x128xf32>
      %mul3A_648 = arith.mulf %max3A_643, %max3A_647 : vector<8x128xf32>
      %add3A_649 = vector.broadcast %get3A_631 : vector<1x128xf32> to vector<8x128xf32>
      %add3A_650 = arith.addf %add3A_649, %mul3A_51 : vector<8x128xf32>
      %sub3A_651 = arith.subf %add3A_650, %mul3A_648 : vector<8x128xf32>
      %max3A_652 = arith.constant 9.99999971E-10 : f32
      %max3A_653 = vector.broadcast %max3A_652 : f32 to vector<8x128xf32>
      %max3A_654 = arith.maximumf %sub3A_651, %max3A_653 : vector<8x128xf32>
      %div3A_655 = arith.divf %mul3A_648, %max3A_654 : vector<8x128xf32>
      %min3A_656 = vector.broadcast %get3A_619 : vector<1x128xf32> to vector<8x128xf32>
      %min3A_657 = arith.minimumf %min3A_656, %broadcast_in_dim3A_31 : vector<8x128xf32>
      %min3A_658 = vector.broadcast %get3A_622 : vector<1x128xf32> to vector<8x128xf32>
      %min3A_659 = arith.minimumf %min3A_658, %broadcast_in_dim3A_37 : vector<8x128xf32>
      %max3A_660 = vector.broadcast %get3A_625 : vector<1x128xf32> to vector<8x128xf32>
      %max3A_661 = arith.maximumf %max3A_660, %broadcast_in_dim3A_42 : vector<8x128xf32>
      %max3A_662 = vector.broadcast %get3A_628 : vector<1x128xf32> to vector<8x128xf32>
      %max3A_663 = arith.maximumf %max3A_662, %broadcast_in_dim3A_48 : vector<8x128xf32>
      %sub3A_664 = arith.subf %max3A_661, %min3A_657 : vector<8x128xf32>
      %sub3A_665 = arith.subf %max3A_663, %min3A_659 : vector<8x128xf32>
      %mul3A_666 = arith.mulf %sub3A_664, %sub3A_665 : vector<8x128xf32>
      %sub3A_667 = arith.subf %mul3A_666, %sub3A_651 : vector<8x128xf32>
      %max3A_668 = arith.constant 9.99999971E-10 : f32
      %max3A_669 = vector.broadcast %max3A_668 : f32 to vector<8x128xf32>
      %max3A_670 = arith.maximumf %mul3A_666, %max3A_669 : vector<8x128xf32>
      %div3A_671 = arith.divf %sub3A_667, %max3A_670 : vector<8x128xf32>
      %sub3A_672 = arith.subf %div3A_655, %div3A_671 : vector<8x128xf32>
      %mul3A_673 = arith.constant 128 : i32
      %mul3A_674 = arith.muli %add3A_616, %mul3A_673 : i32
      %add3A_675 = vector.broadcast %mul3A_674 : i32 to vector<8x128xi32>
      %add3A_676 = arith.addi %iota3A, %add3A_675 : vector<8x128xi32>
      %gt3A_677 = arith.cmpf ogt, %sub3A_672, %scan3A_138 : vector<8x128xf32>
      %select_n3A_678 = arith.select %gt3A_677, %sub3A_672, %scan3A_138 : vector<8x128xi1>, vector<8x128xf32>
      %select_n3A_679 = arith.select %gt3A_677, %add3A_676, %scan3A_146 : vector<8x128xi1>, vector<8x128xi32>
      scf.yield %select_n3A_209, %select_n3A_276, %select_n3A_343, %select_n3A_410, %select_n3A_477, %select_n3A_544, %select_n3A_611, %select_n3A_678, %select_n3A_210, %select_n3A_277, %select_n3A_344, %select_n3A_411, %select_n3A_478, %select_n3A_545, %select_n3A_612, %select_n3A_679 : vector<8x128xf32>, vector<8x128xf32>, vector<8x128xf32>, vector<8x128xf32>, vector<8x128xf32>, vector<8x128xf32>, vector<8x128xf32>, vector<8x128xf32>, vector<8x128xi32>, vector<8x128xi32>, vector<8x128xi32>, vector<8x128xi32>, vector<8x128xi32>, vector<8x128xi32>, vector<8x128xi32>, vector<8x128xi32>
    }
    %scan3A_60 = arith.constant 11 : i32
    %gt3A = arith.cmpf ogt, %scan3A_59#1, %scan3A_59#0 : vector<8x128xf32>
    %eq3A_61 = arith.cmpf oeq, %scan3A_59#1, %scan3A_59#0 : vector<8x128xf32>
    %lt3A = arith.cmpi slt, %scan3A_59#9, %scan3A_59#8 : vector<8x128xi32>
    %and3A = arith.andi %eq3A_61, %lt3A : vector<8x128xi1>
    %or3A = arith.ori %gt3A, %and3A : vector<8x128xi1>
    %select_n3A = arith.select %or3A, %scan3A_59#1, %scan3A_59#0 : vector<8x128xi1>, vector<8x128xf32>
    %select_n3A_62 = arith.select %or3A, %scan3A_59#9, %scan3A_59#8 : vector<8x128xi1>, vector<8x128xi32>
    %gt3A_63 = arith.cmpf ogt, %scan3A_59#2, %select_n3A : vector<8x128xf32>
    %eq3A_64 = arith.cmpf oeq, %scan3A_59#2, %select_n3A : vector<8x128xf32>
    %lt3A_65 = arith.cmpi slt, %scan3A_59#10, %select_n3A_62 : vector<8x128xi32>
    %and3A_66 = arith.andi %eq3A_64, %lt3A_65 : vector<8x128xi1>
    %or3A_67 = arith.ori %gt3A_63, %and3A_66 : vector<8x128xi1>
    %select_n3A_68 = arith.select %or3A_67, %scan3A_59#2, %select_n3A : vector<8x128xi1>, vector<8x128xf32>
    %select_n3A_69 = arith.select %or3A_67, %scan3A_59#10, %select_n3A_62 : vector<8x128xi1>, vector<8x128xi32>
    %gt3A_70 = arith.cmpf ogt, %scan3A_59#3, %select_n3A_68 : vector<8x128xf32>
    %eq3A_71 = arith.cmpf oeq, %scan3A_59#3, %select_n3A_68 : vector<8x128xf32>
    %lt3A_72 = arith.cmpi slt, %scan3A_59#11, %select_n3A_69 : vector<8x128xi32>
    %and3A_73 = arith.andi %eq3A_71, %lt3A_72 : vector<8x128xi1>
    %or3A_74 = arith.ori %gt3A_70, %and3A_73 : vector<8x128xi1>
    %select_n3A_75 = arith.select %or3A_74, %scan3A_59#3, %select_n3A_68 : vector<8x128xi1>, vector<8x128xf32>
    %select_n3A_76 = arith.select %or3A_74, %scan3A_59#11, %select_n3A_69 : vector<8x128xi1>, vector<8x128xi32>
    %gt3A_77 = arith.cmpf ogt, %scan3A_59#4, %select_n3A_75 : vector<8x128xf32>
    %eq3A_78 = arith.cmpf oeq, %scan3A_59#4, %select_n3A_75 : vector<8x128xf32>
    %lt3A_79 = arith.cmpi slt, %scan3A_59#12, %select_n3A_76 : vector<8x128xi32>
    %and3A_80 = arith.andi %eq3A_78, %lt3A_79 : vector<8x128xi1>
    %or3A_81 = arith.ori %gt3A_77, %and3A_80 : vector<8x128xi1>
    %select_n3A_82 = arith.select %or3A_81, %scan3A_59#4, %select_n3A_75 : vector<8x128xi1>, vector<8x128xf32>
    %select_n3A_83 = arith.select %or3A_81, %scan3A_59#12, %select_n3A_76 : vector<8x128xi1>, vector<8x128xi32>
    %gt3A_84 = arith.cmpf ogt, %scan3A_59#5, %select_n3A_82 : vector<8x128xf32>
    %eq3A_85 = arith.cmpf oeq, %scan3A_59#5, %select_n3A_82 : vector<8x128xf32>
    %lt3A_86 = arith.cmpi slt, %scan3A_59#13, %select_n3A_83 : vector<8x128xi32>
    %and3A_87 = arith.andi %eq3A_85, %lt3A_86 : vector<8x128xi1>
    %or3A_88 = arith.ori %gt3A_84, %and3A_87 : vector<8x128xi1>
    %select_n3A_89 = arith.select %or3A_88, %scan3A_59#5, %select_n3A_82 : vector<8x128xi1>, vector<8x128xf32>
    %select_n3A_90 = arith.select %or3A_88, %scan3A_59#13, %select_n3A_83 : vector<8x128xi1>, vector<8x128xi32>
    %gt3A_91 = arith.cmpf ogt, %scan3A_59#6, %select_n3A_89 : vector<8x128xf32>
    %eq3A_92 = arith.cmpf oeq, %scan3A_59#6, %select_n3A_89 : vector<8x128xf32>
    %lt3A_93 = arith.cmpi slt, %scan3A_59#14, %select_n3A_90 : vector<8x128xi32>
    %and3A_94 = arith.andi %eq3A_92, %lt3A_93 : vector<8x128xi1>
    %or3A_95 = arith.ori %gt3A_91, %and3A_94 : vector<8x128xi1>
    %select_n3A_96 = arith.select %or3A_95, %scan3A_59#6, %select_n3A_89 : vector<8x128xi1>, vector<8x128xf32>
    %select_n3A_97 = arith.select %or3A_95, %scan3A_59#14, %select_n3A_90 : vector<8x128xi1>, vector<8x128xi32>
    %gt3A_98 = arith.cmpf ogt, %scan3A_59#7, %select_n3A_96 : vector<8x128xf32>
    %eq3A_99 = arith.cmpf oeq, %scan3A_59#7, %select_n3A_96 : vector<8x128xf32>
    %lt3A_100 = arith.cmpi slt, %scan3A_59#15, %select_n3A_97 : vector<8x128xi32>
    %and3A_101 = arith.andi %eq3A_99, %lt3A_100 : vector<8x128xi1>
    %or3A_102 = arith.ori %gt3A_98, %and3A_101 : vector<8x128xi1>
    %select_n3A_103 = arith.select %or3A_102, %scan3A_59#7, %select_n3A_96 : vector<8x128xi1>, vector<8x128xf32>
    %select_n3A_104 = arith.select %or3A_102, %scan3A_59#15, %select_n3A_97 : vector<8x128xi1>, vector<8x128xi32>
    %reduce_max3A = arith.constant dense<0xFF800000> : vector<8xf32>
    %reduce_max3A_105 = vector.multi_reduction <maximumf>, %select_n3A_103, %reduce_max3A [1] : vector<8x128xf32> to vector<8xf32>
    %broadcast_in_dim3A_106 = vector.shape_cast %reduce_max3A_105 : vector<8xf32> to vector<8x1xf32>
    %eq3A_107 = vector.broadcast %broadcast_in_dim3A_106 : vector<8x1xf32> to vector<8x128xf32>
    %eq3A_108 = arith.cmpf oeq, %select_n3A_103, %eq3A_107 : vector<8x128xf32>
    %jit3A = arith.constant 1073741824 : i32
    %broadcast_in_dim3A_109 = vector.broadcast %jit3A : i32 to vector<8x128xi32>
    %select_n3A_110 = arith.select %eq3A_108, %select_n3A_104, %broadcast_in_dim3A_109 : vector<8x128xi1>, vector<8x128xi32>
    %reduce_min3A = arith.constant dense<2147483647> : vector<8xi32>
    %reduce_min3A_111 = vector.multi_reduction <minsi>, %select_n3A_110, %reduce_min3A [1] : vector<8x128xi32> to vector<8xi32>
    %broadcast_in_dim3A_112 = vector.shape_cast %reduce_min3A_111 : vector<8xi32> to vector<8x1xi32>
    %broadcast_in_dim3A_113 = vector.shape_cast %broadcast_in_dim3A_106 : vector<8x1xf32> to vector<8x1xf32>
    %broadcast_in_dim3A_114 = vector.broadcast %broadcast_in_dim3A_113 : vector<8x1xf32> to vector<8x128xf32>
    %swap3A = arith.constant 0 : index
    %swap3A_115 = arith.constant 0 : index
    %swap3A_116 = arith.constant 0 : index
    %swap3A_117 = arith.constant 0 : index
    %swap3A_118 = vector.load %arg7[%swap3A, %swap3A_115, %swap3A_116, %swap3A_117] : memref<1x1x8x128xf32, #tpu.memory_space<vmem>>, vector<1x1x8x128xf32>
    %swap3A_119 = vector.shape_cast %swap3A_118 : vector<1x1x8x128xf32> to vector<8x128xf32>
    %swap3A_120 = vector.shape_cast %broadcast_in_dim3A_114 : vector<8x128xf32> to vector<1x1x8x128xf32>
    tpu.vector_store %arg7[%swap3A, %swap3A_115, %swap3A_116, %swap3A_117], %swap3A_120 {strides = array<i32>} : memref<1x1x8x128xf32, #tpu.memory_space<vmem>>, vector<1x1x8x128xf32>,
    %broadcast_in_dim3A_121 = vector.shape_cast %broadcast_in_dim3A_112 : vector<8x1xi32> to vector<8x1xi32>
    %broadcast_in_dim3A_122 = vector.broadcast %broadcast_in_dim3A_121 : vector<8x1xi32> to vector<8x128xi32>
    %swap3A_123 = arith.constant 0 : index
    %swap3A_124 = arith.constant 0 : index
    %swap3A_125 = arith.constant 0 : index
    %swap3A_126 = arith.constant 0 : index
    %swap3A_127 = vector.load %arg8[%swap3A_123, %swap3A_124, %swap3A_125, %swap3A_126] : memref<1x1x8x128xi32, #tpu.memory_space<vmem>>, vector<1x1x8x128xi32>
    %swap3A_128 = vector.shape_cast %swap3A_127 : vector<1x1x8x128xi32> to vector<8x128xi32>
    %swap3A_129 = vector.shape_cast %broadcast_in_dim3A_122 : vector<8x128xi32> to vector<1x1x8x128xi32>
    tpu.vector_store %arg8[%swap3A_123, %swap3A_124, %swap3A_125, %swap3A_126], %swap3A_129 {strides = array<i32>} : memref<1x1x8x128xi32, #tpu.memory_space<vmem>>, vector<1x1x8x128xi32>,
    return
  }
  func.func @transform_0(%arg0: i32, %arg1: i32) -> (i32, i32, i32) {
    %c0_i32 = arith.constant 0 : i32
    %c0_i32_0 = arith.constant 0 : i32
    %c0_i32_1 = arith.constant 0 : i32
    return %arg0, %c0_i32, %c0_i32_0 : i32, i32, i32
  }
  func.func @transform_1(%arg0: i32, %arg1: i32) -> (i32, i32, i32) {
    %c0_i32 = arith.constant 0 : i32
    %c0_i32_0 = arith.constant 0 : i32
    %c0_i32_1 = arith.constant 0 : i32
    return %arg0, %c0_i32, %c0_i32_0 : i32, i32, i32
  }
  func.func @transform_2(%arg0: i32, %arg1: i32) -> (i32, i32, i32) {
    %c0_i32 = arith.constant 0 : i32
    %c0_i32_0 = arith.constant 0 : i32
    %c0_i32_1 = arith.constant 0 : i32
    return %arg0, %c0_i32, %c0_i32_0 : i32, i32, i32
  }
  func.func @transform_3(%arg0: i32, %arg1: i32) -> (i32, i32, i32) {
    %c0_i32 = arith.constant 0 : i32
    %c0_i32_0 = arith.constant 0 : i32
    %c0_i32_1 = arith.constant 0 : i32
    return %arg0, %c0_i32, %c0_i32_0 : i32, i32, i32
  }
  func.func @transform_4(%arg0: i32, %arg1: i32) -> (i32, i32, i32) {
    %c0_i32 = arith.constant 0 : i32
    %c0_i32_0 = arith.constant 0 : i32
    %c0_i32_1 = arith.constant 0 : i32
    return %arg0, %c0_i32, %c0_i32_0 : i32, i32, i32
  }
  func.func @transform_5(%arg0: i32, %arg1: i32) -> (i32, i32, i32, i32) {
    %c0_i32 = arith.constant 0 : i32
    %c0_i32_0 = arith.constant 0 : i32
    %c0_i32_1 = arith.constant 0 : i32
    return %arg0, %arg1, %c0_i32, %c0_i32_0 : i32, i32, i32, i32
  }
  func.func @transform_6(%arg0: i32, %arg1: i32) -> (i32, i32, i32, i32) {
    %c0_i32 = arith.constant 0 : i32
    %c0_i32_0 = arith.constant 0 : i32
    %c0_i32_1 = arith.constant 0 : i32
    return %arg0, %arg1, %c0_i32, %c0_i32_0 : i32, i32, i32, i32
  }
}

</mosaic_0001>

<sc_bundles>
// kernel: _matcher.4.cloned.1.call-start
scs
__scs_entry_jumppad:
0x0: {  	(pc) =	sbr.rel $0x88, $3  }
0x1: {  	(tag) =	ssettag $0x0;
	lr =	simm.s32 $0x1  }
0x2: {  	[smem:$0x3F9F] =	sst lr;
	_ =	strace $0xD0000000  }
0x3: {  	_ = 	snop  }
0x4: {  	_ = 	snop  }
0x5: {  	_ = 	snop  }
0x6: {  	_ = 	snop  }
0x7: {  	_ = 	snop  }
__scs_overlays_trampoline_lowered:
0x8: {  	[smem:$0x3FAE] =	sst s0  }
0x9: {  	[smem:$0x3FAF] =	sst s1  }
0xa: {  	[smem:$0x3FB0] =	sst s2  }
0xb: {  	[smem:$0x3FB1] =	sst s3  }
0xc: {  	[smem:$0x3FB2] =	sst s4  }
0xd: {  	[smem:$0x3FB3] =	sst s5  }
0xe: {  	[smem:$0x3FB4] =	sst s6  }
0xf: {  	[smem:$0x3FB5] =	sst s7  }
0x10: {  	[smem:$0x3FB6] =	sst s8  }
0x11: {  	[smem:$0x3FB7] =	sst s9;
	s0 =	simm.s32 @!p0 $0x0  }
0x12: {  	s1 =	sld [smem:$0x3F9D];
	s0 =	simm.s32 @p0 $0x1  }
0x13: {  	[smem:$0x3FB8] =	sst s0;
	s0 =	simm.s32 @!p1 $0x0  }
0x14: {  	s2 =	sld [smem:$0x3F9C];
	s0 =	simm.s32 @p1 $0x1  }
0x15: {  	[smem:$0x3FB9] =	sst s0;
	s0 =	simm.s32 @!p2 $0x0  }
0x16: {  	s3 =	sld [smem:$0x3FDB];
	s0 =	simm.s32 @p2 $0x1  }
0x17: {  	s4 =	simm.s32 $0x1BF5;
	[smem:$0x3FBB] =	sst s0  }
0x18: {  	s0 =	sld [smem:$0x3F9E];
	_ =	swait.ge [sflag:s4], $0x0  }
0x19: {  	s7 =	sld [smem:$0x3F9F]  }
0x1a: {  	s8 =	sadd.s32 $0xFFFFE003, lr  }
0x1b: {  	s9 =	sadd.s32 $0xFFFFFEF7, lr;
	s5 =	simm.s32 $0xFFFFFFFF;
	p2 =	slt.u32 s8, $0xFFFFF086  }
0x1c: {  	p1 =	slt.u32 s9, $0xF7A;
	s5 =	simm.s32 @!p2 $0x0  }
0x1d: {  	s5 =	simm.s32 @p1 $0x1;
	p0 =	seq.s32 s7, s2  }
0x1e: {  	s7 =	smul.u32 @!p0 $0xF7A, s2;
	p2 =	seq.s32 @!p0 s5, $0x0  }
0x1f: {  	s9 =	smul.u32 $0xF7A, s1;
	s8 =	simm.s32 @!p0 $0x1BF5;
	p2 =	por !p2, p0  }
0x20: {  	[sflag:s8] =	ssyncset.s32 @!p0 $0xFFFFF086;
	s6 =	sadd.s32 @!p0 s3, s7;
	s7 =	simm.s32 @!p0 $0x108  }
0x21: {  	s3 =	sadd.s32 s3, s9;
	s6 =	sadd.s32 @!p0 $0x88, s6;
	s7 =	simm.s32 @p2 $0x1082  }
0x22: {  	[simem:s7], [sflag:s8] =	dma.local @!p0 [hbm:s6], $0xF7A  }
0x23: {  	s9 =	sor.u32 $0xD0000000, s2;
	s6 =	simm.s32 $0x108;
	_ =	swait.ge @!p0 [sflag:s8], $0x0  }
0x24: {  	s3 =	sadd.s32 $0x88, s3;
	s6 =	simm.s32 @!p1 $0x1082;
	[sflag:s4] =	ssyncset.s32 $0xFFFFF086  }
0x25: {  	[simem:s6], [sflag:s4] =	dma.local [hbm:s3], $0xF7A  }
0x26: {  	[smem:$0x3F9F] =	sst s1;
	(tag) =	ssettag s2;
	_ =	strace s9  }
0x27: {  	s1 =	sld [smem:$0x3FAF]  }
0x28: {  	s2 =	sld [smem:$0x3FB0]  }
0x29: {  	s4 =	sld [smem:$0x3FB2]  }
0x2a: {  	p0 =	seq.s32 s5, $0x0;
	s5 =	sld [smem:$0x3FB3]  }
0x2b: {  	s6 =	sld [smem:$0x3FB4]  }
0x2c: {  	s7 =	sld [smem:$0x3FB5]  }
0x2d: {  	s3 =	simm.s32 $0x108;
	s8 =	sld [smem:$0x3FB6]  }
0x2e: {  	s3 =	simm.s32 @!p0 $0x1082;
	s9 =	sld [smem:$0x3FB7]  }
0x2f: {  	lr =	sadd.s32 s0, s3;
	s0 =	sld [smem:$0x3FAE]  }
0x30: {  	s3 =	sld [smem:$0x3FB1]  }
0x31: {  	[smem:$0x3FBA] =	sst s10  }
0x32: {  	s10 =	sld [smem:$0x3FB8];
	_ =	sdelay $0x3  }
0x33: {  	p0 =	seq.s32 s10, $0x1;
	s10 =	sld [smem:$0x3FBA];
	_ =	sdelay $0x3  }
0x34: {  	[smem:$0x3FBA] =	sst s10  }
0x35: {  	s10 =	sld [smem:$0x3FB9];
	_ =	sdelay $0x3  }
0x36: {  	p1 =	seq.s32 s10, $0x1;
	s10 =	sld [smem:$0x3FBA];
	_ =	sdelay $0x3  }
0x37: {  	[smem:$0x3FBA] =	sst s10  }
0x38: {  	s10 =	sld [smem:$0x3FBB]  }
0x39: {  	_ = 	snop;
	(pc) =	sbr.ind lr, $3  }
0x3a: {  	_ = 	snop  }
0x3b: {  	_ = 	snop  }
0x3c: {  	p2 =	seq.s32 s10, $0x1;
	s10 =	sld [smem:$0x3FBA]  }
0x3d: {  	_ =	shalt  }
0x3e: {  	_ =	shalt  }
0x3f: {  	_ =	shalt  }
0x40: {  	_ =	shalt  }
0x41: {  	_ =	shalt  }
0x42: {  	_ =	shalt  }
0x43: {  	_ =	shalt  }
0x44: {  	_ =	shalt  }
0x45: {  	_ =	shalt  }
0x46: {  	_ =	shalt  }
0x47: {  	_ =	shalt  }
0x48: {  	_ =	shalt  }
0x49: {  	_ =	shalt  }
0x4a: {  	_ =	shalt  }
0x4b: {  	_ =	shalt  }
0x4c: {  	_ =	shalt  }
0x4d: {  	_ =	shalt  }
0x4e: {  	_ =	shalt  }
0x4f: {  	_ =	shalt  }
0x50: {  	_ =	shalt  }
0x51: {  	_ =	shalt  }
0x52: {  	_ =	shalt  }
0x53: {  	_ =	shalt  }
0x54: {  	_ =	shalt  }
0x55: {  	_ =	shalt  }
0x56: {  	_ =	shalt  }
0x57: {  	_ =	shalt  }
0x58: {  	_ =	shalt  }
0x59: {  	_ =	shalt  }
0x5a: {  	_ =	shalt  }
0x5b: {  	_ =	shalt  }
0x5c: {  	_ =	shalt  }
0x5d: {  	_ =	shalt  }
0x5e: {  	_ =	shalt  }
0x5f: {  	_ =	shalt  }
0x60: {  	_ =	shalt  }
0x61: {  	_ =	shalt  }
0x62: {  	_ =	shalt  }
0x63: {  	_ =	shalt  }
0x64: {  	_ =	shalt  }
0x65: {  	_ =	shalt  }
0x66: {  	_ =	shalt  }
0x67: {  	_ =	shalt  }
0x68: {  	_ =	shalt  }
0x69: {  	_ =	shalt  }
0x6a: {  	_ =	shalt  }
0x6b: {  	_ =	shalt  }
0x6c: {  	_ =	shalt  }
0x6d: {  	_ =	shalt  }
0x6e: {  	_ =	shalt  }
0x6f: {  	_ =	shalt  }
0x70: {  	_ =	shalt  }
0x71: {  	_ =	shalt  }
0x72: {  	_ =	shalt  }
0x73: {  	_ =	shalt  }
0x74: {  	_ =	shalt  }
0x75: {  	_ =	shalt  }
0x76: {  	_ =	shalt  }
0x77: {  	_ =	shalt  }
0x78: {  	_ =	shalt  }
0x79: {  	_ =	shalt  }
0x7a: {  	_ =	shalt  }
0x7b: {  	_ =	shalt  }
0x7c: {  	_ =	shalt  }
0x7d: {  	_ =	shalt  }
0x7e: {  	_ =	shalt  }
0x7f: {  	_ =	shalt  }
0x80: {  	_ =	shalt  }
0x81: {  	_ =	shalt  }
0x82: {  	_ =	shalt  }
0x83: {  	_ =	shalt  }
0x84: {  	_ =	shalt  }
0x85: {  	_ =	shalt  }
0x86: {  	_ =	shalt  }
0x87: {  	_ =	shalt  }
.Lfunc_end0:
.L_simem_size_0:
called_computation_lowered:
.L_overlay_start_0:
0x88: {  	s2 =	sld [smem:$0x3FD9]  }
0x89: {  	s3 =	sld [smem:$0x3FFE];
	_ =	sdelay $0x1  }
0x8a: {  	s1 =	srdreg.scid  }
0x8b: {  	s0 =	sand.u32 $0x1, s1  }
0x8c: {  	s14 =	sshll.u32 s0, $0xA;
	s2 =	sadd.s32 s3, s2  }
0x8d: {  	s2 =	sadd.s32 s2, s14  }
0x8e: {  	[smem:$0x3FC6] =	sst s2  }
0x8f: {  	_ = 	snop  }
0x90: {  	s2 =	sld [smem:$0x3FD0];
	_ =	sdelay $0x2  }
0x91: {  	s15 =	simm.s32 $0xA;
	s4 =	simm.s32 $0x10  }
0x92: {  	[smem:s4], [sflag:s15] =	dma.local [hbm:s2], $0x1  }
0x93: {  	_ =	swait.eq [sflag:s15], $0x1  }
0x94: {  	[sflag:s15] =	ssyncset.done $0x0  }
0x95: {  	s16 =	sld [smem:$0x10];
	[sflag:s15] =	ssyncadd.s32 $0xFFFFFFFF  }
0x96: {  	s17 =	sld [smem:$0x11];
	(tm) =	ssettm $0x1  }
0x97: {  	s18 =	sld [smem:$0x3FFB];
	_ =	sdelay $0x3  }
0x98: {  	_ =	strace s18  }
0x99: {  	s4 =	sld [smem:$0x3FFC];
	_ =	sdelay $0x3  }
0x9a: {  	_ =	strace s4  }
0x9b: {  	s4 =	sld [smem:$0x3FFD];
	_ =	sdelay $0x3  }
0x9c: {  	_ =	strace s4  }
0x9d: {  	_ =	strace $0x8FFFFFFF  }
0x9e: {  	s19 =	sld [smem:$0x3FDB];
	_ =	sdelay $0x1  }
0x9f: {  	s5 =	simm.s32 $_scs_section_size  }
0xa0: {  	s6 =	simm.s32 $_size__tile_overlayer_lowered;
	s7 =	simm.s32 $_tile_overlayer_lowered  }
0xa1: {  	s22 =	simm.s32 $0x1BFF;
	s21 =	sshll.u32 s7, $0x1;
	s4 =	sadd.s32 s5, s19  }
0xa2: {  	s8 =	simm.s32 $0x0;
	s20 =	sshll.u32 s6, $0x1;
	s6 =	sadd.s32 s21, s4  }
0xa3: {  	[timem:s8], [sflag:s22] =	dma.local [hbm:s6], s20  }
0xa4: {  	_ =	swait.ge [sflag:s22], s20  }
0xa5: {  	s5 =	ssub.s32 $0x0, s20;
	[sflag:s22] =	ssyncset.done $0x0  }
0xa6: {  	[sflag:s22] =	ssyncadd.s32 s5;
	_ =	sdelay $0x1  }
0xa7: {  	s23 =	simm.s32 $0x1B8B  }
0xa8: {  	_ =	swait.ge [sflag:s23], $0x1  }
0xa9: {  	[sflag:s23] =	ssyncset.done $0x0  }
0xaa: {  	s25 =	simm.s32 $0x1B8E;
	s24 =	sld [smem:$0x3FFE];
	[sflag:s23] =	ssyncadd.s32 $0xFFFFFFFF  }
0xab: {  	s26 =	simm.s32 $execute0_lowered;
	[smem:$0x3FD2] =	sst s25  }
0xac: {  	s6 =	sshll.u32 s26, $0x1;
	_ =	strace $0x80000046;
	[dreg:$0x1] =	wrdreg $0xFFFFFFFF  }
0xad: {  	s28 =	simm.s32 $_size_execute0_lowered;
	s4 =	sadd.s32 s4, s6;
	[dreg:$0x0] =	wrdreg $0x0  }
0xae: {  	s6 =	sshll.u32 s28, $0x1;
	[dreg:$0x2] =	wrdreg s4  }
0xaf: {  	[dreg:$0x3] =	wrdreg s6  }
0xb0: {  	[dreg:$0x4] =	wrdreg $0xC0  }
0xb1: {  	_ =	task [dreg:s8], $0x5FFFF  }
0xb2: {  	[dreg:$0x1] =	wrdreg $0xFFFFFFFF  }
0xb3: {  	[dreg:$0x0] =	wrdreg $0x60  }
0xb4: {  	[dreg:$0x2] =	wrdreg s24  }
0xb5: {  	[dreg:$0x3] =	wrdreg s17  }
0xb6: {  	[dreg:$0x4] =	wrdreg s16  }
0xb7: {  	[dreg:$0x5] =	wrdreg $0x69800  }
0xb8: {  	[dreg:$0x6] =	wrdreg $0x6B400  }
0xb9: {  	[dreg:$0x7] =	wrdreg $0x9  }
0xba: {  	_ =	task.clear_ibuf [dreg:s8], $0x8FFFF;
	_ =	strace $0x90000046  }
0xbb: {  	s29 =	simm.s32 $0x9;
	_ =	strace $0x80000048  }
0xbc: {  	_ =	swait.ge [sflag:s29], $0x1  }
0xbd: {  	[sflag:s29] =	ssyncadd.s32 $0xFFFFFFFF  }
0xbe: {  	_ =	strace $0x90000048  }
0xbf: {  	_ =	sfence  }
0xc0: {  	s30 =	sld [smem:$0x0];
	_ =	sdelay $0x2  }
0xc1: {  	s31 =	sshll.u32 s1, $0xD;
	s1 =	sshrl.u32 s1, $0x2  }
0xc2: {  	s3 =	sand.u32 $0x4000, s31;
	s1 =	sadd.s32 s1, s30  }
0xc3: {  	s0 =	sor.u32 s3, s0;
	s1 =	sshll.u32 s1, $0x11  }
0xc4: {  	s0 =	sor.u32 s1, s0  }
0xc5: {  	s0 =	sadd.s32 $0x8F2B, s0  }
0xc6: {  	[sflag:s0] =	ssyncadd.remote.s32 $0x1  }
0xc7: {  	_ =	sfence.sel $0xFFFF  }
0xc8: {  	[dreg:$0x0] =	wrdreg $0xFFFFFFFF;
	(pc) =	sbr.abs _section_cstart, $3  }
0xc9: {  	[dreg:$0x1] =	wrdreg $0xFFFFFFFF  }
0xca: {  	_ =	task.clear_ibuf [dreg:s8], $0x2FFFF;
	_ =	strace $0x9FFFFFFF  }
0xcb: {  	(tm) =	ssettm $0x7FFFFFFF  }
tec
execute0_lowered:
.L_overlay_start_1:
0x0: {  	(tag) =	ssettag $0x1  }
0x1: {  	s0 =	rddreg [dreg:$0x0]  }
0x2: {  	s22 =	stileid.u32;
	s14 =	rddreg [dreg:$0x3]  }
0x3: {  	s15 =	rddreg [dreg:$0x4];
	s1 =	simm.s32 $0x0;
	s3 =	srdreg.scid  }
0x4: {  	s2 =	smul.u32 $0x900, s22;
	[smem:$0x7FF] =	sst s1  }
0x5: {  	s3 =	sand.u32 $0x1, s3;
	s5 =	sadd.s32 $0x9A00, s0;
	s16 =	smul.u32 $0x70, s22  }
0x6: {  	s28 =	ssub.s32 $0x2, s3;
	s6 =	sshll.u32 s3, $0x6;
	s26 =	sshllo.u32 s3, $0x2  }
0x7: {  	s18 =	sadd.s32 s2, s0;
	s0 =	sshll.u32 s3, $0x2;
	s4 =	sshrl.u32 s28, $0x1  }
0x8: {  	s2 =	sadd.s32 s5, s6;
	s9 =	sshll.u32 s26, $0x4;
	s31 =	sadd.s32 $0x1C0, s16  }
0x9: {  	s11 =	sadd.s32 $0x380, s16;
	s13 =	sadd.s32 $0x540, s16;
	s20 =	sadd.s32 $0x700, s16  }
0xa: {  	s23 =	sadd.s32 $0x8C0, s16;
	s25 =	sadd.s32 $0xA80, s16;
	s10 =	sadd.s32 s31, s14  }
0xb: {  	s8 =	sor.u32 $0x1, s0;
	s12 =	sadd.s32 s11, s14;
	[dreg:$0x6] =	wrdreg s10  }
0xc: {  	s19 =	ssub.s32 s28, s4;
	s17 =	sadd.s32 s13, s14;
	[dreg:$0x8] =	wrdreg s12  }
0xd: {  	s28 =	sor.u32 $0x2, s0;
	s21 =	sadd.s32 s20, s14;
	[dreg:$0xa] =	wrdreg s17  }
0xe: {  	s24 =	sadd.s32 s23, s14;
	s29 =	sshll.u32 s8, $0x4;
	[dreg:$0xc] =	wrdreg s21  }
0xf: {  	s30 =	sshll.u32 s28, $0x4;
	[dreg:$0xe] =	wrdreg s24;
	s3 =	sadd.s32 s5, s29  }
0x10: {  	s4 =	sadd.s32 s5, s30;
	s5 =	sadd.s32 s5, s9;
	s9 =	sadd.s32 s31, s15  }
0x11: {  	s29 =	sadd.s32 s25, s14;
	[dreg:$0x7] =	wrdreg s9  }
0x12: {  	s30 =	sadd.s32 $0xC40, s16;
	s9 =	sadd.s32 s11, s15;
	[dreg:$0x10] =	wrdreg s29  }
0x13: {  	s31 =	sadd.s32 s30, s14;
	[dreg:$0x9] =	wrdreg s9  }
0x14: {  	s11 =	sor.u32 $0xE00, s16;
	s9 =	sadd.s32 s13, s15;
	[dreg:$0x12] =	wrdreg s31  }
0x15: {  	s12 =	sadd.s32 s11, s14;
	[dreg:$0xb] =	wrdreg s9  }
0x16: {  	s13 =	sadd.s32 $0xFC0, s16;
	s9 =	sadd.s32 s20, s15;
	[dreg:$0x14] =	wrdreg s12  }
0x17: {  	s17 =	sadd.s32 s13, s14;
	[dreg:$0xd] =	wrdreg s9  }
0x18: {  	[dreg:$0x16] =	wrdreg s17  }
0x19: {  	s20 =	sadd.s32 $0x1180, s16;
	s9 =	sadd.s32 s23, s15;
	s17 =	rddreg [dreg:$0x1]  }
0x1a: {  	s21 =	sadd.s32 s20, s14;
	[dreg:$0xf] =	wrdreg s9  }
0x1b: {  	s23 =	sadd.s32 $0x1340, s16;
	s9 =	sadd.s32 s25, s15;
	[dreg:$0x18] =	wrdreg s21  }
0x1c: {  	s24 =	sadd.s32 s23, s14;
	[dreg:$0x11] =	wrdreg s9  }
0x1d: {  	s25 =	sadd.s32 $0x1500, s16;
	s9 =	sadd.s32 s30, s15;
	[dreg:$0x1a] =	wrdreg s24  }
0x1e: {  	s29 =	sadd.s32 s25, s14;
	[dreg:$0x13] =	wrdreg s9  }
0x1f: {  	s30 =	sadd.s32 $0x16C0, s16;
	s9 =	sadd.s32 s11, s15;
	[dreg:$0x1c] =	wrdreg s29  }
0x20: {  	s31 =	sadd.s32 s30, s14;
	[dreg:$0x15] =	wrdreg s9  }
0x21: {  	s9 =	sadd.s32 s13, s15;
	[dreg:$0x1e] =	wrdreg s31  }
0x22: {  	[dreg:$0x17] =	wrdreg s9;
	s9 =	sadd.s32 s20, s15  }
0x23: {  	v1 =	vmov s8;
	[dreg:$0x19] =	wrdreg s9;
	s9 =	sadd.s32 s23, s15  }
0x24: {  	v1 =	vshll.u32 v1, $0x7;
	[dreg:$0x1b] =	wrdreg s9;
	s9 =	sadd.s32 s25, s15  }
0x25: {  	v0 =	vmov s0;
	v1 =	vbroadcast v1, $0x0;
	s29 =	smul.u32 $0x240, s22;
	[dreg:$0x1d] =	wrdreg s9;
	s9 =	sadd.s32 s30, s15  }
0x26: {  	v4 =	vlaneseq.u32;
	s7 =	smul.u32 $0x1C0, s22;
	v2 =	vmov s28;
	v0 =	vshll.u32 v0, $0x7;
	[dreg:$0x1f] =	wrdreg s9  }
0x27: {  	p0 =	sgt.u32 s22, $0x3;
	v0 =	vbroadcast v0, $0x0;
	v5 =	vshll.u32 v2, $0x7;
	s21 =	rddreg [dreg:$0x2];
	v2 =	vor.u32 s29, v4;
	_ =	strace $0x80000047;
	[tilespmem:$0x1FF70] =	vst v1  }
0x28: {  	s6 =	sadd.s32 s7, s14;
	s7 =	sadd.s32 s7, s15;
	v3 =	vmov s26;
	s26 =	simm.s32 $0x0;
	[tilespmem:$0x1FF80] =	vst v2;
	v2 =	vbroadcast v5, $0x0  }
0x29: {  	s18 =	sadd.s32 $0xA00, s18;
	s19 =	smax.u32 s19, $0x1;
	s11 =	sadd.s32 $0x1880, s16;
	v1 =	vmul.u32 $0x4, v4;
	[tilespmem:$0x1FFB0] =	vst v0  }
0x2a: {  	s12 =	sadd.s32 s16, s14;
	s24 =	simm.s32 $0x5680;
	s10 =	sadd.s32 s11, s14;
	[tilespmem:$0x1FF90] =	vst v2  }
.Ltmp0:
0x2b: {  	v6 =	vshll.u32 v3, $0x7;
	s11 =	sadd.s32 s11, s15;
	s20 =	sor.u32 s22, s0;
	v3 =	vor.u32 $0x2, v1;
	[tilespmem:$0x1FFC0] =	vst v1;
	(pc) =	sbr.rel .LBB2_1-.Ltmp0, $4  }
0x2c: {  	s13 =	sadd.s32 s16, s15;
	s16 =	sadd.s32 $0x1A40, s16;
	s20 =	smul.u32 $0xE, s20;
	v2 =	vbroadcast v6, $0x0;
	v4 =	vor.u32 $0x3, v1;
	[tilespmem:$0x1FFE0] =	vst v3  }
0x2d: {  	s14 =	sadd.s32 s16, s14;
	s22 =	simm.s32 $0x400;
	s23 =	simm.s32 $0x5480;
	[tilespmem:$0x1FFF0] =	vst v4  }
0x2e: {  	s25 =	simm.s32 $0x5880;
	s15 =	sadd.s32 s16, s15;
	s16 =	sadd.s32 s17, s20;
	[tilespmem:$0x1FFA0] =	vst v2;
	v2 =	vor.u32 $0x1, v1  }
0x2f: {  	s17 =	sadd.s32 s21, s20;
	s20 =	simm.s32 $0x1;
	s21 =	simm.s32 $0x80;
	[tilespmem:$0x1FFD0] =	vst v2  }
.LBB2_33:
0x30: {  	s26 =	sadd.s32 $0x1, s26  }
0x31: {  	p1 =	sne.s32 s26, s19  }
.Ltmp1:
0x32: {  	v0 =	vld [tilespmem:$0x1FFB0];
	(pc) =	sbr.rel @!p1 .LBB2_34-.Ltmp1, $4  }
0x33: {  	v1 =	vld [tilespmem:$0x1FFC0]  }
0x34: {  	v2 =	vld [tilespmem:$0x1FFD0]  }
0x35: {  	v3 =	vld [tilespmem:$0x1FFE0]  }
0x36: {  	v4 =	vld [tilespmem:$0x1FFF0]  }
.LBB2_1:
0x37: {  	_ =	sdelay $0x2  }
0x38: {  	v9 =	vmov s1  }
0x39: {  	[tilespmem:s1], [sflag:$0x1] =	stream.linear.gather [hbm4b:s18+s1], $0x4800, $0x38;
	v9 =	vshll.u32 v9, $0x3;
	v11 =	vor.u32 s1, v4;
	[tilespmem:$0x6D00] =	vst v63  }
0x3a: {  	_ =	swait.ge [sflag:s20], $0x4800;
	v9 =	vand.u32 $0x7C00, v9;
	v12 =	vor.u32 s1, v2;
	v11 =	vand.u32 $0x7F, v11  }
0x3b: {  	[sflag:s20] =	ssyncset.done $0x0;
	v10 =	vor.u32 s1, v3;
	v12 =	vand.u32 $0x7D, v12;
	v11 =	vor.u32 v11, v0  }
0x3c: {  	[sflag:s20] =	ssyncadd.s32 $0xFFFFB800;
	v10 =	vand.u32 $0x7E, v10;
	v12 =	vor.u32 v12, v0;
	v11 =	vor.u32 v9, v11  }
0x3d: {  	v13 =	vor.u32 s1, v1;
	[tilespmem:s23], [sflag:$0x1] =	stream.strided.gather [hbm4b:s2+s21], $0x200, s22, s21, $0x38;
	v10 =	vor.u32 v10, v0;
	v12 =	vor.u32 v9, v12;
	[tilespmem:$0x6D00] =	vst v63  }
0x3e: {  	v13 =	vand.u32 $0x7C, v13;
	_ =	swait.ge [sflag:s20], $0x200;
	v10 =	vor.u32 v9, v10  }
0x3f: {  	v13 =	vor.u32 v13, v0;
	[sflag:s20] =	ssyncset.done $0x0  }
0x40: {  	v13 =	vor.u32 v9, v13;
	[sflag:s20] =	ssyncadd.s32 $0xFFFFFE00  }
0x41: {  	v11 =	vld.idx.msk [tilespmem:v11+s1+$0x0], $0xffff  }
0x42: {  	s8 =	simm.s32 $0x40;
	v12 =	vld.idx.msk [tilespmem:v12+s1+$0x0], $0xffff  }
0x43: {  	v15 =	vor.u32 s8, v4;
	v14 =	vld.idx.msk [tilespmem:v10+s1+$0x0], $0xffff  }
0x44: {  	v15 =	vand.u32 $0x7F, v15;
	v9 =	vor.u32 s8, v3;
	v10 =	vmov s8  }
0x45: {  	v15 =	vor.u32 v15, v0;
	v9 =	vand.u32 $0x7E, v9;
	v13 =	vld.idx.msk [tilespmem:v13+s1+$0x0], $0xffff;
	v10 =	vshll.u32 v10, $0x3  }
0x46: {  	v9 =	vor.u32 v9, v0;
	v10 =	vand.u32 $0x7C00, v10;
	v16 =	vmul.f32 $5.000000000e-01, v11  }
0x47: {  	v9 =	vor.u32 v10, v9;
	v11 =	vor.u32 v10, v15  }
0x48: {  	s29 =	simm.s32 $0x0;
	s0 =	simm.s32 $0x10;
	s30 =	simm.s32 $0x80;
	v15 =	vmul.f32 $5.000000000e-01, v14;
	v14 =	vsub.f32 v12, v16;
	v12 =	vadd.f32 v16, v12  }
.LBB2_2:
0x49: {  	s31 =	sshra.s32 s30, $0x2  }
0x4a: {  	p1 =	sne.s32 s30, $0x8C0;
	v16 =	vsub.f32 v13, v15;
	v13 =	vadd.f32 v15, v13;
	s28 =	smov.u32 s30;
	s30 =	sadd.s32 $0x40, s30  }
0x4b: {  	v15 =	vor.u32 s8, v2;
	[tilespmem:s29+$0x4A80] =	vst v14;
	v14 =	vsub.f32 v12, v14  }
0x4c: {  	v17 =	vor.u32 s8, v1;
	v15 =	vand.u32 $0x7D, v15;
	s8 =	smov.u32 s28;
	[tilespmem:s29+$0x4D00] =	vst v13;
	v13 =	vsub.f32 v13, v16  }
0x4d: {  	v17 =	vand.u32 $0x7C, v17;
	v15 =	vor.u32 v15, v0;
	[tilespmem:s29+$0x4800] =	vst v16  }
0x4e: {  	v16 =	vor.u32 v17, v0;
	v15 =	vor.u32 v10, v15;
	[tilespmem:s29+$0x4F80] =	vst v12;
	v12 =	vmul.f32 v14, v13  }
0x4f: {  	v10 =	vor.u32 v10, v16  }
0x50: {  	s28 =	simm.s32 $0x0;
	[tilespmem:s29+$0x5200] =	vst v12;
	s29 =	smov.u32 s0;
	s0 =	smov.u32 s31  }
0x51: {  	v11 =	vld.idx.msk [tilespmem:v11+s28+$0x0], $0xffff  }
0x52: {  	v12 =	vld.idx.msk [tilespmem:v9+s28+$0x0], $0xffff  }
0x53: {  	v16 =	vld.idx.msk [tilespmem:v15+s28+$0x0], $0xffff  }
0x54: {  	v14 =	vor.u32 s8, v3;
	v9 =	vmov s8;
	v15 =	vor.u32 s8, v4;
	v13 =	vld.idx.msk [tilespmem:v10+s28+$0x0], $0xffff  }
.Ltmp2:
0x55: {  	v9 =	vshll.u32 v9, $0x3;
	v10 =	vand.u32 $0x7E, v14;
	(pc) =	sbr.rel @p1 .LBB2_2-.Ltmp2, $4  }
0x56: {  	v15 =	vand.u32 $0x7F, v15;
	v14 =	vor.u32 v10, v0  }
0x57: {  	v10 =	vand.u32 $0x7C00, v9;
	v15 =	vor.u32 v15, v0;
	v17 =	vmul.f32 $5.000000000e-01, v11  }
0x58: {  	v9 =	vor.u32 v10, v14;
	v11 =	vor.u32 v10, v15;
	v15 =	vmul.f32 $5.000000000e-01, v12  }
0x59: {  	v14 =	vsub.f32 v16, v17;
	v12 =	vadd.f32 v17, v16  }
0x5a: {  	v16 =	vsub.f32 v13, v15;
	v52 =	vadd.f32 v15, v13  }
0x5b: {  	v53 =	vor.u32 s8, v2;
	v54 =	vor.u32 s8, v1  }
0x5c: {  	v17 =	vsub.f32 v12, v14;
	[tilespmem:s29+$0x4A80] =	vst v14;
	v15 =	vand.u32 $0x7D, v53;
	v18 =	vsub.f32 v52, v16  }
0x5d: {  	v55 =	vand.u32 $0x7C, v54;
	[tilespmem:s29+$0x4F80] =	vst v12;
	v56 =	vor.u32 v15, v0  }
0x5e: {  	[tilespmem:s29+$0x4D00] =	vst v52;
	v13 =	vor.u32 v55, v0;
	v14 =	vor.u32 v10, v56;
	v57 =	vmul.f32 v17, v18  }
0x5f: {  	[tilespmem:s29+$0x4800] =	vst v16;
	v58 =	vor.u32 v10, v13  }
0x60: {  	[tilespmem:s29+$0x5200] =	vst v57  }
0x61: {  	v11 =	vld.idx.msk [tilespmem:v11+s28+$0x0], $0xffff  }
0x62: {  	v9 =	vld.idx.msk [tilespmem:v9+s28+$0x0], $0xffff  }
0x63: {  	v12 =	vld.idx.msk [tilespmem:v14+s28+$0x0], $0xffff  }
0x64: {  	v10 =	vld.idx.msk [tilespmem:v58+s28+$0x0], $0xffff;
	_ =	sdelay $0x1  }
0x65: {  	v11 =	vmul.f32 $5.000000000e-01, v11  }
0x66: {  	v9 =	vmul.f32 $5.000000000e-01, v9  }
0x67: {  	v59 =	vsub.f32 v12, v11;
	v11 =	vadd.f32 v11, v12  }
0x68: {  	v60 =	vsub.f32 v10, v9;
	v9 =	vadd.f32 v9, v10;
	_ =	sdelay $0x1  }
0x69: {  	[tilespmem:s0+$0x4A80] =	vst v59;
	v61 =	vsub.f32 v11, v59;
	v62 =	vsub.f32 v9, v60  }
0x6a: {  	[tilespmem:s0+$0x4D00] =	vst v9  }
0x6b: {  	[tilespmem:s0+$0x4800] =	vst v60;
	v63 =	vmul.f32 v61, v62  }
0x6c: {  	[tilespmem:s0+$0x4F80] =	vst v11  }
0x6d: {  	[tilespmem:s0+$0x5200] =	vst v63  }
.LBB2_4:
0x6e: {  	s0 =	sshll.u32 s28, $0x4  }
0x6f: {  	v9 =	vmov s0  }
0x70: {  	s29 =	sshll.u32 s28, $0x2;
	s31 =	sshllo.u32 s28, $0x2;
	v10 =	vor.u32 $0x1, v9  }
0x71: {  	s30 =	sor.u32 $0x1, s29;
	s9 =	sshll.u32 s31, $0x2;
	v11 =	vor.u32 $0x2, v9  }
0x72: {  	v12 =	vor.u32 $0x3, v9;
	s8 =	sshll.u32 s30, $0x2;
	v21 =	vmov s9;
	s9 =	simm.s32 $0x0  }
0x73: {  	v13 =	vmov s8;
	v36 =	vld [tilespmem:s9+$0x4800]  }
0x74: {  	v14 =	vor.u32 $0x1, v13;
	v9 =	vld.idx.msk [tilespmem:v9+s23+$0x0], $0xffff  }
0x75: {  	v15 =	vor.u32 $0x2, v13;
	v10 =	vld.idx.msk [tilespmem:v10+s23+$0x0], $0xffff  }
0x76: {  	s0 =	sor.u32 $0x2, s29;
	v16 =	vor.u32 $0x3, v13;
	v11 =	vld.idx.msk [tilespmem:v11+s23+$0x0], $0xffff  }
0x77: {  	s8 =	sshll.u32 s0, $0x2;
	v12 =	vld.idx.msk [tilespmem:v12+s23+$0x0], $0xffff  }
0x78: {  	v17 =	vmov s8;
	v18 =	vld.idx.msk [tilespmem:v13+s23+$0x0], $0xffff  }
0x79: {  	v22 =	vor.u32 $0x2, v21;
	v19 =	vld.idx.msk [tilespmem:v14+s23+$0x0], $0xffff  }
0x7a: {  	v13 =	vor.u32 $0x1, v17;
	v15 =	vld.idx.msk [tilespmem:v15+s23+$0x0], $0xffff  }
0x7b: {  	v14 =	vor.u32 $0x2, v17;
	v16 =	vld.idx.msk [tilespmem:v16+s23+$0x0], $0xffff  }
0x7c: {  	v38 =	vld [tilespmem:s9+$0x4D00];
	v20 =	vor.u32 $0x3, v17  }
0x7d: {  	v23 =	vld.idx.msk [tilespmem:v17+s23+$0x0], $0xffff;
	v17 =	vor.u32 $0x3, v21;
	v11 =	vmul.f32 $5.000000000e-01, v11  }
0x7e: {  	v27 =	vor.u32 $0x1, v21;
	v22 =	vld.idx.msk [tilespmem:v22+s23+$0x0], $0xffff;
	v25 =	vmul.f32 $5.000000000e-01, v12  }
0x7f: {  	v24 =	vld.idx.msk [tilespmem:v13+s23+$0x0], $0xffff;
	v12 =	vsub.f32 v9, v11;
	v13 =	vadd.f32 v11, v9;
	v11 =	vmul.f32 $5.000000000e-01, v15  }
0x80: {  	v26 =	vld.idx.msk [tilespmem:v14+s23+$0x0], $0xffff;
	v14 =	vsub.f32 v10, v25;
	v15 =	vadd.f32 v25, v10;
	v10 =	vmul.f32 $5.000000000e-01, v16  }
0x81: {  	v9 =	vld.idx.msk [tilespmem:v20+s23+$0x0], $0xffff;
	v28 =	vsub.f32 v13, v12;
	v16 =	vsub.f32 v18, v11  }
0x82: {  	v44 =	vimm.f32 $-3.000000010e+38;
	v25 =	vld.idx.msk [tilespmem:v17+s23+$0x0], $0xffff;
	v17 =	vadd.f32 v11, v18;
	v18 =	vsub.f32 v19, v10  }
0x83: {  	v35 =	vld [tilespmem:s9+$0x5200];
	v19 =	vadd.f32 v10, v19;
	v39 =	vmin.f32 v36, v12;
	v40 =	vmax.f32 v38, v13  }
0x84: {  	v22 =	vmul.f32 $5.000000000e-01, v22;
	v11 =	vld.idx.msk [tilespmem:v21+s23+$0x0], $0xffff;
	v30 =	vsub.f32 v15, v14;
	v52 =	vsub.f32 v40, v39  }
0x85: {  	v29 =	vld.idx.msk [tilespmem:v27+s23+$0x0], $0xffff;
	v31 =	vsub.f32 v17, v16;
	v32 =	vsub.f32 v19, v18;
	v10 =	vmul.f32 $5.000000000e-01, v26  }
0x86: {  	v37 =	vld [tilespmem:s9+$0x4A80];
	v42 =	vmin.f32 v36, v16;
	v46 =	vmax.f32 v38, v17;
	v9 =	vmul.f32 $5.000000000e-01, v9  }
0x87: {  	v0 =	vmul.f32 v30, v28;
	v54 =	vsub.f32 v46, v42;
	v20 =	vsub.f32 v23, v10  }
0x88: {  	v33 =	vmul.f32 $5.000000000e-01, v25;
	v21 =	vsub.f32 v24, v9;
	v23 =	vadd.f32 v10, v23  }
0x89: {  	v1 =	vmul.f32 v32, v31;
	v24 =	vadd.f32 v9, v24;
	v25 =	vsub.f32 v11, v22  }
0x8a: {  	v28 =	vimm.s32 $0x0;
	v26 =	vsub.f32 v29, v33;
	v27 =	vadd.f32 v22, v11  }
0x8b: {  	v43 =	vmin.f32 v37, v18;
	v10 =	vadd.f32 v33, v29;
	v30 =	vadd.f32 v35, v1  }
0x8c: {  	v4 =	vmax.f32 v37, v18;
	v9 =	vsub.f32 v23, v20;
	v11 =	vsub.f32 v24, v21  }
0x8d: {  	v5 =	vmin.f32 v38, v17;
	v22 =	vsub.f32 v27, v25;
	v34 =	vsub.f32 v10, v26  }
0x8e: {  	v33 =	vld [tilespmem:s9+$0x4F80];
	v51 =	vmin.f32 v36, v20;
	v57 =	vmin.f32 v37, v21;
	v56 =	vmax.f32 v38, v23  }
0x8f: {  	v59 =	vmin.f32 v36, v25;
	v61 =	vmin.f32 v37, v26;
	v62 =	vmax.f32 v38, v27  }
0x90: {  	v45 =	vmax.f32 v36, v20;
	v47 =	vmax.f32 v37, v21;
	v49 =	vmin.f32 v38, v23  }
0x91: {  	v46 =	vmax.f32 v36, v25;
	v56 =	vsub.f32 v56, v51;
	v51 =	vmin.f32 v38, v27  }
0x92: {  	v2 =	vmul.f32 v11, v9;
	v3 =	vmul.f32 v34, v22;
	v34 =	vadd.f32 v35, v0  }
0x93: {  	[tilespmem:$0x1FF50] =	vst v0;
	v9 =	vmax.f32 v37, v14;
	v0 =	vmin.f32 v38, v13;
	v41 =	vmax.f32 v33, v15  }
0x94: {  	v48 =	vmax.f32 v33, v19;
	v58 =	vmax.f32 v33, v24;
	v63 =	vmax.f32 v33, v10  }
0x95: {  	p2 =	por $0x1, $0x1;
	[tilespmem:$0x1FF60] =	vst v1;
	v1 =	vmin.f32 v33, v15;
	v6 =	vmin.f32 v33, v19;
	v22 =	vadd.f32 v35, v2  }
.Ltmp3:
0x96: {  	v50 =	vmin.f32 v33, v24;
	v11 =	vadd.f32 v35, v3;
	v55 =	vsub.f32 v48, v43;
	(pc) =	sbr.rel @!p2 .LBB2_5-.Ltmp3, $4  }
0x97: {  	v35 =	vmin.f32 v37, v14;
	v60 =	vsub.f32 v58, v57;
	v57 =	vsub.f32 v62, v59  }
0x98: {  	v32 =	vmovc v3;
	v3 =	vmax.f32 v36, v12;
	v61 =	vsub.f32 v63, v61;
	v63 =	vsub.f32 v1, v9  }
0x99: {  	v31 =	vmovc v2;
	v2 =	vmax.f32 v36, v16;
	v59 =	vsub.f32 v6, v4;
	v53 =	vsub.f32 v41, v35  }
0x9a: {  	p1 =	por $0x0, $0x0;
	v48 =	vmax.f32 v37, v26;
	v62 =	vsub.f32 v0, v3;
	v58 =	vsub.f32 v5, v2  }
0x9b: {  	v0 =	vsub.f32 v49, v45;
	v1 =	vsub.f32 v50, v47  }
0x9c: {  	v2 =	vmin.f32 v33, v10;
	v3 =	vmul.f32 v53, v52;
	v4 =	vmul.f32 v55, v54  }
0x9d: {  	v5 =	vsub.f32 v51, v46;
	v6 =	vmul.f32 v60, v56;
	v9 =	vmul.f32 v61, v57  }
0x9e: {  	v35 =	vmax.f32 v63, $0.0e+00;
	v37 =	vmax.f32 v59, $0.0e+00;
	v2 =	vsub.f32 v2, v48  }
0x9f: {  	v7 =	vld [tilespmem:$0x1FF50];
	v57 =	vmax.f32 v62, $0.0e+00;
	v36 =	vmax.f32 v58, $0.0e+00;
	v0 =	vmax.f32 v0, $0.0e+00  }
0xa0: {  	s8 =	simm.s32 $0x10;
	v50 =	vld [tilespmem:$0x1FF60];
	v1 =	vmax.f32 v1, $0.0e+00;
	v35 =	vmul.f32 v35, v57;
	v5 =	vmax.f32 v5, $0.0e+00  }
0xa1: {  	v62 =	vld [tilespmem:s8+$0x5200];
	v60 =	vmax.f32 v3, $9.999999710e-10;
	v36 =	vmul.f32 v37, v36;
	v61 =	vmax.f32 v4, $9.999999710e-10  }
0xa2: {  	v40 =	vld [tilespmem:s8+$0x4A80];
	v48 =	vmax.f32 v6, $9.999999710e-10;
	v2 =	vmax.f32 v2, $0.0e+00;
	v0 =	vmul.f32 v1, v0  }
0xa3: {  	v41 =	vld [tilespmem:s8+$0x4D00];
	(erf) = vrcp.f32 v60;
	v2 =	vmul.f32 v2, v5;
	v63 =	vsub.f32 v34, v35  }
0xa4: {  	v33 =	vld [tilespmem:s8+$0x4F80];
	(erf) = vrcp.f32 v61;
	v38 =	vsub.f32 v30, v36;
	v30 =	vmax.f32 v9, $9.999999710e-10  }
0xa5: {  	(erf) = vrcp.f32 v48;
	v39 =	vsub.f32 v22, v0;
	v49 =	vmax.f32 v63, $9.999999710e-10  }
0xa6: {  	(erf) = vrcp.f32 v30;
	v22 =	vmax.f32 v38, $9.999999710e-10;
	v42 =	vsub.f32 v11, v2  }
0xa7: {  	v34 =	vadd.f32 v62, v7;
	v30 =	vadd.f32 v62, v50;
	v47 =	vmin.f32 v40, v14  }
0xa8: {  	v1 =	vld [tilespmem:s8+$0x4800];
	v48 =	vmax.f32 v41, v13;
	v55 =	vmin.f32 v40, v18;
	v54 =	vmax.f32 v41, v17  }
0xa9: {  	v3 =	vsub.f32 v3, v63;
	v60 =	vmax.f32 v33, v19;
	v4 =	vsub.f32 v4, v38  }
0xaa: {  	v57 =	vmin.f32 v40, v21;
	v59 =	vmin.f32 v40, v26;
	v7 =	vmin.f32 v33, v19  }
0xab: {  	(erf) = vrcp.f32 v49;
	v11 =	vmax.f32 v39, $9.999999710e-10;
	v49 =	vmax.f32 v33, v15  }
0xac: {  	v6 =	vsub.f32 v6, v39;
	v55 =	vsub.f32 v60, v55;
	(erf) = vrcp.f32 v22  }
0xad: {  	v22 =	vmax.f32 v42, $9.999999710e-10;
	v46 =	vmin.f32 v1, v12;
	(erf) = vrcp.f32 v11  }
0xae: {  	v50 =	vmin.f32 v1, v16;
	v56 =	vmin.f32 v1, v20;
	(erf) = vrcp.f32 v22  }
0xaf: {  	v53 =	vsub.f32 v9, v42;
	v42 =	vmax.f32 v41, v23;
	v11 =	vadd.f32 v62, v32  }
0xb0: {  	v38 =	vmin.f32 v1, v25;
	v54 =	vsub.f32 v54, v50;
	v56 =	vsub.f32 v42, v56;
	v5 =	vpop (erf)  }
0xb1: {  	v50 =	vmin.f32 v33, v24;
	v22 =	vadd.f32 v62, v31;
	v62 =	vmax.f32 v33, v24;
	v43 =	vpop (erf)  }
0xb2: {  	v42 =	vimm.s32 $0x0;
	v60 =	vsub.f32 v62, v57;
	v3 =	vmul.f32 v3, v5;
	v45 =	vpop (erf)  }
0xb3: {  	v4 =	vmul.f32 v4, v43;
	v51 =	vpop (erf);
	v6 =	vmul.f32 v6, v45;
	v45 =	vmax.f32 v1, v20  }
0xb4: {  	v52 =	vpop (erf);
	v5 =	vmul.f32 v53, v51;
	v51 =	vmin.f32 v41, v17;
	v53 =	vsub.f32 v49, v47  }
0xb5: {  	v47 =	vmax.f32 v40, v21;
	v49 =	vmin.f32 v41, v23;
	v9 =	vpop (erf);
	v35 =	vmul.f32 v52, v35  }
0xb6: {  	v52 =	vsub.f32 v48, v46;
	v46 =	vmax.f32 v1, v25;
	v61 =	vpop (erf);
	v9 =	vmul.f32 v9, v36  }
0xb7: {  	v48 =	vmax.f32 v40, v26;
	v63 =	vpop (erf);
	v3 =	vsub.f32 v35, v3;
	v0 =	vmul.f32 v61, v0  }
0xb8: {  	v2 =	vmul.f32 v63, v2;
	v4 =	vsub.f32 v9, v4;
	v9 =	vmax.f32 v1, v16  }
0xb9: {  	vm3 =	vgt.f32 v3, v44;
	v0 =	vsub.f32 v0, v6;
	v6 =	vmax.f32 v33, v10  }
0xba: {  	v58 =	vsub.f32 v51, v9;
	v51 =	vmin.f32 v41, v27;
	v2 =	vsub.f32 v2, v5  }
0xbb: {  	v5 =	vmax.f32 v41, v27;
	v43 =	vsel vm3, v3, v44;
	vm2 =	vgt.f32 v4, v44  }
0xbc: {  	p2 =	por $0x1, $0x1;
	v3 =	vmin.f32 v41, v13;
	v61 =	vsub.f32 v6, v59;
	v41 =	vimm.s32 $0x0  }
.Ltmp4:
0xbd: {  	vm1 =	vgt.f32 v0, v44;
	v39 =	vsel vm2, v4, v44;
	v4 =	vmin.f32 v33, v15;
	(pc) =	sbr.rel @!p2 .LBB2_7-.Ltmp4, $4  }
0xbe: {  	v37 =	vld [tilespmem:$0x1FF80];
	v57 =	vsub.f32 v5, v38;
	v38 =	vimm.s32 $0x0;
	vm0 =	vgt.f32 v2, v44  }
0xbf: {  	v36 =	vsel vm1, v0, v44;
	v0 =	vmax.f32 v1, v12;
	v35 =	vsel vm0, v2, v44  }
0xc0: {  	v2 =	vmax.f32 v40, v14;
	v44 =	vmax.f32 v40, v18;
	v62 =	vsub.f32 v3, v0  }
0xc1: {  	p1 =	por $0x1, $0x1;
	s8 =	simm.s32 $0x80;
	v40 =	vimm.s32 $0x0;
	v63 =	vsub.f32 v4, v2;
	v59 =	vsub.f32 v7, v44  }
.LBB2_8:
0xc2: {  	v0 =	vsub.f32 v49, v45;
	v1 =	vsub.f32 v50, v47;
	v2 =	vmin.f32 v33, v10  }
0xc3: {  	v5 =	vsub.f32 v51, v46;
	v42 =	vsel vm3, v37, v42;
	v41 =	vsel vm2, v37, v41  }
0xc4: {  	v40 =	vsel vm1, v37, v40;
	v38 =	vsel vm0, v37, v38;
	v3 =	vmul.f32 v53, v52  }
0xc5: {  	v37 =	vadd.s32 $0x10, v37;
	v4 =	vmul.f32 v55, v54;
	v6 =	vmul.f32 v60, v56  }
0xc6: {  	v2 =	vsub.f32 v2, v48;
	v9 =	vmul.f32 v61, v57;
	v55 =	vmax.f32 v62, $0.0e+00  }
0xc7: {  	s9 =	sshra.s32 s8, $0x2;
	v7 =	vld [tilespmem:$0x1FF50];
	v44 =	vmax.f32 v63, $0.0e+00;
	v56 =	vmax.f32 v58, $0.0e+00;
	v57 =	vmax.f32 v59, $0.0e+00  }
0xc8: {  	v60 =	vld [tilespmem:s9+$0x5200];
	v0 =	vmax.f32 v0, $0.0e+00;
	v1 =	vmax.f32 v1, $0.0e+00;
	v44 =	vmul.f32 v44, v55  }
0xc9: {  	v48 =	vld [tilespmem:s9+$0x4A80];
	v5 =	vmax.f32 v5, $0.0e+00;
	v45 =	vmul.f32 v57, v56;
	v2 =	vmax.f32 v2, $0.0e+00  }
0xca: {  	v51 =	vld [tilespmem:s9+$0x4D00];
	v58 =	vmax.f32 v3, $9.999999710e-10;
	v0 =	vmul.f32 v1, v0;
	v59 =	vmax.f32 v4, $9.999999710e-10  }
0xcb: {  	v33 =	vld [tilespmem:s9+$0x4F80];
	v61 =	vmax.f32 v6, $9.999999710e-10;
	v2 =	vmul.f32 v2, v5;
	(erf) = vrcp.f32 v58  }
0xcc: {  	v46 =	vsub.f32 v34, v44;
	v47 =	vsub.f32 v30, v45;
	(erf) = vrcp.f32 v59  }
0xcd: {  	v30 =	vmax.f32 v9, $9.999999710e-10;
	v49 =	vsub.f32 v22, v0;
	(erf) = vrcp.f32 v61  }
0xce: {  	v62 =	vmax.f32 v46, $9.999999710e-10;
	v22 =	vmax.f32 v47, $9.999999710e-10;
	v50 =	vsub.f32 v11, v2  }
0xcf: {  	v34 =	vadd.f32 v60, v7;
	v53 =	vmin.f32 v48, v14;
	v54 =	vmax.f32 v51, v13  }
0xd0: {  	v63 =	vld [tilespmem:$0x1FF60];
	v55 =	vmax.f32 v33, v15;
	v58 =	vmin.f32 v48, v18;
	v59 =	vmax.f32 v51, v17  }
0xd1: {  	v61 =	vmax.f32 v33, v19;
	v3 =	vsub.f32 v3, v46;
	(erf) = vrcp.f32 v30  }
0xd2: {  	v1 =	vld [tilespmem:s9+$0x4800];
	v4 =	vsub.f32 v4, v47;
	v7 =	vmin.f32 v48, v26;
	(erf) = vrcp.f32 v62  }
0xd3: {  	v8 =	vmax.f32 v48, v18;
	v28 =	vmin.f32 v51, v17;
	v29 =	vmin.f32 v33, v19  }
0xd4: {  	v47 =	vmax.f32 v48, v21;
	v11 =	vmax.f32 v49, $9.999999710e-10;
	(erf) = vrcp.f32 v22  }
0xd5: {  	v30 =	vadd.f32 v60, v63;
	v22 =	vmax.f32 v50, $9.999999710e-10;
	(erf) = vrcp.f32 v11  }
0xd6: {  	v63 =	vmin.f32 v48, v21;
	v6 =	vsub.f32 v6, v49;
	(erf) = vrcp.f32 v22  }
0xd7: {  	v53 =	vsub.f32 v55, v53;
	v55 =	vsub.f32 v61, v58;
	v52 =	vmin.f32 v1, v12;
	v5 =	vpop (erf)  }
0xd8: {  	v57 =	vmin.f32 v1, v16;
	v50 =	vsub.f32 v9, v50;
	v52 =	vsub.f32 v54, v52;
	v56 =	vpop (erf)  }
0xd9: {  	v62 =	vmin.f32 v1, v20;
	v11 =	vadd.f32 v60, v32;
	v22 =	vadd.f32 v60, v31;
	v60 =	vpop (erf)  }
0xda: {  	v54 =	vsub.f32 v59, v57;
	v59 =	vsub.f32 v29, v8;
	v3 =	vmul.f32 v3, v5;
	v46 =	vpop (erf)  }
0xdb: {  	v4 =	vmul.f32 v4, v56;
	v56 =	vmax.f32 v51, v23;
	v6 =	vmul.f32 v6, v60;
	v49 =	vpop (erf)  }
0xdc: {  	v60 =	vmax.f32 v33, v24;
	v56 =	vsub.f32 v56, v62;
	v44 =	vmul.f32 v49, v44  }
0xdd: {  	v5 =	vmul.f32 v50, v46;
	v60 =	vsub.f32 v60, v63;
	v46 =	vmax.f32 v1, v25;
	v9 =	vpop (erf)  }
0xde: {  	v49 =	vpop (erf);
	v9 =	vmul.f32 v9, v45;
	v45 =	vmax.f32 v1, v20;
	v3 =	vsub.f32 v44, v3  }
0xdf: {  	v50 =	vpop (erf);
	v0 =	vmul.f32 v49, v0;
	v44 =	vmin.f32 v1, v25;
	v49 =	vmin.f32 v51, v23  }
0xe0: {  	v2 =	vmul.f32 v50, v2;
	v4 =	vsub.f32 v9, v4;
	v9 =	vmax.f32 v1, v16  }
0xe1: {  	v50 =	vmin.f32 v33, v24;
	vm3 =	vgt.f32 v3, v43;
	v0 =	vsub.f32 v0, v6  }
0xe2: {  	v6 =	vmax.f32 v33, v10;
	v58 =	vsub.f32 v28, v9;
	v2 =	vsub.f32 v2, v5  }
0xe3: {  	p2 =	sne.s32 s8, $0x8C0;
	v5 =	vmax.f32 v51, v27;
	v43 =	vsel vm3, v3, v43;
	vm2 =	vgt.f32 v4, v39  }
.Ltmp5:
0xe4: {  	v3 =	vmin.f32 v51, v13;
	v61 =	vsub.f32 v6, v7;
	v51 =	vmin.f32 v51, v27;
	(pc) =	sbr.rel @p2 .LBB2_8-.Ltmp5, $4  }
0xe5: {  	vm1 =	vgt.f32 v0, v36;
	v39 =	vsel vm2, v4, v39;
	v4 =	vmin.f32 v33, v15  }
0xe6: {  	v57 =	vsub.f32 v5, v44;
	vm0 =	vgt.f32 v2, v35;
	v36 =	vsel vm1, v0, v36  }
0xe7: {  	v0 =	vmax.f32 v1, v12;
	v35 =	vsel vm0, v2, v35;
	v2 =	vmax.f32 v48, v14  }
0xe8: {  	s8 =	sadd.s32 $0x40, s8;
	v62 =	vsub.f32 v3, v0;
	v48 =	vmax.f32 v48, v26;
	v63 =	vsub.f32 v4, v2  }
0xe9: {  	v44 =	vmov v43;
	v28 =	vimm.s32 $0x0  }
.LBB2_10:
0xea: {  	v0 =	vmul.f32 v53, v52  }
0xeb: {  	v1 =	vmul.f32 v55, v54;
	v2 =	vmax.f32 v62, $0.0e+00;
	v3 =	vmax.f32 v63, $0.0e+00  }
0xec: {  	v4 =	vmul.f32 v60, v56;
	v2 =	vmul.f32 v3, v2;
	v13 =	vmax.f32 v0, $9.999999710e-10  }
0xed: {  	v5 =	vmul.f32 v61, v57;
	v6 =	vmax.f32 v1, $9.999999710e-10;
	(erf) = vrcp.f32 v13  }
0xee: {  	v7 =	vmax.f32 v4, $9.999999710e-10;
	v14 =	vsub.f32 v34, v2;
	(erf) = vrcp.f32 v6  }
0xef: {  	v15 =	vmax.f32 v5, $9.999999710e-10;
	(erf) = vrcp.f32 v7  }
0xf0: {  	v16 =	vmax.f32 v14, $9.999999710e-10;
	(erf) = vrcp.f32 v15  }
0xf1: {  	(erf) = vrcp.f32 v16;
	_ =	sdelay $0x4  }
0xf2: {  	v17 =	vpop (erf)  }
0xf3: {  	v18 =	vmax.f32 v58, $0.0e+00;
	v8 =	vmax.f32 v59, $0.0e+00;
	v9 =	vpop (erf)  }
0xf4: {  	v7 =	vmul.f32 v8, v18;
	v19 =	vpop (erf)  }
0xf5: {  	v0 =	vsub.f32 v0, v14;
	v20 =	vpop (erf)  }
0xf6: {  	v12 =	vsub.f32 v30, v7;
	v13 =	vpop (erf)  }
0xf7: {  	v0 =	vmul.f32 v0, v17;
	v2 =	vmul.f32 v13, v2  }
0xf8: {  	v21 =	vmax.f32 v12, $9.999999710e-10  }
0xf9: {  	(erf) = vrcp.f32 v21;
	v0 =	vsub.f32 v2, v0;
	_ =	sdelay $0x1  }
0xfa: {  	vm4 =	vgt.f32 v0, v44  }
0xfb: {  	v23 =	vsub.f32 v49, v45;
	v24 =	vsub.f32 v50, v47;
	v0 =	vsel vm4, v0, v44  }
0xfc: {  	(xrf0) =	vmax.scan.msk.f32 $0xffff, v0  }
0xfd: {  	v6 =	vmax.f32 v24, $0.0e+00;
	v2 =	vmax.f32 v23, $0.0e+00  }
0xfe: {  	v29 =	vld [tilespmem:$0x1FF80];
	v2 =	vmul.f32 v6, v2;
	_ =	sdelay $0x1  }
0xff: {  	v1 =	vsub.f32 v1, v12;
	v12 =	vsel @p1 vm3, v37, v42;
	v6 =	vsub.f32 v22, v2  }
0x100: {  	v14 =	vadd.s32 @p1 $0x10, v37;
	v12 =	vpsel p1, v12, v28;
	v26 =	vpop (erf)  }
0x101: {  	v1 =	vmul.f32 v1, v9;
	v7 =	vmul.f32 v26, v7;
	v25 =	vmax.f32 v6, $9.999999710e-10;
	v27, _, _ =	vpop (xrf0)  }
0x102: {  	v13 =	vpsel p1, v14, v29;
	(erf) = vrcp.f32 v25;
	v9 =	vbroadcast v27, $0xF  }
0x103: {  	v30 =	vsel vm4, v13, v12;
	v1 =	vsub.f32 v7, v1  }
0x104: {  	v32 =	vxor.u32 $0x80000000, v30;
	vm9 =	veq.f32 v0, v9  }
0x105: {  	v10 =	vmin.f32 v33, v10;
	vm10 =	vgt.f32 v1, v39;
	v0 =	vnsel vm9, $0xC0000000, v32  }
0x106: {  	v31 =	vsub.f32 v51, v46;
	v33 =	vsub.f32 v10, v48;
	v1 =	vsel vm10, v1, v39;
	(xrf0) =	vmin.scan.msk.u32 $0xffff, v0  }
0x107: {  	(xrf0) =	vmax.scan.msk.f32 $0xffff, v1  }
0x108: {  	v34 =	vmax.f32 v31, $0.0e+00;
	v7 =	vmax.f32 v33, $0.0e+00  }
0x109: {  	v0 =	vmul.f32 v7, v34;
	_ =	sdelay $0x1  }
0x10a: {  	v4 =	vsub.f32 v4, v6;
	v39 =	vpop (erf);
	v7 =	vsub.f32 v11, v0  }
0x10b: {  	v12 =	vsel @p1 vm2, v37, v41;
	v43, _, _ =	vpop (xrf0)  }
0x10c: {  	v4 =	vmul.f32 v4, v19;
	v2 =	vmul.f32 v39, v2;
	v42 =	vmax.f32 v7, $9.999999710e-10;
	v44, _, _ =	vpop (xrf0)  }
0x10d: {  	v45 =	vpsel p1, v12, v28;
	(erf) = vrcp.f32 v42;
	v6 =	vbroadcast v44, $0xF  }
0x10e: {  	v46 =	vsel vm10, v13, v45;
	v2 =	vsub.f32 v2, v4  }
0x10f: {  	v47 =	vxor.u32 $0x80000000, v46;
	vm11 =	veq.f32 v1, v6  }
0x110: {  	vm12 =	vgt.f32 v2, v36;
	v1 =	vnsel vm11, $0xC0000000, v47  }
0x111: {  	v2 =	vsel vm12, v2, v36;
	(xrf0) =	vmin.scan.msk.u32 $0xffff, v1  }
0x112: {  	(xrf0) =	vmax.scan.msk.f32 $0xffff, v2;
	_ =	sdelay $0x3  }
0x113: {  	v48 =	vsub.f32 v5, v7;
	v49 =	vpop (erf)  }
0x114: {  	v50, _, _ =	vpop (xrf0)  }
0x115: {  	v7 =	vsel @p1 vm1, v37, v40;
	v1 =	vmul.f32 v48, v20;
	v0 =	vmul.f32 v49, v0;
	v51, _, _ =	vpop (xrf0)  }
0x116: {  	v52 =	vpsel p1, v7, v28;
	v3 =	vbroadcast v51, $0xF  }
0x117: {  	v53 =	vsel vm12, v13, v52;
	v0 =	vsub.f32 v0, v1  }
0x118: {  	v1 =	vxor.u32 $0x80000000, v53;
	vm13 =	veq.f32 v2, v3  }
0x119: {  	vm14 =	vgt.f32 v0, v35;
	v1 =	vnsel vm13, $0xC0000000, v1  }
0x11a: {  	v0 =	vsel vm14, v0, v35;
	(xrf0) =	vmin.scan.msk.u32 $0xffff, v1  }
0x11b: {  	(xrf0) =	vmax.scan.msk.f32 $0xffff, v0;
	_ =	sdelay $0x4  }
0x11c: {  	v1, _, _ =	vpop (xrf0)  }
0x11d: {  	v2 =	vsel @p1 vm0, v37, v38;
	v54, _, _ =	vpop (xrf0)  }
0x11e: {  	v2 =	vpsel p1, v2, v28;
	v4 =	vbroadcast v54, $0xF  }
0x11f: {  	v2 =	vsel vm14, v13, v2  }
0x120: {  	v55 =	vxor.u32 $0x80000000, v2;
	vm15 =	veq.f32 v0, v4  }
0x121: {  	v0 =	vnsel vm15, $0xC0000000, v55  }
0x122: {  	(xrf0) =	vmin.scan.msk.u32 $0xffff, v0  }
0x123: {  	(v2sf) =	vpush v43, $0xF;
	_ =	sdelay $0x1  }
0x124: {  	(v2sf) =	vpush v50, $0xF;
	_ =	sdelay $0x1  }
0x125: {  	(v2sf) =	vpush v1, $0xF  }
0x126: {  	v0, _, _ =	vpop (xrf0)  }
0x127: {  	(v2sf) =	vpush v0, $0xF;
	_ =	sdelay $0x2  }
0x128: {  	v56 =	vmov s29  }
0x129: {  	v0 =	vand.u32 $0xFFFFFFFC, v56  }
0x12a: {  	v57 =	vmov s30;
	v0 =	vbroadcast v0, $0x0  }
0x12b: {  	v1 =	vand.u32 $0xFFFFFFFD, v57  }
0x12c: {  	v58 =	vmov s0;
	v1 =	vbroadcast v1, $0x0  }
0x12d: {  	v2 =	vand.u32 $0xFFFFFFFE, v58  }
0x12e: {  	s8 =	spop (v2sf);
	v2 =	vbroadcast v2, $0x0  }
0x12f: {  	s0 =	sxor.u32 $0x80000000, s8  }
0x130: {  	v59 =	vmov s0;
	s8 =	spop (v2sf);
	[tilespmem:v0+s24+$0x0] =	vst.idx.msk $0x1, v9  }
0x131: {  	v60 =	vmov s31;
	s28 =	sadd.s32 $0x1, s28;
	s9 =	sxor.u32 $0x80000000, s8;
	[tilespmem:v0+s25+$0x0] =	vst.idx.msk $0x1, v59  }
0x132: {  	p1 =	sne.s32 s28, $0x19;
	v61 =	vmov s9;
	s29 =	spop (v2sf);
	[tilespmem:v1+s24+$0x0] =	vst.idx.msk $0x1, v6  }
.Ltmp6:
0x133: {  	s30 =	sxor.u32 $0x80000000, s29;
	[tilespmem:v1+s25+$0x0] =	vst.idx.msk $0x1, v61;
	(pc) =	sbr.rel @p1 .LBB2_4-.Ltmp6, $4  }
.Ltmp7:
0x134: {  	v62 =	vmov s30;
	[tilespmem:v2+s24+$0x0] =	vst.idx.msk $0x1, v3;
	s31 =	spop (v2sf);
	(pc) =	sbr.rel @!p1 .LBB2_11-.Ltmp7, $4  }
0x135: {  	[tilespmem:v2+s25+$0x0] =	vst.idx.msk $0x1, v62;
	s0 =	sxor.u32 $0x80000000, s31  }
0x136: {  	[tilespmem:v60+s24+$0x0] =	vst.idx.msk $0x1, v4;
	v63 =	vmov s0  }
0x137: {  	[tilespmem:v60+s25+$0x0] =	vst.idx.msk $0x1, v63  }
0x138: {  	_ = 	snop  }
.LBB2_5:
.Ltmp8:
0x139: {  	(pc) =	sbr.rel .LBB2_10-.Ltmp8, $4  }
0x13a: {  	_ = 	snop  }
0x13b: {  	v42 =	vimm.s32 $0x0  }
0x13c: {  	v41 =	vimm.s32 $0x0;
	v40 =	vimm.s32 $0x0;
	v38 =	vimm.s32 $0x0  }
0x13d: {  	v37 =	vld [tilespmem:$0x1FF80];
	v39 =	vimm.f32 $-3.000000010e+38;
	v36 =	vimm.f32 $-3.000000010e+38;
	v35 =	vimm.f32 $-3.000000010e+38  }
.LBB2_7:
.Ltmp9:
0x13e: {  	(pc) =	sbr.rel .LBB2_10-.Ltmp9, $3  }
0x13f: {  	_ =	sdelay $0x1  }
0x140: {  	v42 =	vimm.s32 $0x0;
	v41 =	vimm.s32 $0x0  }
0x141: {  	v37 =	vld [tilespmem:$0x1FF80];
	v40 =	vimm.s32 $0x0;
	v38 =	vimm.s32 $0x0;
	v44 =	vmovc v43;
	v28 =	vimm.s32 $0x0  }
.LBB2_11:
0x142: {  	v17 =	vld [tilespmem:$0x1FFE0]  }
0x143: {  	v18 =	vld [tilespmem:$0x1FFF0]  }
0x144: {  	v7 =	vld [tilespmem:$0x1FF70]  }
0x145: {  	v8 =	vld [tilespmem:$0x1FFC0]  }
0x146: {  	s28 =	simm.s32 $0x0;
	v16 =	vld [tilespmem:$0x1FFD0]  }
0x147: {  	v0 =	vmov s28  }
0x148: {  	v0 =	vshll.u32 v0, $0x3  }
0x149: {  	v0 =	vand.u32 $0x7C00, v0;
	v1 =	vor.u32 s28, v17  }
0x14a: {  	v2 =	vor.u32 s28, v18;
	v3 =	vor.u32 s28, v8;
	v1 =	vand.u32 $0x7E, v1  }
0x14b: {  	v4 =	vor.u32 s28, v16;
	v2 =	vand.u32 $0x7F, v2;
	v1 =	vor.u32 v1, v7  }
0x14c: {  	v3 =	vand.u32 $0x7C, v3;
	v2 =	vor.u32 v2, v7;
	v1 =	vor.u32 v0, v1  }
0x14d: {  	[tilespmem:s23], [sflag:$0x1] =	stream.strided.gather [hbm4b:s3+s21], $0x200, s22, s21, $0x38;
	v4 =	vand.u32 $0x7D, v4;
	v3 =	vor.u32 v3, v7;
	v2 =	vor.u32 v0, v2;
	[tilespmem:$0x6D00] =	vst v63  }
0x14e: {  	_ =	swait.ge [sflag:s20], $0x200;
	v4 =	vor.u32 v4, v7;
	v3 =	vor.u32 v0, v3  }
0x14f: {  	[sflag:s20] =	ssyncset.done $0x0;
	v0 =	vor.u32 v0, v4  }
0x150: {  	[sflag:s20] =	ssyncadd.s32 $0xFFFFFE00  }
0x151: {  	v1 =	vld.idx.msk [tilespmem:v1+s28+$0x0], $0xffff  }
0x152: {  	v2 =	vld.idx.msk [tilespmem:v2+s28+$0x0], $0xffff  }
0x153: {  	s0 =	simm.s32 $0x40;
	v3 =	vld.idx.msk [tilespmem:v3+s28+$0x0], $0xffff  }
0x154: {  	v5 =	vor.u32 s0, v17;
	v4 =	vmov s0;
	v0 =	vld.idx.msk [tilespmem:v0+s28+$0x0], $0xffff  }
0x155: {  	v6 =	vor.u32 s0, v18;
	v5 =	vand.u32 $0x7E, v5;
	v4 =	vshll.u32 v4, $0x3  }
0x156: {  	v10 =	vand.u32 $0x7C00, v4;
	v4 =	vor.u32 v5, v7;
	v1 =	vmul.f32 $5.000000000e-01, v1  }
0x157: {  	v9 =	vor.u32 v10, v4;
	v4 =	vand.u32 $0x7F, v6;
	v2 =	vmul.f32 $5.000000000e-01, v2  }
0x158: {  	v4 =	vor.u32 v4, v7;
	v12 =	vsub.f32 v3, v1;
	v15 =	vadd.f32 v1, v3  }
0x159: {  	s8 =	simm.s32 $0x80;
	s29 =	simm.s32 $0x0;
	v11 =	vor.u32 v10, v4;
	v14 =	vsub.f32 v0, v2;
	v13 =	vadd.f32 v2, v0  }
.LBB2_12:
0x15a: {  	p1 =	sne.s32 s8, $0x8C0;
	v0 =	vor.u32 s0, v8;
	[tilespmem:s29+$0x4D00] =	vst v15;
	v1 =	vsub.f32 v15, v12;
	s9 =	smov.u32 s8;
	s8 =	sadd.s32 $0x40, s8  }
0x15b: {  	v2 =	vor.u32 s0, v16;
	v0 =	vand.u32 $0x7C, v0;
	[tilespmem:s29+$0x4A80] =	vst v14;
	v3 =	vsub.f32 v13, v14  }
0x15c: {  	v2 =	vand.u32 $0x7D, v2;
	v0 =	vor.u32 v0, v7;
	[tilespmem:s29+$0x4F80] =	vst v13  }
0x15d: {  	v2 =	vor.u32 v2, v7;
	v0 =	vor.u32 v10, v0;
	v1 =	vmul.f32 v3, v1  }
0x15e: {  	v2 =	vor.u32 v10, v2;
	[tilespmem:s29+$0x4800] =	vst v12  }
0x15f: {  	[tilespmem:s29+$0x5200] =	vst v1  }
0x160: {  	v1 =	vld.idx.msk [tilespmem:v9+s28+$0x0], $0xffff  }
0x161: {  	v3 =	vld.idx.msk [tilespmem:v11+s28+$0x0], $0xffff  }
0x162: {  	v0 =	vld.idx.msk [tilespmem:v0+s28+$0x0], $0xffff  }
0x163: {  	v2 =	vld.idx.msk [tilespmem:v2+s28+$0x0], $0xffff  }
0x164: {  	v4 =	vmov s9;
	v5 =	vor.u32 s9, v17;
	v6 =	vor.u32 s9, v18  }
.Ltmp10:
0x165: {  	v4 =	vshll.u32 v4, $0x3;
	v5 =	vand.u32 $0x7E, v5;
	(pc) =	sbr.rel @p1 .LBB2_12-.Ltmp10, $4  }
0x166: {  	v10 =	vand.u32 $0x7C00, v4;
	v4 =	vor.u32 v5, v7;
	v1 =	vmul.f32 $5.000000000e-01, v1  }
0x167: {  	v9 =	vor.u32 v10, v4;
	v4 =	vand.u32 $0x7F, v6;
	v3 =	vmul.f32 $5.000000000e-01, v3  }
0x168: {  	v4 =	vor.u32 v4, v7;
	v12 =	vsub.f32 v0, v1;
	v15 =	vadd.f32 v1, v0  }
0x169: {  	s29 =	sshra.s32 s0, $0x2;
	s0 =	smov.u32 s9;
	v11 =	vor.u32 v10, v4;
	v14 =	vsub.f32 v2, v3;
	v13 =	vadd.f32 v3, v2  }
0x16a: {  	v0 =	vor.u32 s0, v8;
	v1 =	vsub.f32 v15, v12  }
0x16b: {  	[tilespmem:s29+$0x4D00] =	vst v15;
	v2 =	vor.u32 s0, v16;
	v0 =	vand.u32 $0x7C, v0;
	v3 =	vsub.f32 v13, v14  }
0x16c: {  	[tilespmem:s29+$0x4800] =	vst v12;
	v2 =	vand.u32 $0x7D, v2;
	v0 =	vor.u32 v0, v7  }
0x16d: {  	[tilespmem:s29+$0x4A80] =	vst v14;
	v2 =	vor.u32 v2, v7;
	v0 =	vor.u32 v10, v0;
	v1 =	vmul.f32 v3, v1  }
0x16e: {  	[tilespmem:s29+$0x4F80] =	vst v13;
	v2 =	vor.u32 v10, v2  }
0x16f: {  	[tilespmem:s29+$0x5200] =	vst v1  }
0x170: {  	v1 =	vld.idx.msk [tilespmem:v9+s28+$0x0], $0xffff  }
0x171: {  	v62 =	vld.idx.msk [tilespmem:v11+s28+$0x0], $0xffff  }
0x172: {  	v0 =	vld.idx.msk [tilespmem:v0+s28+$0x0], $0xffff  }
0x173: {  	v2 =	vld.idx.msk [tilespmem:v2+s28+$0x0], $0xffff;
	_ =	sdelay $0x1  }
0x174: {  	v1 =	vmul.f32 $5.000000000e-01, v1  }
0x175: {  	v3 =	vmul.f32 $5.000000000e-01, v62  }
0x176: {  	v4 =	vsub.f32 v0, v1;
	v0 =	vadd.f32 v1, v0  }
0x177: {  	v63 =	vsub.f32 v2, v3;
	v2 =	vadd.f32 v3, v2  }
0x178: {  	s31 =	sshra.s32 s0, $0x2  }
0x179: {  	[tilespmem:s31+$0x4D00] =	vst v0;
	v0 =	vsub.f32 v0, v4;
	v3 =	vsub.f32 v2, v63  }
0x17a: {  	[tilespmem:s31+$0x4A80] =	vst v63  }
0x17b: {  	[tilespmem:s31+$0x4F80] =	vst v2;
	v0 =	vmul.f32 v3, v0  }
0x17c: {  	[tilespmem:s31+$0x4800] =	vst v4  }
0x17d: {  	[tilespmem:s31+$0x5200] =	vst v0  }
.LBB2_14:
0x17e: {  	s0 =	sshll.u32 s28, $0x4  }
0x17f: {  	v0 =	vmov s0  }
0x180: {  	v1 =	vor.u32 $0x1, v0  }
0x181: {  	v2 =	vor.u32 $0x2, v0  }
0x182: {  	s8 =	sor.u32 $0x4, s0;
	v3 =	vor.u32 $0x3, v0  }
0x183: {  	s29 =	sor.u32 $0x8, s0;
	v4 =	vmov s8  }
0x184: {  	s0 =	sor.u32 $0xC, s0;
	v8 =	vmov s29;
	v0 =	vld.idx.msk [tilespmem:v0+s23+$0x0], $0xffff  }
0x185: {  	v16 =	vmov s0;
	v1 =	vld.idx.msk [tilespmem:v1+s23+$0x0], $0xffff  }
0x186: {  	v5 =	vor.u32 $0x1, v4;
	v2 =	vld.idx.msk [tilespmem:v2+s23+$0x0], $0xffff  }
0x187: {  	v6 =	vor.u32 $0x2, v4;
	v3 =	vld.idx.msk [tilespmem:v3+s23+$0x0], $0xffff  }
0x188: {  	v7 =	vor.u32 $0x3, v4;
	v4 =	vld.idx.msk [tilespmem:v4+s23+$0x0], $0xffff  }
0x189: {  	v9 =	vor.u32 $0x1, v8;
	v10 =	vor.u32 $0x2, v8;
	v12 =	vor.u32 $0x3, v8;
	v8 =	vld.idx.msk [tilespmem:v8+s23+$0x0], $0xffff  }
0x18a: {  	v13 =	vor.u32 $0x2, v16;
	v58 =	vld.idx.msk [tilespmem:v16+s23+$0x0], $0xffff  }
0x18b: {  	v14 =	vor.u32 $0x3, v16;
	v5 =	vld.idx.msk [tilespmem:v5+s23+$0x0], $0xffff  }
0x18c: {  	v6 =	vld.idx.msk [tilespmem:v6+s23+$0x0], $0xffff  }
0x18d: {  	v19 =	vor.u32 $0x1, v16;
	v7 =	vld.idx.msk [tilespmem:v7+s23+$0x0], $0xffff  }
0x18e: {  	v18 =	vld.idx.msk [tilespmem:v10+s23+$0x0], $0xffff  }
0x18f: {  	v52 =	vld.idx.msk [tilespmem:v13+s23+$0x0], $0xffff  }
0x190: {  	v57 =	vld.idx.msk [tilespmem:v14+s23+$0x0], $0xffff;
	v2 =	vmul.f32 $5.000000000e-01, v2  }
0x191: {  	v50 =	vld.idx.msk [tilespmem:v12+s23+$0x0], $0xffff;
	v3 =	vmul.f32 $5.000000000e-01, v3;
	v51 =	vmul.f32 $5.000000000e-01, v6  }
0x192: {  	v60 =	vld.idx.msk [tilespmem:v19+s23+$0x0], $0xffff;
	v56 =	vmul.f32 $5.000000000e-01, v7;
	v10 =	vsub.f32 v0, v2;
	v11 =	vadd.f32 v2, v0  }
0x193: {  	v59 =	vmul.f32 $5.000000000e-01, v18;
	v12 =	vsub.f32 v1, v3;
	v13 =	vadd.f32 v3, v1  }
0x194: {  	s30 =	simm.s32 $0x0;
	v9 =	vld.idx.msk [tilespmem:v9+s23+$0x0], $0xffff;
	v6 =	vmul.f32 $5.000000000e-01, v52;
	v14 =	vsub.f32 v4, v51;
	v15 =	vadd.f32 v51, v4  }
0x195: {  	v63 =	vld [tilespmem:s30+$0x4800];
	v7 =	vmul.f32 $5.000000000e-01, v57;
	v16 =	vsub.f32 v5, v56;
	v17 =	vadd.f32 v56, v5  }
0x196: {  	v29 =	vld [tilespmem:s30+$0x4F80];
	v18 =	vsub.f32 v8, v59;
	v20 =	vadd.f32 v59, v8  }
0x197: {  	v0 =	vmul.f32 $5.000000000e-01, v50;
	v22 =	vsub.f32 v58, v6;
	v23 =	vsub.f32 v60, v7  }
0x198: {  	v24 =	vadd.f32 v6, v58;
	v53 =	vsub.f32 v11, v10  }
0x199: {  	v61 =	vsub.f32 v13, v12;
	v19 =	vsub.f32 v9, v0  }
0x19a: {  	v21 =	vadd.f32 v0, v9;
	v9 =	vadd.f32 v7, v60  }
0x19b: {  	v56 =	vmin.f32 v63, v10;
	v31 =	vmax.f32 v29, v13;
	v44 =	vmax.f32 v63, v10  }
0x19c: {  	v47 =	vmin.f32 v29, v13;
	v26 =	vsub.f32 v15, v14;
	v27 =	vsub.f32 v17, v16  }
0x19d: {  	v54 =	vsub.f32 v20, v18;
	v8 =	vsub.f32 v24, v22;
	v32 =	vmin.f32 v63, v14  }
0x19e: {  	v2 =	vld [tilespmem:s30+$0x4A80];
	v35 =	vmax.f32 v29, v17;
	v36 =	vmin.f32 v63, v18;
	v40 =	vmin.f32 v63, v22  }
0x19f: {  	v48 =	vmax.f32 v63, v14;
	v51 =	vmin.f32 v29, v17;
	v52 =	vmax.f32 v63, v18  }
0x1a0: {  	v62 =	vld [tilespmem:s30+$0x5200];
	v3 =	vmax.f32 v63, v22;
	v55 =	vsub.f32 v21, v19;
	v28 =	vsub.f32 v9, v23  }
0x1a1: {  	v25 =	vmul.f32 v61, v53;
	v39 =	vmax.f32 v29, v21;
	v43 =	vmax.f32 v29, v9  }
0x1a2: {  	v59 =	vmin.f32 v29, v21;
	v29 =	vmin.f32 v29, v9;
	v26 =	vmul.f32 v27, v26  }
0x1a3: {  	v7 =	vld [tilespmem:s30+$0x4D00];
	v33 =	vmin.f32 v2, v16;
	v37 =	vmin.f32 v2, v19;
	v41 =	vmin.f32 v2, v23  }
0x1a4: {  	v45 =	vmax.f32 v2, v12;
	v49 =	vmax.f32 v2, v16;
	v53 =	vmul.f32 v55, v54  }
0x1a5: {  	v54 =	vmul.f32 v28, v8;
	v1 =	vadd.f32 v62, v25;
	v57 =	vsub.f32 v35, v33  }
0x1a6: {  	v8 =	vmin.f32 v2, v12;
	v61 =	vsub.f32 v39, v37;
	v63 =	vsub.f32 v43, v41  }
0x1a7: {  	v47 =	vsub.f32 v47, v45;
	v43 =	vimm.f32 $-3.000000010e+38;
	v4 =	vadd.f32 v62, v26  }
0x1a8: {  	v30 =	vmax.f32 v7, v11;
	v34 =	vmax.f32 v7, v15;
	v38 =	vmax.f32 v7, v20  }
0x1a9: {  	v42 =	vmax.f32 v7, v24;
	v46 =	vmin.f32 v7, v11;
	v8 =	vsub.f32 v31, v8  }
0x1aa: {  	v50 =	vmin.f32 v7, v15;
	v6 =	vadd.f32 v62, v53;
	v0 =	vadd.f32 v62, v54  }
0x1ab: {  	v58 =	vmin.f32 v7, v20;
	v5 =	vsub.f32 v30, v56;
	v31 =	vsub.f32 v34, v32  }
0x1ac: {  	v7 =	vmin.f32 v7, v24;
	v60 =	vsub.f32 v38, v36;
	v62 =	vsub.f32 v42, v40  }
0x1ad: {  	v30 =	vmax.f32 v2, v19;
	v46 =	vsub.f32 v46, v44;
	v55 =	vsub.f32 v50, v48  }
0x1ae: {  	s31 =	simm.s32 $0x10;
	v2 =	vmax.f32 v2, v23;
	v56 =	vsub.f32 v51, v49;
	v33 =	vsub.f32 v58, v52  }
0x1af: {  	v35 =	vld [tilespmem:s31+$0x4F80];
	v3 =	vsub.f32 v7, v3;
	v30 =	vsub.f32 v59, v30;
	v5 =	vmul.f32 v8, v5  }
0x1b0: {  	v2 =	vsub.f32 v29, v2;
	v8 =	vmul.f32 v57, v31;
	v7 =	vmul.f32 v61, v60  }
0x1b1: {  	v29 =	vmul.f32 v63, v62;
	v31 =	vmax.f32 v46, $0.0e+00;
	v57 =	vmax.f32 v47, $0.0e+00  }
0x1b2: {  	v38 =	vld [tilespmem:s31+$0x4800];
	v58 =	vmax.f32 v55, $0.0e+00;
	v59 =	vmax.f32 v56, $0.0e+00;
	v33 =	vmax.f32 v33, $0.0e+00  }
0x1b3: {  	v40 =	vld [tilespmem:s31+$0x4A80];
	v3 =	vmax.f32 v3, $0.0e+00;
	v30 =	vmax.f32 v30, $0.0e+00;
	v32 =	vmul.f32 v57, v31  }
0x1b4: {  	v2 =	vmax.f32 v2, $0.0e+00;
	v34 =	vmul.f32 v59, v58;
	v49 =	vmax.f32 v35, v13  }
0x1b5: {  	v55 =	vmax.f32 v35, v17;
	v58 =	vmax.f32 v35, v21;
	v31 =	vmax.f32 v5, $9.999999710e-10  }
0x1b6: {  	v33 =	vmul.f32 v30, v33;
	v30 =	vmax.f32 v8, $9.999999710e-10;
	v2 =	vmul.f32 v2, v3  }
0x1b7: {  	(erf) = vrcp.f32 v31;
	v1 =	vsub.f32 v1, v32;
	v31 =	vmax.f32 v7, $9.999999710e-10  }
0x1b8: {  	v60 =	vld [tilespmem:s31+$0x5200];
	v4 =	vsub.f32 v4, v34;
	v45 =	vmin.f32 v38, v10;
	v46 =	vmin.f32 v40, v12  }
0x1b9: {  	v52 =	vmin.f32 v38, v14;
	v57 =	vmin.f32 v40, v19;
	(erf) = vrcp.f32 v30  }
0x1ba: {  	v47 =	vld [tilespmem:s31+$0x4D00];
	v30 =	vmax.f32 v29, $9.999999710e-10;
	v6 =	vsub.f32 v6, v33;
	(erf) = vrcp.f32 v31  }
0x1bb: {  	v0 =	vsub.f32 v0, v2;
	v31 =	vmax.f32 v1, $9.999999710e-10;
	(erf) = vrcp.f32 v30  }
0x1bc: {  	v57 =	vsub.f32 v58, v57;
	v30 =	vmax.f32 v4, $9.999999710e-10;
	(erf) = vrcp.f32 v31  }
0x1bd: {  	v42 =	vadd.f32 v60, v25;
	v31 =	vmax.f32 v6, $9.999999710e-10;
	(erf) = vrcp.f32 v30  }
0x1be: {  	v39 =	vadd.f32 v60, v26;
	v30 =	vmax.f32 v0, $9.999999710e-10;
	(erf) = vrcp.f32 v31  }
0x1bf: {  	v27 =	vmovc v53;
	v36 =	vadd.f32 v60, v53;
	v48 =	vmax.f32 v47, v11;
	(erf) = vrcp.f32 v30  }
0x1c0: {  	v28 =	vmovc v54;
	v53 =	vmin.f32 v40, v16;
	v1 =	vsub.f32 v5, v1;
	v56 =	vmax.f32 v47, v20  }
0x1c1: {  	v4 =	vsub.f32 v8, v4;
	v8 =	vmin.f32 v38, v18;
	v55 =	vsub.f32 v55, v53;
	v61 =	vpop (erf)  }
0x1c2: {  	v5 =	vmin.f32 v38, v22;
	v6 =	vsub.f32 v7, v6;
	v56 =	vsub.f32 v56, v8;
	v62 =	vpop (erf)  }
0x1c3: {  	v0 =	vsub.f32 v29, v0;
	v31 =	vadd.f32 v60, v54;
	v54 =	vmax.f32 v47, v15;
	v63 =	vpop (erf)  }
0x1c4: {  	v30 =	vimm.s32 $0x0;
	v1 =	vmul.f32 v1, v61;
	v51 =	vmul.f32 v4, v62;
	v44 =	vpop (erf)  }
0x1c5: {  	v52 =	vsub.f32 v54, v52;
	v6 =	vmul.f32 v6, v63;
	v50 =	vpop (erf);
	v0 =	vmul.f32 v0, v44  }
0x1c6: {  	v44 =	vmax.f32 v38, v18;
	v60 =	vpop (erf);
	v7 =	vmul.f32 v50, v32;
	v50 =	vsub.f32 v48, v45  }
0x1c7: {  	v48 =	vmin.f32 v47, v20;
	v45 =	vmax.f32 v40, v23;
	v29 =	vpop (erf);
	v4 =	vmul.f32 v60, v34  }
0x1c8: {  	v34 =	vmax.f32 v40, v16;
	v61 =	vpop (erf);
	v1 =	vsub.f32 v7, v1;
	v62 =	vmul.f32 v29, v33  }
0x1c9: {  	v33 =	vmin.f32 v40, v23;
	v7 =	vmax.f32 v38, v14;
	v2 =	vmul.f32 v61, v2  }
0x1ca: {  	v3 =	vsub.f32 v4, v51;
	v4 =	vmin.f32 v35, v13;
	v51 =	vsub.f32 v49, v46  }
0x1cb: {  	v46 =	vmax.f32 v40, v19;
	v49 =	vmin.f32 v35, v21;
	vm3 =	vgt.f32 v1, v43  }
0x1cc: {  	v63 =	vsub.f32 v62, v6;
	v6 =	vmax.f32 v35, v9;
	v62 =	vmin.f32 v47, v15  }
0x1cd: {  	v0 =	vsub.f32 v2, v0;
	v2 =	vmax.f32 v47, v24;
	v41 =	vsel vm3, v1, v43  }
0x1ce: {  	vm2 =	vgt.f32 v3, v43;
	v1 =	vmax.f32 v40, v12;
	v59 =	vsub.f32 v6, v33  }
0x1cf: {  	v54 =	vsub.f32 v62, v7;
	v40 =	vimm.s32 $0x0;
	vm1 =	vgt.f32 v63, v43  }
0x1d0: {  	v37 =	vsel vm2, v3, v43;
	v3 =	vmin.f32 v47, v11;
	v58 =	vsub.f32 v2, v5  }
0x1d1: {  	v33 =	vld [tilespmem:$0x1FF80];
	v61 =	vsub.f32 v4, v1;
	v47 =	vmin.f32 v47, v24;
	vm0 =	vgt.f32 v0, v43  }
0x1d2: {  	v32 =	vsel vm1, v63, v43;
	v63 =	vmin.f32 v35, v17;
	v29 =	vsel vm0, v0, v43  }
0x1d3: {  	[tilespmem:$0x1FF30] =	vst v25;
	v0 =	vmax.f32 v38, v10;
	v43 =	vmax.f32 v38, v22;
	v53 =	vsub.f32 v63, v34  }
0x1d4: {  	s0 =	simm.s32 $0x80;
	[tilespmem:$0x1FF40] =	vst v26;
	v38 =	vimm.s32 $0x0;
	v34 =	vimm.s32 $0x0;
	v60 =	vsub.f32 v3, v0  }
.LBB2_15:
0x1d5: {  	v0 =	vsub.f32 v48, v44;
	v1 =	vsub.f32 v49, v46;
	v2 =	vmin.f32 v35, v9  }
0x1d6: {  	v5 =	vsub.f32 v47, v43;
	v30 =	vsel vm3, v33, v30;
	v40 =	vsel vm2, v33, v40  }
0x1d7: {  	v38 =	vsel vm1, v33, v38;
	v34 =	vsel vm0, v33, v34;
	v3 =	vmul.f32 v51, v50  }
0x1d8: {  	v33 =	vadd.s32 $0x10, v33;
	v4 =	vmul.f32 v55, v52;
	v6 =	vmul.f32 v57, v56  }
0x1d9: {  	v2 =	vsub.f32 v2, v45;
	v7 =	vmul.f32 v59, v58;
	v8 =	vmax.f32 v60, $0.0e+00  }
0x1da: {  	s8 =	sshra.s32 s0, $0x2;
	v25 =	vld [tilespmem:$0x1FF30];
	v49 =	vmax.f32 v61, $0.0e+00;
	v50 =	vmax.f32 v54, $0.0e+00;
	v51 =	vmax.f32 v53, $0.0e+00  }
0x1db: {  	v54 =	vld [tilespmem:s8+$0x5200];
	v0 =	vmax.f32 v0, $0.0e+00;
	v1 =	vmax.f32 v1, $0.0e+00;
	v8 =	vmul.f32 v49, v8  }
0x1dc: {  	v47 =	vld [tilespmem:s8+$0x4A80];
	v5 =	vmax.f32 v5, $0.0e+00;
	v43 =	vmul.f32 v51, v50;
	v2 =	vmax.f32 v2, $0.0e+00  }
0x1dd: {  	v62 =	vld [tilespmem:s8+$0x4D00];
	v52 =	vmax.f32 v3, $9.999999710e-10;
	v0 =	vmul.f32 v1, v0;
	v53 =	vmax.f32 v4, $9.999999710e-10  }
0x1de: {  	v35 =	vld [tilespmem:s8+$0x4F80];
	v55 =	vmax.f32 v6, $9.999999710e-10;
	v2 =	vmul.f32 v2, v5;
	(erf) = vrcp.f32 v52  }
0x1df: {  	v44 =	vsub.f32 v42, v8;
	v45 =	vsub.f32 v39, v43;
	(erf) = vrcp.f32 v53  }
0x1e0: {  	v56 =	vmax.f32 v7, $9.999999710e-10;
	v46 =	vsub.f32 v36, v0;
	(erf) = vrcp.f32 v55  }
0x1e1: {  	v57 =	vmax.f32 v44, $9.999999710e-10;
	v58 =	vmax.f32 v45, $9.999999710e-10;
	v48 =	vsub.f32 v31, v2  }
0x1e2: {  	v42 =	vadd.f32 v54, v25;
	v36 =	vadd.f32 v54, v27;
	v51 =	vmin.f32 v47, v12  }
0x1e3: {  	v1 =	vld [tilespmem:s8+$0x4800];
	v50 =	vmax.f32 v62, v11;
	v52 =	vmax.f32 v35, v13;
	v55 =	vmin.f32 v47, v16  }
0x1e4: {  	v3 =	vsub.f32 v3, v44;
	v4 =	vsub.f32 v4, v45;
	v53 =	vmax.f32 v62, v20  }
0x1e5: {  	v26 =	vmin.f32 v35, v17;
	(erf) = vrcp.f32 v56;
	v31 =	vmax.f32 v46, $9.999999710e-10  }
0x1e6: {  	v56 =	vmax.f32 v62, v15;
	v6 =	vsub.f32 v6, v46;
	(erf) = vrcp.f32 v57  }
0x1e7: {  	v25 =	vld [tilespmem:$0x1FF40];
	v51 =	vsub.f32 v52, v51;
	v46 =	vmax.f32 v47, v19;
	(erf) = vrcp.f32 v58  }
0x1e8: {  	v59 =	vmax.f32 v48, $9.999999710e-10;
	v49 =	vmin.f32 v1, v10;
	(erf) = vrcp.f32 v31  }
0x1e9: {  	v45 =	vmin.f32 v1, v18;
	v48 =	vsub.f32 v7, v48;
	(erf) = vrcp.f32 v59  }
0x1ea: {  	v57 =	vmax.f32 v35, v21;
	v58 =	vmax.f32 v35, v17;
	v50 =	vsub.f32 v50, v49  }
0x1eb: {  	v49 =	vmin.f32 v35, v21;
	v31 =	vadd.f32 v54, v28;
	v55 =	vsub.f32 v58, v55;
	v5 =	vpop (erf)  }
0x1ec: {  	v39 =	vadd.f32 v54, v25;
	v54 =	vmin.f32 v1, v14;
	v59 =	vmin.f32 v47, v19;
	v60 =	vpop (erf)  }
0x1ed: {  	v25 =	vmin.f32 v62, v15;
	v52 =	vsub.f32 v56, v54;
	v56 =	vsub.f32 v53, v45;
	v61 =	vpop (erf)  }
0x1ee: {  	v57 =	vsub.f32 v57, v59;
	v3 =	vmul.f32 v3, v5;
	v4 =	vmul.f32 v4, v60;
	v44 =	vpop (erf)  }
0x1ef: {  	v45 =	vmax.f32 v47, v23;
	v6 =	vmul.f32 v6, v61;
	v63 =	vpop (erf);
	v5 =	vmul.f32 v48, v44  }
0x1f0: {  	v44 =	vmax.f32 v1, v18;
	v48 =	vmin.f32 v62, v20;
	v60 =	vpop (erf);
	v8 =	vmul.f32 v63, v8  }
0x1f1: {  	v61 =	vpop (erf);
	v7 =	vmul.f32 v60, v43;
	v60 =	vmin.f32 v47, v23;
	v43 =	vmax.f32 v1, v22  }
0x1f2: {  	v63 =	vpop (erf);
	v3 =	vsub.f32 v8, v3;
	v0 =	vmul.f32 v61, v0;
	v8 =	vmin.f32 v1, v22  }
0x1f3: {  	v2 =	vmul.f32 v63, v2;
	v4 =	vsub.f32 v7, v4;
	v7 =	vmax.f32 v1, v14  }
0x1f4: {  	v63 =	vmax.f32 v47, v16;
	vm3 =	vgt.f32 v3, v41;
	v0 =	vsub.f32 v0, v6  }
0x1f5: {  	v6 =	vmax.f32 v35, v9;
	v54 =	vsub.f32 v25, v7;
	v53 =	vsub.f32 v26, v63  }
0x1f6: {  	p1 =	sne.s32 s0, $0x8C0;
	v2 =	vsub.f32 v2, v5;
	v5 =	vmax.f32 v62, v24;
	v41 =	vsel vm3, v3, v41  }
.Ltmp11:
0x1f7: {  	vm2 =	vgt.f32 v4, v37;
	v3 =	vmin.f32 v62, v11;
	v59 =	vsub.f32 v6, v60;
	(pc) =	sbr.rel @p1 .LBB2_15-.Ltmp11, $4  }
0x1f8: {  	vm1 =	vgt.f32 v0, v32;
	v37 =	vsel vm2, v4, v37;
	v4 =	vmin.f32 v35, v13  }
0x1f9: {  	v58 =	vsub.f32 v5, v8;
	vm0 =	vgt.f32 v2, v29;
	v32 =	vsel vm1, v0, v32  }
0x1fa: {  	v0 =	vmax.f32 v1, v10;
	v29 =	vsel vm0, v2, v29;
	v2 =	vmax.f32 v47, v12  }
0x1fb: {  	s0 =	sadd.s32 $0x40, s0;
	v60 =	vsub.f32 v3, v0;
	v47 =	vmin.f32 v62, v24;
	v61 =	vsub.f32 v4, v2  }
0x1fc: {  	v0 =	vmul.f32 v51, v50  }
0x1fd: {  	v1 =	vmul.f32 v55, v52;
	v2 =	vmax.f32 v60, $0.0e+00;
	v3 =	vmax.f32 v61, $0.0e+00  }
0x1fe: {  	v4 =	vmul.f32 v57, v56;
	v2 =	vmul.f32 v3, v2;
	v13 =	vmax.f32 v0, $9.999999710e-10  }
0x1ff: {  	v5 =	vmul.f32 v59, v58;
	v6 =	vmax.f32 v1, $9.999999710e-10;
	(erf) = vrcp.f32 v13  }
0x200: {  	v7 =	vmax.f32 v4, $9.999999710e-10;
	v14 =	vsub.f32 v42, v2;
	(erf) = vrcp.f32 v6  }
0x201: {  	v15 =	vmax.f32 v5, $9.999999710e-10;
	(erf) = vrcp.f32 v7  }
0x202: {  	v16 =	vmax.f32 v14, $9.999999710e-10;
	(erf) = vrcp.f32 v15  }
0x203: {  	(erf) = vrcp.f32 v16;
	_ =	sdelay $0x4  }
0x204: {  	v17 =	vpop (erf)  }
0x205: {  	v18 =	vmax.f32 v54, $0.0e+00;
	v8 =	vmax.f32 v53, $0.0e+00;
	v10 =	vpop (erf)  }
0x206: {  	v7 =	vmul.f32 v8, v18;
	v19 =	vpop (erf)  }
0x207: {  	v0 =	vsub.f32 v0, v14;
	v20 =	vpop (erf)  }
0x208: {  	v11 =	vsub.f32 v39, v7;
	v12 =	vpop (erf)  }
0x209: {  	v0 =	vmul.f32 v0, v17;
	v2 =	vmul.f32 v12, v2  }
0x20a: {  	v21 =	vmax.f32 v11, $9.999999710e-10  }
0x20b: {  	(erf) = vrcp.f32 v21;
	v0 =	vsub.f32 v2, v0;
	_ =	sdelay $0x1  }
0x20c: {  	vm4 =	vgt.f32 v0, v41  }
0x20d: {  	v22 =	vsub.f32 v48, v44;
	v23 =	vsub.f32 v49, v46;
	v0 =	vsel vm4, v0, v41  }
0x20e: {  	(xrf0) =	vmax.scan.msk.f32 $0xffff, v0  }
0x20f: {  	v6 =	vmax.f32 v23, $0.0e+00;
	v2 =	vmax.f32 v22, $0.0e+00  }
0x210: {  	v2 =	vmul.f32 v6, v2;
	_ =	sdelay $0x1  }
0x211: {  	v1 =	vsub.f32 v1, v11;
	v6 =	vsub.f32 v36, v2  }
0x212: {  	v24 =	vsel vm3, v33, v30;
	v25 =	vpop (erf)  }
0x213: {  	v1 =	vmul.f32 v1, v10;
	v7 =	vmul.f32 v25, v7;
	v13 =	vmax.f32 v6, $9.999999710e-10;
	v26, _, _ =	vpop (xrf0)  }
0x214: {  	v27 =	vadd.s32 $0x10, v33;
	(erf) = vrcp.f32 v13;
	v10 =	vbroadcast v26, $0xF  }
0x215: {  	v28 =	vsel vm4, v27, v24;
	v1 =	vsub.f32 v7, v1  }
0x216: {  	v30 =	vxor.u32 $0x80000000, v28;
	vm9 =	veq.f32 v0, v10  }
0x217: {  	v35 =	vmin.f32 v35, v9;
	vm10 =	vgt.f32 v1, v37;
	v0 =	vnsel vm9, $0xC0000000, v30  }
0x218: {  	v36 =	vsub.f32 v47, v43;
	v7 =	vsub.f32 v35, v45;
	v1 =	vsel vm10, v1, v37;
	(xrf0) =	vmin.scan.msk.u32 $0xffff, v0  }
0x219: {  	(xrf0) =	vmax.scan.msk.f32 $0xffff, v1  }
0x21a: {  	v7 =	vmax.f32 v7, $0.0e+00;
	v37 =	vmax.f32 v36, $0.0e+00  }
0x21b: {  	v0 =	vmul.f32 v7, v37;
	_ =	sdelay $0x1  }
0x21c: {  	v4 =	vsub.f32 v4, v6;
	v39 =	vpop (erf);
	v7 =	vsub.f32 v31, v0  }
0x21d: {  	v41, _, _ =	vpop (xrf0)  }
0x21e: {  	v4 =	vmul.f32 v4, v19;
	v2 =	vmul.f32 v39, v2;
	v42 =	vmax.f32 v7, $9.999999710e-10;
	v43, _, _ =	vpop (xrf0)  }
0x21f: {  	v44 =	vsel vm2, v33, v40;
	(erf) = vrcp.f32 v42;
	v6 =	vbroadcast v43, $0xF  }
0x220: {  	v45 =	vsel vm10, v27, v44;
	v2 =	vsub.f32 v2, v4  }
0x221: {  	v46 =	vxor.u32 $0x80000000, v45;
	vm11 =	veq.f32 v1, v6  }
0x222: {  	vm12 =	vgt.f32 v2, v32;
	v1 =	vnsel vm11, $0xC0000000, v46  }
0x223: {  	v2 =	vsel vm12, v2, v32;
	(xrf0) =	vmin.scan.msk.u32 $0xffff, v1  }
0x224: {  	(xrf0) =	vmax.scan.msk.f32 $0xffff, v2;
	_ =	sdelay $0x3  }
0x225: {  	v47 =	vsub.f32 v5, v7;
	v48 =	vpop (erf)  }
0x226: {  	v49, _, _ =	vpop (xrf0)  }
0x227: {  	v1 =	vmul.f32 v47, v20;
	v0 =	vmul.f32 v48, v0;
	v50, _, _ =	vpop (xrf0)  }
0x228: {  	v51 =	vsel vm1, v33, v38;
	v3 =	vbroadcast v50, $0xF  }
0x229: {  	v52 =	vsel vm12, v27, v51;
	v0 =	vsub.f32 v0, v1  }
0x22a: {  	v1 =	vxor.u32 $0x80000000, v52;
	vm13 =	veq.f32 v2, v3  }
0x22b: {  	vm14 =	vgt.f32 v0, v29;
	v1 =	vnsel vm13, $0xC0000000, v1  }
0x22c: {  	v0 =	vsel vm14, v0, v29;
	(xrf0) =	vmin.scan.msk.u32 $0xffff, v1  }
0x22d: {  	(xrf0) =	vmax.scan.msk.f32 $0xffff, v0;
	_ =	sdelay $0x4  }
0x22e: {  	v1, _, _ =	vpop (xrf0)  }
0x22f: {  	v53, _, _ =	vpop (xrf0)  }
0x230: {  	v54 =	vsel vm0, v33, v34;
	v2 =	vbroadcast v53, $0xF  }
0x231: {  	v4 =	vsel vm14, v27, v54  }
0x232: {  	v55 =	vxor.u32 $0x80000000, v4;
	vm15 =	veq.f32 v0, v2  }
0x233: {  	v0 =	vnsel vm15, $0xC0000000, v55  }
0x234: {  	(xrf0) =	vmin.scan.msk.u32 $0xffff, v0  }
0x235: {  	(v2sf) =	vpush v41, $0xF;
	_ =	sdelay $0x1  }
0x236: {  	(v2sf) =	vpush v49, $0xF;
	_ =	sdelay $0x1  }
0x237: {  	(v2sf) =	vpush v1, $0xF  }
0x238: {  	v0, _, _ =	vpop (xrf0)  }
0x239: {  	(v2sf) =	vpush v0, $0xF;
	_ =	sdelay $0x1  }
0x23a: {  	s0 =	sshll.u32 s28, $0x2  }
0x23b: {  	s8 =	sadd.s32 $0x70, s0  }
0x23c: {  	v56 =	vmov s8  }
0x23d: {  	s30 =	sadd.s32 $0x71, s0;
	v0 =	vbroadcast v56, $0x0  }
0x23e: {  	v57 =	vmov s30  }
0x23f: {  	s31 =	sadd.s32 $0x72, s0;
	v1 =	vbroadcast v57, $0x0  }
0x240: {  	v58 =	vmov s31  }
0x241: {  	v4 =	vbroadcast v58, $0x0;
	s9 =	spop (v2sf)  }
0x242: {  	s8 =	sxor.u32 $0x80000000, s9  }
0x243: {  	s0 =	sadd.s32 $0x73, s0;
	v59 =	vmov s8;
	s9 =	spop (v2sf);
	[tilespmem:v0+s24+$0x0] =	vst.idx.msk $0x1, v10  }
0x244: {  	s28 =	sadd.s32 $0x1, s28;
	v60 =	vmov s0;
	s29 =	sxor.u32 $0x80000000, s9;
	[tilespmem:v0+s25+$0x0] =	vst.idx.msk $0x1, v59  }
0x245: {  	p1 =	sne.s32 s28, $0x19;
	v61 =	vmov s29;
	s30 =	spop (v2sf);
	[tilespmem:v1+s24+$0x0] =	vst.idx.msk $0x1, v6  }
.Ltmp12:
0x246: {  	s0 =	sxor.u32 $0x80000000, s30;
	[tilespmem:v1+s25+$0x0] =	vst.idx.msk $0x1, v61;
	(pc) =	sbr.rel @p1 .LBB2_14-.Ltmp12, $4  }
0x247: {  	v62 =	vmov s0;
	[tilespmem:v4+s24+$0x0] =	vst.idx.msk $0x1, v3;
	s31 =	spop (v2sf)  }
0x248: {  	[tilespmem:v4+s25+$0x0] =	vst.idx.msk $0x1, v62;
	s0 =	sxor.u32 $0x80000000, s31  }
0x249: {  	[tilespmem:v60+s24+$0x0] =	vst.idx.msk $0x1, v2;
	v63 =	vmov s0  }
0x24a: {  	[tilespmem:v60+s25+$0x0] =	vst.idx.msk $0x1, v63  }
0x24b: {  	v17 =	vld [tilespmem:$0x1FFE0]  }
0x24c: {  	v18 =	vld [tilespmem:$0x1FFF0]  }
0x24d: {  	v8 =	vld [tilespmem:$0x1FF90]  }
0x24e: {  	v7 =	vld [tilespmem:$0x1FFC0]  }
0x24f: {  	s28 =	simm.s32 $0x0;
	v16 =	vld [tilespmem:$0x1FFD0]  }
0x250: {  	v0 =	vmov s28  }
0x251: {  	v0 =	vshll.u32 v0, $0x3  }
0x252: {  	v0 =	vand.u32 $0x7C00, v0;
	v1 =	vor.u32 s28, v17  }
0x253: {  	v2 =	vor.u32 s28, v18;
	v3 =	vor.u32 s28, v7;
	v1 =	vand.u32 $0x7E, v1  }
0x254: {  	v4 =	vor.u32 s28, v16;
	v2 =	vand.u32 $0x7F, v2;
	v1 =	vor.u32 v1, v8  }
0x255: {  	v3 =	vand.u32 $0x7C, v3;
	v2 =	vor.u32 v2, v8;
	v1 =	vor.u32 v0, v1  }
0x256: {  	[tilespmem:s23], [sflag:$0x1] =	stream.strided.gather [hbm4b:s4+s21], $0x200, s22, s21, $0x38;
	v4 =	vand.u32 $0x7D, v4;
	v3 =	vor.u32 v3, v8;
	v2 =	vor.u32 v0, v2;
	[tilespmem:$0x6D00] =	vst v63  }
0x257: {  	_ =	swait.ge [sflag:s20], $0x200;
	v4 =	vor.u32 v4, v8;
	v3 =	vor.u32 v0, v3  }
0x258: {  	[sflag:s20] =	ssyncset.done $0x0;
	v0 =	vor.u32 v0, v4  }
0x259: {  	[sflag:s20] =	ssyncadd.s32 $0xFFFFFE00  }
0x25a: {  	v1 =	vld.idx.msk [tilespmem:v1+s28+$0x0], $0xffff  }
0x25b: {  	v2 =	vld.idx.msk [tilespmem:v2+s28+$0x0], $0xffff  }
0x25c: {  	s0 =	simm.s32 $0x40;
	v3 =	vld.idx.msk [tilespmem:v3+s28+$0x0], $0xffff  }
0x25d: {  	v5 =	vor.u32 s0, v17;
	v4 =	vmov s0;
	v0 =	vld.idx.msk [tilespmem:v0+s28+$0x0], $0xffff  }
0x25e: {  	v6 =	vor.u32 s0, v18;
	v5 =	vand.u32 $0x7E, v5;
	v4 =	vshll.u32 v4, $0x3  }
0x25f: {  	v10 =	vand.u32 $0x7C00, v4;
	v4 =	vor.u32 v5, v8;
	v1 =	vmul.f32 $5.000000000e-01, v1  }
0x260: {  	v9 =	vor.u32 v10, v4;
	v4 =	vand.u32 $0x7F, v6;
	v2 =	vmul.f32 $5.000000000e-01, v2  }
0x261: {  	v4 =	vor.u32 v4, v8;
	v12 =	vsub.f32 v3, v1;
	v15 =	vadd.f32 v1, v3  }
0x262: {  	s8 =	simm.s32 $0x80;
	s29 =	simm.s32 $0x0;
	v11 =	vor.u32 v10, v4;
	v14 =	vsub.f32 v0, v2;
	v13 =	vadd.f32 v2, v0  }
.LBB2_18:
0x263: {  	p1 =	sne.s32 s8, $0x8C0;
	v0 =	vor.u32 s0, v7;
	[tilespmem:s29+$0x4D00] =	vst v15;
	v1 =	vsub.f32 v15, v12;
	s9 =	smov.u32 s8;
	s8 =	sadd.s32 $0x40, s8  }
0x264: {  	v2 =	vor.u32 s0, v16;
	v0 =	vand.u32 $0x7C, v0;
	[tilespmem:s29+$0x4A80] =	vst v14;
	v3 =	vsub.f32 v13, v14  }
0x265: {  	v2 =	vand.u32 $0x7D, v2;
	v0 =	vor.u32 v0, v8;
	[tilespmem:s29+$0x4F80] =	vst v13  }
0x266: {  	v2 =	vor.u32 v2, v8;
	v0 =	vor.u32 v10, v0;
	v1 =	vmul.f32 v3, v1  }
0x267: {  	v2 =	vor.u32 v10, v2;
	[tilespmem:s29+$0x4800] =	vst v12  }
0x268: {  	[tilespmem:s29+$0x5200] =	vst v1  }
0x269: {  	v1 =	vld.idx.msk [tilespmem:v9+s28+$0x0], $0xffff  }
0x26a: {  	v3 =	vld.idx.msk [tilespmem:v11+s28+$0x0], $0xffff  }
0x26b: {  	v0 =	vld.idx.msk [tilespmem:v0+s28+$0x0], $0xffff  }
0x26c: {  	v2 =	vld.idx.msk [tilespmem:v2+s28+$0x0], $0xffff  }
0x26d: {  	v4 =	vmov s9;
	v5 =	vor.u32 s9, v17;
	v6 =	vor.u32 s9, v18  }
.Ltmp13:
0x26e: {  	v4 =	vshll.u32 v4, $0x3;
	v5 =	vand.u32 $0x7E, v5;
	(pc) =	sbr.rel @p1 .LBB2_18-.Ltmp13, $4  }
0x26f: {  	v10 =	vand.u32 $0x7C00, v4;
	v4 =	vor.u32 v5, v8;
	v1 =	vmul.f32 $5.000000000e-01, v1  }
0x270: {  	v9 =	vor.u32 v10, v4;
	v4 =	vand.u32 $0x7F, v6;
	v3 =	vmul.f32 $5.000000000e-01, v3  }
0x271: {  	v4 =	vor.u32 v4, v8;
	v12 =	vsub.f32 v0, v1;
	v15 =	vadd.f32 v1, v0  }
0x272: {  	s29 =	sshra.s32 s0, $0x2;
	s0 =	smov.u32 s9;
	v11 =	vor.u32 v10, v4;
	v14 =	vsub.f32 v2, v3;
	v13 =	vadd.f32 v3, v2  }
0x273: {  	v0 =	vor.u32 s0, v7;
	v1 =	vsub.f32 v15, v12  }
0x274: {  	[tilespmem:s29+$0x4D00] =	vst v15;
	v2 =	vor.u32 s0, v16;
	v0 =	vand.u32 $0x7C, v0;
	v3 =	vsub.f32 v13, v14  }
0x275: {  	[tilespmem:s29+$0x4800] =	vst v12;
	v2 =	vand.u32 $0x7D, v2;
	v0 =	vor.u32 v0, v8  }
0x276: {  	[tilespmem:s29+$0x4A80] =	vst v14;
	v2 =	vor.u32 v2, v8;
	v0 =	vor.u32 v10, v0;
	v1 =	vmul.f32 v3, v1  }
0x277: {  	[tilespmem:s29+$0x4F80] =	vst v13;
	v2 =	vor.u32 v10, v2  }
0x278: {  	[tilespmem:s29+$0x5200] =	vst v1  }
0x279: {  	v1 =	vld.idx.msk [tilespmem:v9+s28+$0x0], $0xffff  }
0x27a: {  	v62 =	vld.idx.msk [tilespmem:v11+s28+$0x0], $0xffff  }
0x27b: {  	v0 =	vld.idx.msk [tilespmem:v0+s28+$0x0], $0xffff  }
0x27c: {  	v2 =	vld.idx.msk [tilespmem:v2+s28+$0x0], $0xffff;
	_ =	sdelay $0x1  }
0x27d: {  	v1 =	vmul.f32 $5.000000000e-01, v1  }
0x27e: {  	v3 =	vmul.f32 $5.000000000e-01, v62  }
0x27f: {  	v4 =	vsub.f32 v0, v1;
	v0 =	vadd.f32 v1, v0  }
0x280: {  	v63 =	vsub.f32 v2, v3;
	v2 =	vadd.f32 v3, v2  }
0x281: {  	s31 =	sshra.s32 s0, $0x2  }
0x282: {  	[tilespmem:s31+$0x4D00] =	vst v0;
	v0 =	vsub.f32 v0, v4;
	v3 =	vsub.f32 v2, v63  }
0x283: {  	[tilespmem:s31+$0x4A80] =	vst v63  }
0x284: {  	[tilespmem:s31+$0x4F80] =	vst v2;
	v0 =	vmul.f32 v3, v0  }
0x285: {  	[tilespmem:s31+$0x4800] =	vst v4  }
0x286: {  	[tilespmem:s31+$0x5200] =	vst v0  }
.LBB2_20:
0x287: {  	s0 =	sshll.u32 s28, $0x4  }
0x288: {  	v0 =	vmov s0  }
0x289: {  	v1 =	vor.u32 $0x1, v0  }
0x28a: {  	v2 =	vor.u32 $0x2, v0  }
0x28b: {  	s8 =	sor.u32 $0x4, s0;
	v3 =	vor.u32 $0x3, v0  }
0x28c: {  	s29 =	sor.u32 $0x8, s0;
	v4 =	vmov s8  }
0x28d: {  	s0 =	sor.u32 $0xC, s0;
	v8 =	vmov s29;
	v0 =	vld.idx.msk [tilespmem:v0+s23+$0x0], $0xffff  }
0x28e: {  	v16 =	vmov s0;
	v1 =	vld.idx.msk [tilespmem:v1+s23+$0x0], $0xffff  }
0x28f: {  	v5 =	vor.u32 $0x1, v4;
	v2 =	vld.idx.msk [tilespmem:v2+s23+$0x0], $0xffff  }
0x290: {  	v6 =	vor.u32 $0x2, v4;
	v3 =	vld.idx.msk [tilespmem:v3+s23+$0x0], $0xffff  }
0x291: {  	v7 =	vor.u32 $0x3, v4;
	v4 =	vld.idx.msk [tilespmem:v4+s23+$0x0], $0xffff  }
0x292: {  	v9 =	vor.u32 $0x1, v8;
	v10 =	vor.u32 $0x2, v8;
	v12 =	vor.u32 $0x3, v8;
	v8 =	vld.idx.msk [tilespmem:v8+s23+$0x0], $0xffff  }
0x293: {  	v13 =	vor.u32 $0x2, v16;
	v58 =	vld.idx.msk [tilespmem:v16+s23+$0x0], $0xffff  }
0x294: {  	v14 =	vor.u32 $0x3, v16;
	v5 =	vld.idx.msk [tilespmem:v5+s23+$0x0], $0xffff  }
0x295: {  	v6 =	vld.idx.msk [tilespmem:v6+s23+$0x0], $0xffff  }
0x296: {  	v19 =	vor.u32 $0x1, v16;
	v7 =	vld.idx.msk [tilespmem:v7+s23+$0x0], $0xffff  }
0x297: {  	v18 =	vld.idx.msk [tilespmem:v10+s23+$0x0], $0xffff  }
0x298: {  	v52 =	vld.idx.msk [tilespmem:v13+s23+$0x0], $0xffff  }
0x299: {  	v57 =	vld.idx.msk [tilespmem:v14+s23+$0x0], $0xffff;
	v2 =	vmul.f32 $5.000000000e-01, v2  }
0x29a: {  	v50 =	vld.idx.msk [tilespmem:v12+s23+$0x0], $0xffff;
	v3 =	vmul.f32 $5.000000000e-01, v3;
	v51 =	vmul.f32 $5.000000000e-01, v6  }
0x29b: {  	v60 =	vld.idx.msk [tilespmem:v19+s23+$0x0], $0xffff;
	v56 =	vmul.f32 $5.000000000e-01, v7;
	v10 =	vsub.f32 v0, v2;
	v11 =	vadd.f32 v2, v0  }
0x29c: {  	v59 =	vmul.f32 $5.000000000e-01, v18;
	v12 =	vsub.f32 v1, v3;
	v13 =	vadd.f32 v3, v1  }
0x29d: {  	s30 =	simm.s32 $0x0;
	v9 =	vld.idx.msk [tilespmem:v9+s23+$0x0], $0xffff;
	v6 =	vmul.f32 $5.000000000e-01, v52;
	v14 =	vsub.f32 v4, v51;
	v15 =	vadd.f32 v51, v4  }
0x29e: {  	v63 =	vld [tilespmem:s30+$0x4800];
	v7 =	vmul.f32 $5.000000000e-01, v57;
	v16 =	vsub.f32 v5, v56;
	v17 =	vadd.f32 v56, v5  }
0x29f: {  	v29 =	vld [tilespmem:s30+$0x4F80];
	v18 =	vsub.f32 v8, v59;
	v20 =	vadd.f32 v59, v8  }
0x2a0: {  	v0 =	vmul.f32 $5.000000000e-01, v50;
	v22 =	vsub.f32 v58, v6;
	v23 =	vsub.f32 v60, v7  }
0x2a1: {  	v24 =	vadd.f32 v6, v58;
	v53 =	vsub.f32 v11, v10  }
0x2a2: {  	v61 =	vsub.f32 v13, v12;
	v19 =	vsub.f32 v9, v0  }
0x2a3: {  	v21 =	vadd.f32 v0, v9;
	v9 =	vadd.f32 v7, v60  }
0x2a4: {  	v56 =	vmin.f32 v63, v10;
	v31 =	vmax.f32 v29, v13;
	v44 =	vmax.f32 v63, v10  }
0x2a5: {  	v47 =	vmin.f32 v29, v13;
	v26 =	vsub.f32 v15, v14;
	v27 =	vsub.f32 v17, v16  }
0x2a6: {  	v54 =	vsub.f32 v20, v18;
	v8 =	vsub.f32 v24, v22;
	v32 =	vmin.f32 v63, v14  }
0x2a7: {  	v2 =	vld [tilespmem:s30+$0x4A80];
	v35 =	vmax.f32 v29, v17;
	v36 =	vmin.f32 v63, v18;
	v40 =	vmin.f32 v63, v22  }
0x2a8: {  	v48 =	vmax.f32 v63, v14;
	v51 =	vmin.f32 v29, v17;
	v52 =	vmax.f32 v63, v18  }
0x2a9: {  	v62 =	vld [tilespmem:s30+$0x5200];
	v3 =	vmax.f32 v63, v22;
	v55 =	vsub.f32 v21, v19;
	v28 =	vsub.f32 v9, v23  }
0x2aa: {  	v25 =	vmul.f32 v61, v53;
	v39 =	vmax.f32 v29, v21;
	v43 =	vmax.f32 v29, v9  }
0x2ab: {  	v59 =	vmin.f32 v29, v21;
	v29 =	vmin.f32 v29, v9;
	v26 =	vmul.f32 v27, v26  }
0x2ac: {  	v7 =	vld [tilespmem:s30+$0x4D00];
	v33 =	vmin.f32 v2, v16;
	v37 =	vmin.f32 v2, v19;
	v41 =	vmin.f32 v2, v23  }
0x2ad: {  	v45 =	vmax.f32 v2, v12;
	v49 =	vmax.f32 v2, v16;
	v53 =	vmul.f32 v55, v54  }
0x2ae: {  	v54 =	vmul.f32 v28, v8;
	v1 =	vadd.f32 v62, v25;
	v57 =	vsub.f32 v35, v33  }
0x2af: {  	v8 =	vmin.f32 v2, v12;
	v61 =	vsub.f32 v39, v37;
	v63 =	vsub.f32 v43, v41  }
0x2b0: {  	v47 =	vsub.f32 v47, v45;
	v43 =	vimm.f32 $-3.000000010e+38;
	v4 =	vadd.f32 v62, v26  }
0x2b1: {  	v30 =	vmax.f32 v7, v11;
	v34 =	vmax.f32 v7, v15;
	v38 =	vmax.f32 v7, v20  }
0x2b2: {  	v42 =	vmax.f32 v7, v24;
	v46 =	vmin.f32 v7, v11;
	v8 =	vsub.f32 v31, v8  }
0x2b3: {  	v50 =	vmin.f32 v7, v15;
	v6 =	vadd.f32 v62, v53;
	v0 =	vadd.f32 v62, v54  }
0x2b4: {  	v58 =	vmin.f32 v7, v20;
	v5 =	vsub.f32 v30, v56;
	v31 =	vsub.f32 v34, v32  }
0x2b5: {  	v7 =	vmin.f32 v7, v24;
	v60 =	vsub.f32 v38, v36;
	v62 =	vsub.f32 v42, v40  }
0x2b6: {  	v30 =	vmax.f32 v2, v19;
	v46 =	vsub.f32 v46, v44;
	v55 =	vsub.f32 v50, v48  }
0x2b7: {  	s31 =	simm.s32 $0x10;
	v2 =	vmax.f32 v2, v23;
	v56 =	vsub.f32 v51, v49;
	v33 =	vsub.f32 v58, v52  }
0x2b8: {  	v35 =	vld [tilespmem:s31+$0x4F80];
	v3 =	vsub.f32 v7, v3;
	v30 =	vsub.f32 v59, v30;
	v5 =	vmul.f32 v8, v5  }
0x2b9: {  	v2 =	vsub.f32 v29, v2;
	v8 =	vmul.f32 v57, v31;
	v7 =	vmul.f32 v61, v60  }
0x2ba: {  	v29 =	vmul.f32 v63, v62;
	v31 =	vmax.f32 v46, $0.0e+00;
	v57 =	vmax.f32 v47, $0.0e+00  }
0x2bb: {  	v38 =	vld [tilespmem:s31+$0x4800];
	v58 =	vmax.f32 v55, $0.0e+00;
	v59 =	vmax.f32 v56, $0.0e+00;
	v33 =	vmax.f32 v33, $0.0e+00  }
0x2bc: {  	v40 =	vld [tilespmem:s31+$0x4A80];
	v3 =	vmax.f32 v3, $0.0e+00;
	v30 =	vmax.f32 v30, $0.0e+00;
	v32 =	vmul.f32 v57, v31  }
0x2bd: {  	v2 =	vmax.f32 v2, $0.0e+00;
	v34 =	vmul.f32 v59, v58;
	v49 =	vmax.f32 v35, v13  }
0x2be: {  	v55 =	vmax.f32 v35, v17;
	v58 =	vmax.f32 v35, v21;
	v31 =	vmax.f32 v5, $9.999999710e-10  }
0x2bf: {  	v33 =	vmul.f32 v30, v33;
	v30 =	vmax.f32 v8, $9.999999710e-10;
	v2 =	vmul.f32 v2, v3  }
0x2c0: {  	(erf) = vrcp.f32 v31;
	v1 =	vsub.f32 v1, v32;
	v31 =	vmax.f32 v7, $9.999999710e-10  }
0x2c1: {  	v60 =	vld [tilespmem:s31+$0x5200];
	v4 =	vsub.f32 v4, v34;
	v45 =	vmin.f32 v38, v10;
	v46 =	vmin.f32 v40, v12  }
0x2c2: {  	v52 =	vmin.f32 v38, v14;
	v57 =	vmin.f32 v40, v19;
	(erf) = vrcp.f32 v30  }
0x2c3: {  	v47 =	vld [tilespmem:s31+$0x4D00];
	v30 =	vmax.f32 v29, $9.999999710e-10;
	v6 =	vsub.f32 v6, v33;
	(erf) = vrcp.f32 v31  }
0x2c4: {  	v0 =	vsub.f32 v0, v2;
	v31 =	vmax.f32 v1, $9.999999710e-10;
	(erf) = vrcp.f32 v30  }
0x2c5: {  	v57 =	vsub.f32 v58, v57;
	v30 =	vmax.f32 v4, $9.999999710e-10;
	(erf) = vrcp.f32 v31  }
0x2c6: {  	v42 =	vadd.f32 v60, v25;
	v31 =	vmax.f32 v6, $9.999999710e-10;
	(erf) = vrcp.f32 v30  }
0x2c7: {  	v39 =	vadd.f32 v60, v26;
	v30 =	vmax.f32 v0, $9.999999710e-10;
	(erf) = vrcp.f32 v31  }
0x2c8: {  	v27 =	vmovc v53;
	v36 =	vadd.f32 v60, v53;
	v48 =	vmax.f32 v47, v11;
	(erf) = vrcp.f32 v30  }
0x2c9: {  	v28 =	vmovc v54;
	v53 =	vmin.f32 v40, v16;
	v1 =	vsub.f32 v5, v1;
	v56 =	vmax.f32 v47, v20  }
0x2ca: {  	v4 =	vsub.f32 v8, v4;
	v8 =	vmin.f32 v38, v18;
	v55 =	vsub.f32 v55, v53;
	v61 =	vpop (erf)  }
0x2cb: {  	v5 =	vmin.f32 v38, v22;
	v6 =	vsub.f32 v7, v6;
	v56 =	vsub.f32 v56, v8;
	v62 =	vpop (erf)  }
0x2cc: {  	v0 =	vsub.f32 v29, v0;
	v31 =	vadd.f32 v60, v54;
	v54 =	vmax.f32 v47, v15;
	v63 =	vpop (erf)  }
0x2cd: {  	v30 =	vimm.s32 $0x0;
	v1 =	vmul.f32 v1, v61;
	v51 =	vmul.f32 v4, v62;
	v44 =	vpop (erf)  }
0x2ce: {  	v52 =	vsub.f32 v54, v52;
	v6 =	vmul.f32 v6, v63;
	v50 =	vpop (erf);
	v0 =	vmul.f32 v0, v44  }
0x2cf: {  	v44 =	vmax.f32 v38, v18;
	v60 =	vpop (erf);
	v7 =	vmul.f32 v50, v32;
	v50 =	vsub.f32 v48, v45  }
0x2d0: {  	v48 =	vmin.f32 v47, v20;
	v45 =	vmax.f32 v40, v23;
	v29 =	vpop (erf);
	v4 =	vmul.f32 v60, v34  }
0x2d1: {  	v34 =	vmax.f32 v40, v16;
	v61 =	vpop (erf);
	v1 =	vsub.f32 v7, v1;
	v62 =	vmul.f32 v29, v33  }
0x2d2: {  	v33 =	vmin.f32 v40, v23;
	v7 =	vmax.f32 v38, v14;
	v2 =	vmul.f32 v61, v2  }
0x2d3: {  	v3 =	vsub.f32 v4, v51;
	v4 =	vmin.f32 v35, v13;
	v51 =	vsub.f32 v49, v46  }
0x2d4: {  	v46 =	vmax.f32 v40, v19;
	v49 =	vmin.f32 v35, v21;
	vm3 =	vgt.f32 v1, v43  }
0x2d5: {  	v63 =	vsub.f32 v62, v6;
	v6 =	vmax.f32 v35, v9;
	v62 =	vmin.f32 v47, v15  }
0x2d6: {  	v0 =	vsub.f32 v2, v0;
	v2 =	vmax.f32 v47, v24;
	v41 =	vsel vm3, v1, v43  }
0x2d7: {  	vm2 =	vgt.f32 v3, v43;
	v1 =	vmax.f32 v40, v12;
	v59 =	vsub.f32 v6, v33  }
0x2d8: {  	v54 =	vsub.f32 v62, v7;
	v40 =	vimm.s32 $0x0;
	vm1 =	vgt.f32 v63, v43  }
0x2d9: {  	v37 =	vsel vm2, v3, v43;
	v3 =	vmin.f32 v47, v11;
	v58 =	vsub.f32 v2, v5  }
0x2da: {  	v33 =	vld [tilespmem:$0x1FF80];
	v61 =	vsub.f32 v4, v1;
	v47 =	vmin.f32 v47, v24;
	vm0 =	vgt.f32 v0, v43  }
0x2db: {  	v32 =	vsel vm1, v63, v43;
	v63 =	vmin.f32 v35, v17;
	v29 =	vsel vm0, v0, v43  }
0x2dc: {  	[tilespmem:$0x1FF10] =	vst v25;
	v0 =	vmax.f32 v38, v10;
	v43 =	vmax.f32 v38, v22;
	v53 =	vsub.f32 v63, v34  }
0x2dd: {  	s0 =	simm.s32 $0x80;
	[tilespmem:$0x1FF20] =	vst v26;
	v38 =	vimm.s32 $0x0;
	v34 =	vimm.s32 $0x0;
	v60 =	vsub.f32 v3, v0  }
.LBB2_21:
0x2de: {  	v0 =	vsub.f32 v48, v44;
	v1 =	vsub.f32 v49, v46;
	v2 =	vmin.f32 v35, v9  }
0x2df: {  	v5 =	vsub.f32 v47, v43;
	v30 =	vsel vm3, v33, v30;
	v40 =	vsel vm2, v33, v40  }
0x2e0: {  	v38 =	vsel vm1, v33, v38;
	v34 =	vsel vm0, v33, v34;
	v3 =	vmul.f32 v51, v50  }
0x2e1: {  	v33 =	vadd.s32 $0x10, v33;
	v4 =	vmul.f32 v55, v52;
	v6 =	vmul.f32 v57, v56  }
0x2e2: {  	v2 =	vsub.f32 v2, v45;
	v7 =	vmul.f32 v59, v58;
	v8 =	vmax.f32 v60, $0.0e+00  }
0x2e3: {  	s8 =	sshra.s32 s0, $0x2;
	v25 =	vld [tilespmem:$0x1FF10];
	v49 =	vmax.f32 v61, $0.0e+00;
	v50 =	vmax.f32 v54, $0.0e+00;
	v51 =	vmax.f32 v53, $0.0e+00  }
0x2e4: {  	v54 =	vld [tilespmem:s8+$0x5200];
	v0 =	vmax.f32 v0, $0.0e+00;
	v1 =	vmax.f32 v1, $0.0e+00;
	v8 =	vmul.f32 v49, v8  }
0x2e5: {  	v47 =	vld [tilespmem:s8+$0x4A80];
	v5 =	vmax.f32 v5, $0.0e+00;
	v43 =	vmul.f32 v51, v50;
	v2 =	vmax.f32 v2, $0.0e+00  }
0x2e6: {  	v62 =	vld [tilespmem:s8+$0x4D00];
	v52 =	vmax.f32 v3, $9.999999710e-10;
	v0 =	vmul.f32 v1, v0;
	v53 =	vmax.f32 v4, $9.999999710e-10  }
0x2e7: {  	v35 =	vld [tilespmem:s8+$0x4F80];
	v55 =	vmax.f32 v6, $9.999999710e-10;
	v2 =	vmul.f32 v2, v5;
	(erf) = vrcp.f32 v52  }
0x2e8: {  	v44 =	vsub.f32 v42, v8;
	v45 =	vsub.f32 v39, v43;
	(erf) = vrcp.f32 v53  }
0x2e9: {  	v56 =	vmax.f32 v7, $9.999999710e-10;
	v46 =	vsub.f32 v36, v0;
	(erf) = vrcp.f32 v55  }
0x2ea: {  	v57 =	vmax.f32 v44, $9.999999710e-10;
	v58 =	vmax.f32 v45, $9.999999710e-10;
	v48 =	vsub.f32 v31, v2  }
0x2eb: {  	v42 =	vadd.f32 v54, v25;
	v36 =	vadd.f32 v54, v27;
	v51 =	vmin.f32 v47, v12  }
0x2ec: {  	v1 =	vld [tilespmem:s8+$0x4800];
	v50 =	vmax.f32 v62, v11;
	v52 =	vmax.f32 v35, v13;
	v55 =	vmin.f32 v47, v16  }
0x2ed: {  	v3 =	vsub.f32 v3, v44;
	v4 =	vsub.f32 v4, v45;
	v53 =	vmax.f32 v62, v20  }
0x2ee: {  	v26 =	vmin.f32 v35, v17;
	(erf) = vrcp.f32 v56;
	v31 =	vmax.f32 v46, $9.999999710e-10  }
0x2ef: {  	v56 =	vmax.f32 v62, v15;
	v6 =	vsub.f32 v6, v46;
	(erf) = vrcp.f32 v57  }
0x2f0: {  	v25 =	vld [tilespmem:$0x1FF20];
	v51 =	vsub.f32 v52, v51;
	v46 =	vmax.f32 v47, v19;
	(erf) = vrcp.f32 v58  }
0x2f1: {  	v59 =	vmax.f32 v48, $9.999999710e-10;
	v49 =	vmin.f32 v1, v10;
	(erf) = vrcp.f32 v31  }
0x2f2: {  	v45 =	vmin.f32 v1, v18;
	v48 =	vsub.f32 v7, v48;
	(erf) = vrcp.f32 v59  }
0x2f3: {  	v57 =	vmax.f32 v35, v21;
	v58 =	vmax.f32 v35, v17;
	v50 =	vsub.f32 v50, v49  }
0x2f4: {  	v49 =	vmin.f32 v35, v21;
	v31 =	vadd.f32 v54, v28;
	v55 =	vsub.f32 v58, v55;
	v5 =	vpop (erf)  }
0x2f5: {  	v39 =	vadd.f32 v54, v25;
	v54 =	vmin.f32 v1, v14;
	v59 =	vmin.f32 v47, v19;
	v60 =	vpop (erf)  }
0x2f6: {  	v25 =	vmin.f32 v62, v15;
	v52 =	vsub.f32 v56, v54;
	v56 =	vsub.f32 v53, v45;
	v61 =	vpop (erf)  }
0x2f7: {  	v57 =	vsub.f32 v57, v59;
	v3 =	vmul.f32 v3, v5;
	v4 =	vmul.f32 v4, v60;
	v44 =	vpop (erf)  }
0x2f8: {  	v45 =	vmax.f32 v47, v23;
	v6 =	vmul.f32 v6, v61;
	v63 =	vpop (erf);
	v5 =	vmul.f32 v48, v44  }
0x2f9: {  	v44 =	vmax.f32 v1, v18;
	v48 =	vmin.f32 v62, v20;
	v60 =	vpop (erf);
	v8 =	vmul.f32 v63, v8  }
0x2fa: {  	v61 =	vpop (erf);
	v7 =	vmul.f32 v60, v43;
	v60 =	vmin.f32 v47, v23;
	v43 =	vmax.f32 v1, v22  }
0x2fb: {  	v63 =	vpop (erf);
	v3 =	vsub.f32 v8, v3;
	v0 =	vmul.f32 v61, v0;
	v8 =	vmin.f32 v1, v22  }
0x2fc: {  	v2 =	vmul.f32 v63, v2;
	v4 =	vsub.f32 v7, v4;
	v7 =	vmax.f32 v1, v14  }
0x2fd: {  	v63 =	vmax.f32 v47, v16;
	vm3 =	vgt.f32 v3, v41;
	v0 =	vsub.f32 v0, v6  }
0x2fe: {  	v6 =	vmax.f32 v35, v9;
	v54 =	vsub.f32 v25, v7;
	v53 =	vsub.f32 v26, v63  }
0x2ff: {  	p1 =	sne.s32 s0, $0x8C0;
	v2 =	vsub.f32 v2, v5;
	v5 =	vmax.f32 v62, v24;
	v41 =	vsel vm3, v3, v41  }
.Ltmp14:
0x300: {  	vm2 =	vgt.f32 v4, v37;
	v3 =	vmin.f32 v62, v11;
	v59 =	vsub.f32 v6, v60;
	(pc) =	sbr.rel @p1 .LBB2_21-.Ltmp14, $4  }
0x301: {  	vm1 =	vgt.f32 v0, v32;
	v37 =	vsel vm2, v4, v37;
	v4 =	vmin.f32 v35, v13  }
0x302: {  	v58 =	vsub.f32 v5, v8;
	vm0 =	vgt.f32 v2, v29;
	v32 =	vsel vm1, v0, v32  }
0x303: {  	v0 =	vmax.f32 v1, v10;
	v29 =	vsel vm0, v2, v29;
	v2 =	vmax.f32 v47, v12  }
0x304: {  	s0 =	sadd.s32 $0x40, s0;
	v60 =	vsub.f32 v3, v0;
	v47 =	vmin.f32 v62, v24;
	v61 =	vsub.f32 v4, v2  }
0x305: {  	v0 =	vmul.f32 v51, v50  }
0x306: {  	v1 =	vmul.f32 v55, v52;
	v2 =	vmax.f32 v60, $0.0e+00;
	v3 =	vmax.f32 v61, $0.0e+00  }
0x307: {  	v4 =	vmul.f32 v57, v56;
	v2 =	vmul.f32 v3, v2;
	v13 =	vmax.f32 v0, $9.999999710e-10  }
0x308: {  	v5 =	vmul.f32 v59, v58;
	v6 =	vmax.f32 v1, $9.999999710e-10;
	(erf) = vrcp.f32 v13  }
0x309: {  	v7 =	vmax.f32 v4, $9.999999710e-10;
	v14 =	vsub.f32 v42, v2;
	(erf) = vrcp.f32 v6  }
0x30a: {  	v15 =	vmax.f32 v5, $9.999999710e-10;
	(erf) = vrcp.f32 v7  }
0x30b: {  	v16 =	vmax.f32 v14, $9.999999710e-10;
	(erf) = vrcp.f32 v15  }
0x30c: {  	(erf) = vrcp.f32 v16;
	_ =	sdelay $0x4  }
0x30d: {  	v17 =	vpop (erf)  }
0x30e: {  	v18 =	vmax.f32 v54, $0.0e+00;
	v8 =	vmax.f32 v53, $0.0e+00;
	v10 =	vpop (erf)  }
0x30f: {  	v7 =	vmul.f32 v8, v18;
	v19 =	vpop (erf)  }
0x310: {  	v0 =	vsub.f32 v0, v14;
	v20 =	vpop (erf)  }
0x311: {  	v11 =	vsub.f32 v39, v7;
	v12 =	vpop (erf)  }
0x312: {  	v0 =	vmul.f32 v0, v17;
	v2 =	vmul.f32 v12, v2  }
0x313: {  	v21 =	vmax.f32 v11, $9.999999710e-10  }
0x314: {  	(erf) = vrcp.f32 v21;
	v0 =	vsub.f32 v2, v0;
	_ =	sdelay $0x1  }
0x315: {  	vm4 =	vgt.f32 v0, v41  }
0x316: {  	v22 =	vsub.f32 v48, v44;
	v23 =	vsub.f32 v49, v46;
	v0 =	vsel vm4, v0, v41  }
0x317: {  	(xrf0) =	vmax.scan.msk.f32 $0xffff, v0  }
0x318: {  	v6 =	vmax.f32 v23, $0.0e+00;
	v2 =	vmax.f32 v22, $0.0e+00  }
0x319: {  	v2 =	vmul.f32 v6, v2;
	_ =	sdelay $0x1  }
0x31a: {  	v1 =	vsub.f32 v1, v11;
	v6 =	vsub.f32 v36, v2  }
0x31b: {  	v24 =	vsel vm3, v33, v30;
	v25 =	vpop (erf)  }
0x31c: {  	v1 =	vmul.f32 v1, v10;
	v7 =	vmul.f32 v25, v7;
	v13 =	vmax.f32 v6, $9.999999710e-10;
	v26, _, _ =	vpop (xrf0)  }
0x31d: {  	v27 =	vadd.s32 $0x10, v33;
	(erf) = vrcp.f32 v13;
	v10 =	vbroadcast v26, $0xF  }
0x31e: {  	v28 =	vsel vm4, v27, v24;
	v1 =	vsub.f32 v7, v1  }
0x31f: {  	v30 =	vxor.u32 $0x80000000, v28;
	vm9 =	veq.f32 v0, v10  }
0x320: {  	v35 =	vmin.f32 v35, v9;
	vm10 =	vgt.f32 v1, v37;
	v0 =	vnsel vm9, $0xC0000000, v30  }
0x321: {  	v36 =	vsub.f32 v47, v43;
	v7 =	vsub.f32 v35, v45;
	v1 =	vsel vm10, v1, v37;
	(xrf0) =	vmin.scan.msk.u32 $0xffff, v0  }
0x322: {  	(xrf0) =	vmax.scan.msk.f32 $0xffff, v1  }
0x323: {  	v7 =	vmax.f32 v7, $0.0e+00;
	v37 =	vmax.f32 v36, $0.0e+00  }
0x324: {  	v0 =	vmul.f32 v7, v37;
	_ =	sdelay $0x1  }
0x325: {  	v4 =	vsub.f32 v4, v6;
	v39 =	vpop (erf);
	v7 =	vsub.f32 v31, v0  }
0x326: {  	v41, _, _ =	vpop (xrf0)  }
0x327: {  	v4 =	vmul.f32 v4, v19;
	v2 =	vmul.f32 v39, v2;
	v42 =	vmax.f32 v7, $9.999999710e-10;
	v43, _, _ =	vpop (xrf0)  }
0x328: {  	v44 =	vsel vm2, v33, v40;
	(erf) = vrcp.f32 v42;
	v6 =	vbroadcast v43, $0xF  }
0x329: {  	v45 =	vsel vm10, v27, v44;
	v2 =	vsub.f32 v2, v4  }
0x32a: {  	v46 =	vxor.u32 $0x80000000, v45;
	vm11 =	veq.f32 v1, v6  }
0x32b: {  	vm12 =	vgt.f32 v2, v32;
	v1 =	vnsel vm11, $0xC0000000, v46  }
0x32c: {  	v2 =	vsel vm12, v2, v32;
	(xrf0) =	vmin.scan.msk.u32 $0xffff, v1  }
0x32d: {  	(xrf0) =	vmax.scan.msk.f32 $0xffff, v2;
	_ =	sdelay $0x3  }
0x32e: {  	v47 =	vsub.f32 v5, v7;
	v48 =	vpop (erf)  }
0x32f: {  	v49, _, _ =	vpop (xrf0)  }
0x330: {  	v1 =	vmul.f32 v47, v20;
	v0 =	vmul.f32 v48, v0;
	v50, _, _ =	vpop (xrf0)  }
0x331: {  	v51 =	vsel vm1, v33, v38;
	v3 =	vbroadcast v50, $0xF  }
0x332: {  	v52 =	vsel vm12, v27, v51;
	v0 =	vsub.f32 v0, v1  }
0x333: {  	v1 =	vxor.u32 $0x80000000, v52;
	vm13 =	veq.f32 v2, v3  }
0x334: {  	vm14 =	vgt.f32 v0, v29;
	v1 =	vnsel vm13, $0xC0000000, v1  }
0x335: {  	v0 =	vsel vm14, v0, v29;
	(xrf0) =	vmin.scan.msk.u32 $0xffff, v1  }
0x336: {  	(xrf0) =	vmax.scan.msk.f32 $0xffff, v0;
	_ =	sdelay $0x4  }
0x337: {  	v1, _, _ =	vpop (xrf0)  }
0x338: {  	v53, _, _ =	vpop (xrf0)  }
0x339: {  	v54 =	vsel vm0, v33, v34;
	v2 =	vbroadcast v53, $0xF  }
0x33a: {  	v4 =	vsel vm14, v27, v54  }
0x33b: {  	v55 =	vxor.u32 $0x80000000, v4;
	vm15 =	veq.f32 v0, v2  }
0x33c: {  	v0 =	vnsel vm15, $0xC0000000, v55  }
0x33d: {  	(xrf0) =	vmin.scan.msk.u32 $0xffff, v0  }
0x33e: {  	(v2sf) =	vpush v41, $0xF;
	_ =	sdelay $0x1  }
0x33f: {  	(v2sf) =	vpush v49, $0xF;
	_ =	sdelay $0x1  }
0x340: {  	(v2sf) =	vpush v1, $0xF  }
0x341: {  	v0, _, _ =	vpop (xrf0)  }
0x342: {  	(v2sf) =	vpush v0, $0xF;
	_ =	sdelay $0x1  }
0x343: {  	s0 =	sshll.u32 s28, $0x2  }
0x344: {  	s8 =	sadd.s32 $0xE0, s0  }
0x345: {  	v56 =	vmov s8  }
0x346: {  	s30 =	sadd.s32 $0xE1, s0;
	v0 =	vbroadcast v56, $0x0  }
0x347: {  	v57 =	vmov s30  }
0x348: {  	s31 =	sadd.s32 $0xE2, s0;
	v1 =	vbroadcast v57, $0x0  }
0x349: {  	v58 =	vmov s31  }
0x34a: {  	v4 =	vbroadcast v58, $0x0;
	s9 =	spop (v2sf)  }
0x34b: {  	s8 =	sxor.u32 $0x80000000, s9  }
0x34c: {  	s0 =	sadd.s32 $0xE3, s0;
	v59 =	vmov s8;
	s9 =	spop (v2sf);
	[tilespmem:v0+s24+$0x0] =	vst.idx.msk $0x1, v10  }
0x34d: {  	s28 =	sadd.s32 $0x1, s28;
	v60 =	vmov s0;
	s29 =	sxor.u32 $0x80000000, s9;
	[tilespmem:v0+s25+$0x0] =	vst.idx.msk $0x1, v59  }
0x34e: {  	p1 =	sne.s32 s28, $0x19;
	v61 =	vmov s29;
	s30 =	spop (v2sf);
	[tilespmem:v1+s24+$0x0] =	vst.idx.msk $0x1, v6  }
.Ltmp15:
0x34f: {  	s0 =	sxor.u32 $0x80000000, s30;
	[tilespmem:v1+s25+$0x0] =	vst.idx.msk $0x1, v61;
	(pc) =	sbr.rel @p1 .LBB2_20-.Ltmp15, $4  }
0x350: {  	v62 =	vmov s0;
	[tilespmem:v4+s24+$0x0] =	vst.idx.msk $0x1, v3;
	s31 =	spop (v2sf)  }
0x351: {  	[tilespmem:v4+s25+$0x0] =	vst.idx.msk $0x1, v62;
	s0 =	sxor.u32 $0x80000000, s31  }
0x352: {  	[tilespmem:v60+s24+$0x0] =	vst.idx.msk $0x1, v2;
	v63 =	vmov s0  }
0x353: {  	[tilespmem:v60+s25+$0x0] =	vst.idx.msk $0x1, v63  }
0x354: {  	v17 =	vld [tilespmem:$0x1FFE0]  }
0x355: {  	v18 =	vld [tilespmem:$0x1FFF0]  }
0x356: {  	v8 =	vld [tilespmem:$0x1FFA0]  }
0x357: {  	v7 =	vld [tilespmem:$0x1FFC0]  }
0x358: {  	s28 =	simm.s32 $0x0;
	v16 =	vld [tilespmem:$0x1FFD0]  }
0x359: {  	v0 =	vmov s28  }
0x35a: {  	v0 =	vshll.u32 v0, $0x3  }
0x35b: {  	v0 =	vand.u32 $0x7C00, v0;
	v1 =	vor.u32 s28, v17  }
0x35c: {  	v2 =	vor.u32 s28, v18;
	v3 =	vor.u32 s28, v7;
	v1 =	vand.u32 $0x7E, v1  }
0x35d: {  	v4 =	vor.u32 s28, v16;
	v2 =	vand.u32 $0x7F, v2;
	v1 =	vor.u32 v1, v8  }
0x35e: {  	v3 =	vand.u32 $0x7C, v3;
	v2 =	vor.u32 v2, v8;
	v1 =	vor.u32 v0, v1  }
0x35f: {  	[tilespmem:s23], [sflag:$0x1] =	stream.strided.gather [hbm4b:s5+s21], $0x200, s22, s21, $0x38;
	v4 =	vand.u32 $0x7D, v4;
	v3 =	vor.u32 v3, v8;
	v2 =	vor.u32 v0, v2;
	[tilespmem:$0x6D00] =	vst v63  }
0x360: {  	_ =	swait.ge [sflag:s20], $0x200;
	v4 =	vor.u32 v4, v8;
	v3 =	vor.u32 v0, v3  }
0x361: {  	[sflag:s20] =	ssyncset.done $0x0;
	v0 =	vor.u32 v0, v4  }
0x362: {  	[sflag:s20] =	ssyncadd.s32 $0xFFFFFE00  }
0x363: {  	v1 =	vld.idx.msk [tilespmem:v1+s28+$0x0], $0xffff  }
0x364: {  	v2 =	vld.idx.msk [tilespmem:v2+s28+$0x0], $0xffff  }
0x365: {  	s0 =	simm.s32 $0x40;
	v3 =	vld.idx.msk [tilespmem:v3+s28+$0x0], $0xffff  }
0x366: {  	v5 =	vor.u32 s0, v17;
	v4 =	vmov s0;
	v0 =	vld.idx.msk [tilespmem:v0+s28+$0x0], $0xffff  }
0x367: {  	v6 =	vor.u32 s0, v18;
	v5 =	vand.u32 $0x7E, v5;
	v4 =	vshll.u32 v4, $0x3  }
0x368: {  	v10 =	vand.u32 $0x7C00, v4;
	v4 =	vor.u32 v5, v8;
	v1 =	vmul.f32 $5.000000000e-01, v1  }
0x369: {  	v9 =	vor.u32 v10, v4;
	v4 =	vand.u32 $0x7F, v6;
	v2 =	vmul.f32 $5.000000000e-01, v2  }
0x36a: {  	v4 =	vor.u32 v4, v8;
	v12 =	vsub.f32 v3, v1;
	v15 =	vadd.f32 v1, v3  }
0x36b: {  	s8 =	simm.s32 $0x80;
	s29 =	simm.s32 $0x0;
	v11 =	vor.u32 v10, v4;
	v14 =	vsub.f32 v0, v2;
	v13 =	vadd.f32 v2, v0  }
.LBB2_24:
0x36c: {  	p1 =	sne.s32 s8, $0x8C0;
	v0 =	vor.u32 s0, v7;
	[tilespmem:s29+$0x4D00] =	vst v15;
	v1 =	vsub.f32 v15, v12;
	s9 =	smov.u32 s8;
	s8 =	sadd.s32 $0x40, s8  }
0x36d: {  	v2 =	vor.u32 s0, v16;
	v0 =	vand.u32 $0x7C, v0;
	[tilespmem:s29+$0x4A80] =	vst v14;
	v3 =	vsub.f32 v13, v14  }
0x36e: {  	v2 =	vand.u32 $0x7D, v2;
	v0 =	vor.u32 v0, v8;
	[tilespmem:s29+$0x4F80] =	vst v13  }
0x36f: {  	v2 =	vor.u32 v2, v8;
	v0 =	vor.u32 v10, v0;
	v1 =	vmul.f32 v3, v1  }
0x370: {  	v2 =	vor.u32 v10, v2;
	[tilespmem:s29+$0x4800] =	vst v12  }
0x371: {  	[tilespmem:s29+$0x5200] =	vst v1  }
0x372: {  	v1 =	vld.idx.msk [tilespmem:v9+s28+$0x0], $0xffff  }
0x373: {  	v3 =	vld.idx.msk [tilespmem:v11+s28+$0x0], $0xffff  }
0x374: {  	v0 =	vld.idx.msk [tilespmem:v0+s28+$0x0], $0xffff  }
0x375: {  	v2 =	vld.idx.msk [tilespmem:v2+s28+$0x0], $0xffff  }
0x376: {  	v4 =	vmov s9;
	v5 =	vor.u32 s9, v17;
	v6 =	vor.u32 s9, v18  }
.Ltmp16:
0x377: {  	v4 =	vshll.u32 v4, $0x3;
	v5 =	vand.u32 $0x7E, v5;
	(pc) =	sbr.rel @p1 .LBB2_24-.Ltmp16, $4  }
0x378: {  	v10 =	vand.u32 $0x7C00, v4;
	v4 =	vor.u32 v5, v8;
	v1 =	vmul.f32 $5.000000000e-01, v1  }
0x379: {  	v9 =	vor.u32 v10, v4;
	v4 =	vand.u32 $0x7F, v6;
	v3 =	vmul.f32 $5.000000000e-01, v3  }
0x37a: {  	v4 =	vor.u32 v4, v8;
	v12 =	vsub.f32 v0, v1;
	v15 =	vadd.f32 v1, v0  }
0x37b: {  	s29 =	sshra.s32 s0, $0x2;
	s0 =	smov.u32 s9;
	v11 =	vor.u32 v10, v4;
	v14 =	vsub.f32 v2, v3;
	v13 =	vadd.f32 v3, v2  }
0x37c: {  	v0 =	vor.u32 s0, v7;
	v1 =	vsub.f32 v15, v12  }
0x37d: {  	[tilespmem:s29+$0x4D00] =	vst v15;
	v2 =	vor.u32 s0, v16;
	v0 =	vand.u32 $0x7C, v0;
	v3 =	vsub.f32 v13, v14  }
0x37e: {  	[tilespmem:s29+$0x4800] =	vst v12;
	v2 =	vand.u32 $0x7D, v2;
	v0 =	vor.u32 v0, v8  }
0x37f: {  	[tilespmem:s29+$0x4A80] =	vst v14;
	v2 =	vor.u32 v2, v8;
	v0 =	vor.u32 v10, v0;
	v1 =	vmul.f32 v3, v1  }
0x380: {  	[tilespmem:s29+$0x4F80] =	vst v13;
	v2 =	vor.u32 v10, v2  }
0x381: {  	[tilespmem:s29+$0x5200] =	vst v1  }
0x382: {  	v1 =	vld.idx.msk [tilespmem:v9+s28+$0x0], $0xffff  }
0x383: {  	v62 =	vld.idx.msk [tilespmem:v11+s28+$0x0], $0xffff  }
0x384: {  	v0 =	vld.idx.msk [tilespmem:v0+s28+$0x0], $0xffff  }
0x385: {  	v2 =	vld.idx.msk [tilespmem:v2+s28+$0x0], $0xffff;
	_ =	sdelay $0x1  }
0x386: {  	v1 =	vmul.f32 $5.000000000e-01, v1  }
0x387: {  	v3 =	vmul.f32 $5.000000000e-01, v62  }
0x388: {  	v4 =	vsub.f32 v0, v1;
	v0 =	vadd.f32 v1, v0  }
0x389: {  	v63 =	vsub.f32 v2, v3;
	v2 =	vadd.f32 v3, v2  }
0x38a: {  	s31 =	sshra.s32 s0, $0x2  }
0x38b: {  	[tilespmem:s31+$0x4D00] =	vst v0;
	v0 =	vsub.f32 v0, v4;
	v3 =	vsub.f32 v2, v63  }
0x38c: {  	[tilespmem:s31+$0x4A80] =	vst v63  }
0x38d: {  	[tilespmem:s31+$0x4F80] =	vst v2;
	v0 =	vmul.f32 v3, v0  }
0x38e: {  	[tilespmem:s31+$0x4800] =	vst v4  }
0x38f: {  	[tilespmem:s31+$0x5200] =	vst v0  }
.LBB2_26:
0x390: {  	s0 =	sshll.u32 s28, $0x4  }
0x391: {  	v0 =	vmov s0  }
0x392: {  	v1 =	vor.u32 $0x1, v0  }
0x393: {  	v2 =	vor.u32 $0x2, v0  }
0x394: {  	s8 =	sor.u32 $0x4, s0;
	v3 =	vor.u32 $0x3, v0  }
0x395: {  	s29 =	sor.u32 $0x8, s0;
	v4 =	vmov s8  }
0x396: {  	s0 =	sor.u32 $0xC, s0;
	v8 =	vmov s29;
	v0 =	vld.idx.msk [tilespmem:v0+s23+$0x0], $0xffff  }
0x397: {  	v16 =	vmov s0;
	v1 =	vld.idx.msk [tilespmem:v1+s23+$0x0], $0xffff  }
0x398: {  	v5 =	vor.u32 $0x1, v4;
	v2 =	vld.idx.msk [tilespmem:v2+s23+$0x0], $0xffff  }
0x399: {  	v6 =	vor.u32 $0x2, v4;
	v3 =	vld.idx.msk [tilespmem:v3+s23+$0x0], $0xffff  }
0x39a: {  	v7 =	vor.u32 $0x3, v4;
	v4 =	vld.idx.msk [tilespmem:v4+s23+$0x0], $0xffff  }
0x39b: {  	v9 =	vor.u32 $0x1, v8;
	v10 =	vor.u32 $0x2, v8;
	v12 =	vor.u32 $0x3, v8;
	v8 =	vld.idx.msk [tilespmem:v8+s23+$0x0], $0xffff  }
0x39c: {  	v13 =	vor.u32 $0x2, v16;
	v58 =	vld.idx.msk [tilespmem:v16+s23+$0x0], $0xffff  }
0x39d: {  	v14 =	vor.u32 $0x3, v16;
	v5 =	vld.idx.msk [tilespmem:v5+s23+$0x0], $0xffff  }
0x39e: {  	v6 =	vld.idx.msk [tilespmem:v6+s23+$0x0], $0xffff  }
0x39f: {  	v19 =	vor.u32 $0x1, v16;
	v7 =	vld.idx.msk [tilespmem:v7+s23+$0x0], $0xffff  }
0x3a0: {  	v18 =	vld.idx.msk [tilespmem:v10+s23+$0x0], $0xffff  }
0x3a1: {  	v52 =	vld.idx.msk [tilespmem:v13+s23+$0x0], $0xffff  }
0x3a2: {  	v57 =	vld.idx.msk [tilespmem:v14+s23+$0x0], $0xffff;
	v2 =	vmul.f32 $5.000000000e-01, v2  }
0x3a3: {  	v50 =	vld.idx.msk [tilespmem:v12+s23+$0x0], $0xffff;
	v3 =	vmul.f32 $5.000000000e-01, v3;
	v51 =	vmul.f32 $5.000000000e-01, v6  }
0x3a4: {  	v60 =	vld.idx.msk [tilespmem:v19+s23+$0x0], $0xffff;
	v56 =	vmul.f32 $5.000000000e-01, v7;
	v10 =	vsub.f32 v0, v2;
	v11 =	vadd.f32 v2, v0  }
0x3a5: {  	v59 =	vmul.f32 $5.000000000e-01, v18;
	v12 =	vsub.f32 v1, v3;
	v13 =	vadd.f32 v3, v1  }
0x3a6: {  	s30 =	simm.s32 $0x0;
	v9 =	vld.idx.msk [tilespmem:v9+s23+$0x0], $0xffff;
	v6 =	vmul.f32 $5.000000000e-01, v52;
	v14 =	vsub.f32 v4, v51;
	v15 =	vadd.f32 v51, v4  }
0x3a7: {  	v63 =	vld [tilespmem:s30+$0x4800];
	v7 =	vmul.f32 $5.000000000e-01, v57;
	v16 =	vsub.f32 v5, v56;
	v17 =	vadd.f32 v56, v5  }
0x3a8: {  	v29 =	vld [tilespmem:s30+$0x4F80];
	v18 =	vsub.f32 v8, v59;
	v20 =	vadd.f32 v59, v8  }
0x3a9: {  	v0 =	vmul.f32 $5.000000000e-01, v50;
	v22 =	vsub.f32 v58, v6;
	v23 =	vsub.f32 v60, v7  }
0x3aa: {  	v24 =	vadd.f32 v6, v58;
	v53 =	vsub.f32 v11, v10  }
0x3ab: {  	v61 =	vsub.f32 v13, v12;
	v19 =	vsub.f32 v9, v0  }
0x3ac: {  	v21 =	vadd.f32 v0, v9;
	v9 =	vadd.f32 v7, v60  }
0x3ad: {  	v56 =	vmin.f32 v63, v10;
	v31 =	vmax.f32 v29, v13;
	v44 =	vmax.f32 v63, v10  }
0x3ae: {  	v47 =	vmin.f32 v29, v13;
	v26 =	vsub.f32 v15, v14;
	v27 =	vsub.f32 v17, v16  }
0x3af: {  	v54 =	vsub.f32 v20, v18;
	v8 =	vsub.f32 v24, v22;
	v32 =	vmin.f32 v63, v14  }
0x3b0: {  	v2 =	vld [tilespmem:s30+$0x4A80];
	v35 =	vmax.f32 v29, v17;
	v36 =	vmin.f32 v63, v18;
	v40 =	vmin.f32 v63, v22  }
0x3b1: {  	v48 =	vmax.f32 v63, v14;
	v51 =	vmin.f32 v29, v17;
	v52 =	vmax.f32 v63, v18  }
0x3b2: {  	v62 =	vld [tilespmem:s30+$0x5200];
	v3 =	vmax.f32 v63, v22;
	v55 =	vsub.f32 v21, v19;
	v28 =	vsub.f32 v9, v23  }
0x3b3: {  	v25 =	vmul.f32 v61, v53;
	v39 =	vmax.f32 v29, v21;
	v43 =	vmax.f32 v29, v9  }
0x3b4: {  	v59 =	vmin.f32 v29, v21;
	v29 =	vmin.f32 v29, v9;
	v26 =	vmul.f32 v27, v26  }
0x3b5: {  	v7 =	vld [tilespmem:s30+$0x4D00];
	v33 =	vmin.f32 v2, v16;
	v37 =	vmin.f32 v2, v19;
	v41 =	vmin.f32 v2, v23  }
0x3b6: {  	v45 =	vmax.f32 v2, v12;
	v49 =	vmax.f32 v2, v16;
	v53 =	vmul.f32 v55, v54  }
0x3b7: {  	v54 =	vmul.f32 v28, v8;
	v1 =	vadd.f32 v62, v25;
	v57 =	vsub.f32 v35, v33  }
0x3b8: {  	v8 =	vmin.f32 v2, v12;
	v61 =	vsub.f32 v39, v37;
	v63 =	vsub.f32 v43, v41  }
0x3b9: {  	v47 =	vsub.f32 v47, v45;
	v43 =	vimm.f32 $-3.000000010e+38;
	v4 =	vadd.f32 v62, v26  }
0x3ba: {  	v30 =	vmax.f32 v7, v11;
	v34 =	vmax.f32 v7, v15;
	v38 =	vmax.f32 v7, v20  }
0x3bb: {  	v42 =	vmax.f32 v7, v24;
	v46 =	vmin.f32 v7, v11;
	v8 =	vsub.f32 v31, v8  }
0x3bc: {  	v50 =	vmin.f32 v7, v15;
	v6 =	vadd.f32 v62, v53;
	v0 =	vadd.f32 v62, v54  }
0x3bd: {  	v58 =	vmin.f32 v7, v20;
	v5 =	vsub.f32 v30, v56;
	v31 =	vsub.f32 v34, v32  }
0x3be: {  	v7 =	vmin.f32 v7, v24;
	v60 =	vsub.f32 v38, v36;
	v62 =	vsub.f32 v42, v40  }
0x3bf: {  	v30 =	vmax.f32 v2, v19;
	v46 =	vsub.f32 v46, v44;
	v55 =	vsub.f32 v50, v48  }
0x3c0: {  	s31 =	simm.s32 $0x10;
	v2 =	vmax.f32 v2, v23;
	v56 =	vsub.f32 v51, v49;
	v33 =	vsub.f32 v58, v52  }
0x3c1: {  	v35 =	vld [tilespmem:s31+$0x4F80];
	v3 =	vsub.f32 v7, v3;
	v30 =	vsub.f32 v59, v30;
	v5 =	vmul.f32 v8, v5  }
0x3c2: {  	v2 =	vsub.f32 v29, v2;
	v8 =	vmul.f32 v57, v31;
	v7 =	vmul.f32 v61, v60  }
0x3c3: {  	v29 =	vmul.f32 v63, v62;
	v31 =	vmax.f32 v46, $0.0e+00;
	v57 =	vmax.f32 v47, $0.0e+00  }
0x3c4: {  	v38 =	vld [tilespmem:s31+$0x4800];
	v58 =	vmax.f32 v55, $0.0e+00;
	v59 =	vmax.f32 v56, $0.0e+00;
	v33 =	vmax.f32 v33, $0.0e+00  }
0x3c5: {  	v40 =	vld [tilespmem:s31+$0x4A80];
	v3 =	vmax.f32 v3, $0.0e+00;
	v30 =	vmax.f32 v30, $0.0e+00;
	v32 =	vmul.f32 v57, v31  }
0x3c6: {  	v2 =	vmax.f32 v2, $0.0e+00;
	v34 =	vmul.f32 v59, v58;
	v49 =	vmax.f32 v35, v13  }
0x3c7: {  	v55 =	vmax.f32 v35, v17;
	v58 =	vmax.f32 v35, v21;
	v31 =	vmax.f32 v5, $9.999999710e-10  }
0x3c8: {  	v33 =	vmul.f32 v30, v33;
	v30 =	vmax.f32 v8, $9.999999710e-10;
	v2 =	vmul.f32 v2, v3  }
0x3c9: {  	(erf) = vrcp.f32 v31;
	v1 =	vsub.f32 v1, v32;
	v31 =	vmax.f32 v7, $9.999999710e-10  }
0x3ca: {  	v60 =	vld [tilespmem:s31+$0x5200];
	v4 =	vsub.f32 v4, v34;
	v45 =	vmin.f32 v38, v10;
	v46 =	vmin.f32 v40, v12  }
0x3cb: {  	v52 =	vmin.f32 v38, v14;
	v57 =	vmin.f32 v40, v19;
	(erf) = vrcp.f32 v30  }
0x3cc: {  	v47 =	vld [tilespmem:s31+$0x4D00];
	v30 =	vmax.f32 v29, $9.999999710e-10;
	v6 =	vsub.f32 v6, v33;
	(erf) = vrcp.f32 v31  }
0x3cd: {  	v0 =	vsub.f32 v0, v2;
	v31 =	vmax.f32 v1, $9.999999710e-10;
	(erf) = vrcp.f32 v30  }
0x3ce: {  	v57 =	vsub.f32 v58, v57;
	v30 =	vmax.f32 v4, $9.999999710e-10;
	(erf) = vrcp.f32 v31  }
0x3cf: {  	v42 =	vadd.f32 v60, v25;
	v31 =	vmax.f32 v6, $9.999999710e-10;
	(erf) = vrcp.f32 v30  }
0x3d0: {  	v39 =	vadd.f32 v60, v26;
	v30 =	vmax.f32 v0, $9.999999710e-10;
	(erf) = vrcp.f32 v31  }
0x3d1: {  	v27 =	vmovc v53;
	v36 =	vadd.f32 v60, v53;
	v48 =	vmax.f32 v47, v11;
	(erf) = vrcp.f32 v30  }
0x3d2: {  	v28 =	vmovc v54;
	v53 =	vmin.f32 v40, v16;
	v1 =	vsub.f32 v5, v1;
	v56 =	vmax.f32 v47, v20  }
0x3d3: {  	v4 =	vsub.f32 v8, v4;
	v8 =	vmin.f32 v38, v18;
	v55 =	vsub.f32 v55, v53;
	v61 =	vpop (erf)  }
0x3d4: {  	v5 =	vmin.f32 v38, v22;
	v6 =	vsub.f32 v7, v6;
	v56 =	vsub.f32 v56, v8;
	v62 =	vpop (erf)  }
0x3d5: {  	v0 =	vsub.f32 v29, v0;
	v31 =	vadd.f32 v60, v54;
	v54 =	vmax.f32 v47, v15;
	v63 =	vpop (erf)  }
0x3d6: {  	v30 =	vimm.s32 $0x0;
	v1 =	vmul.f32 v1, v61;
	v51 =	vmul.f32 v4, v62;
	v44 =	vpop (erf)  }
0x3d7: {  	v52 =	vsub.f32 v54, v52;
	v6 =	vmul.f32 v6, v63;
	v50 =	vpop (erf);
	v0 =	vmul.f32 v0, v44  }
0x3d8: {  	v44 =	vmax.f32 v38, v18;
	v60 =	vpop (erf);
	v7 =	vmul.f32 v50, v32;
	v50 =	vsub.f32 v48, v45  }
0x3d9: {  	v48 =	vmin.f32 v47, v20;
	v45 =	vmax.f32 v40, v23;
	v29 =	vpop (erf);
	v4 =	vmul.f32 v60, v34  }
0x3da: {  	v34 =	vmax.f32 v40, v16;
	v61 =	vpop (erf);
	v1 =	vsub.f32 v7, v1;
	v62 =	vmul.f32 v29, v33  }
0x3db: {  	v33 =	vmin.f32 v40, v23;
	v7 =	vmax.f32 v38, v14;
	v2 =	vmul.f32 v61, v2  }
0x3dc: {  	v3 =	vsub.f32 v4, v51;
	v4 =	vmin.f32 v35, v13;
	v51 =	vsub.f32 v49, v46  }
0x3dd: {  	v46 =	vmax.f32 v40, v19;
	v49 =	vmin.f32 v35, v21;
	vm3 =	vgt.f32 v1, v43  }
0x3de: {  	v63 =	vsub.f32 v62, v6;
	v6 =	vmax.f32 v35, v9;
	v62 =	vmin.f32 v47, v15  }
0x3df: {  	v0 =	vsub.f32 v2, v0;
	v2 =	vmax.f32 v47, v24;
	v41 =	vsel vm3, v1, v43  }
0x3e0: {  	vm2 =	vgt.f32 v3, v43;
	v1 =	vmax.f32 v40, v12;
	v59 =	vsub.f32 v6, v33  }
0x3e1: {  	v54 =	vsub.f32 v62, v7;
	v40 =	vimm.s32 $0x0;
	vm1 =	vgt.f32 v63, v43  }
0x3e2: {  	v37 =	vsel vm2, v3, v43;
	v3 =	vmin.f32 v47, v11;
	v58 =	vsub.f32 v2, v5  }
0x3e3: {  	v33 =	vld [tilespmem:$0x1FF80];
	v61 =	vsub.f32 v4, v1;
	v47 =	vmin.f32 v47, v24;
	vm0 =	vgt.f32 v0, v43  }
0x3e4: {  	v32 =	vsel vm1, v63, v43;
	v63 =	vmin.f32 v35, v17;
	v29 =	vsel vm0, v0, v43  }
0x3e5: {  	[tilespmem:$0x1FEF0] =	vst v25;
	v0 =	vmax.f32 v38, v10;
	v43 =	vmax.f32 v38, v22;
	v53 =	vsub.f32 v63, v34  }
0x3e6: {  	s0 =	simm.s32 $0x80;
	[tilespmem:$0x1FF00] =	vst v26;
	v38 =	vimm.s32 $0x0;
	v34 =	vimm.s32 $0x0;
	v60 =	vsub.f32 v3, v0  }
.LBB2_27:
0x3e7: {  	v0 =	vsub.f32 v48, v44;
	v1 =	vsub.f32 v49, v46;
	v2 =	vmin.f32 v35, v9  }
0x3e8: {  	v5 =	vsub.f32 v47, v43;
	v30 =	vsel vm3, v33, v30;
	v40 =	vsel vm2, v33, v40  }
0x3e9: {  	v38 =	vsel vm1, v33, v38;
	v34 =	vsel vm0, v33, v34;
	v3 =	vmul.f32 v51, v50  }
0x3ea: {  	v33 =	vadd.s32 $0x10, v33;
	v4 =	vmul.f32 v55, v52;
	v6 =	vmul.f32 v57, v56  }
0x3eb: {  	v2 =	vsub.f32 v2, v45;
	v7 =	vmul.f32 v59, v58;
	v8 =	vmax.f32 v60, $0.0e+00  }
0x3ec: {  	s8 =	sshra.s32 s0, $0x2;
	v25 =	vld [tilespmem:$0x1FEF0];
	v49 =	vmax.f32 v61, $0.0e+00;
	v50 =	vmax.f32 v54, $0.0e+00;
	v51 =	vmax.f32 v53, $0.0e+00  }
0x3ed: {  	v54 =	vld [tilespmem:s8+$0x5200];
	v0 =	vmax.f32 v0, $0.0e+00;
	v1 =	vmax.f32 v1, $0.0e+00;
	v8 =	vmul.f32 v49, v8  }
0x3ee: {  	v47 =	vld [tilespmem:s8+$0x4A80];
	v5 =	vmax.f32 v5, $0.0e+00;
	v43 =	vmul.f32 v51, v50;
	v2 =	vmax.f32 v2, $0.0e+00  }
0x3ef: {  	v62 =	vld [tilespmem:s8+$0x4D00];
	v52 =	vmax.f32 v3, $9.999999710e-10;
	v0 =	vmul.f32 v1, v0;
	v53 =	vmax.f32 v4, $9.999999710e-10  }
0x3f0: {  	v35 =	vld [tilespmem:s8+$0x4F80];
	v55 =	vmax.f32 v6, $9.999999710e-10;
	v2 =	vmul.f32 v2, v5;
	(erf) = vrcp.f32 v52  }
0x3f1: {  	v44 =	vsub.f32 v42, v8;
	v45 =	vsub.f32 v39, v43;
	(erf) = vrcp.f32 v53  }
0x3f2: {  	v56 =	vmax.f32 v7, $9.999999710e-10;
	v46 =	vsub.f32 v36, v0;
	(erf) = vrcp.f32 v55  }
0x3f3: {  	v57 =	vmax.f32 v44, $9.999999710e-10;
	v58 =	vmax.f32 v45, $9.999999710e-10;
	v48 =	vsub.f32 v31, v2  }
0x3f4: {  	v42 =	vadd.f32 v54, v25;
	v36 =	vadd.f32 v54, v27;
	v51 =	vmin.f32 v47, v12  }
0x3f5: {  	v1 =	vld [tilespmem:s8+$0x4800];
	v50 =	vmax.f32 v62, v11;
	v52 =	vmax.f32 v35, v13;
	v55 =	vmin.f32 v47, v16  }
0x3f6: {  	v3 =	vsub.f32 v3, v44;
	v4 =	vsub.f32 v4, v45;
	v53 =	vmax.f32 v62, v20  }
0x3f7: {  	v26 =	vmin.f32 v35, v17;
	(erf) = vrcp.f32 v56;
	v31 =	vmax.f32 v46, $9.999999710e-10  }
0x3f8: {  	v56 =	vmax.f32 v62, v15;
	v6 =	vsub.f32 v6, v46;
	(erf) = vrcp.f32 v57  }
0x3f9: {  	v25 =	vld [tilespmem:$0x1FF00];
	v51 =	vsub.f32 v52, v51;
	v46 =	vmax.f32 v47, v19;
	(erf) = vrcp.f32 v58  }
0x3fa: {  	v59 =	vmax.f32 v48, $9.999999710e-10;
	v49 =	vmin.f32 v1, v10;
	(erf) = vrcp.f32 v31  }
0x3fb: {  	v45 =	vmin.f32 v1, v18;
	v48 =	vsub.f32 v7, v48;
	(erf) = vrcp.f32 v59  }
0x3fc: {  	v57 =	vmax.f32 v35, v21;
	v58 =	vmax.f32 v35, v17;
	v50 =	vsub.f32 v50, v49  }
0x3fd: {  	v49 =	vmin.f32 v35, v21;
	v31 =	vadd.f32 v54, v28;
	v55 =	vsub.f32 v58, v55;
	v5 =	vpop (erf)  }
0x3fe: {  	v39 =	vadd.f32 v54, v25;
	v54 =	vmin.f32 v1, v14;
	v59 =	vmin.f32 v47, v19;
	v60 =	vpop (erf)  }
0x3ff: {  	v25 =	vmin.f32 v62, v15;
	v52 =	vsub.f32 v56, v54;
	v56 =	vsub.f32 v53, v45;
	v61 =	vpop (erf)  }
0x400: {  	v57 =	vsub.f32 v57, v59;
	v3 =	vmul.f32 v3, v5;
	v4 =	vmul.f32 v4, v60;
	v44 =	vpop (erf)  }
0x401: {  	v45 =	vmax.f32 v47, v23;
	v6 =	vmul.f32 v6, v61;
	v63 =	vpop (erf);
	v5 =	vmul.f32 v48, v44  }
0x402: {  	v44 =	vmax.f32 v1, v18;
	v48 =	vmin.f32 v62, v20;
	v60 =	vpop (erf);
	v8 =	vmul.f32 v63, v8  }
0x403: {  	v61 =	vpop (erf);
	v7 =	vmul.f32 v60, v43;
	v60 =	vmin.f32 v47, v23;
	v43 =	vmax.f32 v1, v22  }
0x404: {  	v63 =	vpop (erf);
	v3 =	vsub.f32 v8, v3;
	v0 =	vmul.f32 v61, v0;
	v8 =	vmin.f32 v1, v22  }
0x405: {  	v2 =	vmul.f32 v63, v2;
	v4 =	vsub.f32 v7, v4;
	v7 =	vmax.f32 v1, v14  }
0x406: {  	v63 =	vmax.f32 v47, v16;
	vm3 =	vgt.f32 v3, v41;
	v0 =	vsub.f32 v0, v6  }
0x407: {  	v6 =	vmax.f32 v35, v9;
	v54 =	vsub.f32 v25, v7;
	v53 =	vsub.f32 v26, v63  }
0x408: {  	p1 =	sne.s32 s0, $0x8C0;
	v2 =	vsub.f32 v2, v5;
	v5 =	vmax.f32 v62, v24;
	v41 =	vsel vm3, v3, v41  }
.Ltmp17:
0x409: {  	vm2 =	vgt.f32 v4, v37;
	v3 =	vmin.f32 v62, v11;
	v59 =	vsub.f32 v6, v60;
	(pc) =	sbr.rel @p1 .LBB2_27-.Ltmp17, $4  }
0x40a: {  	vm1 =	vgt.f32 v0, v32;
	v37 =	vsel vm2, v4, v37;
	v4 =	vmin.f32 v35, v13  }
0x40b: {  	v58 =	vsub.f32 v5, v8;
	vm0 =	vgt.f32 v2, v29;
	v32 =	vsel vm1, v0, v32  }
0x40c: {  	v0 =	vmax.f32 v1, v10;
	v29 =	vsel vm0, v2, v29;
	v2 =	vmax.f32 v47, v12  }
0x40d: {  	s0 =	sadd.s32 $0x40, s0;
	v60 =	vsub.f32 v3, v0;
	v47 =	vmin.f32 v62, v24;
	v61 =	vsub.f32 v4, v2  }
0x40e: {  	v0 =	vmul.f32 v51, v50  }
0x40f: {  	v1 =	vmul.f32 v55, v52;
	v2 =	vmax.f32 v60, $0.0e+00;
	v3 =	vmax.f32 v61, $0.0e+00  }
0x410: {  	v4 =	vmul.f32 v57, v56;
	v2 =	vmul.f32 v3, v2;
	v13 =	vmax.f32 v0, $9.999999710e-10  }
0x411: {  	v5 =	vmul.f32 v59, v58;
	v6 =	vmax.f32 v1, $9.999999710e-10;
	(erf) = vrcp.f32 v13  }
0x412: {  	v7 =	vmax.f32 v4, $9.999999710e-10;
	v14 =	vsub.f32 v42, v2;
	(erf) = vrcp.f32 v6  }
0x413: {  	v15 =	vmax.f32 v5, $9.999999710e-10;
	(erf) = vrcp.f32 v7  }
0x414: {  	v16 =	vmax.f32 v14, $9.999999710e-10;
	(erf) = vrcp.f32 v15  }
0x415: {  	(erf) = vrcp.f32 v16;
	_ =	sdelay $0x4  }
0x416: {  	v17 =	vpop (erf)  }
0x417: {  	v18 =	vmax.f32 v54, $0.0e+00;
	v8 =	vmax.f32 v53, $0.0e+00;
	v10 =	vpop (erf)  }
0x418: {  	v7 =	vmul.f32 v8, v18;
	v19 =	vpop (erf)  }
0x419: {  	v0 =	vsub.f32 v0, v14;
	v20 =	vpop (erf)  }
0x41a: {  	v11 =	vsub.f32 v39, v7;
	v12 =	vpop (erf)  }
0x41b: {  	v0 =	vmul.f32 v0, v17;
	v2 =	vmul.f32 v12, v2  }
0x41c: {  	v21 =	vmax.f32 v11, $9.999999710e-10  }
0x41d: {  	(erf) = vrcp.f32 v21;
	v0 =	vsub.f32 v2, v0;
	_ =	sdelay $0x1  }
0x41e: {  	vm4 =	vgt.f32 v0, v41  }
0x41f: {  	v22 =	vsub.f32 v48, v44;
	v23 =	vsub.f32 v49, v46;
	v0 =	vsel vm4, v0, v41  }
0x420: {  	(xrf0) =	vmax.scan.msk.f32 $0xffff, v0  }
0x421: {  	v6 =	vmax.f32 v23, $0.0e+00;
	v2 =	vmax.f32 v22, $0.0e+00  }
0x422: {  	v2 =	vmul.f32 v6, v2;
	_ =	sdelay $0x1  }
0x423: {  	v1 =	vsub.f32 v1, v11;
	v6 =	vsub.f32 v36, v2  }
0x424: {  	v24 =	vsel vm3, v33, v30;
	v25 =	vpop (erf)  }
0x425: {  	v1 =	vmul.f32 v1, v10;
	v7 =	vmul.f32 v25, v7;
	v13 =	vmax.f32 v6, $9.999999710e-10;
	v26, _, _ =	vpop (xrf0)  }
0x426: {  	v27 =	vadd.s32 $0x10, v33;
	(erf) = vrcp.f32 v13;
	v10 =	vbroadcast v26, $0xF  }
0x427: {  	v28 =	vsel vm4, v27, v24;
	v1 =	vsub.f32 v7, v1  }
0x428: {  	v30 =	vxor.u32 $0x80000000, v28;
	vm9 =	veq.f32 v0, v10  }
0x429: {  	v35 =	vmin.f32 v35, v9;
	vm10 =	vgt.f32 v1, v37;
	v0 =	vnsel vm9, $0xC0000000, v30  }
0x42a: {  	v36 =	vsub.f32 v47, v43;
	v7 =	vsub.f32 v35, v45;
	v1 =	vsel vm10, v1, v37;
	(xrf0) =	vmin.scan.msk.u32 $0xffff, v0  }
0x42b: {  	(xrf0) =	vmax.scan.msk.f32 $0xffff, v1  }
0x42c: {  	v7 =	vmax.f32 v7, $0.0e+00;
	v37 =	vmax.f32 v36, $0.0e+00  }
0x42d: {  	v0 =	vmul.f32 v7, v37;
	_ =	sdelay $0x1  }
0x42e: {  	v4 =	vsub.f32 v4, v6;
	v39 =	vpop (erf);
	v7 =	vsub.f32 v31, v0  }
0x42f: {  	v41, _, _ =	vpop (xrf0)  }
0x430: {  	v4 =	vmul.f32 v4, v19;
	v2 =	vmul.f32 v39, v2;
	v42 =	vmax.f32 v7, $9.999999710e-10;
	v43, _, _ =	vpop (xrf0)  }
0x431: {  	v44 =	vsel vm2, v33, v40;
	(erf) = vrcp.f32 v42;
	v6 =	vbroadcast v43, $0xF  }
0x432: {  	v45 =	vsel vm10, v27, v44;
	v2 =	vsub.f32 v2, v4  }
0x433: {  	v46 =	vxor.u32 $0x80000000, v45;
	vm11 =	veq.f32 v1, v6  }
0x434: {  	vm12 =	vgt.f32 v2, v32;
	v1 =	vnsel vm11, $0xC0000000, v46  }
0x435: {  	v2 =	vsel vm12, v2, v32;
	(xrf0) =	vmin.scan.msk.u32 $0xffff, v1  }
0x436: {  	(xrf0) =	vmax.scan.msk.f32 $0xffff, v2;
	_ =	sdelay $0x3  }
0x437: {  	v47 =	vsub.f32 v5, v7;
	v48 =	vpop (erf)  }
0x438: {  	v49, _, _ =	vpop (xrf0)  }
0x439: {  	v1 =	vmul.f32 v47, v20;
	v0 =	vmul.f32 v48, v0;
	v50, _, _ =	vpop (xrf0)  }
0x43a: {  	v51 =	vsel vm1, v33, v38;
	v3 =	vbroadcast v50, $0xF  }
0x43b: {  	v52 =	vsel vm12, v27, v51;
	v0 =	vsub.f32 v0, v1  }
0x43c: {  	v1 =	vxor.u32 $0x80000000, v52;
	vm13 =	veq.f32 v2, v3  }
0x43d: {  	vm14 =	vgt.f32 v0, v29;
	v1 =	vnsel vm13, $0xC0000000, v1  }
0x43e: {  	v0 =	vsel vm14, v0, v29;
	(xrf0) =	vmin.scan.msk.u32 $0xffff, v1  }
0x43f: {  	(xrf0) =	vmax.scan.msk.f32 $0xffff, v0;
	_ =	sdelay $0x4  }
0x440: {  	v1, _, _ =	vpop (xrf0)  }
0x441: {  	v53, _, _ =	vpop (xrf0)  }
0x442: {  	v54 =	vsel vm0, v33, v34;
	v2 =	vbroadcast v53, $0xF  }
0x443: {  	v4 =	vsel vm14, v27, v54  }
0x444: {  	v55 =	vxor.u32 $0x80000000, v4;
	vm15 =	veq.f32 v0, v2  }
0x445: {  	v0 =	vnsel vm15, $0xC0000000, v55  }
0x446: {  	(xrf0) =	vmin.scan.msk.u32 $0xffff, v0  }
0x447: {  	(v2sf) =	vpush v41, $0xF;
	_ =	sdelay $0x1  }
0x448: {  	(v2sf) =	vpush v49, $0xF;
	_ =	sdelay $0x1  }
0x449: {  	(v2sf) =	vpush v1, $0xF  }
0x44a: {  	v0, _, _ =	vpop (xrf0)  }
0x44b: {  	(v2sf) =	vpush v0, $0xF;
	_ =	sdelay $0x1  }
0x44c: {  	s0 =	sshll.u32 s28, $0x2  }
0x44d: {  	s8 =	sadd.s32 $0x150, s0  }
0x44e: {  	v56 =	vmov s8  }
0x44f: {  	s30 =	sadd.s32 $0x151, s0;
	v0 =	vbroadcast v56, $0x0  }
0x450: {  	v57 =	vmov s30  }
0x451: {  	s31 =	sadd.s32 $0x152, s0;
	v1 =	vbroadcast v57, $0x0  }
0x452: {  	v58 =	vmov s31  }
0x453: {  	v4 =	vbroadcast v58, $0x0;
	s9 =	spop (v2sf)  }
0x454: {  	s8 =	sxor.u32 $0x80000000, s9  }
0x455: {  	s0 =	sadd.s32 $0x153, s0;
	v59 =	vmov s8;
	s9 =	spop (v2sf);
	[tilespmem:v0+s24+$0x0] =	vst.idx.msk $0x1, v10  }
0x456: {  	s28 =	sadd.s32 $0x1, s28;
	v60 =	vmov s0;
	s29 =	sxor.u32 $0x80000000, s9;
	[tilespmem:v0+s25+$0x0] =	vst.idx.msk $0x1, v59  }
0x457: {  	p1 =	sne.s32 s28, $0x19;
	v61 =	vmov s29;
	s30 =	spop (v2sf);
	[tilespmem:v1+s24+$0x0] =	vst.idx.msk $0x1, v6  }
.Ltmp18:
0x458: {  	s0 =	sxor.u32 $0x80000000, s30;
	[tilespmem:v1+s25+$0x0] =	vst.idx.msk $0x1, v61;
	(pc) =	sbr.rel @p1 .LBB2_26-.Ltmp18, $4  }
0x459: {  	v62 =	vmov s0;
	[tilespmem:v4+s24+$0x0] =	vst.idx.msk $0x1, v3;
	s31 =	spop (v2sf)  }
0x45a: {  	[tilespmem:v4+s25+$0x0] =	vst.idx.msk $0x1, v62;
	s0 =	sxor.u32 $0x80000000, s31  }
0x45b: {  	[tilespmem:v60+s24+$0x0] =	vst.idx.msk $0x1, v2;
	v63 =	vmov s0  }
0x45c: {  	[tilespmem:v60+s25+$0x0] =	vst.idx.msk $0x1, v63  }
0x45d: {  	[spmem:s6] =	stream.linear.scatter [tilespmem:s24], [sflag:$0x1], $0x1C0, $0x38;
	[tilespmem:$0x6D00] =	vst v63  }
0x45e: {  	_ =	swait.ge [sflag:s20], $0x1C0  }
0x45f: {  	[sflag:s20] =	ssyncset.done $0x0  }
0x460: {  	[sflag:s20] =	ssyncadd.s32 $0xFFFFFE40  }
0x461: {  	[spmem:s7] =	stream.linear.scatter [tilespmem:s25], [sflag:$0x1], $0x1C0, $0x38;
	[tilespmem:$0x6D00] =	vst v63  }
.Ltmp19:
0x462: {  	_ =	swait.ge [sflag:s20], $0x1C0;
	(pc) =	sbr.rel @p0 .LBB2_33-.Ltmp19, $3  }
0x463: {  	[sflag:s20] =	ssyncset.done $0x0  }
0x464: {  	[sflag:s20] =	ssyncadd.s32 $0xFFFFFE40  }
0x465: {  	[bflag:$0x0] =	sbarrier.arrive $0xFFFF;
	_ =	sdelay $0x1  }
0x466: {  	s0 =	simm.s32 $0x5A80  }
0x467: {  	[tilespmem:s0], [sflag:$0x1] =	stream.linear.gather [spmem:s12], $0x70, $0x38;
	[tilespmem:$0x6D00] =	vst v63  }
0x468: {  	_ =	swait.ge [sflag:s20], $0x70  }
0x469: {  	[sflag:s20] =	ssyncset.done $0x0  }
0x46a: {  	s9 =	simm.s32 $0x6180;
	[sflag:s20] =	ssyncadd.s32 $0xFFFFFF90  }
0x46b: {  	[tilespmem:s9], [sflag:$0x1] =	stream.linear.gather [spmem:s13], $0x70, $0x38;
	[tilespmem:$0x6D00] =	vst v63  }
0x46c: {  	_ =	swait.ge [sflag:s20], $0x70  }
0x46d: {  	[sflag:s20] =	ssyncset.done $0x0  }
0x46e: {  	s8 =	simm.s32 $0x5AF0;
	s31 =	rddreg [dreg:$0x6];
	[sflag:s20] =	ssyncadd.s32 $0xFFFFFF90  }
0x46f: {  	[tilespmem:s8], [sflag:$0x1] =	stream.linear.gather [spmem:s31], $0x70, $0x38;
	[tilespmem:$0x6D00] =	vst v63  }
0x470: {  	_ =	swait.ge [sflag:s20], $0x70  }
0x471: {  	[sflag:s20] =	ssyncset.done $0x0  }
0x472: {  	s31 =	simm.s32 $0x61F0;
	s9 =	rddreg [dreg:$0x7];
	[sflag:s20] =	ssyncadd.s32 $0xFFFFFF90  }
0x473: {  	[tilespmem:s31], [sflag:$0x1] =	stream.linear.gather [spmem:s9], $0x70, $0x38;
	[tilespmem:$0x6D00] =	vst v63  }
0x474: {  	_ =	swait.ge [sflag:s20], $0x70  }
0x475: {  	[sflag:s20] =	ssyncset.done $0x0  }
0x476: {  	s31 =	simm.s32 $0x5B60;
	s9 =	rddreg [dreg:$0x8];
	[sflag:s20] =	ssyncadd.s32 $0xFFFFFF90  }
0x477: {  	[tilespmem:s31], [sflag:$0x1] =	stream.linear.gather [spmem:s9], $0x70, $0x38;
	[tilespmem:$0x6D00] =	vst v63  }
0x478: {  	_ =	swait.ge [sflag:s20], $0x70  }
0x479: {  	[sflag:s20] =	ssyncset.done $0x0  }
0x47a: {  	s31 =	simm.s32 $0x6260;
	s9 =	rddreg [dreg:$0x9];
	[sflag:s20] =	ssyncadd.s32 $0xFFFFFF90  }
0x47b: {  	[tilespmem:s31], [sflag:$0x1] =	stream.linear.gather [spmem:s9], $0x70, $0x38;
	[tilespmem:$0x6D00] =	vst v63  }
0x47c: {  	_ =	swait.ge [sflag:s20], $0x70  }
0x47d: {  	[sflag:s20] =	ssyncset.done $0x0  }
0x47e: {  	s31 =	simm.s32 $0x5BD0;
	s9 =	rddreg [dreg:$0xa];
	[sflag:s20] =	ssyncadd.s32 $0xFFFFFF90  }
0x47f: {  	[tilespmem:s31], [sflag:$0x1] =	stream.linear.gather [spmem:s9], $0x70, $0x38;
	[tilespmem:$0x6D00] =	vst v63  }
0x480: {  	_ =	swait.ge [sflag:s20], $0x70  }
0x481: {  	[sflag:s20] =	ssyncset.done $0x0  }
0x482: {  	s31 =	simm.s32 $0x62D0;
	s9 =	rddreg [dreg:$0xb];
	[sflag:s20] =	ssyncadd.s32 $0xFFFFFF90  }
0x483: {  	[tilespmem:s31], [sflag:$0x1] =	stream.linear.gather [spmem:s9], $0x70, $0x38;
	[tilespmem:$0x6D00] =	vst v63  }
0x484: {  	_ =	swait.ge [sflag:s20], $0x70  }
0x485: {  	[sflag:s20] =	ssyncset.done $0x0  }
0x486: {  	s31 =	simm.s32 $0x5C40;
	s9 =	rddreg [dreg:$0xc];
	[sflag:s20] =	ssyncadd.s32 $0xFFFFFF90  }
0x487: {  	[tilespmem:s31], [sflag:$0x1] =	stream.linear.gather [spmem:s9], $0x70, $0x38;
	[tilespmem:$0x6D00] =	vst v63  }
0x488: {  	_ =	swait.ge [sflag:s20], $0x70  }
0x489: {  	[sflag:s20] =	ssyncset.done $0x0  }
0x48a: {  	s31 =	simm.s32 $0x6340;
	s9 =	rddreg [dreg:$0xd];
	[sflag:s20] =	ssyncadd.s32 $0xFFFFFF90  }
0x48b: {  	[tilespmem:s31], [sflag:$0x1] =	stream.linear.gather [spmem:s9], $0x70, $0x38;
	[tilespmem:$0x6D00] =	vst v63  }
0x48c: {  	_ =	swait.ge [sflag:s20], $0x70  }
0x48d: {  	[sflag:s20] =	ssyncset.done $0x0  }
0x48e: {  	s31 =	simm.s32 $0x5CB0;
	s9 =	rddreg [dreg:$0xe];
	[sflag:s20] =	ssyncadd.s32 $0xFFFFFF90  }
0x48f: {  	[tilespmem:s31], [sflag:$0x1] =	stream.linear.gather [spmem:s9], $0x70, $0x38;
	[tilespmem:$0x6D00] =	vst v63  }
0x490: {  	_ =	swait.ge [sflag:s20], $0x70  }
0x491: {  	[sflag:s20] =	ssyncset.done $0x0  }
0x492: {  	s31 =	simm.s32 $0x63B0;
	s9 =	rddreg [dreg:$0xf];
	[sflag:s20] =	ssyncadd.s32 $0xFFFFFF90  }
0x493: {  	[tilespmem:s31], [sflag:$0x1] =	stream.linear.gather [spmem:s9], $0x70, $0x38;
	[tilespmem:$0x6D00] =	vst v63  }
0x494: {  	_ =	swait.ge [sflag:s20], $0x70  }
0x495: {  	[sflag:s20] =	ssyncset.done $0x0  }
0x496: {  	s31 =	simm.s32 $0x5D20;
	s9 =	rddreg [dreg:$0x10];
	[sflag:s20] =	ssyncadd.s32 $0xFFFFFF90  }
0x497: {  	[tilespmem:s31], [sflag:$0x1] =	stream.linear.gather [spmem:s9], $0x70, $0x38;
	[tilespmem:$0x6D00] =	vst v63  }
0x498: {  	_ =	swait.ge [sflag:s20], $0x70  }
0x499: {  	[sflag:s20] =	ssyncset.done $0x0  }
0x49a: {  	s31 =	simm.s32 $0x6420;
	s9 =	rddreg [dreg:$0x11];
	[sflag:s20] =	ssyncadd.s32 $0xFFFFFF90  }
0x49b: {  	[tilespmem:s31], [sflag:$0x1] =	stream.linear.gather [spmem:s9], $0x70, $0x38;
	[tilespmem:$0x6D00] =	vst v63  }
0x49c: {  	_ =	swait.ge [sflag:s20], $0x70  }
0x49d: {  	[sflag:s20] =	ssyncset.done $0x0  }
0x49e: {  	s31 =	simm.s32 $0x5D90;
	s9 =	rddreg [dreg:$0x12];
	[sflag:s20] =	ssyncadd.s32 $0xFFFFFF90  }
0x49f: {  	[tilespmem:s31], [sflag:$0x1] =	stream.linear.gather [spmem:s9], $0x70, $0x38;
	[tilespmem:$0x6D00] =	vst v63  }
0x4a0: {  	_ =	swait.ge [sflag:s20], $0x70  }
0x4a1: {  	[sflag:s20] =	ssyncset.done $0x0  }
0x4a2: {  	s31 =	simm.s32 $0x6490;
	s9 =	rddreg [dreg:$0x13];
	[sflag:s20] =	ssyncadd.s32 $0xFFFFFF90  }
0x4a3: {  	[tilespmem:s31], [sflag:$0x1] =	stream.linear.gather [spmem:s9], $0x70, $0x38;
	[tilespmem:$0x6D00] =	vst v63  }
0x4a4: {  	_ =	swait.ge [sflag:s20], $0x70  }
0x4a5: {  	[sflag:s20] =	ssyncset.done $0x0  }
0x4a6: {  	s31 =	simm.s32 $0x5E00;
	s9 =	rddreg [dreg:$0x14];
	[sflag:s20] =	ssyncadd.s32 $0xFFFFFF90  }
0x4a7: {  	[tilespmem:s31], [sflag:$0x1] =	stream.linear.gather [spmem:s9], $0x70, $0x38;
	[tilespmem:$0x6D00] =	vst v63  }
0x4a8: {  	_ =	swait.ge [sflag:s20], $0x70  }
0x4a9: {  	[sflag:s20] =	ssyncset.done $0x0  }
0x4aa: {  	s31 =	simm.s32 $0x6500;
	s9 =	rddreg [dreg:$0x15];
	[sflag:s20] =	ssyncadd.s32 $0xFFFFFF90  }
0x4ab: {  	[tilespmem:s31], [sflag:$0x1] =	stream.linear.gather [spmem:s9], $0x70, $0x38;
	[tilespmem:$0x6D00] =	vst v63  }
0x4ac: {  	_ =	swait.ge [sflag:s20], $0x70  }
0x4ad: {  	[sflag:s20] =	ssyncset.done $0x0  }
0x4ae: {  	s31 =	simm.s32 $0x5E70;
	s9 =	rddreg [dreg:$0x16];
	[sflag:s20] =	ssyncadd.s32 $0xFFFFFF90  }
0x4af: {  	[tilespmem:s31], [sflag:$0x1] =	stream.linear.gather [spmem:s9], $0x70, $0x38;
	[tilespmem:$0x6D00] =	vst v63  }
0x4b0: {  	_ =	swait.ge [sflag:s20], $0x70  }
0x4b1: {  	[sflag:s20] =	ssyncset.done $0x0  }
0x4b2: {  	s31 =	simm.s32 $0x6570;
	s9 =	rddreg [dreg:$0x17];
	[sflag:s20] =	ssyncadd.s32 $0xFFFFFF90  }
0x4b3: {  	[tilespmem:s31], [sflag:$0x1] =	stream.linear.gather [spmem:s9], $0x70, $0x38;
	[tilespmem:$0x6D00] =	vst v63  }
0x4b4: {  	_ =	swait.ge [sflag:s20], $0x70  }
0x4b5: {  	[sflag:s20] =	ssyncset.done $0x0  }
0x4b6: {  	s31 =	simm.s32 $0x5EE0;
	s9 =	rddreg [dreg:$0x18];
	[sflag:s20] =	ssyncadd.s32 $0xFFFFFF90  }
0x4b7: {  	[tilespmem:s31], [sflag:$0x1] =	stream.linear.gather [spmem:s9], $0x70, $0x38;
	[tilespmem:$0x6D00] =	vst v63  }
0x4b8: {  	_ =	swait.ge [sflag:s20], $0x70  }
0x4b9: {  	[sflag:s20] =	ssyncset.done $0x0  }
0x4ba: {  	s31 =	simm.s32 $0x65E0;
	s9 =	rddreg [dreg:$0x19];
	[sflag:s20] =	ssyncadd.s32 $0xFFFFFF90  }
0x4bb: {  	[tilespmem:s31], [sflag:$0x1] =	stream.linear.gather [spmem:s9], $0x70, $0x38;
	[tilespmem:$0x6D00] =	vst v63  }
0x4bc: {  	_ =	swait.ge [sflag:s20], $0x70  }
0x4bd: {  	[sflag:s20] =	ssyncset.done $0x0  }
0x4be: {  	s31 =	simm.s32 $0x5F50;
	s9 =	rddreg [dreg:$0x1a];
	[sflag:s20] =	ssyncadd.s32 $0xFFFFFF90  }
0x4bf: {  	[tilespmem:s31], [sflag:$0x1] =	stream.linear.gather [spmem:s9], $0x70, $0x38;
	[tilespmem:$0x6D00] =	vst v63  }
0x4c0: {  	_ =	swait.ge [sflag:s20], $0x70  }
0x4c1: {  	[sflag:s20] =	ssyncset.done $0x0  }
0x4c2: {  	s31 =	simm.s32 $0x6650;
	s9 =	rddreg [dreg:$0x1b];
	[sflag:s20] =	ssyncadd.s32 $0xFFFFFF90  }
0x4c3: {  	[tilespmem:s31], [sflag:$0x1] =	stream.linear.gather [spmem:s9], $0x70, $0x38;
	[tilespmem:$0x6D00] =	vst v63  }
0x4c4: {  	_ =	swait.ge [sflag:s20], $0x70  }
0x4c5: {  	[sflag:s20] =	ssyncset.done $0x0  }
0x4c6: {  	s31 =	simm.s32 $0x5FC0;
	s9 =	rddreg [dreg:$0x1c];
	[sflag:s20] =	ssyncadd.s32 $0xFFFFFF90  }
0x4c7: {  	[tilespmem:s31], [sflag:$0x1] =	stream.linear.gather [spmem:s9], $0x70, $0x38;
	[tilespmem:$0x6D00] =	vst v63  }
0x4c8: {  	_ =	swait.ge [sflag:s20], $0x70  }
0x4c9: {  	[sflag:s20] =	ssyncset.done $0x0  }
0x4ca: {  	s31 =	simm.s32 $0x66C0;
	s9 =	rddreg [dreg:$0x1d];
	[sflag:s20] =	ssyncadd.s32 $0xFFFFFF90  }
0x4cb: {  	[tilespmem:s31], [sflag:$0x1] =	stream.linear.gather [spmem:s9], $0x70, $0x38;
	[tilespmem:$0x6D00] =	vst v63  }
0x4cc: {  	_ =	swait.ge [sflag:s20], $0x70  }
0x4cd: {  	[sflag:s20] =	ssyncset.done $0x0  }
0x4ce: {  	s31 =	simm.s32 $0x6030;
	s9 =	rddreg [dreg:$0x1e];
	[sflag:s20] =	ssyncadd.s32 $0xFFFFFF90  }
0x4cf: {  	[tilespmem:s31], [sflag:$0x1] =	stream.linear.gather [spmem:s9], $0x70, $0x38;
	[tilespmem:$0x6D00] =	vst v63  }
0x4d0: {  	_ =	swait.ge [sflag:s20], $0x70  }
0x4d1: {  	[sflag:s20] =	ssyncset.done $0x0  }
0x4d2: {  	s9 =	simm.s32 $0x6730;
	s8 =	rddreg [dreg:$0x1f];
	[sflag:s20] =	ssyncadd.s32 $0xFFFFFF90  }
0x4d3: {  	[tilespmem:s9], [sflag:$0x1] =	stream.linear.gather [spmem:s8], $0x70, $0x38;
	[tilespmem:$0x6D00] =	vst v63  }
0x4d4: {  	_ =	swait.ge [sflag:s20], $0x70  }
0x4d5: {  	[sflag:s20] =	ssyncset.done $0x0  }
0x4d6: {  	s31 =	simm.s32 $0x60A0;
	[sflag:s20] =	ssyncadd.s32 $0xFFFFFF90  }
0x4d7: {  	[tilespmem:s31], [sflag:$0x1] =	stream.linear.gather [spmem:s10], $0x70, $0x38;
	[tilespmem:$0x6D00] =	vst v63  }
0x4d8: {  	_ =	swait.ge [sflag:s20], $0x70  }
0x4d9: {  	[sflag:s20] =	ssyncset.done $0x0  }
0x4da: {  	s8 =	simm.s32 $0x67A0;
	[sflag:s20] =	ssyncadd.s32 $0xFFFFFF90  }
0x4db: {  	[tilespmem:s8], [sflag:$0x1] =	stream.linear.gather [spmem:s11], $0x70, $0x38;
	[tilespmem:$0x6D00] =	vst v63  }
0x4dc: {  	_ =	swait.ge [sflag:s20], $0x70  }
0x4dd: {  	[sflag:s20] =	ssyncset.done $0x0  }
0x4de: {  	s9 =	simm.s32 $0x6110;
	[sflag:s20] =	ssyncadd.s32 $0xFFFFFF90  }
0x4df: {  	[tilespmem:s9], [sflag:$0x1] =	stream.linear.gather [spmem:s14], $0x70, $0x38;
	[tilespmem:$0x6D00] =	vst v63  }
0x4e0: {  	_ =	swait.ge [sflag:s20], $0x70  }
0x4e1: {  	[sflag:s20] =	ssyncset.done $0x0  }
0x4e2: {  	s31 =	simm.s32 $0x6810;
	[sflag:s20] =	ssyncadd.s32 $0xFFFFFF90  }
0x4e3: {  	[tilespmem:s31], [sflag:$0x1] =	stream.linear.gather [spmem:s15], $0x70, $0x38;
	[tilespmem:$0x6D00] =	vst v63  }
0x4e4: {  	_ =	swait.ge [sflag:s20], $0x70  }
0x4e5: {  	[sflag:s20] =	ssyncset.done $0x0  }
0x4e6: {  	s29 =	simm.s32 $0x0;
	[sflag:s20] =	ssyncadd.s32 $0xFFFFFF90  }
0x4e7: {  	v0 =	vld [tilespmem:s29+$0x5A80]  }
0x4e8: {  	v1 =	vld [tilespmem:s29+$0x5AF0]  }
0x4e9: {  	v2 =	vld [tilespmem:s29+$0x6180]  }
0x4ea: {  	v3 =	vld [tilespmem:s29+$0x61F0];
	_ =	sdelay $0x2  }
0x4eb: {  	v4 =	vld [tilespmem:s29+$0x5B60]  }
0x4ec: {  	v5 =	vld [tilespmem:s29+$0x6260]  }
0x4ed: {  	vm0 =	veq.f32 v1, v0;
	vm1 =	vlt.s32 v3, v2  }
0x4ee: {  	vm2 =	vgt.f32 v1, v0;
	vm0 =	vmand vm0, vm1  }
0x4ef: {  	v6 =	vld [tilespmem:s29+$0x5BD0];
	vm0 =	vmor vm2, vm0  }
0x4f0: {  	v39 =	vld [tilespmem:s29+$0x62D0];
	v0 =	vsel vm0, v1, v0;
	v38 =	vsel vm0, v3, v2  }
0x4f1: {  	vm0 =	veq.f32 v4, v0;
	vm1 =	vlt.s32 v5, v38  }
0x4f2: {  	vm2 =	vgt.f32 v4, v0;
	vm0 =	vmand vm0, vm1  }
0x4f3: {  	v40 =	vld [tilespmem:s29+$0x5C40];
	vm0 =	vmor vm2, vm0  }
0x4f4: {  	v41 =	vld [tilespmem:s29+$0x6340];
	v0 =	vsel vm0, v4, v0;
	v1 =	vsel vm0, v5, v38  }
0x4f5: {  	vm0 =	veq.f32 v6, v0;
	vm1 =	vlt.s32 v39, v1  }
0x4f6: {  	vm2 =	vgt.f32 v6, v0;
	vm0 =	vmand vm0, vm1  }
0x4f7: {  	v42 =	vld [tilespmem:s29+$0x5CB0];
	vm0 =	vmor vm2, vm0  }
0x4f8: {  	v43 =	vld [tilespmem:s29+$0x63B0];
	v0 =	vsel vm0, v6, v0;
	v1 =	vsel vm0, v39, v1  }
0x4f9: {  	s0 =	simm.s32 $0x10;
	vm0 =	veq.f32 v40, v0;
	vm1 =	vlt.s32 v41, v1  }
0x4fa: {  	v44 =	vld [tilespmem:s0+$0x5A80];
	vm2 =	vgt.f32 v40, v0;
	vm0 =	vmand vm0, vm1  }
0x4fb: {  	v7 =	vld [tilespmem:s29+$0x5D20];
	vm0 =	vmor vm2, vm0  }
0x4fc: {  	v45 =	vld [tilespmem:s29+$0x6420];
	v0 =	vsel vm0, v40, v0;
	v1 =	vsel vm0, v41, v1  }
0x4fd: {  	v8 =	vld [tilespmem:s29+$0x5D90];
	vm0 =	veq.f32 v42, v0;
	vm1 =	vlt.s32 v43, v1  }
0x4fe: {  	v9 =	vld [tilespmem:s29+$0x6490];
	vm2 =	vgt.f32 v42, v0;
	vm0 =	vmand vm0, vm1  }
0x4ff: {  	v47 =	vld [tilespmem:s0+$0x6180];
	vm0 =	vmor vm2, vm0  }
0x500: {  	v48 =	vld [tilespmem:s0+$0x61F0];
	v0 =	vsel vm0, v42, v0;
	v1 =	vsel vm0, v43, v1  }
0x501: {  	v46 =	vld [tilespmem:s0+$0x5AF0];
	vm0 =	veq.f32 v7, v0;
	vm1 =	vlt.s32 v45, v1  }
0x502: {  	vm2 =	vgt.f32 v7, v0;
	vm0 =	vmand vm0, vm1  }
0x503: {  	v10 =	vld [tilespmem:s29+$0x5E00];
	vm0 =	vmor vm2, vm0  }
0x504: {  	v49 =	vld [tilespmem:s29+$0x6500];
	v0 =	vsel vm0, v7, v0;
	v1 =	vsel vm0, v45, v1  }
0x505: {  	v50 =	vld [tilespmem:s29+$0x5E70];
	vm3 =	vlt.s32 v48, v47;
	vm1 =	veq.f32 v8, v0;
	vm2 =	vlt.s32 v9, v1  }
0x506: {  	v11 =	vld [tilespmem:s0+$0x5B60];
	vm0 =	veq.f32 v46, v44;
	vm4 =	vgt.f32 v8, v0;
	vm1 =	vmand vm1, vm2  }
0x507: {  	v12 =	vld [tilespmem:s0+$0x6260];
	vm0 =	vmand vm0, vm3;
	vm2 =	vgt.f32 v46, v44;
	vm1 =	vmor vm4, vm1  }
0x508: {  	vm0 =	vmor vm2, vm0;
	v0 =	vsel vm1, v8, v0;
	v1 =	vsel vm1, v9, v1;
	v8 =	vld [tilespmem:s29+$0x6570]  }
0x509: {  	v4 =	vsel vm0, v46, v44;
	vm1 =	veq.f32 v10, v0;
	vm2 =	vlt.s32 v49, v1  }
0x50a: {  	v51 =	vld [tilespmem:s29+$0x5EE0];
	v2 =	vsel vm0, v48, v47;
	vm0 =	vgt.f32 v10, v0;
	vm1 =	vmand vm1, vm2  }
0x50b: {  	v52 =	vld [tilespmem:s29+$0x65E0];
	vm3 =	veq.f32 v11, v4;
	vm2 =	vgt.f32 v11, v4;
	vm0 =	vmor vm0, vm1  }
0x50c: {  	v9 =	vld [tilespmem:s0+$0x5BD0];
	vm1 =	vlt.s32 v12, v2;
	v0 =	vsel vm0, v10, v0;
	v1 =	vsel vm0, v49, v1  }
0x50d: {  	v53 =	vld [tilespmem:s0+$0x62D0];
	vm0 =	vmand vm3, vm1;
	vm1 =	veq.f32 v50, v0;
	vm3 =	vlt.s32 v8, v1  }
0x50e: {  	v54 =	vld [tilespmem:s29+$0x6650];
	vm0 =	vmor vm2, vm0;
	vm2 =	vgt.f32 v50, v0;
	vm1 =	vmand vm1, vm3  }
0x50f: {  	v13 =	vld [tilespmem:s0+$0x6340];
	v4 =	vsel vm0, v11, v4;
	vm1 =	vmor vm2, vm1  }
0x510: {  	v11 =	vld [tilespmem:s29+$0x5F50];
	v2 =	vsel vm0, v12, v2;
	v0 =	vsel vm1, v50, v0;
	v1 =	vsel vm1, v8, v1  }
0x511: {  	v55 =	vld [tilespmem:s29+$0x66C0];
	vm0 =	veq.f32 v9, v4;
	vm1 =	veq.f32 v51, v0;
	vm2 =	vlt.s32 v52, v1  }
0x512: {  	v12 =	vld [tilespmem:s0+$0x5C40];
	vm3 =	vlt.s32 v53, v2;
	vm10 =	vgt.f32 v51, v0;
	vm1 =	vmand vm1, vm2  }
0x513: {  	v57 =	vld [tilespmem:s29+$0x6730];
	vm0 =	vmand vm0, vm3;
	vm2 =	vgt.f32 v9, v4;
	vm1 =	vmor vm10, vm1  }
0x514: {  	s28 =	simm.s32 $0x20;
	v8 =	vld [tilespmem:s29+$0x5FC0];
	vm0 =	vmor vm2, vm0;
	v0 =	vsel vm1, v51, v0;
	v1 =	vsel vm1, v52, v1  }
0x515: {  	v22 =	vld [tilespmem:s28+$0x6180];
	v4 =	vsel vm0, v9, v4;
	vm1 =	veq.f32 v11, v0;
	vm2 =	vlt.s32 v54, v1  }
0x516: {  	v23 =	vld [tilespmem:s28+$0x61F0];
	v2 =	vsel vm0, v53, v2;
	vm0 =	vgt.f32 v11, v0;
	vm1 =	vmand vm1, vm2  }
0x517: {  	v14 =	vld [tilespmem:s0+$0x5CB0];
	vm3 =	veq.f32 v12, v4;
	vm2 =	vgt.f32 v12, v4;
	vm0 =	vmor vm0, vm1  }
0x518: {  	v10 =	vld [tilespmem:s29+$0x6030];
	vm1 =	vlt.s32 v13, v2;
	v0 =	vsel vm0, v11, v0;
	v1 =	vsel vm0, v54, v1  }
0x519: {  	v58 =	vld [tilespmem:s0+$0x63B0];
	vm0 =	vmand vm3, vm1;
	vm1 =	veq.f32 v8, v0;
	vm3 =	vlt.s32 v55, v1  }
0x51a: {  	vm0 =	vmor vm2, vm0;
	vm2 =	vgt.f32 v8, v0;
	vm3 =	vmand vm1, vm3  }
0x51b: {  	v59 =	vld [tilespmem:s29+$0x67A0];
	vm14 =	vlt.s32 v23, v22;
	v4 =	vsel vm0, v12, v4;
	vm2 =	vmor vm2, vm3  }
0x51c: {  	v11 =	vld [tilespmem:s29+$0x60A0];
	v2 =	vsel vm0, v13, v2;
	v0 =	vsel vm2, v8, v0;
	v1 =	vsel vm2, v55, v1  }
0x51d: {  	v60 =	vld [tilespmem:s29+$0x6810];
	vm0 =	veq.f32 v14, v4;
	vm2 =	veq.f32 v10, v0;
	vm3 =	vlt.s32 v57, v1  }
0x51e: {  	vm11 =	vlt.s32 v58, v2;
	v8 =	vld [tilespmem:s0+$0x5D20];
	vm5 =	vgt.f32 v10, v0;
	vm2 =	vmand vm2, vm3  }
0x51f: {  	v12 =	vld [tilespmem:s0+$0x6420];
	vm0 =	vmand vm0, vm11;
	vm3 =	vgt.f32 v14, v4;
	vm2 =	vmor vm5, vm2  }
0x520: {  	v9 =	vld [tilespmem:s29+$0x6110];
	vm0 =	vmor vm3, vm0;
	v0 =	vsel vm2, v10, v0;
	v1 =	vsel vm2, v57, v1  }
0x521: {  	v56 =	vld [tilespmem:s28+$0x5A80];
	v4 =	vsel vm0, v14, v4;
	vm2 =	veq.f32 v11, v0;
	vm3 =	vlt.s32 v59, v1  }
0x522: {  	v17 =	vld [tilespmem:s0+$0x5D90];
	v2 =	vsel vm0, v58, v2;
	vm0 =	vgt.f32 v11, v0;
	vm2 =	vmand vm2, vm3  }
0x523: {  	v61 =	vld [tilespmem:s0+$0x6490];
	vm12 =	veq.f32 v8, v4;
	vm3 =	vgt.f32 v8, v4;
	vm0 =	vmor vm0, vm2  }
0x524: {  	v18 =	vld [tilespmem:s28+$0x5AF0];
	vm2 =	vlt.s32 v12, v2;
	v10 =	vsel vm0, v11, v0;
	v62 =	vsel vm0, v59, v1  }
0x525: {  	vm0 =	vmand vm12, vm2;
	vm2 =	veq.f32 v9, v10;
	vm13 =	vlt.s32 v60, v62  }
0x526: {  	v16 =	vld [tilespmem:s0+$0x6500];
	vm0 =	vmor vm3, vm0;
	vm3 =	vgt.f32 v9, v10;
	vm2 =	vmand vm2, vm13  }
0x527: {  	v14 =	vld [tilespmem:s0+$0x5E00];
	v63 =	vsel vm0, v8, v4;
	v2 =	vsel vm0, v12, v2;
	vm0 =	vmor vm3, vm2  }
0x528: {  	v13 =	vld [tilespmem:s28+$0x5B60];
	vm2 =	veq.f32 v17, v63;
	vm3 =	vlt.s32 v61, v2;
	v0 =	vsel vm0, v60, v62  }
0x529: {  	vm1 =	veq.f32 v18, v56;
	v11 =	vld [tilespmem:s0+$0x5E70];
	vm15 =	vgt.f32 v17, v63;
	vm2 =	vmand vm2, vm3;
	[tilespmem:s29+$0x6900] =	vst v0  }
0x52a: {  	vm1 =	vmand vm1, vm14;
	vm3 =	vgt.f32 v18, v56;
	vm2 =	vmor vm15, vm2;
	v15 =	vld [tilespmem:s28+$0x6260]  }
0x52b: {  	vm1 =	vmor vm3, vm1;
	v20 =	vsel vm2, v17, v63;
	v21 =	vsel vm2, v61, v2;
	v17 =	vld [tilespmem:s0+$0x6570]  }
0x52c: {  	v19 =	vsel vm1, v18, v56;
	vm2 =	veq.f32 v14, v20;
	vm3 =	vlt.s32 v16, v21  }
0x52d: {  	s30 =	simm.s32 $0xC0;
	v18 =	vsel vm1, v23, v22;
	v12 =	vld [tilespmem:s0+$0x5EE0];
	vm1 =	vgt.f32 v14, v20;
	vm2 =	vmand vm2, vm3  }
.LBB2_31:
0x52e: {  	p1 =	sne.s32 s30, $0x180;
	vm3 =	vgt.f32 v13, v19;
	vm4 =	veq.f32 v13, v19;
	vm1 =	vmor vm1, vm2;
	v0 =	vld [tilespmem:s0+$0x65E0]  }
0x52f: {  	vm2 =	vlt.s32 v15, v18;
	v1 =	vld [tilespmem:s28+$0x5BD0];
	v2 =	vsel vm1, v14, v20;
	v3 =	vsel vm1, v16, v21  }
0x530: {  	vm1 =	vmand vm4, vm2;
	v4 =	vld [tilespmem:s28+$0x62D0];
	vm2 =	veq.f32 v11, v2;
	vm4 =	vlt.s32 v17, v3  }
0x531: {  	vm1 =	vmor vm3, vm1;
	vm3 =	vgt.f32 v11, v2;
	vm2 =	vmand vm2, vm4;
	v5 =	vld [tilespmem:s0+$0x6030]  }
0x532: {  	v8 =	vsel vm0, v9, v10;
	v6 =	vsel vm1, v13, v19;
	vm2 =	vmor vm3, vm2;
	v7 =	vld [tilespmem:s0+$0x5F50]  }
0x533: {  	v9 =	vsel vm1, v15, v18;
	v2 =	vsel vm2, v11, v2;
	v3 =	vsel vm2, v17, v3;
	v10 =	vld [tilespmem:s0+$0x6650];
	[tilespmem:s29+$0x6880] =	vst v8;
	s29 =	smov.u32 s0;
	s0 =	smov.u32 s28  }
0x534: {  	vm0 =	veq.f32 v1, v6;
	vm1 =	veq.f32 v12, v2;
	vm2 =	vlt.s32 v0, v3;
	v8 =	vld [tilespmem:s29+$0x5FC0]  }
0x535: {  	vm4 =	vgt.f32 v12, v2;
	vm3 =	vlt.s32 v4, v9;
	v11 =	vld [tilespmem:s0+$0x5C40];
	vm1 =	vmand vm1, vm2  }
0x536: {  	vm2 =	vgt.f32 v1, v6;
	vm0 =	vmand vm0, vm3;
	v13 =	vld [tilespmem:s0+$0x6340];
	vm1 =	vmor vm4, vm1  }
0x537: {  	s28 =	sshra.s32 s30, $0x2;
	vm0 =	vmor vm2, vm0;
	v2 =	vsel vm1, v12, v2;
	v0 =	vsel vm1, v0, v3;
	v3 =	vld [tilespmem:s29+$0x66C0]  }
0x538: {  	v12 =	vld [tilespmem:s28+$0x5A80];
	v1 =	vsel vm0, v1, v6;
	vm1 =	veq.f32 v7, v2;
	vm2 =	vlt.s32 v10, v0  }
0x539: {  	v4 =	vsel vm0, v4, v9;
	vm0 =	vgt.f32 v7, v2;
	v6 =	vld [tilespmem:s28+$0x5AF0];
	vm1 =	vmand vm1, vm2  }
0x53a: {  	vm2 =	vgt.f32 v11, v1;
	vm3 =	veq.f32 v11, v1;
	vm0 =	vmor vm0, vm1;
	v14 =	vld [tilespmem:s29+$0x6730]  }
0x53b: {  	vm1 =	vlt.s32 v13, v4;
	v15 =	vld [tilespmem:s0+$0x5CB0];
	v2 =	vsel vm0, v7, v2;
	v0 =	vsel vm0, v10, v0  }
0x53c: {  	vm0 =	vmand vm3, vm1;
	v7 =	vld [tilespmem:s0+$0x63B0];
	vm1 =	veq.f32 v8, v2;
	vm3 =	vlt.s32 v3, v0  }
0x53d: {  	vm0 =	vmor vm2, vm0;
	vm2 =	vgt.f32 v8, v2;
	vm3 =	vmand vm1, vm3  }
0x53e: {  	vm1 =	veq.f32 v6, v12;
	v1 =	vsel vm0, v11, v1;
	vm2 =	vmor vm2, vm3;
	v10 =	vld [tilespmem:s29+$0x60A0]  }
0x53f: {  	v4 =	vsel vm0, v13, v4;
	v2 =	vsel vm2, v8, v2;
	v0 =	vsel vm2, v3, v0;
	v3 =	vld [tilespmem:s29+$0x67A0]  }
0x540: {  	vm0 =	veq.f32 v15, v1;
	vm2 =	veq.f32 v5, v2;
	vm3 =	vlt.s32 v14, v0;
	v9 =	vld [tilespmem:s29+$0x6110]  }
0x541: {  	vm5 =	vgt.f32 v5, v2;
	vm4 =	vlt.s32 v7, v4;
	v8 =	vld [tilespmem:s0+$0x5D20];
	vm2 =	vmand vm2, vm3  }
0x542: {  	vm3 =	vgt.f32 v15, v1;
	vm0 =	vmand vm0, vm4;
	v11 =	vld [tilespmem:s0+$0x6420];
	vm2 =	vmor vm5, vm2  }
0x543: {  	vm0 =	vmor vm3, vm0;
	v2 =	vsel vm2, v5, v2;
	v0 =	vsel vm2, v14, v0;
	v5 =	vld [tilespmem:s29+$0x6810]  }
0x544: {  	v1 =	vsel vm0, v15, v1;
	v17 =	vld [tilespmem:s0+$0x5D90];
	vm2 =	veq.f32 v10, v2;
	vm3 =	vlt.s32 v3, v0  }
0x545: {  	v4 =	vsel vm0, v7, v4;
	vm0 =	vgt.f32 v10, v2;
	v7 =	vld [tilespmem:s0+$0x6490];
	vm2 =	vmand vm2, vm3  }
0x546: {  	v18 =	vld [tilespmem:s28+$0x6180];
	vm3 =	vgt.f32 v8, v1;
	vm4 =	veq.f32 v8, v1;
	vm0 =	vmor vm0, vm2  }
0x547: {  	v22 =	vld [tilespmem:s28+$0x61F0];
	vm2 =	vlt.s32 v11, v4;
	v10 =	vsel vm0, v10, v2;
	v0 =	vsel vm0, v3, v0  }
0x548: {  	vm0 =	vmand vm4, vm2;
	vm2 =	veq.f32 v9, v10;
	vm4 =	vlt.s32 v5, v0  }
0x549: {  	vm0 =	vmor vm3, vm0;
	v14 =	vld [tilespmem:s0+$0x5E00];
	vm3 =	vgt.f32 v9, v10;
	vm2 =	vmand vm2, vm4  }
0x54a: {  	v1 =	vsel vm0, v8, v1;
	v2 =	vsel vm0, v11, v4;
	v16 =	vld [tilespmem:s0+$0x6500];
	vm0 =	vmor vm3, vm2  }
0x54b: {  	vm2 =	veq.f32 v17, v1;
	vm3 =	vlt.s32 v7, v2;
	v11 =	vld [tilespmem:s0+$0x5E70];
	v0 =	vsel vm0, v5, v0  }
.Ltmp20:
0x54c: {  	vm5 =	vgt.f32 v17, v1;
	vm4 =	vlt.s32 v22, v18;
	v13 =	vld [tilespmem:s28+$0x5B60];
	vm2 =	vmand vm2, vm3;
	[tilespmem:s29+$0x6900] =	vst v0;
	(pc) =	sbr.rel @p1 .LBB2_31-.Ltmp20, $4  }
0x54d: {  	vm3 =	vgt.f32 v6, v12;
	vm1 =	vmand vm1, vm4;
	v15 =	vld [tilespmem:s28+$0x6260];
	vm2 =	vmor vm5, vm2  }
0x54e: {  	vm1 =	vmor vm3, vm1;
	v20 =	vsel vm2, v17, v1;
	v21 =	vsel vm2, v7, v2;
	v17 =	vld [tilespmem:s0+$0x6570]  }
0x54f: {  	v19 =	vsel vm1, v6, v12;
	vm2 =	veq.f32 v14, v20;
	vm3 =	vlt.s32 v16, v21  }
0x550: {  	s30 =	sadd.s32 $0x40, s30;
	v18 =	vsel vm1, v22, v18;
	vm1 =	vgt.f32 v14, v20;
	vm2 =	vmand vm2, vm3;
	v12 =	vld [tilespmem:s0+$0x5EE0]  }
0x551: {  	v0 =	vld [tilespmem:s0+$0x65E0];
	vm3 =	veq.f32 v13, v19;
	vm1 =	vmor vm1, vm2;
	vm4 =	vgt.f32 v13, v19  }
0x552: {  	v1 =	vld [tilespmem:s28+$0x5BD0];
	vm7 =	vlt.s32 v15, v18;
	v2 =	vsel vm1, v14, v20;
	v3 =	vsel vm1, v16, v21  }
0x553: {  	v4 =	vld [tilespmem:s28+$0x62D0];
	vm8 =	vmand vm3, vm7;
	vm9 =	veq.f32 v11, v2;
	vm10 =	vlt.s32 v17, v3  }
0x554: {  	v5 =	vld [tilespmem:s0+$0x6030];
	vm11 =	vgt.f32 v11, v2;
	vm2 =	vmand vm9, vm10;
	vm1 =	vmor vm4, vm8  }
0x555: {  	v6 =	vld [tilespmem:s0+$0x5F50];
	v7 =	vsel vm0, v9, v10;
	vm2 =	vmor vm11, vm2;
	v30 =	vsel vm1, v13, v19  }
0x556: {  	v8 =	vld [tilespmem:s0+$0x6650];
	[tilespmem:s29+$0x6880] =	vst v7;
	v31 =	vsel vm1, v15, v18;
	v2 =	vsel vm2, v11, v2;
	v3 =	vsel vm2, v17, v3  }
0x557: {  	v32 =	vld [tilespmem:s0+$0x5FC0];
	vm14 =	veq.f32 v1, v30;
	vm12 =	veq.f32 v12, v2;
	vm13 =	vlt.s32 v0, v3  }
0x558: {  	v33 =	vld [tilespmem:s28+$0x5C40];
	vm8 =	vlt.s32 v4, v31;
	vm15 =	vgt.f32 v12, v2;
	vm0 =	vmand vm12, vm13  }
0x559: {  	v34 =	vld [tilespmem:s28+$0x6340];
	vm9 =	vgt.f32 v1, v30;
	vm1 =	vmand vm14, vm8;
	vm0 =	vmor vm15, vm0  }
0x55a: {  	v35 =	vld [tilespmem:s0+$0x66C0];
	vm10 =	vmor vm9, vm1;
	v2 =	vsel vm0, v12, v2;
	v0 =	vsel vm0, v0, v3  }
0x55b: {  	v1 =	vsel vm10, v1, v30;
	vm11 =	veq.f32 v6, v2;
	vm12 =	vlt.s32 v8, v0  }
0x55c: {  	v4 =	vsel vm10, v4, v31;
	vm13 =	vgt.f32 v6, v2;
	vm1 =	vmand vm11, vm12  }
0x55d: {  	v36 =	vld [tilespmem:s0+$0x6730];
	vm14 =	vgt.f32 v33, v1;
	vm15 =	veq.f32 v33, v1;
	vm1 =	vmor vm13, vm1  }
0x55e: {  	v37 =	vld [tilespmem:s28+$0x5CB0];
	vm8 =	vlt.s32 v34, v4;
	v2 =	vsel vm1, v6, v2;
	v0 =	vsel vm1, v8, v0  }
0x55f: {  	v38 =	vld [tilespmem:s28+$0x63B0];
	vm1 =	vmand vm15, vm8;
	vm9 =	veq.f32 v32, v2;
	vm10 =	vlt.s32 v35, v0  }
0x560: {  	vm11 =	vgt.f32 v32, v2;
	vm0 =	vmor vm14, vm1;
	vm3 =	vmand vm9, vm10  }
0x561: {  	v39 =	vld [tilespmem:s0+$0x60A0];
	v1 =	vsel vm0, v33, v1;
	vm12 =	vmor vm11, vm3  }
0x562: {  	v40 =	vld [tilespmem:s0+$0x67A0];
	v4 =	vsel vm0, v34, v4;
	v2 =	vsel vm12, v32, v2;
	v0 =	vsel vm12, v35, v0  }
0x563: {  	v41 =	vld [tilespmem:s28+$0x5D20];
	vm14 =	veq.f32 v37, v1;
	vm13 =	veq.f32 v5, v2;
	vm1 =	vlt.s32 v36, v0  }
0x564: {  	v42 =	vld [tilespmem:s28+$0x6420];
	vm8 =	vlt.s32 v38, v4;
	vm15 =	vgt.f32 v5, v2;
	vm0 =	vmand vm13, vm1  }
0x565: {  	vm9 =	vgt.f32 v37, v1;
	vm1 =	vmand vm14, vm8;
	vm0 =	vmor vm15, vm0  }
0x566: {  	v43 =	vld [tilespmem:s0+$0x6110];
	vm10 =	vmor vm9, vm1;
	v2 =	vsel vm0, v5, v2  }
0x567: {  	v44 =	vld [tilespmem:s0+$0x6810];
	v0 =	vsel vm0, v36, v0;
	v1 =	vsel vm10, v37, v1;
	v4 =	vsel vm10, v38, v4  }
0x568: {  	v45 =	vld [tilespmem:s28+$0x5D90];
	vm11 =	veq.f32 v39, v2;
	vm12 =	vlt.s32 v40, v0;
	vm13 =	vgt.f32 v39, v2  }
0x569: {  	v46 =	vld [tilespmem:s28+$0x6490];
	vm15 =	veq.f32 v41, v1;
	vm6 =	vlt.s32 v42, v4;
	vm1 =	vmand vm11, vm12  }
0x56a: {  	vm14 =	vgt.f32 v41, v1;
	vm7 =	vmand vm15, vm6;
	vm1 =	vmor vm13, vm1  }
0x56b: {  	vm0 =	vmor vm14, vm7;
	v2 =	vsel vm1, v39, v2;
	v0 =	vsel vm1, v40, v0  }
0x56c: {  	v47 =	vld [tilespmem:s28+$0x5E00];
	v1 =	vsel vm0, v41, v1;
	vm8 =	veq.f32 v43, v2;
	vm9 =	vlt.s32 v44, v0  }
0x56d: {  	v48 =	vld [tilespmem:s28+$0x6500];
	v4 =	vsel vm0, v42, v4;
	vm10 =	vgt.f32 v43, v2;
	vm2 =	vmand vm8, vm9  }
0x56e: {  	vm12 =	veq.f32 v45, v1;
	vm13 =	vlt.s32 v46, v4;
	vm11 =	vmor vm10, vm2  }
0x56f: {  	vm14 =	vgt.f32 v45, v1;
	vm1 =	vmand vm12, vm13;
	v0 =	vsel vm11, v44, v0  }
0x570: {  	v49 =	vld [tilespmem:s28+$0x5E70];
	vm1 =	vmor vm14, vm1;
	[tilespmem:s0+$0x6900] =	vst v0  }
0x571: {  	v50 =	vsel vm1, v45, v1;
	v51 =	vsel vm1, v46, v4;
	v52 =	vld [tilespmem:s28+$0x6570]  }
0x572: {  	vm15 =	veq.f32 v47, v50;
	vm6 =	vlt.s32 v48, v51  }
0x573: {  	vm7 =	vgt.f32 v47, v50;
	vm1 =	vmand vm15, vm6  }
0x574: {  	v53 =	vld [tilespmem:s28+$0x5EE0];
	vm1 =	vmor vm7, vm1  }
0x575: {  	v54 =	vld [tilespmem:s28+$0x65E0];
	v0 =	vsel vm1, v47, v50;
	v1 =	vsel vm1, v48, v51  }
0x576: {  	vm8 =	veq.f32 v49, v0;
	vm9 =	vlt.s32 v52, v1  }
0x577: {  	vm10 =	vgt.f32 v49, v0;
	vm1 =	vmand vm8, vm9  }
0x578: {  	v55 =	vld [tilespmem:s28+$0x5F50];
	vm1 =	vmor vm10, vm1  }
0x579: {  	v56 =	vld [tilespmem:s28+$0x6650];
	v0 =	vsel vm1, v49, v0;
	v1 =	vsel vm1, v52, v1  }
0x57a: {  	v2 =	vsel vm11, v43, v2;
	vm11 =	veq.f32 v53, v0;
	vm1 =	vlt.s32 v54, v1  }
0x57b: {  	v57 =	vld [tilespmem:s28+$0x6030];
	[tilespmem:s0+$0x6880] =	vst v2;
	vm12 =	vgt.f32 v53, v0;
	vm0 =	vmand vm11, vm1  }
0x57c: {  	v2 =	vld [tilespmem:s28+$0x5FC0];
	vm0 =	vmor vm12, vm0  }
0x57d: {  	v58 =	vld [tilespmem:s28+$0x66C0];
	v0 =	vsel vm0, v53, v0;
	v1 =	vsel vm0, v54, v1  }
0x57e: {  	vm13 =	veq.f32 v55, v0;
	vm14 =	vlt.s32 v56, v1  }
0x57f: {  	vm15 =	vgt.f32 v55, v0;
	vm0 =	vmand vm13, vm14  }
0x580: {  	vm0 =	vmor vm15, vm0  }
0x581: {  	v59 =	vld [tilespmem:s28+$0x6730];
	v0 =	vsel vm0, v55, v0;
	v1 =	vsel vm0, v56, v1  }
0x582: {  	vm4 =	veq.f32 v2, v0;
	vm5 =	vlt.s32 v58, v1  }
0x583: {  	vm6 =	vgt.f32 v2, v0;
	vm0 =	vmand vm4, vm5  }
0x584: {  	v60 =	vld [tilespmem:s28+$0x60A0];
	vm0 =	vmor vm6, vm0  }
0x585: {  	v61 =	vld [tilespmem:s28+$0x67A0];
	v0 =	vsel vm0, v2, v0;
	v1 =	vsel vm0, v58, v1  }
0x586: {  	vm7 =	veq.f32 v57, v0;
	vm8 =	vlt.s32 v59, v1  }
0x587: {  	vm9 =	vgt.f32 v57, v0;
	vm0 =	vmand vm7, vm8  }
0x588: {  	v62 =	vld [tilespmem:s28+$0x6110];
	vm0 =	vmor vm9, vm0  }
0x589: {  	v63 =	vld [tilespmem:s28+$0x6810];
	v0 =	vsel vm0, v57, v0;
	v1 =	vsel vm0, v59, v1  }
0x58a: {  	vm10 =	veq.f32 v60, v0;
	vm11 =	vlt.s32 v61, v1  }
0x58b: {  	vm12 =	vgt.f32 v60, v0;
	vm0 =	vmand vm10, vm11  }
0x58c: {  	vm0 =	vmor vm12, vm0  }
0x58d: {  	v0 =	vsel vm0, v60, v0;
	v1 =	vsel vm0, v61, v1  }
0x58e: {  	vm13 =	veq.f32 v62, v0;
	vm14 =	vlt.s32 v63, v1  }
0x58f: {  	vm15 =	vgt.f32 v62, v0;
	vm0 =	vmand vm13, vm14  }
0x590: {  	vm0 =	vmor vm15, vm0  }
0x591: {  	v1 =	vsel vm0, v63, v1  }
0x592: {  	v0 =	vsel vm0, v62, v0;
	[tilespmem:s28+$0x6900] =	vst v1  }
0x593: {  	s30 =	simm.s32 $0x6880;
	[tilespmem:s28+$0x6880] =	vst v0  }
0x594: {  	[hbm4b:s16+s1] =	stream.linear.scatter [tilespmem:s30], [sflag:$0x1], $0x70, $0x38;
	[tilespmem:$0x6D00] =	vst v63  }
0x595: {  	_ =	swait.ge [sflag:s20], $0x70  }
0x596: {  	[sflag:s20] =	ssyncset.done $0x0  }
.Ltmp21:
0x597: {  	s31 =	simm.s32 $0x6900;
	[sflag:s20] =	ssyncadd.s32 $0xFFFFFF90;
	(pc) =	sbr.rel .LBB2_33-.Ltmp21, $4  }
0x598: {  	[hbm4b:s17+s1] =	stream.linear.scatter [tilespmem:s31], [sflag:$0x1], $0x70, $0x38;
	[tilespmem:$0x6D00] =	vst v63  }
0x599: {  	_ =	swait.ge [sflag:s20], $0x70  }
0x59a: {  	[sflag:s20] =	ssyncset.done $0x0  }
0x59b: {  	[sflag:s20] =	ssyncadd.s32 $0xFFFFFF90  }
.LBB2_34:
0x59c: {  	_ =	sfence.sel $0x180000  }
0x59d: {  	[bflag:$0x0] =	sbarrier.arrive $0xFFFF  }
0x59e: {  	_ =	strace $0x90000047  }
0x59f: {  	s0 =	stileid.u32;
	[bflag:$0x2] =	sbarrier.arrive $0xFFFF  }
0x5a0: {  	p0 =	sne.s32 s0, $0x0;
	s0 =	rddreg [dreg:$0x5]  }
0x5a1: {  	s0 =	sadd.s32 @!p0 $0x100000, s0  }
0x5a2: {  	[sflag:s0] =	ssyncadd.tile.s32 @!p0 $0x1;
	_ =	shalt  }
.Lfunc_end2:
_tile_overlayer_lowered:
.L_overlay_start_2:
0x5a3: {  	(tag) =	ssettag $0x2  }
0x5a4: {  	s0 =	rddreg [dreg:$0x0];
	s2 =	stileid.u32  }
0x5a5: {  	s1 =	rddreg [dreg:$0x1];
	p0 =	sne.s32 s2, $0x0  }
0x5a6: {  	s3 =	rddreg [dreg:$0x2];
	[bflag:$0x3] =	sbarrier.arrive $0xFFFF;
	s2 =	simm.s32 @!p0 $0x1C01  }
0x5a7: {  	[timem:s3], [sflag:s2] =	dma.local @!p0 [hbm:s0], s1  }
0x5a8: {  	s0 =	simm.s32 @!p0 $0x1  }
0x5a9: {  	_ =	swait.ge @!p0 [sflag:s0], s1  }
0x5aa: {  	s1 =	ssub.s32 @!p0 $0x0, s1;
	[sflag:s0] =	ssyncset.done @!p0 $0x0  }
0x5ab: {  	[sflag:s0] =	ssyncadd.s32 @!p0 s1  }
0x5ac: {  	[bflag:$0x3] =	sbarrier.arrive $0xFFFF  }
0x5ad: {  	_ =	shalt  }

</sc_bundles>
